<compile_context>
chip_gen: v7x
topology: tpu7x:2x2x1
jax: 0.10.2.dev20260603
libtpu: 0.0.44.dev20260713+nightly
codegen_flags: <defaults>
</compile_context>

<pallas_src>
import functools

import jax
import jax.numpy as jnp
from jax import lax
from jax.experimental import pallas as pl
from jax.experimental.pallas import tpu as pltpu
from jax.experimental.pallas import tpu_sc as plsc


def _sc_gather(cs3, cq3, idx_hbm, out_cs, out_cq,
               idx_v, buf_cs, buf_cq, sem_cs, sem_cq,
               *, nc, b_per_w, hidden):
    wid = lax.axis_index("s") * nc + lax.axis_index("c")
    base = wid * b_per_w
    half = b_per_w // 2
    pltpu.sync_copy(idx_hbm.at[pl.ds(base, b_per_w)], idx_v)

    ngroups = half // 16

    for h in range(2):
        hbase = h * half

        def group_body(gi, carry, hbase=hbase):
            iv = idx_v[pl.ds(hbase + gi * 16, 16)]
            gv = lax.shift_right_logical(iv, 3)
            sv = lax.bitwise_and(iv, 7)
            descs = []
            for lane in range(16):
                g = gv[lane]
                s = sv[lane]
                i = gi * 16 + lane
                descs.append(pltpu.async_copy(
                    cs3.at[g, s], buf_cs.at[i, pl.ds(0, hidden)], sem_cs))
                descs.append(pltpu.async_copy(
                    cq3.at[g, s], buf_cq.at[i, pl.ds(0, hidden)], sem_cq))
            for d in descs:
                d.wait()
            return carry

        lax.fori_loop(0, ngroups, group_body, 0)
        pltpu.sync_copy(buf_cs, out_cs.at[pl.ds(base + hbase, half)])
        pltpu.sync_copy(buf_cq, out_cq.at[pl.ds(base + hbase, half)])


def _tc_hash(x_ref, wt_ref, b_ref, o_ref, *, hidden):
    acc = jnp.dot(x_ref[:, :hidden], wt_ref[...],
                  preferred_element_type=jnp.float32)
    o_ref[...] = jnp.tanh(acc + b_ref[...])


def kernel(corp_self, corp_query, W1, b1, corp_batch):
    num_corp, hidden = corp_self.shape
    hash_dim = W1.shape[0]
    batch = corp_batch.shape[0]
    padded = 2 * hidden

    info = plsc.get_sparse_core_info()
    nc, ns = info.num_cores, info.num_subcores
    nw = nc * ns
    b_per_w = batch // nw
    half = b_per_w // 2

    cs3 = corp_self.reshape(num_corp // 8, 8, hidden)
    cq3 = corp_query.reshape(num_corp // 8, 8, hidden)

    mesh = plsc.VectorSubcoreMesh(core_axis_name="c", subcore_axis_name="s")
    gather = pl.kernel(
        functools.partial(_sc_gather, nc=nc, b_per_w=b_per_w, hidden=hidden),
        out_type=(
            jax.ShapeDtypeStruct((batch, padded), jnp.float32),
            jax.ShapeDtypeStruct((batch, padded), jnp.float32),
        ),
        mesh=mesh,
        scratch_types=[
            pltpu.VMEM((b_per_w,), jnp.int32),
            pltpu.VMEM((half, padded), jnp.float32),
            pltpu.VMEM((half, padded), jnp.float32),
            pltpu.SemaphoreType.DMA,
            pltpu.SemaphoreType.DMA,
        ],
    )
    cs_pad, cq_pad = gather(cs3, cq3, corp_batch)

    bm = 2048
    cs_hash = pl.pallas_call(
        functools.partial(_tc_hash, hidden=hidden),
        grid=(batch // bm,),
        in_specs=[
            pl.BlockSpec((bm, padded), lambda i: (i, 0)),
            pl.BlockSpec((hidden, hash_dim), lambda i: (0, 0)),
            pl.BlockSpec((1, hash_dim), lambda i: (0, 0)),
        ],
        out_specs=pl.BlockSpec((bm, hash_dim), lambda i: (i, 0)),
        out_shape=jax.ShapeDtypeStruct((batch, hash_dim), jnp.float32),
    )(cs_pad, W1.T, b1.reshape(1, hash_dim))

    return (cs_hash, cq_pad[:, :hidden])

# --- scband reference (transcript-rebuilt; emitter-appended) ---
"""Pipeline reference for scband-hash-code-generator-67482526154775 (READ-ONLY COPY).

The authoritative reference and input builder live on the scoring server;
editing this copy changes nothing except your own understanding.
"""

import jax, jax.numpy as jnp
import numpy as np

NUM_CORP = 1000000
HIDDEN_DIM = 64
HASH_DIM = 32
BATCH = 16384


def setup_inputs(seed: int = 0) -> dict:
    key = jax.random.key(seed)
    k1, k2, k3, k4, k5 = jax.random.split(key, 5)
    # nn.Embedding default init: N(0, 1)
    corp_self = jax.random.normal(k1, (NUM_CORP, HIDDEN_DIM), dtype=jnp.float32)
    corp_query = jax.random.normal(k2, (NUM_CORP, HIDDEN_DIM), dtype=jnp.float32)
    # hash_linear1 weight: nn.init.normal_ -> N(0, 1)
    W1 = jax.random.normal(k3, (HASH_DIM, HIDDEN_DIM), dtype=jnp.float32)
    # bias: torch default uniform(-1/sqrt(fan_in), 1/sqrt(fan_in))
    bound = 1.0 / np.sqrt(HIDDEN_DIM)
    b1 = jax.random.uniform(k4, (HASH_DIM,), dtype=jnp.float32, minval=-bound, maxval=bound)
    corp_batch = jax.random.randint(k5, (BATCH,), 0, NUM_CORP, dtype=jnp.int32)
    return {"corp_self": corp_self, "corp_query": corp_query, "W1": W1, "b1": b1, "corp_batch": corp_batch}


def reference(corp_self, corp_query, W1, b1, corp_batch):
    # cs_embs = self.corp_self(corp_batch)
    cs_embs = jnp.take(corp_self, corp_batch, axis=0)
    # cq_embs = self.corp_query(corp_batch)
    cq_embs = jnp.take(corp_query, corp_batch, axis=0)
    # cs_hashcodes = tanh(hash_linear1(cs_embs))
    cs_hashcodes = jnp.tanh(cs_embs @ W1.T + b1)
    return (cs_hashcodes, cq_embs)

if __name__ == "__main__":
    import jax
    _d = setup_inputs()
    print(jax.jit(kernel)(*tuple(_d.values())))

</pallas_src>

<mosaic_0001>
#map = affine_map<(d0, d1) -> (0, 0, 0)>
#map1 = affine_map<(d0, d1) -> (0)>
#map2 = affine_map<(d0, d1) -> (0, 0)>
module attributes {stable_mosaic.version = 14 : i64} {
  func.func @_sc_gather(%arg0: i32, %arg1: i32, %arg2: memref<125000x8x64xf32, #tpu.memory_space<hbm>>, %arg3: memref<125000x8x64xf32, #tpu.memory_space<hbm>>, %arg4: memref<16384xi32, #tpu.memory_space<hbm>>, %arg5: memref<16384x128xf32, #tpu.memory_space<hbm>>, %arg6: memref<16384x128xf32, #tpu.memory_space<hbm>>, %arg7: memref<512xi32, #tpu.memory_space<vmem>>, %arg8: memref<256x128xf32, #tpu.memory_space<vmem>>, %arg9: memref<256x128xf32, #tpu.memory_space<vmem>>, %arg10: memref<!tpu.dma_semaphore, #tpu.memory_space<semaphore_mem>>, %arg11: memref<!tpu.dma_semaphore, #tpu.memory_space<semaphore_mem>>) attributes {dimension_semantics = [#tpu.dimension_semantics<core_parallel>, #tpu.dimension_semantics<subcore_parallel>], iteration_bounds = array<i64: 2, 16>, scalar_prefetch = 0 : i64, scratch_operands = 5 : i64, tpu.core_type = #tpu.core_type<sc_vector_subcore>, window_params = [{transform_indices = #map}, {transform_indices = #map}, {transform_indices = #map1}, {transform_indices = #map2}, {transform_indices = #map2}]} {
    %mul3A = arith.constant 2 : i32
    %mul3A_0 = arith.muli %arg1, %mul3A : i32
    %add3A = arith.addi %mul3A_0, %arg0 : i32
    %mul3A_1 = arith.constant 512 : i32
    %mul3A_2 = arith.muli %add3A, %mul3A_1 : i32
    "tpu.region"() ({
      %run_scoped3A = tpu.sem_alloc : memref<!tpu.dma_semaphore, #tpu.memory_space<semaphore_mem>>
      %dma_start3A = tpu.memref_slice %arg4[%mul3A_2] : memref<16384xi32, #tpu.memory_space<hbm>> -> memref<512xi32, #tpu.memory_space<hbm>>
      %dma_start3A_22 = tpu.memref_slice %arg4[%mul3A_2] : memref<16384xi32, #tpu.memory_space<hbm>> -> memref<512xi32, #tpu.memory_space<hbm>>
      tpu.enqueue_dma source(%dma_start3A_22 : memref<512xi32, #tpu.memory_space<hbm>>) target(%arg7 : memref<512xi32, #tpu.memory_space<vmem>>) target_semaphore(%run_scoped3A : memref<!tpu.dma_semaphore, #tpu.memory_space<semaphore_mem>>)
      %dma_wait3A = tpu.memref_slice %arg4[%mul3A_2] : memref<16384xi32, #tpu.memory_space<hbm>> -> memref<512xi32, #tpu.memory_space<hbm>>
      %dma_wait3A_23 = tpu.memref_slice %arg4[%mul3A_2] : memref<16384xi32, #tpu.memory_space<hbm>> -> memref<512xi32, #tpu.memory_space<hbm>>
      tpu.wait_dma2 semaphore(%run_scoped3A : memref<!tpu.dma_semaphore, #tpu.memory_space<semaphore_mem>>) src(%dma_wait3A_23 : memref<512xi32, #tpu.memory_space<hbm>>) dst(%arg7 : memref<512xi32, #tpu.memory_space<vmem>>)
      tpu.yield
    }) : () -> ()
    %scan3A = arith.constant 0 : i32
    %scan3A_3 = arith.constant 0 : i32
    %scan3A_4 = arith.constant 16 : i32
    %scan3A_5 = arith.addi %scan3A_3, %scan3A_4 : i32
    %scan3A_6 = arith.constant 1 : i32
    scf.for %scan3A_22 = %scan3A_3 to %scan3A_5 step %scan3A_6  : i32 {
      %mul3A_23 = arith.constant 16 : i32
      %mul3A_24 = arith.muli %scan3A_22, %mul3A_23 : i32
      %add3A_25 = arith.constant 0 : i32
      %add3A_26 = arith.addi %add3A_25, %mul3A_24 : i32
      %get3A = arith.index_cast %add3A_26 : i32 to index
      %get3A_27 = tpu.vector_load %arg7[%get3A] {strides = array<i32>} : memref<512xi32, #tpu.memory_space<vmem>>, vector<16xi32>,
      %get3A_28 = vector.shape_cast %get3A_27 : vector<16xi32> to vector<16xi32>
      %shift_right_logical3A = arith.constant 3 : i32
      %shift_right_logical3A_29 = vector.broadcast %shift_right_logical3A : i32 to vector<16xi32>
      %shift_right_logical3A_30 = arith.shrui %get3A_28, %shift_right_logical3A_29 : vector<16xi32>
      %and3A = arith.constant 7 : i32
      %and3A_31 = vector.broadcast %and3A : i32 to vector<16xi32>
      %and3A_32 = arith.andi %get3A_28, %and3A_31 : vector<16xi32>
      %slice3A = vector.extract_strided_slice %shift_right_logical3A_30 {offsets = [0], sizes = [1], strides = [1]} : vector<16xi32> to vector<1xi32>
      %squeeze3A = vector.extract %slice3A[0] : i32 from vector<1xi32>
      %slice3A_33 = vector.extract_strided_slice %and3A_32 {offsets = [0], sizes = [1], strides = [1]} : vector<16xi32> to vector<1xi32>
      %squeeze3A_34 = vector.extract %slice3A_33[0] : i32 from vector<1xi32>
      %mul3A_35 = arith.constant 16 : i32
      %mul3A_36 = arith.muli %scan3A_22, %mul3A_35 : i32
      %add3A_37 = arith.constant 0 : i32
      %add3A_38 = arith.addi %mul3A_36, %add3A_37 : i32
      %dma_start3A = arith.constant 0 : i32
      %dma_start3A_39 = tpu.memref_slice %arg8[%add3A_38, %dma_start3A] : memref<256x128xf32, #tpu.memory_space<vmem>> -> memref<1x64xf32, #tpu.memory_space<vmem>>
      %dma_start3A_40 = tpu.memref_squeeze %dma_start3A_39 : memref<1x64xf32, #tpu.memory_space<vmem>> -> memref<64xf32, #tpu.memory_space<vmem>>
      %dma_start3A_41 = arith.constant 0 : i32
      %dma_start3A_42 = tpu.memref_slice %arg2[%squeeze3A, %squeeze3A_34, %dma_start3A_41] : memref<125000x8x64xf32, #tpu.memory_space<hbm>> -> memref<1x1x64xf32, #tpu.memory_space<hbm>>
      %dma_start3A_43 = tpu.memref_squeeze %dma_start3A_42 : memref<1x1x64xf32, #tpu.memory_space<hbm>> -> memref<64xf32, #tpu.memory_space<hbm>>
      %dma_start3A_44 = arith.constant 0 : i32
      %dma_start3A_45 = tpu.memref_slice %arg8[%add3A_38, %dma_start3A_44] : memref<256x128xf32, #tpu.memory_space<vmem>> -> memref<1x64xf32, #tpu.memory_space<vmem>>
      %dma_start3A_46 = tpu.memref_squeeze %dma_start3A_45 : memref<1x64xf32, #tpu.memory_space<vmem>> -> memref<64xf32, #tpu.memory_space<vmem>>
      %dma_start3A_47 = arith.constant 0 : i32
      %dma_start3A_48 = tpu.memref_slice %arg2[%squeeze3A, %squeeze3A_34, %dma_start3A_47] : memref<125000x8x64xf32, #tpu.memory_space<hbm>> -> memref<1x1x64xf32, #tpu.memory_space<hbm>>
      %dma_start3A_49 = tpu.memref_squeeze %dma_start3A_48 : memref<1x1x64xf32, #tpu.memory_space<hbm>> -> memref<64xf32, #tpu.memory_space<hbm>>
      tpu.enqueue_dma source(%dma_start3A_49 : memref<64xf32, #tpu.memory_space<hbm>>) target(%dma_start3A_46 : memref<64xf32, #tpu.memory_space<vmem>>) target_semaphore(%arg10 : memref<!tpu.dma_semaphore, #tpu.memory_space<semaphore_mem>>)
      %dma_start3A_50 = arith.constant 0 : i32
      %dma_start3A_51 = tpu.memref_slice %arg9[%add3A_38, %dma_start3A_50] : memref<256x128xf32, #tpu.memory_space<vmem>> -> memref<1x64xf32, #tpu.memory_space<vmem>>
      %dma_start3A_52 = tpu.memref_squeeze %dma_start3A_51 : memref<1x64xf32, #tpu.memory_space<vmem>> -> memref<64xf32, #tpu.memory_space<vmem>>
      %dma_start3A_53 = arith.constant 0 : i32
      %dma_start3A_54 = tpu.memref_slice %arg3[%squeeze3A, %squeeze3A_34, %dma_start3A_53] : memref<125000x8x64xf32, #tpu.memory_space<hbm>> -> memref<1x1x64xf32, #tpu.memory_space<hbm>>
      %dma_start3A_55 = tpu.memref_squeeze %dma_start3A_54 : memref<1x1x64xf32, #tpu.memory_space<hbm>> -> memref<64xf32, #tpu.memory_space<hbm>>
      %dma_start3A_56 = arith.constant 0 : i32
      %dma_start3A_57 = tpu.memref_slice %arg9[%add3A_38, %dma_start3A_56] : memref<256x128xf32, #tpu.memory_space<vmem>> -> memref<1x64xf32, #tpu.memory_space<vmem>>
      %dma_start3A_58 = tpu.memref_squeeze %dma_start3A_57 : memref<1x64xf32, #tpu.memory_space<vmem>> -> memref<64xf32, #tpu.memory_space<vmem>>
      %dma_start3A_59 = arith.constant 0 : i32
      %dma_start3A_60 = tpu.memref_slice %arg3[%squeeze3A, %squeeze3A_34, %dma_start3A_59] : memref<125000x8x64xf32, #tpu.memory_space<hbm>> -> memref<1x1x64xf32, #tpu.memory_space<hbm>>
      %dma_start3A_61 = tpu.memref_squeeze %dma_start3A_60 : memref<1x1x64xf32, #tpu.memory_space<hbm>> -> memref<64xf32, #tpu.memory_space<hbm>>
      tpu.enqueue_dma source(%dma_start3A_61 : memref<64xf32, #tpu.memory_space<hbm>>) target(%dma_start3A_58 : memref<64xf32, #tpu.memory_space<vmem>>) target_semaphore(%arg11 : memref<!tpu.dma_semaphore, #tpu.memory_space<semaphore_mem>>)
      %slice3A_62 = vector.extract_strided_slice %shift_right_logical3A_30 {offsets = [1], sizes = [1], strides = [1]} : vector<16xi32> to vector<1xi32>
      %squeeze3A_63 = vector.extract %slice3A_62[0] : i32 from vector<1xi32>
      %slice3A_64 = vector.extract_strided_slice %and3A_32 {offsets = [1], sizes = [1], strides = [1]} : vector<16xi32> to vector<1xi32>
      %squeeze3A_65 = vector.extract %slice3A_64[0] : i32 from vector<1xi32>
      %mul3A_66 = arith.constant 16 : i32
      %mul3A_67 = arith.muli %scan3A_22, %mul3A_66 : i32
      %add3A_68 = arith.constant 1 : i32
      %add3A_69 = arith.addi %mul3A_67, %add3A_68 : i32
      %dma_start3A_70 = arith.constant 0 : i32
      %dma_start3A_71 = tpu.memref_slice %arg8[%add3A_69, %dma_start3A_70] : memref<256x128xf32, #tpu.memory_space<vmem>> -> memref<1x64xf32, #tpu.memory_space<vmem>>
      %dma_start3A_72 = tpu.memref_squeeze %dma_start3A_71 : memref<1x64xf32, #tpu.memory_space<vmem>> -> memref<64xf32, #tpu.memory_space<vmem>>
      %dma_start3A_73 = arith.constant 0 : i32
      %dma_start3A_74 = tpu.memref_slice %arg2[%squeeze3A_63, %squeeze3A_65, %dma_start3A_73] : memref<125000x8x64xf32, #tpu.memory_space<hbm>> -> memref<1x1x64xf32, #tpu.memory_space<hbm>>
      %dma_start3A_75 = tpu.memref_squeeze %dma_start3A_74 : memref<1x1x64xf32, #tpu.memory_space<hbm>> -> memref<64xf32, #tpu.memory_space<hbm>>
      %dma_start3A_76 = arith.constant 0 : i32
      %dma_start3A_77 = tpu.memref_slice %arg8[%add3A_69, %dma_start3A_76] : memref<256x128xf32, #tpu.memory_space<vmem>> -> memref<1x64xf32, #tpu.memory_space<vmem>>
      %dma_start3A_78 = tpu.memref_squeeze %dma_start3A_77 : memref<1x64xf32, #tpu.memory_space<vmem>> -> memref<64xf32, #tpu.memory_space<vmem>>
      %dma_start3A_79 = arith.constant 0 : i32
      %dma_start3A_80 = tpu.memref_slice %arg2[%squeeze3A_63, %squeeze3A_65, %dma_start3A_79] : memref<125000x8x64xf32, #tpu.memory_space<hbm>> -> memref<1x1x64xf32, #tpu.memory_space<hbm>>
      %dma_start3A_81 = tpu.memref_squeeze %dma_start3A_80 : memref<1x1x64xf32, #tpu.memory_space<hbm>> -> memref<64xf32, #tpu.memory_space<hbm>>
      tpu.enqueue_dma source(%dma_start3A_81 : memref<64xf32, #tpu.memory_space<hbm>>) target(%dma_start3A_78 : memref<64xf32, #tpu.memory_space<vmem>>) target_semaphore(%arg10 : memref<!tpu.dma_semaphore, #tpu.memory_space<semaphore_mem>>)
      %dma_start3A_82 = arith.constant 0 : i32
      %dma_start3A_83 = tpu.memref_slice %arg9[%add3A_69, %dma_start3A_82] : memref<256x128xf32, #tpu.memory_space<vmem>> -> memref<1x64xf32, #tpu.memory_space<vmem>>
      %dma_start3A_84 = tpu.memref_squeeze %dma_start3A_83 : memref<1x64xf32, #tpu.memory_space<vmem>> -> memref<64xf32, #tpu.memory_space<vmem>>
      %dma_start3A_85 = arith.constant 0 : i32
      %dma_start3A_86 = tpu.memref_slice %arg3[%squeeze3A_63, %squeeze3A_65, %dma_start3A_85] : memref<125000x8x64xf32, #tpu.memory_space<hbm>> -> memref<1x1x64xf32, #tpu.memory_space<hbm>>
      %dma_start3A_87 = tpu.memref_squeeze %dma_start3A_86 : memref<1x1x64xf32, #tpu.memory_space<hbm>> -> memref<64xf32, #tpu.memory_space<hbm>>
      %dma_start3A_88 = arith.constant 0 : i32
      %dma_start3A_89 = tpu.memref_slice %arg9[%add3A_69, %dma_start3A_88] : memref<256x128xf32, #tpu.memory_space<vmem>> -> memref<1x64xf32, #tpu.memory_space<vmem>>
      %dma_start3A_90 = tpu.memref_squeeze %dma_start3A_89 : memref<1x64xf32, #tpu.memory_space<vmem>> -> memref<64xf32, #tpu.memory_space<vmem>>
      %dma_start3A_91 = arith.constant 0 : i32
      %dma_start3A_92 = tpu.memref_slice %arg3[%squeeze3A_63, %squeeze3A_65, %dma_start3A_91] : memref<125000x8x64xf32, #tpu.memory_space<hbm>> -> memref<1x1x64xf32, #tpu.memory_space<hbm>>
      %dma_start3A_93 = tpu.memref_squeeze %dma_start3A_92 : memref<1x1x64xf32, #tpu.memory_space<hbm>> -> memref<64xf32, #tpu.memory_space<hbm>>
      tpu.enqueue_dma source(%dma_start3A_93 : memref<64xf32, #tpu.memory_space<hbm>>) target(%dma_start3A_90 : memref<64xf32, #tpu.memory_space<vmem>>) target_semaphore(%arg11 : memref<!tpu.dma_semaphore, #tpu.memory_space<semaphore_mem>>)
      %slice3A_94 = vector.extract_strided_slice %shift_right_logical3A_30 {offsets = [2], sizes = [1], strides = [1]} : vector<16xi32> to vector<1xi32>
      %squeeze3A_95 = vector.extract %slice3A_94[0] : i32 from vector<1xi32>
      %slice3A_96 = vector.extract_strided_slice %and3A_32 {offsets = [2], sizes = [1], strides = [1]} : vector<16xi32> to vector<1xi32>
      %squeeze3A_97 = vector.extract %slice3A_96[0] : i32 from vector<1xi32>
      %mul3A_98 = arith.constant 16 : i32
      %mul3A_99 = arith.muli %scan3A_22, %mul3A_98 : i32
      %add3A_100 = arith.constant 2 : i32
      %add3A_101 = arith.addi %mul3A_99, %add3A_100 : i32
      %dma_start3A_102 = arith.constant 0 : i32
      %dma_start3A_103 = tpu.memref_slice %arg8[%add3A_101, %dma_start3A_102] : memref<256x128xf32, #tpu.memory_space<vmem>> -> memref<1x64xf32, #tpu.memory_space<vmem>>
      %dma_start3A_104 = tpu.memref_squeeze %dma_start3A_103 : memref<1x64xf32, #tpu.memory_space<vmem>> -> memref<64xf32, #tpu.memory_space<vmem>>
      %dma_start3A_105 = arith.constant 0 : i32
      %dma_start3A_106 = tpu.memref_slice %arg2[%squeeze3A_95, %squeeze3A_97, %dma_start3A_105] : memref<125000x8x64xf32, #tpu.memory_space<hbm>> -> memref<1x1x64xf32, #tpu.memory_space<hbm>>
      %dma_start3A_107 = tpu.memref_squeeze %dma_start3A_106 : memref<1x1x64xf32, #tpu.memory_space<hbm>> -> memref<64xf32, #tpu.memory_space<hbm>>
      %dma_start3A_108 = arith.constant 0 : i32
      %dma_start3A_109 = tpu.memref_slice %arg8[%add3A_101, %dma_start3A_108] : memref<256x128xf32, #tpu.memory_space<vmem>> -> memref<1x64xf32, #tpu.memory_space<vmem>>
      %dma_start3A_110 = tpu.memref_squeeze %dma_start3A_109 : memref<1x64xf32, #tpu.memory_space<vmem>> -> memref<64xf32, #tpu.memory_space<vmem>>
      %dma_start3A_111 = arith.constant 0 : i32
      %dma_start3A_112 = tpu.memref_slice %arg2[%squeeze3A_95, %squeeze3A_97, %dma_start3A_111] : memref<125000x8x64xf32, #tpu.memory_space<hbm>> -> memref<1x1x64xf32, #tpu.memory_space<hbm>>
      %dma_start3A_113 = tpu.memref_squeeze %dma_start3A_112 : memref<1x1x64xf32, #tpu.memory_space<hbm>> -> memref<64xf32, #tpu.memory_space<hbm>>
      tpu.enqueue_dma source(%dma_start3A_113 : memref<64xf32, #tpu.memory_space<hbm>>) target(%dma_start3A_110 : memref<64xf32, #tpu.memory_space<vmem>>) target_semaphore(%arg10 : memref<!tpu.dma_semaphore, #tpu.memory_space<semaphore_mem>>)
      %dma_start3A_114 = arith.constant 0 : i32
      %dma_start3A_115 = tpu.memref_slice %arg9[%add3A_101, %dma_start3A_114] : memref<256x128xf32, #tpu.memory_space<vmem>> -> memref<1x64xf32, #tpu.memory_space<vmem>>
      %dma_start3A_116 = tpu.memref_squeeze %dma_start3A_115 : memref<1x64xf32, #tpu.memory_space<vmem>> -> memref<64xf32, #tpu.memory_space<vmem>>
      %dma_start3A_117 = arith.constant 0 : i32
      %dma_start3A_118 = tpu.memref_slice %arg3[%squeeze3A_95, %squeeze3A_97, %dma_start3A_117] : memref<125000x8x64xf32, #tpu.memory_space<hbm>> -> memref<1x1x64xf32, #tpu.memory_space<hbm>>
      %dma_start3A_119 = tpu.memref_squeeze %dma_start3A_118 : memref<1x1x64xf32, #tpu.memory_space<hbm>> -> memref<64xf32, #tpu.memory_space<hbm>>
      %dma_start3A_120 = arith.constant 0 : i32
      %dma_start3A_121 = tpu.memref_slice %arg9[%add3A_101, %dma_start3A_120] : memref<256x128xf32, #tpu.memory_space<vmem>> -> memref<1x64xf32, #tpu.memory_space<vmem>>
      %dma_start3A_122 = tpu.memref_squeeze %dma_start3A_121 : memref<1x64xf32, #tpu.memory_space<vmem>> -> memref<64xf32, #tpu.memory_space<vmem>>
      %dma_start3A_123 = arith.constant 0 : i32
      %dma_start3A_124 = tpu.memref_slice %arg3[%squeeze3A_95, %squeeze3A_97, %dma_start3A_123] : memref<125000x8x64xf32, #tpu.memory_space<hbm>> -> memref<1x1x64xf32, #tpu.memory_space<hbm>>
      %dma_start3A_125 = tpu.memref_squeeze %dma_start3A_124 : memref<1x1x64xf32, #tpu.memory_space<hbm>> -> memref<64xf32, #tpu.memory_space<hbm>>
      tpu.enqueue_dma source(%dma_start3A_125 : memref<64xf32, #tpu.memory_space<hbm>>) target(%dma_start3A_122 : memref<64xf32, #tpu.memory_space<vmem>>) target_semaphore(%arg11 : memref<!tpu.dma_semaphore, #tpu.memory_space<semaphore_mem>>)
      %slice3A_126 = vector.extract_strided_slice %shift_right_logical3A_30 {offsets = [3], sizes = [1], strides = [1]} : vector<16xi32> to vector<1xi32>
      %squeeze3A_127 = vector.extract %slice3A_126[0] : i32 from vector<1xi32>
      %slice3A_128 = vector.extract_strided_slice %and3A_32 {offsets = [3], sizes = [1], strides = [1]} : vector<16xi32> to vector<1xi32>
      %squeeze3A_129 = vector.extract %slice3A_128[0] : i32 from vector<1xi32>
      %mul3A_130 = arith.constant 16 : i32
      %mul3A_131 = arith.muli %scan3A_22, %mul3A_130 : i32
      %add3A_132 = arith.constant 3 : i32
      %add3A_133 = arith.addi %mul3A_131, %add3A_132 : i32
      %dma_start3A_134 = arith.constant 0 : i32
      %dma_start3A_135 = tpu.memref_slice %arg8[%add3A_133, %dma_start3A_134] : memref<256x128xf32, #tpu.memory_space<vmem>> -> memref<1x64xf32, #tpu.memory_space<vmem>>
      %dma_start3A_136 = tpu.memref_squeeze %dma_start3A_135 : memref<1x64xf32, #tpu.memory_space<vmem>> -> memref<64xf32, #tpu.memory_space<vmem>>
      %dma_start3A_137 = arith.constant 0 : i32
      %dma_start3A_138 = tpu.memref_slice %arg2[%squeeze3A_127, %squeeze3A_129, %dma_start3A_137] : memref<125000x8x64xf32, #tpu.memory_space<hbm>> -> memref<1x1x64xf32, #tpu.memory_space<hbm>>
      %dma_start3A_139 = tpu.memref_squeeze %dma_start3A_138 : memref<1x1x64xf32, #tpu.memory_space<hbm>> -> memref<64xf32, #tpu.memory_space<hbm>>
      %dma_start3A_140 = arith.constant 0 : i32
      %dma_start3A_141 = tpu.memref_slice %arg8[%add3A_133, %dma_start3A_140] : memref<256x128xf32, #tpu.memory_space<vmem>> -> memref<1x64xf32, #tpu.memory_space<vmem>>
      %dma_start3A_142 = tpu.memref_squeeze %dma_start3A_141 : memref<1x64xf32, #tpu.memory_space<vmem>> -> memref<64xf32, #tpu.memory_space<vmem>>
      %dma_start3A_143 = arith.constant 0 : i32
      %dma_start3A_144 = tpu.memref_slice %arg2[%squeeze3A_127, %squeeze3A_129, %dma_start3A_143] : memref<125000x8x64xf32, #tpu.memory_space<hbm>> -> memref<1x1x64xf32, #tpu.memory_space<hbm>>
      %dma_start3A_145 = tpu.memref_squeeze %dma_start3A_144 : memref<1x1x64xf32, #tpu.memory_space<hbm>> -> memref<64xf32, #tpu.memory_space<hbm>>
      tpu.enqueue_dma source(%dma_start3A_145 : memref<64xf32, #tpu.memory_space<hbm>>) target(%dma_start3A_142 : memref<64xf32, #tpu.memory_space<vmem>>) target_semaphore(%arg10 : memref<!tpu.dma_semaphore, #tpu.memory_space<semaphore_mem>>)
      %dma_start3A_146 = arith.constant 0 : i32
      %dma_start3A_147 = tpu.memref_slice %arg9[%add3A_133, %dma_start3A_146] : memref<256x128xf32, #tpu.memory_space<vmem>> -> memref<1x64xf32, #tpu.memory_space<vmem>>
      %dma_start3A_148 = tpu.memref_squeeze %dma_start3A_147 : memref<1x64xf32, #tpu.memory_space<vmem>> -> memref<64xf32, #tpu.memory_space<vmem>>
      %dma_start3A_149 = arith.constant 0 : i32
      %dma_start3A_150 = tpu.memref_slice %arg3[%squeeze3A_127, %squeeze3A_129, %dma_start3A_149] : memref<125000x8x64xf32, #tpu.memory_space<hbm>> -> memref<1x1x64xf32, #tpu.memory_space<hbm>>
      %dma_start3A_151 = tpu.memref_squeeze %dma_start3A_150 : memref<1x1x64xf32, #tpu.memory_space<hbm>> -> memref<64xf32, #tpu.memory_space<hbm>>
      %dma_start3A_152 = arith.constant 0 : i32
      %dma_start3A_153 = tpu.memref_slice %arg9[%add3A_133, %dma_start3A_152] : memref<256x128xf32, #tpu.memory_space<vmem>> -> memref<1x64xf32, #tpu.memory_space<vmem>>
      %dma_start3A_154 = tpu.memref_squeeze %dma_start3A_153 : memref<1x64xf32, #tpu.memory_space<vmem>> -> memref<64xf32, #tpu.memory_space<vmem>>
      %dma_start3A_155 = arith.constant 0 : i32
      %dma_start3A_156 = tpu.memref_slice %arg3[%squeeze3A_127, %squeeze3A_129, %dma_start3A_155] : memref<125000x8x64xf32, #tpu.memory_space<hbm>> -> memref<1x1x64xf32, #tpu.memory_space<hbm>>
      %dma_start3A_157 = tpu.memref_squeeze %dma_start3A_156 : memref<1x1x64xf32, #tpu.memory_space<hbm>> -> memref<64xf32, #tpu.memory_space<hbm>>
      tpu.enqueue_dma source(%dma_start3A_157 : memref<64xf32, #tpu.memory_space<hbm>>) target(%dma_start3A_154 : memref<64xf32, #tpu.memory_space<vmem>>) target_semaphore(%arg11 : memref<!tpu.dma_semaphore, #tpu.memory_space<semaphore_mem>>)
      %slice3A_158 = vector.extract_strided_slice %shift_right_logical3A_30 {offsets = [4], sizes = [1], strides = [1]} : vector<16xi32> to vector<1xi32>
      %squeeze3A_159 = vector.extract %slice3A_158[0] : i32 from vector<1xi32>
      %slice3A_160 = vector.extract_strided_slice %and3A_32 {offsets = [4], sizes = [1], strides = [1]} : vector<16xi32> to vector<1xi32>
      %squeeze3A_161 = vector.extract %slice3A_160[0] : i32 from vector<1xi32>
      %mul3A_162 = arith.constant 16 : i32
      %mul3A_163 = arith.muli %scan3A_22, %mul3A_162 : i32
      %add3A_164 = arith.constant 4 : i32
      %add3A_165 = arith.addi %mul3A_163, %add3A_164 : i32
      %dma_start3A_166 = arith.constant 0 : i32
      %dma_start3A_167 = tpu.memref_slice %arg8[%add3A_165, %dma_start3A_166] : memref<256x128xf32, #tpu.memory_space<vmem>> -> memref<1x64xf32, #tpu.memory_space<vmem>>
      %dma_start3A_168 = tpu.memref_squeeze %dma_start3A_167 : memref<1x64xf32, #tpu.memory_space<vmem>> -> memref<64xf32, #tpu.memory_space<vmem>>
      %dma_start3A_169 = arith.constant 0 : i32
      %dma_start3A_170 = tpu.memref_slice %arg2[%squeeze3A_159, %squeeze3A_161, %dma_start3A_169] : memref<125000x8x64xf32, #tpu.memory_space<hbm>> -> memref<1x1x64xf32, #tpu.memory_space<hbm>>
      %dma_start3A_171 = tpu.memref_squeeze %dma_start3A_170 : memref<1x1x64xf32, #tpu.memory_space<hbm>> -> memref<64xf32, #tpu.memory_space<hbm>>
      %dma_start3A_172 = arith.constant 0 : i32
      %dma_start3A_173 = tpu.memref_slice %arg8[%add3A_165, %dma_start3A_172] : memref<256x128xf32, #tpu.memory_space<vmem>> -> memref<1x64xf32, #tpu.memory_space<vmem>>
      %dma_start3A_174 = tpu.memref_squeeze %dma_start3A_173 : memref<1x64xf32, #tpu.memory_space<vmem>> -> memref<64xf32, #tpu.memory_space<vmem>>
      %dma_start3A_175 = arith.constant 0 : i32
      %dma_start3A_176 = tpu.memref_slice %arg2[%squeeze3A_159, %squeeze3A_161, %dma_start3A_175] : memref<125000x8x64xf32, #tpu.memory_space<hbm>> -> memref<1x1x64xf32, #tpu.memory_space<hbm>>
      %dma_start3A_177 = tpu.memref_squeeze %dma_start3A_176 : memref<1x1x64xf32, #tpu.memory_space<hbm>> -> memref<64xf32, #tpu.memory_space<hbm>>
      tpu.enqueue_dma source(%dma_start3A_177 : memref<64xf32, #tpu.memory_space<hbm>>) target(%dma_start3A_174 : memref<64xf32, #tpu.memory_space<vmem>>) target_semaphore(%arg10 : memref<!tpu.dma_semaphore, #tpu.memory_space<semaphore_mem>>)
      %dma_start3A_178 = arith.constant 0 : i32
      %dma_start3A_179 = tpu.memref_slice %arg9[%add3A_165, %dma_start3A_178] : memref<256x128xf32, #tpu.memory_space<vmem>> -> memref<1x64xf32, #tpu.memory_space<vmem>>
      %dma_start3A_180 = tpu.memref_squeeze %dma_start3A_179 : memref<1x64xf32, #tpu.memory_space<vmem>> -> memref<64xf32, #tpu.memory_space<vmem>>
      %dma_start3A_181 = arith.constant 0 : i32
      %dma_start3A_182 = tpu.memref_slice %arg3[%squeeze3A_159, %squeeze3A_161, %dma_start3A_181] : memref<125000x8x64xf32, #tpu.memory_space<hbm>> -> memref<1x1x64xf32, #tpu.memory_space<hbm>>
      %dma_start3A_183 = tpu.memref_squeeze %dma_start3A_182 : memref<1x1x64xf32, #tpu.memory_space<hbm>> -> memref<64xf32, #tpu.memory_space<hbm>>
      %dma_start3A_184 = arith.constant 0 : i32
      %dma_start3A_185 = tpu.memref_slice %arg9[%add3A_165, %dma_start3A_184] : memref<256x128xf32, #tpu.memory_space<vmem>> -> memref<1x64xf32, #tpu.memory_space<vmem>>
      %dma_start3A_186 = tpu.memref_squeeze %dma_start3A_185 : memref<1x64xf32, #tpu.memory_space<vmem>> -> memref<64xf32, #tpu.memory_space<vmem>>
      %dma_start3A_187 = arith.constant 0 : i32
      %dma_start3A_188 = tpu.memref_slice %arg3[%squeeze3A_159, %squeeze3A_161, %dma_start3A_187] : memref<125000x8x64xf32, #tpu.memory_space<hbm>> -> memref<1x1x64xf32, #tpu.memory_space<hbm>>
      %dma_start3A_189 = tpu.memref_squeeze %dma_start3A_188 : memref<1x1x64xf32, #tpu.memory_space<hbm>> -> memref<64xf32, #tpu.memory_space<hbm>>
      tpu.enqueue_dma source(%dma_start3A_189 : memref<64xf32, #tpu.memory_space<hbm>>) target(%dma_start3A_186 : memref<64xf32, #tpu.memory_space<vmem>>) target_semaphore(%arg11 : memref<!tpu.dma_semaphore, #tpu.memory_space<semaphore_mem>>)
      %slice3A_190 = vector.extract_strided_slice %shift_right_logical3A_30 {offsets = [5], sizes = [1], strides = [1]} : vector<16xi32> to vector<1xi32>
      %squeeze3A_191 = vector.extract %slice3A_190[0] : i32 from vector<1xi32>
      %slice3A_192 = vector.extract_strided_slice %and3A_32 {offsets = [5], sizes = [1], strides = [1]} : vector<16xi32> to vector<1xi32>
      %squeeze3A_193 = vector.extract %slice3A_192[0] : i32 from vector<1xi32>
      %mul3A_194 = arith.constant 16 : i32
      %mul3A_195 = arith.muli %scan3A_22, %mul3A_194 : i32
      %add3A_196 = arith.constant 5 : i32
      %add3A_197 = arith.addi %mul3A_195, %add3A_196 : i32
      %dma_start3A_198 = arith.constant 0 : i32
      %dma_start3A_199 = tpu.memref_slice %arg8[%add3A_197, %dma_start3A_198] : memref<256x128xf32, #tpu.memory_space<vmem>> -> memref<1x64xf32, #tpu.memory_space<vmem>>
      %dma_start3A_200 = tpu.memref_squeeze %dma_start3A_199 : memref<1x64xf32, #tpu.memory_space<vmem>> -> memref<64xf32, #tpu.memory_space<vmem>>
      %dma_start3A_201 = arith.constant 0 : i32
      %dma_start3A_202 = tpu.memref_slice %arg2[%squeeze3A_191, %squeeze3A_193, %dma_start3A_201] : memref<125000x8x64xf32, #tpu.memory_space<hbm>> -> memref<1x1x64xf32, #tpu.memory_space<hbm>>
      %dma_start3A_203 = tpu.memref_squeeze %dma_start3A_202 : memref<1x1x64xf32, #tpu.memory_space<hbm>> -> memref<64xf32, #tpu.memory_space<hbm>>
      %dma_start3A_204 = arith.constant 0 : i32
      %dma_start3A_205 = tpu.memref_slice %arg8[%add3A_197, %dma_start3A_204] : memref<256x128xf32, #tpu.memory_space<vmem>> -> memref<1x64xf32, #tpu.memory_space<vmem>>
      %dma_start3A_206 = tpu.memref_squeeze %dma_start3A_205 : memref<1x64xf32, #tpu.memory_space<vmem>> -> memref<64xf32, #tpu.memory_space<vmem>>
      %dma_start3A_207 = arith.constant 0 : i32
      %dma_start3A_208 = tpu.memref_slice %arg2[%squeeze3A_191, %squeeze3A_193, %dma_start3A_207] : memref<125000x8x64xf32, #tpu.memory_space<hbm>> -> memref<1x1x64xf32, #tpu.memory_space<hbm>>
      %dma_start3A_209 = tpu.memref_squeeze %dma_start3A_208 : memref<1x1x64xf32, #tpu.memory_space<hbm>> -> memref<64xf32, #tpu.memory_space<hbm>>
      tpu.enqueue_dma source(%dma_start3A_209 : memref<64xf32, #tpu.memory_space<hbm>>) target(%dma_start3A_206 : memref<64xf32, #tpu.memory_space<vmem>>) target_semaphore(%arg10 : memref<!tpu.dma_semaphore, #tpu.memory_space<semaphore_mem>>)
      %dma_start3A_210 = arith.constant 0 : i32
      %dma_start3A_211 = tpu.memref_slice %arg9[%add3A_197, %dma_start3A_210] : memref<256x128xf32, #tpu.memory_space<vmem>> -> memref<1x64xf32, #tpu.memory_space<vmem>>
      %dma_start3A_212 = tpu.memref_squeeze %dma_start3A_211 : memref<1x64xf32, #tpu.memory_space<vmem>> -> memref<64xf32, #tpu.memory_space<vmem>>
      %dma_start3A_213 = arith.constant 0 : i32
      %dma_start3A_214 = tpu.memref_slice %arg3[%squeeze3A_191, %squeeze3A_193, %dma_start3A_213] : memref<125000x8x64xf32, #tpu.memory_space<hbm>> -> memref<1x1x64xf32, #tpu.memory_space<hbm>>
      %dma_start3A_215 = tpu.memref_squeeze %dma_start3A_214 : memref<1x1x64xf32, #tpu.memory_space<hbm>> -> memref<64xf32, #tpu.memory_space<hbm>>
      %dma_start3A_216 = arith.constant 0 : i32
      %dma_start3A_217 = tpu.memref_slice %arg9[%add3A_197, %dma_start3A_216] : memref<256x128xf32, #tpu.memory_space<vmem>> -> memref<1x64xf32, #tpu.memory_space<vmem>>
      %dma_start3A_218 = tpu.memref_squeeze %dma_start3A_217 : memref<1x64xf32, #tpu.memory_space<vmem>> -> memref<64xf32, #tpu.memory_space<vmem>>
      %dma_start3A_219 = arith.constant 0 : i32
      %dma_start3A_220 = tpu.memref_slice %arg3[%squeeze3A_191, %squeeze3A_193, %dma_start3A_219] : memref<125000x8x64xf32, #tpu.memory_space<hbm>> -> memref<1x1x64xf32, #tpu.memory_space<hbm>>
      %dma_start3A_221 = tpu.memref_squeeze %dma_start3A_220 : memref<1x1x64xf32, #tpu.memory_space<hbm>> -> memref<64xf32, #tpu.memory_space<hbm>>
      tpu.enqueue_dma source(%dma_start3A_221 : memref<64xf32, #tpu.memory_space<hbm>>) target(%dma_start3A_218 : memref<64xf32, #tpu.memory_space<vmem>>) target_semaphore(%arg11 : memref<!tpu.dma_semaphore, #tpu.memory_space<semaphore_mem>>)
      %slice3A_222 = vector.extract_strided_slice %shift_right_logical3A_30 {offsets = [6], sizes = [1], strides = [1]} : vector<16xi32> to vector<1xi32>
      %squeeze3A_223 = vector.extract %slice3A_222[0] : i32 from vector<1xi32>
      %slice3A_224 = vector.extract_strided_slice %and3A_32 {offsets = [6], sizes = [1], strides = [1]} : vector<16xi32> to vector<1xi32>
      %squeeze3A_225 = vector.extract %slice3A_224[0] : i32 from vector<1xi32>
      %mul3A_226 = arith.constant 16 : i32
      %mul3A_227 = arith.muli %scan3A_22, %mul3A_226 : i32
      %add3A_228 = arith.constant 6 : i32
      %add3A_229 = arith.addi %mul3A_227, %add3A_228 : i32
      %dma_start3A_230 = arith.constant 0 : i32
      %dma_start3A_231 = tpu.memref_slice %arg8[%add3A_229, %dma_start3A_230] : memref<256x128xf32, #tpu.memory_space<vmem>> -> memref<1x64xf32, #tpu.memory_space<vmem>>
      %dma_start3A_232 = tpu.memref_squeeze %dma_start3A_231 : memref<1x64xf32, #tpu.memory_space<vmem>> -> memref<64xf32, #tpu.memory_space<vmem>>
      %dma_start3A_233 = arith.constant 0 : i32
      %dma_start3A_234 = tpu.memref_slice %arg2[%squeeze3A_223, %squeeze3A_225, %dma_start3A_233] : memref<125000x8x64xf32, #tpu.memory_space<hbm>> -> memref<1x1x64xf32, #tpu.memory_space<hbm>>
      %dma_start3A_235 = tpu.memref_squeeze %dma_start3A_234 : memref<1x1x64xf32, #tpu.memory_space<hbm>> -> memref<64xf32, #tpu.memory_space<hbm>>
      %dma_start3A_236 = arith.constant 0 : i32
      %dma_start3A_237 = tpu.memref_slice %arg8[%add3A_229, %dma_start3A_236] : memref<256x128xf32, #tpu.memory_space<vmem>> -> memref<1x64xf32, #tpu.memory_space<vmem>>
      %dma_start3A_238 = tpu.memref_squeeze %dma_start3A_237 : memref<1x64xf32, #tpu.memory_space<vmem>> -> memref<64xf32, #tpu.memory_space<vmem>>
      %dma_start3A_239 = arith.constant 0 : i32
      %dma_start3A_240 = tpu.memref_slice %arg2[%squeeze3A_223, %squeeze3A_225, %dma_start3A_239] : memref<125000x8x64xf32, #tpu.memory_space<hbm>> -> memref<1x1x64xf32, #tpu.memory_space<hbm>>
      %dma_start3A_241 = tpu.memref_squeeze %dma_start3A_240 : memref<1x1x64xf32, #tpu.memory_space<hbm>> -> memref<64xf32, #tpu.memory_space<hbm>>
      tpu.enqueue_dma source(%dma_start3A_241 : memref<64xf32, #tpu.memory_space<hbm>>) target(%dma_start3A_238 : memref<64xf32, #tpu.memory_space<vmem>>) target_semaphore(%arg10 : memref<!tpu.dma_semaphore, #tpu.memory_space<semaphore_mem>>)
      %dma_start3A_242 = arith.constant 0 : i32
      %dma_start3A_243 = tpu.memref_slice %arg9[%add3A_229, %dma_start3A_242] : memref<256x128xf32, #tpu.memory_space<vmem>> -> memref<1x64xf32, #tpu.memory_space<vmem>>
      %dma_start3A_244 = tpu.memref_squeeze %dma_start3A_243 : memref<1x64xf32, #tpu.memory_space<vmem>> -> memref<64xf32, #tpu.memory_space<vmem>>
      %dma_start3A_245 = arith.constant 0 : i32
      %dma_start3A_246 = tpu.memref_slice %arg3[%squeeze3A_223, %squeeze3A_225, %dma_start3A_245] : memref<125000x8x64xf32, #tpu.memory_space<hbm>> -> memref<1x1x64xf32, #tpu.memory_space<hbm>>
      %dma_start3A_247 = tpu.memref_squeeze %dma_start3A_246 : memref<1x1x64xf32, #tpu.memory_space<hbm>> -> memref<64xf32, #tpu.memory_space<hbm>>
      %dma_start3A_248 = arith.constant 0 : i32
      %dma_start3A_249 = tpu.memref_slice %arg9[%add3A_229, %dma_start3A_248] : memref<256x128xf32, #tpu.memory_space<vmem>> -> memref<1x64xf32, #tpu.memory_space<vmem>>
      %dma_start3A_250 = tpu.memref_squeeze %dma_start3A_249 : memref<1x64xf32, #tpu.memory_space<vmem>> -> memref<64xf32, #tpu.memory_space<vmem>>
      %dma_start3A_251 = arith.constant 0 : i32
      %dma_start3A_252 = tpu.memref_slice %arg3[%squeeze3A_223, %squeeze3A_225, %dma_start3A_251] : memref<125000x8x64xf32, #tpu.memory_space<hbm>> -> memref<1x1x64xf32, #tpu.memory_space<hbm>>
      %dma_start3A_253 = tpu.memref_squeeze %dma_start3A_252 : memref<1x1x64xf32, #tpu.memory_space<hbm>> -> memref<64xf32, #tpu.memory_space<hbm>>
      tpu.enqueue_dma source(%dma_start3A_253 : memref<64xf32, #tpu.memory_space<hbm>>) target(%dma_start3A_250 : memref<64xf32, #tpu.memory_space<vmem>>) target_semaphore(%arg11 : memref<!tpu.dma_semaphore, #tpu.memory_space<semaphore_mem>>)
      %slice3A_254 = vector.extract_strided_slice %shift_right_logical3A_30 {offsets = [7], sizes = [1], strides = [1]} : vector<16xi32> to vector<1xi32>
      %squeeze3A_255 = vector.extract %slice3A_254[0] : i32 from vector<1xi32>
      %slice3A_256 = vector.extract_strided_slice %and3A_32 {offsets = [7], sizes = [1], strides = [1]} : vector<16xi32> to vector<1xi32>
      %squeeze3A_257 = vector.extract %slice3A_256[0] : i32 from vector<1xi32>
      %mul3A_258 = arith.constant 16 : i32
      %mul3A_259 = arith.muli %scan3A_22, %mul3A_258 : i32
      %add3A_260 = arith.constant 7 : i32
      %add3A_261 = arith.addi %mul3A_259, %add3A_260 : i32
      %dma_start3A_262 = arith.constant 0 : i32
      %dma_start3A_263 = tpu.memref_slice %arg8[%add3A_261, %dma_start3A_262] : memref<256x128xf32, #tpu.memory_space<vmem>> -> memref<1x64xf32, #tpu.memory_space<vmem>>
      %dma_start3A_264 = tpu.memref_squeeze %dma_start3A_263 : memref<1x64xf32, #tpu.memory_space<vmem>> -> memref<64xf32, #tpu.memory_space<vmem>>
      %dma_start3A_265 = arith.constant 0 : i32
      %dma_start3A_266 = tpu.memref_slice %arg2[%squeeze3A_255, %squeeze3A_257, %dma_start3A_265] : memref<125000x8x64xf32, #tpu.memory_space<hbm>> -> memref<1x1x64xf32, #tpu.memory_space<hbm>>
      %dma_start3A_267 = tpu.memref_squeeze %dma_start3A_266 : memref<1x1x64xf32, #tpu.memory_space<hbm>> -> memref<64xf32, #tpu.memory_space<hbm>>
      %dma_start3A_268 = arith.constant 0 : i32
      %dma_start3A_269 = tpu.memref_slice %arg8[%add3A_261, %dma_start3A_268] : memref<256x128xf32, #tpu.memory_space<vmem>> -> memref<1x64xf32, #tpu.memory_space<vmem>>
      %dma_start3A_270 = tpu.memref_squeeze %dma_start3A_269 : memref<1x64xf32, #tpu.memory_space<vmem>> -> memref<64xf32, #tpu.memory_space<vmem>>
      %dma_start3A_271 = arith.constant 0 : i32
      %dma_start3A_272 = tpu.memref_slice %arg2[%squeeze3A_255, %squeeze3A_257, %dma_start3A_271] : memref<125000x8x64xf32, #tpu.memory_space<hbm>> -> memref<1x1x64xf32, #tpu.memory_space<hbm>>
      %dma_start3A_273 = tpu.memref_squeeze %dma_start3A_272 : memref<1x1x64xf32, #tpu.memory_space<hbm>> -> memref<64xf32, #tpu.memory_space<hbm>>
      tpu.enqueue_dma source(%dma_start3A_273 : memref<64xf32, #tpu.memory_space<hbm>>) target(%dma_start3A_270 : memref<64xf32, #tpu.memory_space<vmem>>) target_semaphore(%arg10 : memref<!tpu.dma_semaphore, #tpu.memory_space<semaphore_mem>>)
      %dma_start3A_274 = arith.constant 0 : i32
      %dma_start3A_275 = tpu.memref_slice %arg9[%add3A_261, %dma_start3A_274] : memref<256x128xf32, #tpu.memory_space<vmem>> -> memref<1x64xf32, #tpu.memory_space<vmem>>
      %dma_start3A_276 = tpu.memref_squeeze %dma_start3A_275 : memref<1x64xf32, #tpu.memory_space<vmem>> -> memref<64xf32, #tpu.memory_space<vmem>>
      %dma_start3A_277 = arith.constant 0 : i32
      %dma_start3A_278 = tpu.memref_slice %arg3[%squeeze3A_255, %squeeze3A_257, %dma_start3A_277] : memref<125000x8x64xf32, #tpu.memory_space<hbm>> -> memref<1x1x64xf32, #tpu.memory_space<hbm>>
      %dma_start3A_279 = tpu.memref_squeeze %dma_start3A_278 : memref<1x1x64xf32, #tpu.memory_space<hbm>> -> memref<64xf32, #tpu.memory_space<hbm>>
      %dma_start3A_280 = arith.constant 0 : i32
      %dma_start3A_281 = tpu.memref_slice %arg9[%add3A_261, %dma_start3A_280] : memref<256x128xf32, #tpu.memory_space<vmem>> -> memref<1x64xf32, #tpu.memory_space<vmem>>
      %dma_start3A_282 = tpu.memref_squeeze %dma_start3A_281 : memref<1x64xf32, #tpu.memory_space<vmem>> -> memref<64xf32, #tpu.memory_space<vmem>>
      %dma_start3A_283 = arith.constant 0 : i32
      %dma_start3A_284 = tpu.memref_slice %arg3[%squeeze3A_255, %squeeze3A_257, %dma_start3A_283] : memref<125000x8x64xf32, #tpu.memory_space<hbm>> -> memref<1x1x64xf32, #tpu.memory_space<hbm>>
      %dma_start3A_285 = tpu.memref_squeeze %dma_start3A_284 : memref<1x1x64xf32, #tpu.memory_space<hbm>> -> memref<64xf32, #tpu.memory_space<hbm>>
      tpu.enqueue_dma source(%dma_start3A_285 : memref<64xf32, #tpu.memory_space<hbm>>) target(%dma_start3A_282 : memref<64xf32, #tpu.memory_space<vmem>>) target_semaphore(%arg11 : memref<!tpu.dma_semaphore, #tpu.memory_space<semaphore_mem>>)
      %slice3A_286 = vector.extract_strided_slice %shift_right_logical3A_30 {offsets = [8], sizes = [1], strides = [1]} : vector<16xi32> to vector<1xi32>
      %squeeze3A_287 = vector.extract %slice3A_286[0] : i32 from vector<1xi32>
      %slice3A_288 = vector.extract_strided_slice %and3A_32 {offsets = [8], sizes = [1], strides = [1]} : vector<16xi32> to vector<1xi32>
      %squeeze3A_289 = vector.extract %slice3A_288[0] : i32 from vector<1xi32>
      %mul3A_290 = arith.constant 16 : i32
      %mul3A_291 = arith.muli %scan3A_22, %mul3A_290 : i32
      %add3A_292 = arith.constant 8 : i32
      %add3A_293 = arith.addi %mul3A_291, %add3A_292 : i32
      %dma_start3A_294 = arith.constant 0 : i32
      %dma_start3A_295 = tpu.memref_slice %arg8[%add3A_293, %dma_start3A_294] : memref<256x128xf32, #tpu.memory_space<vmem>> -> memref<1x64xf32, #tpu.memory_space<vmem>>
      %dma_start3A_296 = tpu.memref_squeeze %dma_start3A_295 : memref<1x64xf32, #tpu.memory_space<vmem>> -> memref<64xf32, #tpu.memory_space<vmem>>
      %dma_start3A_297 = arith.constant 0 : i32
      %dma_start3A_298 = tpu.memref_slice %arg2[%squeeze3A_287, %squeeze3A_289, %dma_start3A_297] : memref<125000x8x64xf32, #tpu.memory_space<hbm>> -> memref<1x1x64xf32, #tpu.memory_space<hbm>>
      %dma_start3A_299 = tpu.memref_squeeze %dma_start3A_298 : memref<1x1x64xf32, #tpu.memory_space<hbm>> -> memref<64xf32, #tpu.memory_space<hbm>>
      %dma_start3A_300 = arith.constant 0 : i32
      %dma_start3A_301 = tpu.memref_slice %arg8[%add3A_293, %dma_start3A_300] : memref<256x128xf32, #tpu.memory_space<vmem>> -> memref<1x64xf32, #tpu.memory_space<vmem>>
      %dma_start3A_302 = tpu.memref_squeeze %dma_start3A_301 : memref<1x64xf32, #tpu.memory_space<vmem>> -> memref<64xf32, #tpu.memory_space<vmem>>
      %dma_start3A_303 = arith.constant 0 : i32
      %dma_start3A_304 = tpu.memref_slice %arg2[%squeeze3A_287, %squeeze3A_289, %dma_start3A_303] : memref<125000x8x64xf32, #tpu.memory_space<hbm>> -> memref<1x1x64xf32, #tpu.memory_space<hbm>>
      %dma_start3A_305 = tpu.memref_squeeze %dma_start3A_304 : memref<1x1x64xf32, #tpu.memory_space<hbm>> -> memref<64xf32, #tpu.memory_space<hbm>>
      tpu.enqueue_dma source(%dma_start3A_305 : memref<64xf32, #tpu.memory_space<hbm>>) target(%dma_start3A_302 : memref<64xf32, #tpu.memory_space<vmem>>) target_semaphore(%arg10 : memref<!tpu.dma_semaphore, #tpu.memory_space<semaphore_mem>>)
      %dma_start3A_306 = arith.constant 0 : i32
      %dma_start3A_307 = tpu.memref_slice %arg9[%add3A_293, %dma_start3A_306] : memref<256x128xf32, #tpu.memory_space<vmem>> -> memref<1x64xf32, #tpu.memory_space<vmem>>
      %dma_start3A_308 = tpu.memref_squeeze %dma_start3A_307 : memref<1x64xf32, #tpu.memory_space<vmem>> -> memref<64xf32, #tpu.memory_space<vmem>>
      %dma_start3A_309 = arith.constant 0 : i32
      %dma_start3A_310 = tpu.memref_slice %arg3[%squeeze3A_287, %squeeze3A_289, %dma_start3A_309] : memref<125000x8x64xf32, #tpu.memory_space<hbm>> -> memref<1x1x64xf32, #tpu.memory_space<hbm>>
      %dma_start3A_311 = tpu.memref_squeeze %dma_start3A_310 : memref<1x1x64xf32, #tpu.memory_space<hbm>> -> memref<64xf32, #tpu.memory_space<hbm>>
      %dma_start3A_312 = arith.constant 0 : i32
      %dma_start3A_313 = tpu.memref_slice %arg9[%add3A_293, %dma_start3A_312] : memref<256x128xf32, #tpu.memory_space<vmem>> -> memref<1x64xf32, #tpu.memory_space<vmem>>
      %dma_start3A_314 = tpu.memref_squeeze %dma_start3A_313 : memref<1x64xf32, #tpu.memory_space<vmem>> -> memref<64xf32, #tpu.memory_space<vmem>>
      %dma_start3A_315 = arith.constant 0 : i32
      %dma_start3A_316 = tpu.memref_slice %arg3[%squeeze3A_287, %squeeze3A_289, %dma_start3A_315] : memref<125000x8x64xf32, #tpu.memory_space<hbm>> -> memref<1x1x64xf32, #tpu.memory_space<hbm>>
      %dma_start3A_317 = tpu.memref_squeeze %dma_start3A_316 : memref<1x1x64xf32, #tpu.memory_space<hbm>> -> memref<64xf32, #tpu.memory_space<hbm>>
      tpu.enqueue_dma source(%dma_start3A_317 : memref<64xf32, #tpu.memory_space<hbm>>) target(%dma_start3A_314 : memref<64xf32, #tpu.memory_space<vmem>>) target_semaphore(%arg11 : memref<!tpu.dma_semaphore, #tpu.memory_space<semaphore_mem>>)
      %slice3A_318 = vector.extract_strided_slice %shift_right_logical3A_30 {offsets = [9], sizes = [1], strides = [1]} : vector<16xi32> to vector<1xi32>
      %squeeze3A_319 = vector.extract %slice3A_318[0] : i32 from vector<1xi32>
      %slice3A_320 = vector.extract_strided_slice %and3A_32 {offsets = [9], sizes = [1], strides = [1]} : vector<16xi32> to vector<1xi32>
      %squeeze3A_321 = vector.extract %slice3A_320[0] : i32 from vector<1xi32>
      %mul3A_322 = arith.constant 16 : i32
      %mul3A_323 = arith.muli %scan3A_22, %mul3A_322 : i32
      %add3A_324 = arith.constant 9 : i32
      %add3A_325 = arith.addi %mul3A_323, %add3A_324 : i32
      %dma_start3A_326 = arith.constant 0 : i32
      %dma_start3A_327 = tpu.memref_slice %arg8[%add3A_325, %dma_start3A_326] : memref<256x128xf32, #tpu.memory_space<vmem>> -> memref<1x64xf32, #tpu.memory_space<vmem>>
      %dma_start3A_328 = tpu.memref_squeeze %dma_start3A_327 : memref<1x64xf32, #tpu.memory_space<vmem>> -> memref<64xf32, #tpu.memory_space<vmem>>
      %dma_start3A_329 = arith.constant 0 : i32
      %dma_start3A_330 = tpu.memref_slice %arg2[%squeeze3A_319, %squeeze3A_321, %dma_start3A_329] : memref<125000x8x64xf32, #tpu.memory_space<hbm>> -> memref<1x1x64xf32, #tpu.memory_space<hbm>>
      %dma_start3A_331 = tpu.memref_squeeze %dma_start3A_330 : memref<1x1x64xf32, #tpu.memory_space<hbm>> -> memref<64xf32, #tpu.memory_space<hbm>>
      %dma_start3A_332 = arith.constant 0 : i32
      %dma_start3A_333 = tpu.memref_slice %arg8[%add3A_325, %dma_start3A_332] : memref<256x128xf32, #tpu.memory_space<vmem>> -> memref<1x64xf32, #tpu.memory_space<vmem>>
      %dma_start3A_334 = tpu.memref_squeeze %dma_start3A_333 : memref<1x64xf32, #tpu.memory_space<vmem>> -> memref<64xf32, #tpu.memory_space<vmem>>
      %dma_start3A_335 = arith.constant 0 : i32
      %dma_start3A_336 = tpu.memref_slice %arg2[%squeeze3A_319, %squeeze3A_321, %dma_start3A_335] : memref<125000x8x64xf32, #tpu.memory_space<hbm>> -> memref<1x1x64xf32, #tpu.memory_space<hbm>>
      %dma_start3A_337 = tpu.memref_squeeze %dma_start3A_336 : memref<1x1x64xf32, #tpu.memory_space<hbm>> -> memref<64xf32, #tpu.memory_space<hbm>>
      tpu.enqueue_dma source(%dma_start3A_337 : memref<64xf32, #tpu.memory_space<hbm>>) target(%dma_start3A_334 : memref<64xf32, #tpu.memory_space<vmem>>) target_semaphore(%arg10 : memref<!tpu.dma_semaphore, #tpu.memory_space<semaphore_mem>>)
      %dma_start3A_338 = arith.constant 0 : i32
      %dma_start3A_339 = tpu.memref_slice %arg9[%add3A_325, %dma_start3A_338] : memref<256x128xf32, #tpu.memory_space<vmem>> -> memref<1x64xf32, #tpu.memory_space<vmem>>
      %dma_start3A_340 = tpu.memref_squeeze %dma_start3A_339 : memref<1x64xf32, #tpu.memory_space<vmem>> -> memref<64xf32, #tpu.memory_space<vmem>>
      %dma_start3A_341 = arith.constant 0 : i32
      %dma_start3A_342 = tpu.memref_slice %arg3[%squeeze3A_319, %squeeze3A_321, %dma_start3A_341] : memref<125000x8x64xf32, #tpu.memory_space<hbm>> -> memref<1x1x64xf32, #tpu.memory_space<hbm>>
      %dma_start3A_343 = tpu.memref_squeeze %dma_start3A_342 : memref<1x1x64xf32, #tpu.memory_space<hbm>> -> memref<64xf32, #tpu.memory_space<hbm>>
      %dma_start3A_344 = arith.constant 0 : i32
      %dma_start3A_345 = tpu.memref_slice %arg9[%add3A_325, %dma_start3A_344] : memref<256x128xf32, #tpu.memory_space<vmem>> -> memref<1x64xf32, #tpu.memory_space<vmem>>
      %dma_start3A_346 = tpu.memref_squeeze %dma_start3A_345 : memref<1x64xf32, #tpu.memory_space<vmem>> -> memref<64xf32, #tpu.memory_space<vmem>>
      %dma_start3A_347 = arith.constant 0 : i32
      %dma_start3A_348 = tpu.memref_slice %arg3[%squeeze3A_319, %squeeze3A_321, %dma_start3A_347] : memref<125000x8x64xf32, #tpu.memory_space<hbm>> -> memref<1x1x64xf32, #tpu.memory_space<hbm>>
      %dma_start3A_349 = tpu.memref_squeeze %dma_start3A_348 : memref<1x1x64xf32, #tpu.memory_space<hbm>> -> memref<64xf32, #tpu.memory_space<hbm>>
      tpu.enqueue_dma source(%dma_start3A_349 : memref<64xf32, #tpu.memory_space<hbm>>) target(%dma_start3A_346 : memref<64xf32, #tpu.memory_space<vmem>>) target_semaphore(%arg11 : memref<!tpu.dma_semaphore, #tpu.memory_space<semaphore_mem>>)
      %slice3A_350 = vector.extract_strided_slice %shift_right_logical3A_30 {offsets = [10], sizes = [1], strides = [1]} : vector<16xi32> to vector<1xi32>
      %squeeze3A_351 = vector.extract %slice3A_350[0] : i32 from vector<1xi32>
      %slice3A_352 = vector.extract_strided_slice %and3A_32 {offsets = [10], sizes = [1], strides = [1]} : vector<16xi32> to vector<1xi32>
      %squeeze3A_353 = vector.extract %slice3A_352[0] : i32 from vector<1xi32>
      %mul3A_354 = arith.constant 16 : i32
      %mul3A_355 = arith.muli %scan3A_22, %mul3A_354 : i32
      %add3A_356 = arith.constant 10 : i32
      %add3A_357 = arith.addi %mul3A_355, %add3A_356 : i32
      %dma_start3A_358 = arith.constant 0 : i32
      %dma_start3A_359 = tpu.memref_slice %arg8[%add3A_357, %dma_start3A_358] : memref<256x128xf32, #tpu.memory_space<vmem>> -> memref<1x64xf32, #tpu.memory_space<vmem>>
      %dma_start3A_360 = tpu.memref_squeeze %dma_start3A_359 : memref<1x64xf32, #tpu.memory_space<vmem>> -> memref<64xf32, #tpu.memory_space<vmem>>
      %dma_start3A_361 = arith.constant 0 : i32
      %dma_start3A_362 = tpu.memref_slice %arg2[%squeeze3A_351, %squeeze3A_353, %dma_start3A_361] : memref<125000x8x64xf32, #tpu.memory_space<hbm>> -> memref<1x1x64xf32, #tpu.memory_space<hbm>>
      %dma_start3A_363 = tpu.memref_squeeze %dma_start3A_362 : memref<1x1x64xf32, #tpu.memory_space<hbm>> -> memref<64xf32, #tpu.memory_space<hbm>>
      %dma_start3A_364 = arith.constant 0 : i32
      %dma_start3A_365 = tpu.memref_slice %arg8[%add3A_357, %dma_start3A_364] : memref<256x128xf32, #tpu.memory_space<vmem>> -> memref<1x64xf32, #tpu.memory_space<vmem>>
      %dma_start3A_366 = tpu.memref_squeeze %dma_start3A_365 : memref<1x64xf32, #tpu.memory_space<vmem>> -> memref<64xf32, #tpu.memory_space<vmem>>
      %dma_start3A_367 = arith.constant 0 : i32
      %dma_start3A_368 = tpu.memref_slice %arg2[%squeeze3A_351, %squeeze3A_353, %dma_start3A_367] : memref<125000x8x64xf32, #tpu.memory_space<hbm>> -> memref<1x1x64xf32, #tpu.memory_space<hbm>>
      %dma_start3A_369 = tpu.memref_squeeze %dma_start3A_368 : memref<1x1x64xf32, #tpu.memory_space<hbm>> -> memref<64xf32, #tpu.memory_space<hbm>>
      tpu.enqueue_dma source(%dma_start3A_369 : memref<64xf32, #tpu.memory_space<hbm>>) target(%dma_start3A_366 : memref<64xf32, #tpu.memory_space<vmem>>) target_semaphore(%arg10 : memref<!tpu.dma_semaphore, #tpu.memory_space<semaphore_mem>>)
      %dma_start3A_370 = arith.constant 0 : i32
      %dma_start3A_371 = tpu.memref_slice %arg9[%add3A_357, %dma_start3A_370] : memref<256x128xf32, #tpu.memory_space<vmem>> -> memref<1x64xf32, #tpu.memory_space<vmem>>
      %dma_start3A_372 = tpu.memref_squeeze %dma_start3A_371 : memref<1x64xf32, #tpu.memory_space<vmem>> -> memref<64xf32, #tpu.memory_space<vmem>>
      %dma_start3A_373 = arith.constant 0 : i32
      %dma_start3A_374 = tpu.memref_slice %arg3[%squeeze3A_351, %squeeze3A_353, %dma_start3A_373] : memref<125000x8x64xf32, #tpu.memory_space<hbm>> -> memref<1x1x64xf32, #tpu.memory_space<hbm>>
      %dma_start3A_375 = tpu.memref_squeeze %dma_start3A_374 : memref<1x1x64xf32, #tpu.memory_space<hbm>> -> memref<64xf32, #tpu.memory_space<hbm>>
      %dma_start3A_376 = arith.constant 0 : i32
      %dma_start3A_377 = tpu.memref_slice %arg9[%add3A_357, %dma_start3A_376] : memref<256x128xf32, #tpu.memory_space<vmem>> -> memref<1x64xf32, #tpu.memory_space<vmem>>
      %dma_start3A_378 = tpu.memref_squeeze %dma_start3A_377 : memref<1x64xf32, #tpu.memory_space<vmem>> -> memref<64xf32, #tpu.memory_space<vmem>>
      %dma_start3A_379 = arith.constant 0 : i32
      %dma_start3A_380 = tpu.memref_slice %arg3[%squeeze3A_351, %squeeze3A_353, %dma_start3A_379] : memref<125000x8x64xf32, #tpu.memory_space<hbm>> -> memref<1x1x64xf32, #tpu.memory_space<hbm>>
      %dma_start3A_381 = tpu.memref_squeeze %dma_start3A_380 : memref<1x1x64xf32, #tpu.memory_space<hbm>> -> memref<64xf32, #tpu.memory_space<hbm>>
      tpu.enqueue_dma source(%dma_start3A_381 : memref<64xf32, #tpu.memory_space<hbm>>) target(%dma_start3A_378 : memref<64xf32, #tpu.memory_space<vmem>>) target_semaphore(%arg11 : memref<!tpu.dma_semaphore, #tpu.memory_space<semaphore_mem>>)
      %slice3A_382 = vector.extract_strided_slice %shift_right_logical3A_30 {offsets = [11], sizes = [1], strides = [1]} : vector<16xi32> to vector<1xi32>
      %squeeze3A_383 = vector.extract %slice3A_382[0] : i32 from vector<1xi32>
      %slice3A_384 = vector.extract_strided_slice %and3A_32 {offsets = [11], sizes = [1], strides = [1]} : vector<16xi32> to vector<1xi32>
      %squeeze3A_385 = vector.extract %slice3A_384[0] : i32 from vector<1xi32>
      %mul3A_386 = arith.constant 16 : i32
      %mul3A_387 = arith.muli %scan3A_22, %mul3A_386 : i32
      %add3A_388 = arith.constant 11 : i32
      %add3A_389 = arith.addi %mul3A_387, %add3A_388 : i32
      %dma_start3A_390 = arith.constant 0 : i32
      %dma_start3A_391 = tpu.memref_slice %arg8[%add3A_389, %dma_start3A_390] : memref<256x128xf32, #tpu.memory_space<vmem>> -> memref<1x64xf32, #tpu.memory_space<vmem>>
      %dma_start3A_392 = tpu.memref_squeeze %dma_start3A_391 : memref<1x64xf32, #tpu.memory_space<vmem>> -> memref<64xf32, #tpu.memory_space<vmem>>
      %dma_start3A_393 = arith.constant 0 : i32
      %dma_start3A_394 = tpu.memref_slice %arg2[%squeeze3A_383, %squeeze3A_385, %dma_start3A_393] : memref<125000x8x64xf32, #tpu.memory_space<hbm>> -> memref<1x1x64xf32, #tpu.memory_space<hbm>>
      %dma_start3A_395 = tpu.memref_squeeze %dma_start3A_394 : memref<1x1x64xf32, #tpu.memory_space<hbm>> -> memref<64xf32, #tpu.memory_space<hbm>>
      %dma_start3A_396 = arith.constant 0 : i32
      %dma_start3A_397 = tpu.memref_slice %arg8[%add3A_389, %dma_start3A_396] : memref<256x128xf32, #tpu.memory_space<vmem>> -> memref<1x64xf32, #tpu.memory_space<vmem>>
      %dma_start3A_398 = tpu.memref_squeeze %dma_start3A_397 : memref<1x64xf32, #tpu.memory_space<vmem>> -> memref<64xf32, #tpu.memory_space<vmem>>
      %dma_start3A_399 = arith.constant 0 : i32
      %dma_start3A_400 = tpu.memref_slice %arg2[%squeeze3A_383, %squeeze3A_385, %dma_start3A_399] : memref<125000x8x64xf32, #tpu.memory_space<hbm>> -> memref<1x1x64xf32, #tpu.memory_space<hbm>>
      %dma_start3A_401 = tpu.memref_squeeze %dma_start3A_400 : memref<1x1x64xf32, #tpu.memory_space<hbm>> -> memref<64xf32, #tpu.memory_space<hbm>>
      tpu.enqueue_dma source(%dma_start3A_401 : memref<64xf32, #tpu.memory_space<hbm>>) target(%dma_start3A_398 : memref<64xf32, #tpu.memory_space<vmem>>) target_semaphore(%arg10 : memref<!tpu.dma_semaphore, #tpu.memory_space<semaphore_mem>>)
      %dma_start3A_402 = arith.constant 0 : i32
      %dma_start3A_403 = tpu.memref_slice %arg9[%add3A_389, %dma_start3A_402] : memref<256x128xf32, #tpu.memory_space<vmem>> -> memref<1x64xf32, #tpu.memory_space<vmem>>
      %dma_start3A_404 = tpu.memref_squeeze %dma_start3A_403 : memref<1x64xf32, #tpu.memory_space<vmem>> -> memref<64xf32, #tpu.memory_space<vmem>>
      %dma_start3A_405 = arith.constant 0 : i32
      %dma_start3A_406 = tpu.memref_slice %arg3[%squeeze3A_383, %squeeze3A_385, %dma_start3A_405] : memref<125000x8x64xf32, #tpu.memory_space<hbm>> -> memref<1x1x64xf32, #tpu.memory_space<hbm>>
      %dma_start3A_407 = tpu.memref_squeeze %dma_start3A_406 : memref<1x1x64xf32, #tpu.memory_space<hbm>> -> memref<64xf32, #tpu.memory_space<hbm>>
      %dma_start3A_408 = arith.constant 0 : i32
      %dma_start3A_409 = tpu.memref_slice %arg9[%add3A_389, %dma_start3A_408] : memref<256x128xf32, #tpu.memory_space<vmem>> -> memref<1x64xf32, #tpu.memory_space<vmem>>
      %dma_start3A_410 = tpu.memref_squeeze %dma_start3A_409 : memref<1x64xf32, #tpu.memory_space<vmem>> -> memref<64xf32, #tpu.memory_space<vmem>>
      %dma_start3A_411 = arith.constant 0 : i32
      %dma_start3A_412 = tpu.memref_slice %arg3[%squeeze3A_383, %squeeze3A_385, %dma_start3A_411] : memref<125000x8x64xf32, #tpu.memory_space<hbm>> -> memref<1x1x64xf32, #tpu.memory_space<hbm>>
      %dma_start3A_413 = tpu.memref_squeeze %dma_start3A_412 : memref<1x1x64xf32, #tpu.memory_space<hbm>> -> memref<64xf32, #tpu.memory_space<hbm>>
      tpu.enqueue_dma source(%dma_start3A_413 : memref<64xf32, #tpu.memory_space<hbm>>) target(%dma_start3A_410 : memref<64xf32, #tpu.memory_space<vmem>>) target_semaphore(%arg11 : memref<!tpu.dma_semaphore, #tpu.memory_space<semaphore_mem>>)
      %slice3A_414 = vector.extract_strided_slice %shift_right_logical3A_30 {offsets = [12], sizes = [1], strides = [1]} : vector<16xi32> to vector<1xi32>
      %squeeze3A_415 = vector.extract %slice3A_414[0] : i32 from vector<1xi32>
      %slice3A_416 = vector.extract_strided_slice %and3A_32 {offsets = [12], sizes = [1], strides = [1]} : vector<16xi32> to vector<1xi32>
      %squeeze3A_417 = vector.extract %slice3A_416[0] : i32 from vector<1xi32>
      %mul3A_418 = arith.constant 16 : i32
      %mul3A_419 = arith.muli %scan3A_22, %mul3A_418 : i32
      %add3A_420 = arith.constant 12 : i32
      %add3A_421 = arith.addi %mul3A_419, %add3A_420 : i32
      %dma_start3A_422 = arith.constant 0 : i32
      %dma_start3A_423 = tpu.memref_slice %arg8[%add3A_421, %dma_start3A_422] : memref<256x128xf32, #tpu.memory_space<vmem>> -> memref<1x64xf32, #tpu.memory_space<vmem>>
      %dma_start3A_424 = tpu.memref_squeeze %dma_start3A_423 : memref<1x64xf32, #tpu.memory_space<vmem>> -> memref<64xf32, #tpu.memory_space<vmem>>
      %dma_start3A_425 = arith.constant 0 : i32
      %dma_start3A_426 = tpu.memref_slice %arg2[%squeeze3A_415, %squeeze3A_417, %dma_start3A_425] : memref<125000x8x64xf32, #tpu.memory_space<hbm>> -> memref<1x1x64xf32, #tpu.memory_space<hbm>>
      %dma_start3A_427 = tpu.memref_squeeze %dma_start3A_426 : memref<1x1x64xf32, #tpu.memory_space<hbm>> -> memref<64xf32, #tpu.memory_space<hbm>>
      %dma_start3A_428 = arith.constant 0 : i32
      %dma_start3A_429 = tpu.memref_slice %arg8[%add3A_421, %dma_start3A_428] : memref<256x128xf32, #tpu.memory_space<vmem>> -> memref<1x64xf32, #tpu.memory_space<vmem>>
      %dma_start3A_430 = tpu.memref_squeeze %dma_start3A_429 : memref<1x64xf32, #tpu.memory_space<vmem>> -> memref<64xf32, #tpu.memory_space<vmem>>
      %dma_start3A_431 = arith.constant 0 : i32
      %dma_start3A_432 = tpu.memref_slice %arg2[%squeeze3A_415, %squeeze3A_417, %dma_start3A_431] : memref<125000x8x64xf32, #tpu.memory_space<hbm>> -> memref<1x1x64xf32, #tpu.memory_space<hbm>>
      %dma_start3A_433 = tpu.memref_squeeze %dma_start3A_432 : memref<1x1x64xf32, #tpu.memory_space<hbm>> -> memref<64xf32, #tpu.memory_space<hbm>>
      tpu.enqueue_dma source(%dma_start3A_433 : memref<64xf32, #tpu.memory_space<hbm>>) target(%dma_start3A_430 : memref<64xf32, #tpu.memory_space<vmem>>) target_semaphore(%arg10 : memref<!tpu.dma_semaphore, #tpu.memory_space<semaphore_mem>>)
      %dma_start3A_434 = arith.constant 0 : i32
      %dma_start3A_435 = tpu.memref_slice %arg9[%add3A_421, %dma_start3A_434] : memref<256x128xf32, #tpu.memory_space<vmem>> -> memref<1x64xf32, #tpu.memory_space<vmem>>
      %dma_start3A_436 = tpu.memref_squeeze %dma_start3A_435 : memref<1x64xf32, #tpu.memory_space<vmem>> -> memref<64xf32, #tpu.memory_space<vmem>>
      %dma_start3A_437 = arith.constant 0 : i32
      %dma_start3A_438 = tpu.memref_slice %arg3[%squeeze3A_415, %squeeze3A_417, %dma_start3A_437] : memref<125000x8x64xf32, #tpu.memory_space<hbm>> -> memref<1x1x64xf32, #tpu.memory_space<hbm>>
      %dma_start3A_439 = tpu.memref_squeeze %dma_start3A_438 : memref<1x1x64xf32, #tpu.memory_space<hbm>> -> memref<64xf32, #tpu.memory_space<hbm>>
      %dma_start3A_440 = arith.constant 0 : i32
      %dma_start3A_441 = tpu.memref_slice %arg9[%add3A_421, %dma_start3A_440] : memref<256x128xf32, #tpu.memory_space<vmem>> -> memref<1x64xf32, #tpu.memory_space<vmem>>
      %dma_start3A_442 = tpu.memref_squeeze %dma_start3A_441 : memref<1x64xf32, #tpu.memory_space<vmem>> -> memref<64xf32, #tpu.memory_space<vmem>>
      %dma_start3A_443 = arith.constant 0 : i32
      %dma_start3A_444 = tpu.memref_slice %arg3[%squeeze3A_415, %squeeze3A_417, %dma_start3A_443] : memref<125000x8x64xf32, #tpu.memory_space<hbm>> -> memref<1x1x64xf32, #tpu.memory_space<hbm>>
      %dma_start3A_445 = tpu.memref_squeeze %dma_start3A_444 : memref<1x1x64xf32, #tpu.memory_space<hbm>> -> memref<64xf32, #tpu.memory_space<hbm>>
      tpu.enqueue_dma source(%dma_start3A_445 : memref<64xf32, #tpu.memory_space<hbm>>) target(%dma_start3A_442 : memref<64xf32, #tpu.memory_space<vmem>>) target_semaphore(%arg11 : memref<!tpu.dma_semaphore, #tpu.memory_space<semaphore_mem>>)
      %slice3A_446 = vector.extract_strided_slice %shift_right_logical3A_30 {offsets = [13], sizes = [1], strides = [1]} : vector<16xi32> to vector<1xi32>
      %squeeze3A_447 = vector.extract %slice3A_446[0] : i32 from vector<1xi32>
      %slice3A_448 = vector.extract_strided_slice %and3A_32 {offsets = [13], sizes = [1], strides = [1]} : vector<16xi32> to vector<1xi32>
      %squeeze3A_449 = vector.extract %slice3A_448[0] : i32 from vector<1xi32>
      %mul3A_450 = arith.constant 16 : i32
      %mul3A_451 = arith.muli %scan3A_22, %mul3A_450 : i32
      %add3A_452 = arith.constant 13 : i32
      %add3A_453 = arith.addi %mul3A_451, %add3A_452 : i32
      %dma_start3A_454 = arith.constant 0 : i32
      %dma_start3A_455 = tpu.memref_slice %arg8[%add3A_453, %dma_start3A_454] : memref<256x128xf32, #tpu.memory_space<vmem>> -> memref<1x64xf32, #tpu.memory_space<vmem>>
      %dma_start3A_456 = tpu.memref_squeeze %dma_start3A_455 : memref<1x64xf32, #tpu.memory_space<vmem>> -> memref<64xf32, #tpu.memory_space<vmem>>
      %dma_start3A_457 = arith.constant 0 : i32
      %dma_start3A_458 = tpu.memref_slice %arg2[%squeeze3A_447, %squeeze3A_449, %dma_start3A_457] : memref<125000x8x64xf32, #tpu.memory_space<hbm>> -> memref<1x1x64xf32, #tpu.memory_space<hbm>>
      %dma_start3A_459 = tpu.memref_squeeze %dma_start3A_458 : memref<1x1x64xf32, #tpu.memory_space<hbm>> -> memref<64xf32, #tpu.memory_space<hbm>>
      %dma_start3A_460 = arith.constant 0 : i32
      %dma_start3A_461 = tpu.memref_slice %arg8[%add3A_453, %dma_start3A_460] : memref<256x128xf32, #tpu.memory_space<vmem>> -> memref<1x64xf32, #tpu.memory_space<vmem>>
      %dma_start3A_462 = tpu.memref_squeeze %dma_start3A_461 : memref<1x64xf32, #tpu.memory_space<vmem>> -> memref<64xf32, #tpu.memory_space<vmem>>
      %dma_start3A_463 = arith.constant 0 : i32
      %dma_start3A_464 = tpu.memref_slice %arg2[%squeeze3A_447, %squeeze3A_449, %dma_start3A_463] : memref<125000x8x64xf32, #tpu.memory_space<hbm>> -> memref<1x1x64xf32, #tpu.memory_space<hbm>>
      %dma_start3A_465 = tpu.memref_squeeze %dma_start3A_464 : memref<1x1x64xf32, #tpu.memory_space<hbm>> -> memref<64xf32, #tpu.memory_space<hbm>>
      tpu.enqueue_dma source(%dma_start3A_465 : memref<64xf32, #tpu.memory_space<hbm>>) target(%dma_start3A_462 : memref<64xf32, #tpu.memory_space<vmem>>) target_semaphore(%arg10 : memref<!tpu.dma_semaphore, #tpu.memory_space<semaphore_mem>>)
      %dma_start3A_466 = arith.constant 0 : i32
      %dma_start3A_467 = tpu.memref_slice %arg9[%add3A_453, %dma_start3A_466] : memref<256x128xf32, #tpu.memory_space<vmem>> -> memref<1x64xf32, #tpu.memory_space<vmem>>
      %dma_start3A_468 = tpu.memref_squeeze %dma_start3A_467 : memref<1x64xf32, #tpu.memory_space<vmem>> -> memref<64xf32, #tpu.memory_space<vmem>>
      %dma_start3A_469 = arith.constant 0 : i32
      %dma_start3A_470 = tpu.memref_slice %arg3[%squeeze3A_447, %squeeze3A_449, %dma_start3A_469] : memref<125000x8x64xf32, #tpu.memory_space<hbm>> -> memref<1x1x64xf32, #tpu.memory_space<hbm>>
      %dma_start3A_471 = tpu.memref_squeeze %dma_start3A_470 : memref<1x1x64xf32, #tpu.memory_space<hbm>> -> memref<64xf32, #tpu.memory_space<hbm>>
      %dma_start3A_472 = arith.constant 0 : i32
      %dma_start3A_473 = tpu.memref_slice %arg9[%add3A_453, %dma_start3A_472] : memref<256x128xf32, #tpu.memory_space<vmem>> -> memref<1x64xf32, #tpu.memory_space<vmem>>
      %dma_start3A_474 = tpu.memref_squeeze %dma_start3A_473 : memref<1x64xf32, #tpu.memory_space<vmem>> -> memref<64xf32, #tpu.memory_space<vmem>>
      %dma_start3A_475 = arith.constant 0 : i32
      %dma_start3A_476 = tpu.memref_slice %arg3[%squeeze3A_447, %squeeze3A_449, %dma_start3A_475] : memref<125000x8x64xf32, #tpu.memory_space<hbm>> -> memref<1x1x64xf32, #tpu.memory_space<hbm>>
      %dma_start3A_477 = tpu.memref_squeeze %dma_start3A_476 : memref<1x1x64xf32, #tpu.memory_space<hbm>> -> memref<64xf32, #tpu.memory_space<hbm>>
      tpu.enqueue_dma source(%dma_start3A_477 : memref<64xf32, #tpu.memory_space<hbm>>) target(%dma_start3A_474 : memref<64xf32, #tpu.memory_space<vmem>>) target_semaphore(%arg11 : memref<!tpu.dma_semaphore, #tpu.memory_space<semaphore_mem>>)
      %slice3A_478 = vector.extract_strided_slice %shift_right_logical3A_30 {offsets = [14], sizes = [1], strides = [1]} : vector<16xi32> to vector<1xi32>
      %squeeze3A_479 = vector.extract %slice3A_478[0] : i32 from vector<1xi32>
      %slice3A_480 = vector.extract_strided_slice %and3A_32 {offsets = [14], sizes = [1], strides = [1]} : vector<16xi32> to vector<1xi32>
      %squeeze3A_481 = vector.extract %slice3A_480[0] : i32 from vector<1xi32>
      %mul3A_482 = arith.constant 16 : i32
      %mul3A_483 = arith.muli %scan3A_22, %mul3A_482 : i32
      %add3A_484 = arith.constant 14 : i32
      %add3A_485 = arith.addi %mul3A_483, %add3A_484 : i32
      %dma_start3A_486 = arith.constant 0 : i32
      %dma_start3A_487 = tpu.memref_slice %arg8[%add3A_485, %dma_start3A_486] : memref<256x128xf32, #tpu.memory_space<vmem>> -> memref<1x64xf32, #tpu.memory_space<vmem>>
      %dma_start3A_488 = tpu.memref_squeeze %dma_start3A_487 : memref<1x64xf32, #tpu.memory_space<vmem>> -> memref<64xf32, #tpu.memory_space<vmem>>
      %dma_start3A_489 = arith.constant 0 : i32
      %dma_start3A_490 = tpu.memref_slice %arg2[%squeeze3A_479, %squeeze3A_481, %dma_start3A_489] : memref<125000x8x64xf32, #tpu.memory_space<hbm>> -> memref<1x1x64xf32, #tpu.memory_space<hbm>>
      %dma_start3A_491 = tpu.memref_squeeze %dma_start3A_490 : memref<1x1x64xf32, #tpu.memory_space<hbm>> -> memref<64xf32, #tpu.memory_space<hbm>>
      %dma_start3A_492 = arith.constant 0 : i32
      %dma_start3A_493 = tpu.memref_slice %arg8[%add3A_485, %dma_start3A_492] : memref<256x128xf32, #tpu.memory_space<vmem>> -> memref<1x64xf32, #tpu.memory_space<vmem>>
      %dma_start3A_494 = tpu.memref_squeeze %dma_start3A_493 : memref<1x64xf32, #tpu.memory_space<vmem>> -> memref<64xf32, #tpu.memory_space<vmem>>
      %dma_start3A_495 = arith.constant 0 : i32
      %dma_start3A_496 = tpu.memref_slice %arg2[%squeeze3A_479, %squeeze3A_481, %dma_start3A_495] : memref<125000x8x64xf32, #tpu.memory_space<hbm>> -> memref<1x1x64xf32, #tpu.memory_space<hbm>>
      %dma_start3A_497 = tpu.memref_squeeze %dma_start3A_496 : memref<1x1x64xf32, #tpu.memory_space<hbm>> -> memref<64xf32, #tpu.memory_space<hbm>>
      tpu.enqueue_dma source(%dma_start3A_497 : memref<64xf32, #tpu.memory_space<hbm>>) target(%dma_start3A_494 : memref<64xf32, #tpu.memory_space<vmem>>) target_semaphore(%arg10 : memref<!tpu.dma_semaphore, #tpu.memory_space<semaphore_mem>>)
      %dma_start3A_498 = arith.constant 0 : i32
      %dma_start3A_499 = tpu.memref_slice %arg9[%add3A_485, %dma_start3A_498] : memref<256x128xf32, #tpu.memory_space<vmem>> -> memref<1x64xf32, #tpu.memory_space<vmem>>
      %dma_start3A_500 = tpu.memref_squeeze %dma_start3A_499 : memref<1x64xf32, #tpu.memory_space<vmem>> -> memref<64xf32, #tpu.memory_space<vmem>>
      %dma_start3A_501 = arith.constant 0 : i32
      %dma_start3A_502 = tpu.memref_slice %arg3[%squeeze3A_479, %squeeze3A_481, %dma_start3A_501] : memref<125000x8x64xf32, #tpu.memory_space<hbm>> -> memref<1x1x64xf32, #tpu.memory_space<hbm>>
      %dma_start3A_503 = tpu.memref_squeeze %dma_start3A_502 : memref<1x1x64xf32, #tpu.memory_space<hbm>> -> memref<64xf32, #tpu.memory_space<hbm>>
      %dma_start3A_504 = arith.constant 0 : i32
      %dma_start3A_505 = tpu.memref_slice %arg9[%add3A_485, %dma_start3A_504] : memref<256x128xf32, #tpu.memory_space<vmem>> -> memref<1x64xf32, #tpu.memory_space<vmem>>
      %dma_start3A_506 = tpu.memref_squeeze %dma_start3A_505 : memref<1x64xf32, #tpu.memory_space<vmem>> -> memref<64xf32, #tpu.memory_space<vmem>>
      %dma_start3A_507 = arith.constant 0 : i32
      %dma_start3A_508 = tpu.memref_slice %arg3[%squeeze3A_479, %squeeze3A_481, %dma_start3A_507] : memref<125000x8x64xf32, #tpu.memory_space<hbm>> -> memref<1x1x64xf32, #tpu.memory_space<hbm>>
      %dma_start3A_509 = tpu.memref_squeeze %dma_start3A_508 : memref<1x1x64xf32, #tpu.memory_space<hbm>> -> memref<64xf32, #tpu.memory_space<hbm>>
      tpu.enqueue_dma source(%dma_start3A_509 : memref<64xf32, #tpu.memory_space<hbm>>) target(%dma_start3A_506 : memref<64xf32, #tpu.memory_space<vmem>>) target_semaphore(%arg11 : memref<!tpu.dma_semaphore, #tpu.memory_space<semaphore_mem>>)
      %slice3A_510 = vector.extract_strided_slice %shift_right_logical3A_30 {offsets = [15], sizes = [1], strides = [1]} : vector<16xi32> to vector<1xi32>
      %squeeze3A_511 = vector.extract %slice3A_510[0] : i32 from vector<1xi32>
      %slice3A_512 = vector.extract_strided_slice %and3A_32 {offsets = [15], sizes = [1], strides = [1]} : vector<16xi32> to vector<1xi32>
      %squeeze3A_513 = vector.extract %slice3A_512[0] : i32 from vector<1xi32>
      %mul3A_514 = arith.constant 16 : i32
      %mul3A_515 = arith.muli %scan3A_22, %mul3A_514 : i32
      %add3A_516 = arith.constant 15 : i32
      %add3A_517 = arith.addi %mul3A_515, %add3A_516 : i32
      %dma_start3A_518 = arith.constant 0 : i32
      %dma_start3A_519 = tpu.memref_slice %arg8[%add3A_517, %dma_start3A_518] : memref<256x128xf32, #tpu.memory_space<vmem>> -> memref<1x64xf32, #tpu.memory_space<vmem>>
      %dma_start3A_520 = tpu.memref_squeeze %dma_start3A_519 : memref<1x64xf32, #tpu.memory_space<vmem>> -> memref<64xf32, #tpu.memory_space<vmem>>
      %dma_start3A_521 = arith.constant 0 : i32
      %dma_start3A_522 = tpu.memref_slice %arg2[%squeeze3A_511, %squeeze3A_513, %dma_start3A_521] : memref<125000x8x64xf32, #tpu.memory_space<hbm>> -> memref<1x1x64xf32, #tpu.memory_space<hbm>>
      %dma_start3A_523 = tpu.memref_squeeze %dma_start3A_522 : memref<1x1x64xf32, #tpu.memory_space<hbm>> -> memref<64xf32, #tpu.memory_space<hbm>>
      %dma_start3A_524 = arith.constant 0 : i32
      %dma_start3A_525 = tpu.memref_slice %arg8[%add3A_517, %dma_start3A_524] : memref<256x128xf32, #tpu.memory_space<vmem>> -> memref<1x64xf32, #tpu.memory_space<vmem>>
      %dma_start3A_526 = tpu.memref_squeeze %dma_start3A_525 : memref<1x64xf32, #tpu.memory_space<vmem>> -> memref<64xf32, #tpu.memory_space<vmem>>
      %dma_start3A_527 = arith.constant 0 : i32
      %dma_start3A_528 = tpu.memref_slice %arg2[%squeeze3A_511, %squeeze3A_513, %dma_start3A_527] : memref<125000x8x64xf32, #tpu.memory_space<hbm>> -> memref<1x1x64xf32, #tpu.memory_space<hbm>>
      %dma_start3A_529 = tpu.memref_squeeze %dma_start3A_528 : memref<1x1x64xf32, #tpu.memory_space<hbm>> -> memref<64xf32, #tpu.memory_space<hbm>>
      tpu.enqueue_dma source(%dma_start3A_529 : memref<64xf32, #tpu.memory_space<hbm>>) target(%dma_start3A_526 : memref<64xf32, #tpu.memory_space<vmem>>) target_semaphore(%arg10 : memref<!tpu.dma_semaphore, #tpu.memory_space<semaphore_mem>>)
      %dma_start3A_530 = arith.constant 0 : i32
      %dma_start3A_531 = tpu.memref_slice %arg9[%add3A_517, %dma_start3A_530] : memref<256x128xf32, #tpu.memory_space<vmem>> -> memref<1x64xf32, #tpu.memory_space<vmem>>
      %dma_start3A_532 = tpu.memref_squeeze %dma_start3A_531 : memref<1x64xf32, #tpu.memory_space<vmem>> -> memref<64xf32, #tpu.memory_space<vmem>>
      %dma_start3A_533 = arith.constant 0 : i32
      %dma_start3A_534 = tpu.memref_slice %arg3[%squeeze3A_511, %squeeze3A_513, %dma_start3A_533] : memref<125000x8x64xf32, #tpu.memory_space<hbm>> -> memref<1x1x64xf32, #tpu.memory_space<hbm>>
      %dma_start3A_535 = tpu.memref_squeeze %dma_start3A_534 : memref<1x1x64xf32, #tpu.memory_space<hbm>> -> memref<64xf32, #tpu.memory_space<hbm>>
      %dma_start3A_536 = arith.constant 0 : i32
      %dma_start3A_537 = tpu.memref_slice %arg9[%add3A_517, %dma_start3A_536] : memref<256x128xf32, #tpu.memory_space<vmem>> -> memref<1x64xf32, #tpu.memory_space<vmem>>
      %dma_start3A_538 = tpu.memref_squeeze %dma_start3A_537 : memref<1x64xf32, #tpu.memory_space<vmem>> -> memref<64xf32, #tpu.memory_space<vmem>>
      %dma_start3A_539 = arith.constant 0 : i32
      %dma_start3A_540 = tpu.memref_slice %arg3[%squeeze3A_511, %squeeze3A_513, %dma_start3A_539] : memref<125000x8x64xf32, #tpu.memory_space<hbm>> -> memref<1x1x64xf32, #tpu.memory_space<hbm>>
      %dma_start3A_541 = tpu.memref_squeeze %dma_start3A_540 : memref<1x1x64xf32, #tpu.memory_space<hbm>> -> memref<64xf32, #tpu.memory_space<hbm>>
      tpu.enqueue_dma source(%dma_start3A_541 : memref<64xf32, #tpu.memory_space<hbm>>) target(%dma_start3A_538 : memref<64xf32, #tpu.memory_space<vmem>>) target_semaphore(%arg11 : memref<!tpu.dma_semaphore, #tpu.memory_space<semaphore_mem>>)
      %dma_wait3A = arith.constant 0 : i32
      %dma_wait3A_542 = tpu.memref_slice %arg8[%add3A_38, %dma_wait3A] : memref<256x128xf32, #tpu.memory_space<vmem>> -> memref<1x64xf32, #tpu.memory_space<vmem>>
      %dma_wait3A_543 = tpu.memref_squeeze %dma_wait3A_542 : memref<1x64xf32, #tpu.memory_space<vmem>> -> memref<64xf32, #tpu.memory_space<vmem>>
      %dma_wait3A_544 = arith.constant 0 : i32
      %dma_wait3A_545 = tpu.memref_slice %arg2[%squeeze3A, %squeeze3A_34, %dma_wait3A_544] : memref<125000x8x64xf32, #tpu.memory_space<hbm>> -> memref<1x1x64xf32, #tpu.memory_space<hbm>>
      %dma_wait3A_546 = tpu.memref_squeeze %dma_wait3A_545 : memref<1x1x64xf32, #tpu.memory_space<hbm>> -> memref<64xf32, #tpu.memory_space<hbm>>
      %dma_wait3A_547 = arith.constant 0 : i32
      %dma_wait3A_548 = tpu.memref_slice %arg8[%add3A_38, %dma_wait3A_547] : memref<256x128xf32, #tpu.memory_space<vmem>> -> memref<1x64xf32, #tpu.memory_space<vmem>>
      %dma_wait3A_549 = tpu.memref_squeeze %dma_wait3A_548 : memref<1x64xf32, #tpu.memory_space<vmem>> -> memref<64xf32, #tpu.memory_space<vmem>>
      %dma_wait3A_550 = arith.constant 0 : i32
      %dma_wait3A_551 = tpu.memref_slice %arg2[%squeeze3A, %squeeze3A_34, %dma_wait3A_550] : memref<125000x8x64xf32, #tpu.memory_space<hbm>> -> memref<1x1x64xf32, #tpu.memory_space<hbm>>
      %dma_wait3A_552 = tpu.memref_squeeze %dma_wait3A_551 : memref<1x1x64xf32, #tpu.memory_space<hbm>> -> memref<64xf32, #tpu.memory_space<hbm>>
      tpu.wait_dma2 semaphore(%arg10 : memref<!tpu.dma_semaphore, #tpu.memory_space<semaphore_mem>>) src(%dma_wait3A_552 : memref<64xf32, #tpu.memory_space<hbm>>) dst(%dma_wait3A_549 : memref<64xf32, #tpu.memory_space<vmem>>)
      %dma_wait3A_553 = arith.constant 0 : i32
      %dma_wait3A_554 = tpu.memref_slice %arg9[%add3A_38, %dma_wait3A_553] : memref<256x128xf32, #tpu.memory_space<vmem>> -> memref<1x64xf32, #tpu.memory_space<vmem>>
      %dma_wait3A_555 = tpu.memref_squeeze %dma_wait3A_554 : memref<1x64xf32, #tpu.memory_space<vmem>> -> memref<64xf32, #tpu.memory_space<vmem>>
      %dma_wait3A_556 = arith.constant 0 : i32
      %dma_wait3A_557 = tpu.memref_slice %arg3[%squeeze3A, %squeeze3A_34, %dma_wait3A_556] : memref<125000x8x64xf32, #tpu.memory_space<hbm>> -> memref<1x1x64xf32, #tpu.memory_space<hbm>>
      %dma_wait3A_558 = tpu.memref_squeeze %dma_wait3A_557 : memref<1x1x64xf32, #tpu.memory_space<hbm>> -> memref<64xf32, #tpu.memory_space<hbm>>
      %dma_wait3A_559 = arith.constant 0 : i32
      %dma_wait3A_560 = tpu.memref_slice %arg9[%add3A_38, %dma_wait3A_559] : memref<256x128xf32, #tpu.memory_space<vmem>> -> memref<1x64xf32, #tpu.memory_space<vmem>>
      %dma_wait3A_561 = tpu.memref_squeeze %dma_wait3A_560 : memref<1x64xf32, #tpu.memory_space<vmem>> -> memref<64xf32, #tpu.memory_space<vmem>>
      %dma_wait3A_562 = arith.constant 0 : i32
      %dma_wait3A_563 = tpu.memref_slice %arg3[%squeeze3A, %squeeze3A_34, %dma_wait3A_562] : memref<125000x8x64xf32, #tpu.memory_space<hbm>> -> memref<1x1x64xf32, #tpu.memory_space<hbm>>
      %dma_wait3A_564 = tpu.memref_squeeze %dma_wait3A_563 : memref<1x1x64xf32, #tpu.memory_space<hbm>> -> memref<64xf32, #tpu.memory_space<hbm>>
      tpu.wait_dma2 semaphore(%arg11 : memref<!tpu.dma_semaphore, #tpu.memory_space<semaphore_mem>>) src(%dma_wait3A_564 : memref<64xf32, #tpu.memory_space<hbm>>) dst(%dma_wait3A_561 : memref<64xf32, #tpu.memory_space<vmem>>)
      %dma_wait3A_565 = arith.constant 0 : i32
      %dma_wait3A_566 = tpu.memref_slice %arg8[%add3A_69, %dma_wait3A_565] : memref<256x128xf32, #tpu.memory_space<vmem>> -> memref<1x64xf32, #tpu.memory_space<vmem>>
      %dma_wait3A_567 = tpu.memref_squeeze %dma_wait3A_566 : memref<1x64xf32, #tpu.memory_space<vmem>> -> memref<64xf32, #tpu.memory_space<vmem>>
      %dma_wait3A_568 = arith.constant 0 : i32
      %dma_wait3A_569 = tpu.memref_slice %arg2[%squeeze3A_63, %squeeze3A_65, %dma_wait3A_568] : memref<125000x8x64xf32, #tpu.memory_space<hbm>> -> memref<1x1x64xf32, #tpu.memory_space<hbm>>
      %dma_wait3A_570 = tpu.memref_squeeze %dma_wait3A_569 : memref<1x1x64xf32, #tpu.memory_space<hbm>> -> memref<64xf32, #tpu.memory_space<hbm>>
      %dma_wait3A_571 = arith.constant 0 : i32
      %dma_wait3A_572 = tpu.memref_slice %arg8[%add3A_69, %dma_wait3A_571] : memref<256x128xf32, #tpu.memory_space<vmem>> -> memref<1x64xf32, #tpu.memory_space<vmem>>
      %dma_wait3A_573 = tpu.memref_squeeze %dma_wait3A_572 : memref<1x64xf32, #tpu.memory_space<vmem>> -> memref<64xf32, #tpu.memory_space<vmem>>
      %dma_wait3A_574 = arith.constant 0 : i32
      %dma_wait3A_575 = tpu.memref_slice %arg2[%squeeze3A_63, %squeeze3A_65, %dma_wait3A_574] : memref<125000x8x64xf32, #tpu.memory_space<hbm>> -> memref<1x1x64xf32, #tpu.memory_space<hbm>>
      %dma_wait3A_576 = tpu.memref_squeeze %dma_wait3A_575 : memref<1x1x64xf32, #tpu.memory_space<hbm>> -> memref<64xf32, #tpu.memory_space<hbm>>
      tpu.wait_dma2 semaphore(%arg10 : memref<!tpu.dma_semaphore, #tpu.memory_space<semaphore_mem>>) src(%dma_wait3A_576 : memref<64xf32, #tpu.memory_space<hbm>>) dst(%dma_wait3A_573 : memref<64xf32, #tpu.memory_space<vmem>>)
      %dma_wait3A_577 = arith.constant 0 : i32
      %dma_wait3A_578 = tpu.memref_slice %arg9[%add3A_69, %dma_wait3A_577] : memref<256x128xf32, #tpu.memory_space<vmem>> -> memref<1x64xf32, #tpu.memory_space<vmem>>
      %dma_wait3A_579 = tpu.memref_squeeze %dma_wait3A_578 : memref<1x64xf32, #tpu.memory_space<vmem>> -> memref<64xf32, #tpu.memory_space<vmem>>
      %dma_wait3A_580 = arith.constant 0 : i32
      %dma_wait3A_581 = tpu.memref_slice %arg3[%squeeze3A_63, %squeeze3A_65, %dma_wait3A_580] : memref<125000x8x64xf32, #tpu.memory_space<hbm>> -> memref<1x1x64xf32, #tpu.memory_space<hbm>>
      %dma_wait3A_582 = tpu.memref_squeeze %dma_wait3A_581 : memref<1x1x64xf32, #tpu.memory_space<hbm>> -> memref<64xf32, #tpu.memory_space<hbm>>
      %dma_wait3A_583 = arith.constant 0 : i32
      %dma_wait3A_584 = tpu.memref_slice %arg9[%add3A_69, %dma_wait3A_583] : memref<256x128xf32, #tpu.memory_space<vmem>> -> memref<1x64xf32, #tpu.memory_space<vmem>>
      %dma_wait3A_585 = tpu.memref_squeeze %dma_wait3A_584 : memref<1x64xf32, #tpu.memory_space<vmem>> -> memref<64xf32, #tpu.memory_space<vmem>>
      %dma_wait3A_586 = arith.constant 0 : i32
      %dma_wait3A_587 = tpu.memref_slice %arg3[%squeeze3A_63, %squeeze3A_65, %dma_wait3A_586] : memref<125000x8x64xf32, #tpu.memory_space<hbm>> -> memref<1x1x64xf32, #tpu.memory_space<hbm>>
      %dma_wait3A_588 = tpu.memref_squeeze %dma_wait3A_587 : memref<1x1x64xf32, #tpu.memory_space<hbm>> -> memref<64xf32, #tpu.memory_space<hbm>>
      tpu.wait_dma2 semaphore(%arg11 : memref<!tpu.dma_semaphore, #tpu.memory_space<semaphore_mem>>) src(%dma_wait3A_588 : memref<64xf32, #tpu.memory_space<hbm>>) dst(%dma_wait3A_585 : memref<64xf32, #tpu.memory_space<vmem>>)
      %dma_wait3A_589 = arith.constant 0 : i32
      %dma_wait3A_590 = tpu.memref_slice %arg8[%add3A_101, %dma_wait3A_589] : memref<256x128xf32, #tpu.memory_space<vmem>> -> memref<1x64xf32, #tpu.memory_space<vmem>>
      %dma_wait3A_591 = tpu.memref_squeeze %dma_wait3A_590 : memref<1x64xf32, #tpu.memory_space<vmem>> -> memref<64xf32, #tpu.memory_space<vmem>>
      %dma_wait3A_592 = arith.constant 0 : i32
      %dma_wait3A_593 = tpu.memref_slice %arg2[%squeeze3A_95, %squeeze3A_97, %dma_wait3A_592] : memref<125000x8x64xf32, #tpu.memory_space<hbm>> -> memref<1x1x64xf32, #tpu.memory_space<hbm>>
      %dma_wait3A_594 = tpu.memref_squeeze %dma_wait3A_593 : memref<1x1x64xf32, #tpu.memory_space<hbm>> -> memref<64xf32, #tpu.memory_space<hbm>>
      %dma_wait3A_595 = arith.constant 0 : i32
      %dma_wait3A_596 = tpu.memref_slice %arg8[%add3A_101, %dma_wait3A_595] : memref<256x128xf32, #tpu.memory_space<vmem>> -> memref<1x64xf32, #tpu.memory_space<vmem>>
      %dma_wait3A_597 = tpu.memref_squeeze %dma_wait3A_596 : memref<1x64xf32, #tpu.memory_space<vmem>> -> memref<64xf32, #tpu.memory_space<vmem>>
      %dma_wait3A_598 = arith.constant 0 : i32
      %dma_wait3A_599 = tpu.memref_slice %arg2[%squeeze3A_95, %squeeze3A_97, %dma_wait3A_598] : memref<125000x8x64xf32, #tpu.memory_space<hbm>> -> memref<1x1x64xf32, #tpu.memory_space<hbm>>
      %dma_wait3A_600 = tpu.memref_squeeze %dma_wait3A_599 : memref<1x1x64xf32, #tpu.memory_space<hbm>> -> memref<64xf32, #tpu.memory_space<hbm>>
      tpu.wait_dma2 semaphore(%arg10 : memref<!tpu.dma_semaphore, #tpu.memory_space<semaphore_mem>>) src(%dma_wait3A_600 : memref<64xf32, #tpu.memory_space<hbm>>) dst(%dma_wait3A_597 : memref<64xf32, #tpu.memory_space<vmem>>)
      %dma_wait3A_601 = arith.constant 0 : i32
      %dma_wait3A_602 = tpu.memref_slice %arg9[%add3A_101, %dma_wait3A_601] : memref<256x128xf32, #tpu.memory_space<vmem>> -> memref<1x64xf32, #tpu.memory_space<vmem>>
      %dma_wait3A_603 = tpu.memref_squeeze %dma_wait3A_602 : memref<1x64xf32, #tpu.memory_space<vmem>> -> memref<64xf32, #tpu.memory_space<vmem>>
      %dma_wait3A_604 = arith.constant 0 : i32
      %dma_wait3A_605 = tpu.memref_slice %arg3[%squeeze3A_95, %squeeze3A_97, %dma_wait3A_604] : memref<125000x8x64xf32, #tpu.memory_space<hbm>> -> memref<1x1x64xf32, #tpu.memory_space<hbm>>
      %dma_wait3A_606 = tpu.memref_squeeze %dma_wait3A_605 : memref<1x1x64xf32, #tpu.memory_space<hbm>> -> memref<64xf32, #tpu.memory_space<hbm>>
      %dma_wait3A_607 = arith.constant 0 : i32
      %dma_wait3A_608 = tpu.memref_slice %arg9[%add3A_101, %dma_wait3A_607] : memref<256x128xf32, #tpu.memory_space<vmem>> -> memref<1x64xf32, #tpu.memory_space<vmem>>
      %dma_wait3A_609 = tpu.memref_squeeze %dma_wait3A_608 : memref<1x64xf32, #tpu.memory_space<vmem>> -> memref<64xf32, #tpu.memory_space<vmem>>
      %dma_wait3A_610 = arith.constant 0 : i32
      %dma_wait3A_611 = tpu.memref_slice %arg3[%squeeze3A_95, %squeeze3A_97, %dma_wait3A_610] : memref<125000x8x64xf32, #tpu.memory_space<hbm>> -> memref<1x1x64xf32, #tpu.memory_space<hbm>>
      %dma_wait3A_612 = tpu.memref_squeeze %dma_wait3A_611 : memref<1x1x64xf32, #tpu.memory_space<hbm>> -> memref<64xf32, #tpu.memory_space<hbm>>
      tpu.wait_dma2 semaphore(%arg11 : memref<!tpu.dma_semaphore, #tpu.memory_space<semaphore_mem>>) src(%dma_wait3A_612 : memref<64xf32, #tpu.memory_space<hbm>>) dst(%dma_wait3A_609 : memref<64xf32, #tpu.memory_space<vmem>>)
      %dma_wait3A_613 = arith.constant 0 : i32
      %dma_wait3A_614 = tpu.memref_slice %arg8[%add3A_133, %dma_wait3A_613] : memref<256x128xf32, #tpu.memory_space<vmem>> -> memref<1x64xf32, #tpu.memory_space<vmem>>
      %dma_wait3A_615 = tpu.memref_squeeze %dma_wait3A_614 : memref<1x64xf32, #tpu.memory_space<vmem>> -> memref<64xf32, #tpu.memory_space<vmem>>
      %dma_wait3A_616 = arith.constant 0 : i32
      %dma_wait3A_617 = tpu.memref_slice %arg2[%squeeze3A_127, %squeeze3A_129, %dma_wait3A_616] : memref<125000x8x64xf32, #tpu.memory_space<hbm>> -> memref<1x1x64xf32, #tpu.memory_space<hbm>>
      %dma_wait3A_618 = tpu.memref_squeeze %dma_wait3A_617 : memref<1x1x64xf32, #tpu.memory_space<hbm>> -> memref<64xf32, #tpu.memory_space<hbm>>
      %dma_wait3A_619 = arith.constant 0 : i32
      %dma_wait3A_620 = tpu.memref_slice %arg8[%add3A_133, %dma_wait3A_619] : memref<256x128xf32, #tpu.memory_space<vmem>> -> memref<1x64xf32, #tpu.memory_space<vmem>>
      %dma_wait3A_621 = tpu.memref_squeeze %dma_wait3A_620 : memref<1x64xf32, #tpu.memory_space<vmem>> -> memref<64xf32, #tpu.memory_space<vmem>>
      %dma_wait3A_622 = arith.constant 0 : i32
      %dma_wait3A_623 = tpu.memref_slice %arg2[%squeeze3A_127, %squeeze3A_129, %dma_wait3A_622] : memref<125000x8x64xf32, #tpu.memory_space<hbm>> -> memref<1x1x64xf32, #tpu.memory_space<hbm>>
      %dma_wait3A_624 = tpu.memref_squeeze %dma_wait3A_623 : memref<1x1x64xf32, #tpu.memory_space<hbm>> -> memref<64xf32, #tpu.memory_space<hbm>>
      tpu.wait_dma2 semaphore(%arg10 : memref<!tpu.dma_semaphore, #tpu.memory_space<semaphore_mem>>) src(%dma_wait3A_624 : memref<64xf32, #tpu.memory_space<hbm>>) dst(%dma_wait3A_621 : memref<64xf32, #tpu.memory_space<vmem>>)
      %dma_wait3A_625 = arith.constant 0 : i32
      %dma_wait3A_626 = tpu.memref_slice %arg9[%add3A_133, %dma_wait3A_625] : memref<256x128xf32, #tpu.memory_space<vmem>> -> memref<1x64xf32, #tpu.memory_space<vmem>>
      %dma_wait3A_627 = tpu.memref_squeeze %dma_wait3A_626 : memref<1x64xf32, #tpu.memory_space<vmem>> -> memref<64xf32, #tpu.memory_space<vmem>>
      %dma_wait3A_628 = arith.constant 0 : i32
      %dma_wait3A_629 = tpu.memref_slice %arg3[%squeeze3A_127, %squeeze3A_129, %dma_wait3A_628] : memref<125000x8x64xf32, #tpu.memory_space<hbm>> -> memref<1x1x64xf32, #tpu.memory_space<hbm>>
      %dma_wait3A_630 = tpu.memref_squeeze %dma_wait3A_629 : memref<1x1x64xf32, #tpu.memory_space<hbm>> -> memref<64xf32, #tpu.memory_space<hbm>>
      %dma_wait3A_631 = arith.constant 0 : i32
      %dma_wait3A_632 = tpu.memref_slice %arg9[%add3A_133, %dma_wait3A_631] : memref<256x128xf32, #tpu.memory_space<vmem>> -> memref<1x64xf32, #tpu.memory_space<vmem>>
      %dma_wait3A_633 = tpu.memref_squeeze %dma_wait3A_632 : memref<1x64xf32, #tpu.memory_space<vmem>> -> memref<64xf32, #tpu.memory_space<vmem>>
      %dma_wait3A_634 = arith.constant 0 : i32
      %dma_wait3A_635 = tpu.memref_slice %arg3[%squeeze3A_127, %squeeze3A_129, %dma_wait3A_634] : memref<125000x8x64xf32, #tpu.memory_space<hbm>> -> memref<1x1x64xf32, #tpu.memory_space<hbm>>
      %dma_wait3A_636 = tpu.memref_squeeze %dma_wait3A_635 : memref<1x1x64xf32, #tpu.memory_space<hbm>> -> memref<64xf32, #tpu.memory_space<hbm>>
      tpu.wait_dma2 semaphore(%arg11 : memref<!tpu.dma_semaphore, #tpu.memory_space<semaphore_mem>>) src(%dma_wait3A_636 : memref<64xf32, #tpu.memory_space<hbm>>) dst(%dma_wait3A_633 : memref<64xf32, #tpu.memory_space<vmem>>)
      %dma_wait3A_637 = arith.constant 0 : i32
      %dma_wait3A_638 = tpu.memref_slice %arg8[%add3A_165, %dma_wait3A_637] : memref<256x128xf32, #tpu.memory_space<vmem>> -> memref<1x64xf32, #tpu.memory_space<vmem>>
      %dma_wait3A_639 = tpu.memref_squeeze %dma_wait3A_638 : memref<1x64xf32, #tpu.memory_space<vmem>> -> memref<64xf32, #tpu.memory_space<vmem>>
      %dma_wait3A_640 = arith.constant 0 : i32
      %dma_wait3A_641 = tpu.memref_slice %arg2[%squeeze3A_159, %squeeze3A_161, %dma_wait3A_640] : memref<125000x8x64xf32, #tpu.memory_space<hbm>> -> memref<1x1x64xf32, #tpu.memory_space<hbm>>
      %dma_wait3A_642 = tpu.memref_squeeze %dma_wait3A_641 : memref<1x1x64xf32, #tpu.memory_space<hbm>> -> memref<64xf32, #tpu.memory_space<hbm>>
      %dma_wait3A_643 = arith.constant 0 : i32
      %dma_wait3A_644 = tpu.memref_slice %arg8[%add3A_165, %dma_wait3A_643] : memref<256x128xf32, #tpu.memory_space<vmem>> -> memref<1x64xf32, #tpu.memory_space<vmem>>
      %dma_wait3A_645 = tpu.memref_squeeze %dma_wait3A_644 : memref<1x64xf32, #tpu.memory_space<vmem>> -> memref<64xf32, #tpu.memory_space<vmem>>
      %dma_wait3A_646 = arith.constant 0 : i32
      %dma_wait3A_647 = tpu.memref_slice %arg2[%squeeze3A_159, %squeeze3A_161, %dma_wait3A_646] : memref<125000x8x64xf32, #tpu.memory_space<hbm>> -> memref<1x1x64xf32, #tpu.memory_space<hbm>>
      %dma_wait3A_648 = tpu.memref_squeeze %dma_wait3A_647 : memref<1x1x64xf32, #tpu.memory_space<hbm>> -> memref<64xf32, #tpu.memory_space<hbm>>
      tpu.wait_dma2 semaphore(%arg10 : memref<!tpu.dma_semaphore, #tpu.memory_space<semaphore_mem>>) src(%dma_wait3A_648 : memref<64xf32, #tpu.memory_space<hbm>>) dst(%dma_wait3A_645 : memref<64xf32, #tpu.memory_space<vmem>>)
      %dma_wait3A_649 = arith.constant 0 : i32
      %dma_wait3A_650 = tpu.memref_slice %arg9[%add3A_165, %dma_wait3A_649] : memref<256x128xf32, #tpu.memory_space<vmem>> -> memref<1x64xf32, #tpu.memory_space<vmem>>
      %dma_wait3A_651 = tpu.memref_squeeze %dma_wait3A_650 : memref<1x64xf32, #tpu.memory_space<vmem>> -> memref<64xf32, #tpu.memory_space<vmem>>
      %dma_wait3A_652 = arith.constant 0 : i32
      %dma_wait3A_653 = tpu.memref_slice %arg3[%squeeze3A_159, %squeeze3A_161, %dma_wait3A_652] : memref<125000x8x64xf32, #tpu.memory_space<hbm>> -> memref<1x1x64xf32, #tpu.memory_space<hbm>>
      %dma_wait3A_654 = tpu.memref_squeeze %dma_wait3A_653 : memref<1x1x64xf32, #tpu.memory_space<hbm>> -> memref<64xf32, #tpu.memory_space<hbm>>
      %dma_wait3A_655 = arith.constant 0 : i32
      %dma_wait3A_656 = tpu.memref_slice %arg9[%add3A_165, %dma_wait3A_655] : memref<256x128xf32, #tpu.memory_space<vmem>> -> memref<1x64xf32, #tpu.memory_space<vmem>>
      %dma_wait3A_657 = tpu.memref_squeeze %dma_wait3A_656 : memref<1x64xf32, #tpu.memory_space<vmem>> -> memref<64xf32, #tpu.memory_space<vmem>>
      %dma_wait3A_658 = arith.constant 0 : i32
      %dma_wait3A_659 = tpu.memref_slice %arg3[%squeeze3A_159, %squeeze3A_161, %dma_wait3A_658] : memref<125000x8x64xf32, #tpu.memory_space<hbm>> -> memref<1x1x64xf32, #tpu.memory_space<hbm>>
      %dma_wait3A_660 = tpu.memref_squeeze %dma_wait3A_659 : memref<1x1x64xf32, #tpu.memory_space<hbm>> -> memref<64xf32, #tpu.memory_space<hbm>>
      tpu.wait_dma2 semaphore(%arg11 : memref<!tpu.dma_semaphore, #tpu.memory_space<semaphore_mem>>) src(%dma_wait3A_660 : memref<64xf32, #tpu.memory_space<hbm>>) dst(%dma_wait3A_657 : memref<64xf32, #tpu.memory_space<vmem>>)
      %dma_wait3A_661 = arith.constant 0 : i32
      %dma_wait3A_662 = tpu.memref_slice %arg8[%add3A_197, %dma_wait3A_661] : memref<256x128xf32, #tpu.memory_space<vmem>> -> memref<1x64xf32, #tpu.memory_space<vmem>>
      %dma_wait3A_663 = tpu.memref_squeeze %dma_wait3A_662 : memref<1x64xf32, #tpu.memory_space<vmem>> -> memref<64xf32, #tpu.memory_space<vmem>>
      %dma_wait3A_664 = arith.constant 0 : i32
      %dma_wait3A_665 = tpu.memref_slice %arg2[%squeeze3A_191, %squeeze3A_193, %dma_wait3A_664] : memref<125000x8x64xf32, #tpu.memory_space<hbm>> -> memref<1x1x64xf32, #tpu.memory_space<hbm>>
      %dma_wait3A_666 = tpu.memref_squeeze %dma_wait3A_665 : memref<1x1x64xf32, #tpu.memory_space<hbm>> -> memref<64xf32, #tpu.memory_space<hbm>>
      %dma_wait3A_667 = arith.constant 0 : i32
      %dma_wait3A_668 = tpu.memref_slice %arg8[%add3A_197, %dma_wait3A_667] : memref<256x128xf32, #tpu.memory_space<vmem>> -> memref<1x64xf32, #tpu.memory_space<vmem>>
      %dma_wait3A_669 = tpu.memref_squeeze %dma_wait3A_668 : memref<1x64xf32, #tpu.memory_space<vmem>> -> memref<64xf32, #tpu.memory_space<vmem>>
      %dma_wait3A_670 = arith.constant 0 : i32
      %dma_wait3A_671 = tpu.memref_slice %arg2[%squeeze3A_191, %squeeze3A_193, %dma_wait3A_670] : memref<125000x8x64xf32, #tpu.memory_space<hbm>> -> memref<1x1x64xf32, #tpu.memory_space<hbm>>
      %dma_wait3A_672 = tpu.memref_squeeze %dma_wait3A_671 : memref<1x1x64xf32, #tpu.memory_space<hbm>> -> memref<64xf32, #tpu.memory_space<hbm>>
      tpu.wait_dma2 semaphore(%arg10 : memref<!tpu.dma_semaphore, #tpu.memory_space<semaphore_mem>>) src(%dma_wait3A_672 : memref<64xf32, #tpu.memory_space<hbm>>) dst(%dma_wait3A_669 : memref<64xf32, #tpu.memory_space<vmem>>)
      %dma_wait3A_673 = arith.constant 0 : i32
      %dma_wait3A_674 = tpu.memref_slice %arg9[%add3A_197, %dma_wait3A_673] : memref<256x128xf32, #tpu.memory_space<vmem>> -> memref<1x64xf32, #tpu.memory_space<vmem>>
      %dma_wait3A_675 = tpu.memref_squeeze %dma_wait3A_674 : memref<1x64xf32, #tpu.memory_space<vmem>> -> memref<64xf32, #tpu.memory_space<vmem>>
      %dma_wait3A_676 = arith.constant 0 : i32
      %dma_wait3A_677 = tpu.memref_slice %arg3[%squeeze3A_191, %squeeze3A_193, %dma_wait3A_676] : memref<125000x8x64xf32, #tpu.memory_space<hbm>> -> memref<1x1x64xf32, #tpu.memory_space<hbm>>
      %dma_wait3A_678 = tpu.memref_squeeze %dma_wait3A_677 : memref<1x1x64xf32, #tpu.memory_space<hbm>> -> memref<64xf32, #tpu.memory_space<hbm>>
      %dma_wait3A_679 = arith.constant 0 : i32
      %dma_wait3A_680 = tpu.memref_slice %arg9[%add3A_197, %dma_wait3A_679] : memref<256x128xf32, #tpu.memory_space<vmem>> -> memref<1x64xf32, #tpu.memory_space<vmem>>
      %dma_wait3A_681 = tpu.memref_squeeze %dma_wait3A_680 : memref<1x64xf32, #tpu.memory_space<vmem>> -> memref<64xf32, #tpu.memory_space<vmem>>
      %dma_wait3A_682 = arith.constant 0 : i32
      %dma_wait3A_683 = tpu.memref_slice %arg3[%squeeze3A_191, %squeeze3A_193, %dma_wait3A_682] : memref<125000x8x64xf32, #tpu.memory_space<hbm>> -> memref<1x1x64xf32, #tpu.memory_space<hbm>>
      %dma_wait3A_684 = tpu.memref_squeeze %dma_wait3A_683 : memref<1x1x64xf32, #tpu.memory_space<hbm>> -> memref<64xf32, #tpu.memory_space<hbm>>
      tpu.wait_dma2 semaphore(%arg11 : memref<!tpu.dma_semaphore, #tpu.memory_space<semaphore_mem>>) src(%dma_wait3A_684 : memref<64xf32, #tpu.memory_space<hbm>>) dst(%dma_wait3A_681 : memref<64xf32, #tpu.memory_space<vmem>>)
      %dma_wait3A_685 = arith.constant 0 : i32
      %dma_wait3A_686 = tpu.memref_slice %arg8[%add3A_229, %dma_wait3A_685] : memref<256x128xf32, #tpu.memory_space<vmem>> -> memref<1x64xf32, #tpu.memory_space<vmem>>
      %dma_wait3A_687 = tpu.memref_squeeze %dma_wait3A_686 : memref<1x64xf32, #tpu.memory_space<vmem>> -> memref<64xf32, #tpu.memory_space<vmem>>
      %dma_wait3A_688 = arith.constant 0 : i32
      %dma_wait3A_689 = tpu.memref_slice %arg2[%squeeze3A_223, %squeeze3A_225, %dma_wait3A_688] : memref<125000x8x64xf32, #tpu.memory_space<hbm>> -> memref<1x1x64xf32, #tpu.memory_space<hbm>>
      %dma_wait3A_690 = tpu.memref_squeeze %dma_wait3A_689 : memref<1x1x64xf32, #tpu.memory_space<hbm>> -> memref<64xf32, #tpu.memory_space<hbm>>
      %dma_wait3A_691 = arith.constant 0 : i32
      %dma_wait3A_692 = tpu.memref_slice %arg8[%add3A_229, %dma_wait3A_691] : memref<256x128xf32, #tpu.memory_space<vmem>> -> memref<1x64xf32, #tpu.memory_space<vmem>>
      %dma_wait3A_693 = tpu.memref_squeeze %dma_wait3A_692 : memref<1x64xf32, #tpu.memory_space<vmem>> -> memref<64xf32, #tpu.memory_space<vmem>>
      %dma_wait3A_694 = arith.constant 0 : i32
      %dma_wait3A_695 = tpu.memref_slice %arg2[%squeeze3A_223, %squeeze3A_225, %dma_wait3A_694] : memref<125000x8x64xf32, #tpu.memory_space<hbm>> -> memref<1x1x64xf32, #tpu.memory_space<hbm>>
      %dma_wait3A_696 = tpu.memref_squeeze %dma_wait3A_695 : memref<1x1x64xf32, #tpu.memory_space<hbm>> -> memref<64xf32, #tpu.memory_space<hbm>>
      tpu.wait_dma2 semaphore(%arg10 : memref<!tpu.dma_semaphore, #tpu.memory_space<semaphore_mem>>) src(%dma_wait3A_696 : memref<64xf32, #tpu.memory_space<hbm>>) dst(%dma_wait3A_693 : memref<64xf32, #tpu.memory_space<vmem>>)
      %dma_wait3A_697 = arith.constant 0 : i32
      %dma_wait3A_698 = tpu.memref_slice %arg9[%add3A_229, %dma_wait3A_697] : memref<256x128xf32, #tpu.memory_space<vmem>> -> memref<1x64xf32, #tpu.memory_space<vmem>>
      %dma_wait3A_699 = tpu.memref_squeeze %dma_wait3A_698 : memref<1x64xf32, #tpu.memory_space<vmem>> -> memref<64xf32, #tpu.memory_space<vmem>>
      %dma_wait3A_700 = arith.constant 0 : i32
      %dma_wait3A_701 = tpu.memref_slice %arg3[%squeeze3A_223, %squeeze3A_225, %dma_wait3A_700] : memref<125000x8x64xf32, #tpu.memory_space<hbm>> -> memref<1x1x64xf32, #tpu.memory_space<hbm>>
      %dma_wait3A_702 = tpu.memref_squeeze %dma_wait3A_701 : memref<1x1x64xf32, #tpu.memory_space<hbm>> -> memref<64xf32, #tpu.memory_space<hbm>>
      %dma_wait3A_703 = arith.constant 0 : i32
      %dma_wait3A_704 = tpu.memref_slice %arg9[%add3A_229, %dma_wait3A_703] : memref<256x128xf32, #tpu.memory_space<vmem>> -> memref<1x64xf32, #tpu.memory_space<vmem>>
      %dma_wait3A_705 = tpu.memref_squeeze %dma_wait3A_704 : memref<1x64xf32, #tpu.memory_space<vmem>> -> memref<64xf32, #tpu.memory_space<vmem>>
      %dma_wait3A_706 = arith.constant 0 : i32
      %dma_wait3A_707 = tpu.memref_slice %arg3[%squeeze3A_223, %squeeze3A_225, %dma_wait3A_706] : memref<125000x8x64xf32, #tpu.memory_space<hbm>> -> memref<1x1x64xf32, #tpu.memory_space<hbm>>
      %dma_wait3A_708 = tpu.memref_squeeze %dma_wait3A_707 : memref<1x1x64xf32, #tpu.memory_space<hbm>> -> memref<64xf32, #tpu.memory_space<hbm>>
      tpu.wait_dma2 semaphore(%arg11 : memref<!tpu.dma_semaphore, #tpu.memory_space<semaphore_mem>>) src(%dma_wait3A_708 : memref<64xf32, #tpu.memory_space<hbm>>) dst(%dma_wait3A_705 : memref<64xf32, #tpu.memory_space<vmem>>)
      %dma_wait3A_709 = arith.constant 0 : i32
      %dma_wait3A_710 = tpu.memref_slice %arg8[%add3A_261, %dma_wait3A_709] : memref<256x128xf32, #tpu.memory_space<vmem>> -> memref<1x64xf32, #tpu.memory_space<vmem>>
      %dma_wait3A_711 = tpu.memref_squeeze %dma_wait3A_710 : memref<1x64xf32, #tpu.memory_space<vmem>> -> memref<64xf32, #tpu.memory_space<vmem>>
      %dma_wait3A_712 = arith.constant 0 : i32
      %dma_wait3A_713 = tpu.memref_slice %arg2[%squeeze3A_255, %squeeze3A_257, %dma_wait3A_712] : memref<125000x8x64xf32, #tpu.memory_space<hbm>> -> memref<1x1x64xf32, #tpu.memory_space<hbm>>
      %dma_wait3A_714 = tpu.memref_squeeze %dma_wait3A_713 : memref<1x1x64xf32, #tpu.memory_space<hbm>> -> memref<64xf32, #tpu.memory_space<hbm>>
      %dma_wait3A_715 = arith.constant 0 : i32
      %dma_wait3A_716 = tpu.memref_slice %arg8[%add3A_261, %dma_wait3A_715] : memref<256x128xf32, #tpu.memory_space<vmem>> -> memref<1x64xf32, #tpu.memory_space<vmem>>
      %dma_wait3A_717 = tpu.memref_squeeze %dma_wait3A_716 : memref<1x64xf32, #tpu.memory_space<vmem>> -> memref<64xf32, #tpu.memory_space<vmem>>
      %dma_wait3A_718 = arith.constant 0 : i32
      %dma_wait3A_719 = tpu.memref_slice %arg2[%squeeze3A_255, %squeeze3A_257, %dma_wait3A_718] : memref<125000x8x64xf32, #tpu.memory_space<hbm>> -> memref<1x1x64xf32, #tpu.memory_space<hbm>>
      %dma_wait3A_720 = tpu.memref_squeeze %dma_wait3A_719 : memref<1x1x64xf32, #tpu.memory_space<hbm>> -> memref<64xf32, #tpu.memory_space<hbm>>
      tpu.wait_dma2 semaphore(%arg10 : memref<!tpu.dma_semaphore, #tpu.memory_space<semaphore_mem>>) src(%dma_wait3A_720 : memref<64xf32, #tpu.memory_space<hbm>>) dst(%dma_wait3A_717 : memref<64xf32, #tpu.memory_space<vmem>>)
      %dma_wait3A_721 = arith.constant 0 : i32
      %dma_wait3A_722 = tpu.memref_slice %arg9[%add3A_261, %dma_wait3A_721] : memref<256x128xf32, #tpu.memory_space<vmem>> -> memref<1x64xf32, #tpu.memory_space<vmem>>
      %dma_wait3A_723 = tpu.memref_squeeze %dma_wait3A_722 : memref<1x64xf32, #tpu.memory_space<vmem>> -> memref<64xf32, #tpu.memory_space<vmem>>
      %dma_wait3A_724 = arith.constant 0 : i32
      %dma_wait3A_725 = tpu.memref_slice %arg3[%squeeze3A_255, %squeeze3A_257, %dma_wait3A_724] : memref<125000x8x64xf32, #tpu.memory_space<hbm>> -> memref<1x1x64xf32, #tpu.memory_space<hbm>>
      %dma_wait3A_726 = tpu.memref_squeeze %dma_wait3A_725 : memref<1x1x64xf32, #tpu.memory_space<hbm>> -> memref<64xf32, #tpu.memory_space<hbm>>
      %dma_wait3A_727 = arith.constant 0 : i32
      %dma_wait3A_728 = tpu.memref_slice %arg9[%add3A_261, %dma_wait3A_727] : memref<256x128xf32, #tpu.memory_space<vmem>> -> memref<1x64xf32, #tpu.memory_space<vmem>>
      %dma_wait3A_729 = tpu.memref_squeeze %dma_wait3A_728 : memref<1x64xf32, #tpu.memory_space<vmem>> -> memref<64xf32, #tpu.memory_space<vmem>>
      %dma_wait3A_730 = arith.constant 0 : i32
      %dma_wait3A_731 = tpu.memref_slice %arg3[%squeeze3A_255, %squeeze3A_257, %dma_wait3A_730] : memref<125000x8x64xf32, #tpu.memory_space<hbm>> -> memref<1x1x64xf32, #tpu.memory_space<hbm>>
      %dma_wait3A_732 = tpu.memref_squeeze %dma_wait3A_731 : memref<1x1x64xf32, #tpu.memory_space<hbm>> -> memref<64xf32, #tpu.memory_space<hbm>>
      tpu.wait_dma2 semaphore(%arg11 : memref<!tpu.dma_semaphore, #tpu.memory_space<semaphore_mem>>) src(%dma_wait3A_732 : memref<64xf32, #tpu.memory_space<hbm>>) dst(%dma_wait3A_729 : memref<64xf32, #tpu.memory_space<vmem>>)
      %dma_wait3A_733 = arith.constant 0 : i32
      %dma_wait3A_734 = tpu.memref_slice %arg8[%add3A_293, %dma_wait3A_733] : memref<256x128xf32, #tpu.memory_space<vmem>> -> memref<1x64xf32, #tpu.memory_space<vmem>>
      %dma_wait3A_735 = tpu.memref_squeeze %dma_wait3A_734 : memref<1x64xf32, #tpu.memory_space<vmem>> -> memref<64xf32, #tpu.memory_space<vmem>>
      %dma_wait3A_736 = arith.constant 0 : i32
      %dma_wait3A_737 = tpu.memref_slice %arg2[%squeeze3A_287, %squeeze3A_289, %dma_wait3A_736] : memref<125000x8x64xf32, #tpu.memory_space<hbm>> -> memref<1x1x64xf32, #tpu.memory_space<hbm>>
      %dma_wait3A_738 = tpu.memref_squeeze %dma_wait3A_737 : memref<1x1x64xf32, #tpu.memory_space<hbm>> -> memref<64xf32, #tpu.memory_space<hbm>>
      %dma_wait3A_739 = arith.constant 0 : i32
      %dma_wait3A_740 = tpu.memref_slice %arg8[%add3A_293, %dma_wait3A_739] : memref<256x128xf32, #tpu.memory_space<vmem>> -> memref<1x64xf32, #tpu.memory_space<vmem>>
      %dma_wait3A_741 = tpu.memref_squeeze %dma_wait3A_740 : memref<1x64xf32, #tpu.memory_space<vmem>> -> memref<64xf32, #tpu.memory_space<vmem>>
      %dma_wait3A_742 = arith.constant 0 : i32
      %dma_wait3A_743 = tpu.memref_slice %arg2[%squeeze3A_287, %squeeze3A_289, %dma_wait3A_742] : memref<125000x8x64xf32, #tpu.memory_space<hbm>> -> memref<1x1x64xf32, #tpu.memory_space<hbm>>
      %dma_wait3A_744 = tpu.memref_squeeze %dma_wait3A_743 : memref<1x1x64xf32, #tpu.memory_space<hbm>> -> memref<64xf32, #tpu.memory_space<hbm>>
      tpu.wait_dma2 semaphore(%arg10 : memref<!tpu.dma_semaphore, #tpu.memory_space<semaphore_mem>>) src(%dma_wait3A_744 : memref<64xf32, #tpu.memory_space<hbm>>) dst(%dma_wait3A_741 : memref<64xf32, #tpu.memory_space<vmem>>)
      %dma_wait3A_745 = arith.constant 0 : i32
      %dma_wait3A_746 = tpu.memref_slice %arg9[%add3A_293, %dma_wait3A_745] : memref<256x128xf32, #tpu.memory_space<vmem>> -> memref<1x64xf32, #tpu.memory_space<vmem>>
      %dma_wait3A_747 = tpu.memref_squeeze %dma_wait3A_746 : memref<1x64xf32, #tpu.memory_space<vmem>> -> memref<64xf32, #tpu.memory_space<vmem>>
      %dma_wait3A_748 = arith.constant 0 : i32
      %dma_wait3A_749 = tpu.memref_slice %arg3[%squeeze3A_287, %squeeze3A_289, %dma_wait3A_748] : memref<125000x8x64xf32, #tpu.memory_space<hbm>> -> memref<1x1x64xf32, #tpu.memory_space<hbm>>
      %dma_wait3A_750 = tpu.memref_squeeze %dma_wait3A_749 : memref<1x1x64xf32, #tpu.memory_space<hbm>> -> memref<64xf32, #tpu.memory_space<hbm>>
      %dma_wait3A_751 = arith.constant 0 : i32
      %dma_wait3A_752 = tpu.memref_slice %arg9[%add3A_293, %dma_wait3A_751] : memref<256x128xf32, #tpu.memory_space<vmem>> -> memref<1x64xf32, #tpu.memory_space<vmem>>
      %dma_wait3A_753 = tpu.memref_squeeze %dma_wait3A_752 : memref<1x64xf32, #tpu.memory_space<vmem>> -> memref<64xf32, #tpu.memory_space<vmem>>
      %dma_wait3A_754 = arith.constant 0 : i32
      %dma_wait3A_755 = tpu.memref_slice %arg3[%squeeze3A_287, %squeeze3A_289, %dma_wait3A_754] : memref<125000x8x64xf32, #tpu.memory_space<hbm>> -> memref<1x1x64xf32, #tpu.memory_space<hbm>>
      %dma_wait3A_756 = tpu.memref_squeeze %dma_wait3A_755 : memref<1x1x64xf32, #tpu.memory_space<hbm>> -> memref<64xf32, #tpu.memory_space<hbm>>
      tpu.wait_dma2 semaphore(%arg11 : memref<!tpu.dma_semaphore, #tpu.memory_space<semaphore_mem>>) src(%dma_wait3A_756 : memref<64xf32, #tpu.memory_space<hbm>>) dst(%dma_wait3A_753 : memref<64xf32, #tpu.memory_space<vmem>>)
      %dma_wait3A_757 = arith.constant 0 : i32
      %dma_wait3A_758 = tpu.memref_slice %arg8[%add3A_325, %dma_wait3A_757] : memref<256x128xf32, #tpu.memory_space<vmem>> -> memref<1x64xf32, #tpu.memory_space<vmem>>
      %dma_wait3A_759 = tpu.memref_squeeze %dma_wait3A_758 : memref<1x64xf32, #tpu.memory_space<vmem>> -> memref<64xf32, #tpu.memory_space<vmem>>
      %dma_wait3A_760 = arith.constant 0 : i32
      %dma_wait3A_761 = tpu.memref_slice %arg2[%squeeze3A_319, %squeeze3A_321, %dma_wait3A_760] : memref<125000x8x64xf32, #tpu.memory_space<hbm>> -> memref<1x1x64xf32, #tpu.memory_space<hbm>>
      %dma_wait3A_762 = tpu.memref_squeeze %dma_wait3A_761 : memref<1x1x64xf32, #tpu.memory_space<hbm>> -> memref<64xf32, #tpu.memory_space<hbm>>
      %dma_wait3A_763 = arith.constant 0 : i32
      %dma_wait3A_764 = tpu.memref_slice %arg8[%add3A_325, %dma_wait3A_763] : memref<256x128xf32, #tpu.memory_space<vmem>> -> memref<1x64xf32, #tpu.memory_space<vmem>>
      %dma_wait3A_765 = tpu.memref_squeeze %dma_wait3A_764 : memref<1x64xf32, #tpu.memory_space<vmem>> -> memref<64xf32, #tpu.memory_space<vmem>>
      %dma_wait3A_766 = arith.constant 0 : i32
      %dma_wait3A_767 = tpu.memref_slice %arg2[%squeeze3A_319, %squeeze3A_321, %dma_wait3A_766] : memref<125000x8x64xf32, #tpu.memory_space<hbm>> -> memref<1x1x64xf32, #tpu.memory_space<hbm>>
      %dma_wait3A_768 = tpu.memref_squeeze %dma_wait3A_767 : memref<1x1x64xf32, #tpu.memory_space<hbm>> -> memref<64xf32, #tpu.memory_space<hbm>>
      tpu.wait_dma2 semaphore(%arg10 : memref<!tpu.dma_semaphore, #tpu.memory_space<semaphore_mem>>) src(%dma_wait3A_768 : memref<64xf32, #tpu.memory_space<hbm>>) dst(%dma_wait3A_765 : memref<64xf32, #tpu.memory_space<vmem>>)
      %dma_wait3A_769 = arith.constant 0 : i32
      %dma_wait3A_770 = tpu.memref_slice %arg9[%add3A_325, %dma_wait3A_769] : memref<256x128xf32, #tpu.memory_space<vmem>> -> memref<1x64xf32, #tpu.memory_space<vmem>>
      %dma_wait3A_771 = tpu.memref_squeeze %dma_wait3A_770 : memref<1x64xf32, #tpu.memory_space<vmem>> -> memref<64xf32, #tpu.memory_space<vmem>>
      %dma_wait3A_772 = arith.constant 0 : i32
      %dma_wait3A_773 = tpu.memref_slice %arg3[%squeeze3A_319, %squeeze3A_321, %dma_wait3A_772] : memref<125000x8x64xf32, #tpu.memory_space<hbm>> -> memref<1x1x64xf32, #tpu.memory_space<hbm>>
      %dma_wait3A_774 = tpu.memref_squeeze %dma_wait3A_773 : memref<1x1x64xf32, #tpu.memory_space<hbm>> -> memref<64xf32, #tpu.memory_space<hbm>>
      %dma_wait3A_775 = arith.constant 0 : i32
      %dma_wait3A_776 = tpu.memref_slice %arg9[%add3A_325, %dma_wait3A_775] : memref<256x128xf32, #tpu.memory_space<vmem>> -> memref<1x64xf32, #tpu.memory_space<vmem>>
      %dma_wait3A_777 = tpu.memref_squeeze %dma_wait3A_776 : memref<1x64xf32, #tpu.memory_space<vmem>> -> memref<64xf32, #tpu.memory_space<vmem>>
      %dma_wait3A_778 = arith.constant 0 : i32
      %dma_wait3A_779 = tpu.memref_slice %arg3[%squeeze3A_319, %squeeze3A_321, %dma_wait3A_778] : memref<125000x8x64xf32, #tpu.memory_space<hbm>> -> memref<1x1x64xf32, #tpu.memory_space<hbm>>
      %dma_wait3A_780 = tpu.memref_squeeze %dma_wait3A_779 : memref<1x1x64xf32, #tpu.memory_space<hbm>> -> memref<64xf32, #tpu.memory_space<hbm>>
      tpu.wait_dma2 semaphore(%arg11 : memref<!tpu.dma_semaphore, #tpu.memory_space<semaphore_mem>>) src(%dma_wait3A_780 : memref<64xf32, #tpu.memory_space<hbm>>) dst(%dma_wait3A_777 : memref<64xf32, #tpu.memory_space<vmem>>)
      %dma_wait3A_781 = arith.constant 0 : i32
      %dma_wait3A_782 = tpu.memref_slice %arg8[%add3A_357, %dma_wait3A_781] : memref<256x128xf32, #tpu.memory_space<vmem>> -> memref<1x64xf32, #tpu.memory_space<vmem>>
      %dma_wait3A_783 = tpu.memref_squeeze %dma_wait3A_782 : memref<1x64xf32, #tpu.memory_space<vmem>> -> memref<64xf32, #tpu.memory_space<vmem>>
      %dma_wait3A_784 = arith.constant 0 : i32
      %dma_wait3A_785 = tpu.memref_slice %arg2[%squeeze3A_351, %squeeze3A_353, %dma_wait3A_784] : memref<125000x8x64xf32, #tpu.memory_space<hbm>> -> memref<1x1x64xf32, #tpu.memory_space<hbm>>
      %dma_wait3A_786 = tpu.memref_squeeze %dma_wait3A_785 : memref<1x1x64xf32, #tpu.memory_space<hbm>> -> memref<64xf32, #tpu.memory_space<hbm>>
      %dma_wait3A_787 = arith.constant 0 : i32
      %dma_wait3A_788 = tpu.memref_slice %arg8[%add3A_357, %dma_wait3A_787] : memref<256x128xf32, #tpu.memory_space<vmem>> -> memref<1x64xf32, #tpu.memory_space<vmem>>
      %dma_wait3A_789 = tpu.memref_squeeze %dma_wait3A_788 : memref<1x64xf32, #tpu.memory_space<vmem>> -> memref<64xf32, #tpu.memory_space<vmem>>
      %dma_wait3A_790 = arith.constant 0 : i32
      %dma_wait3A_791 = tpu.memref_slice %arg2[%squeeze3A_351, %squeeze3A_353, %dma_wait3A_790] : memref<125000x8x64xf32, #tpu.memory_space<hbm>> -> memref<1x1x64xf32, #tpu.memory_space<hbm>>
      %dma_wait3A_792 = tpu.memref_squeeze %dma_wait3A_791 : memref<1x1x64xf32, #tpu.memory_space<hbm>> -> memref<64xf32, #tpu.memory_space<hbm>>
      tpu.wait_dma2 semaphore(%arg10 : memref<!tpu.dma_semaphore, #tpu.memory_space<semaphore_mem>>) src(%dma_wait3A_792 : memref<64xf32, #tpu.memory_space<hbm>>) dst(%dma_wait3A_789 : memref<64xf32, #tpu.memory_space<vmem>>)
      %dma_wait3A_793 = arith.constant 0 : i32
      %dma_wait3A_794 = tpu.memref_slice %arg9[%add3A_357, %dma_wait3A_793] : memref<256x128xf32, #tpu.memory_space<vmem>> -> memref<1x64xf32, #tpu.memory_space<vmem>>
      %dma_wait3A_795 = tpu.memref_squeeze %dma_wait3A_794 : memref<1x64xf32, #tpu.memory_space<vmem>> -> memref<64xf32, #tpu.memory_space<vmem>>
      %dma_wait3A_796 = arith.constant 0 : i32
      %dma_wait3A_797 = tpu.memref_slice %arg3[%squeeze3A_351, %squeeze3A_353, %dma_wait3A_796] : memref<125000x8x64xf32, #tpu.memory_space<hbm>> -> memref<1x1x64xf32, #tpu.memory_space<hbm>>
      %dma_wait3A_798 = tpu.memref_squeeze %dma_wait3A_797 : memref<1x1x64xf32, #tpu.memory_space<hbm>> -> memref<64xf32, #tpu.memory_space<hbm>>
      %dma_wait3A_799 = arith.constant 0 : i32
      %dma_wait3A_800 = tpu.memref_slice %arg9[%add3A_357, %dma_wait3A_799] : memref<256x128xf32, #tpu.memory_space<vmem>> -> memref<1x64xf32, #tpu.memory_space<vmem>>
      %dma_wait3A_801 = tpu.memref_squeeze %dma_wait3A_800 : memref<1x64xf32, #tpu.memory_space<vmem>> -> memref<64xf32, #tpu.memory_space<vmem>>
      %dma_wait3A_802 = arith.constant 0 : i32
      %dma_wait3A_803 = tpu.memref_slice %arg3[%squeeze3A_351, %squeeze3A_353, %dma_wait3A_802] : memref<125000x8x64xf32, #tpu.memory_space<hbm>> -> memref<1x1x64xf32, #tpu.memory_space<hbm>>
      %dma_wait3A_804 = tpu.memref_squeeze %dma_wait3A_803 : memref<1x1x64xf32, #tpu.memory_space<hbm>> -> memref<64xf32, #tpu.memory_space<hbm>>
      tpu.wait_dma2 semaphore(%arg11 : memref<!tpu.dma_semaphore, #tpu.memory_space<semaphore_mem>>) src(%dma_wait3A_804 : memref<64xf32, #tpu.memory_space<hbm>>) dst(%dma_wait3A_801 : memref<64xf32, #tpu.memory_space<vmem>>)
      %dma_wait3A_805 = arith.constant 0 : i32
      %dma_wait3A_806 = tpu.memref_slice %arg8[%add3A_389, %dma_wait3A_805] : memref<256x128xf32, #tpu.memory_space<vmem>> -> memref<1x64xf32, #tpu.memory_space<vmem>>
      %dma_wait3A_807 = tpu.memref_squeeze %dma_wait3A_806 : memref<1x64xf32, #tpu.memory_space<vmem>> -> memref<64xf32, #tpu.memory_space<vmem>>
      %dma_wait3A_808 = arith.constant 0 : i32
      %dma_wait3A_809 = tpu.memref_slice %arg2[%squeeze3A_383, %squeeze3A_385, %dma_wait3A_808] : memref<125000x8x64xf32, #tpu.memory_space<hbm>> -> memref<1x1x64xf32, #tpu.memory_space<hbm>>
      %dma_wait3A_810 = tpu.memref_squeeze %dma_wait3A_809 : memref<1x1x64xf32, #tpu.memory_space<hbm>> -> memref<64xf32, #tpu.memory_space<hbm>>
      %dma_wait3A_811 = arith.constant 0 : i32
      %dma_wait3A_812 = tpu.memref_slice %arg8[%add3A_389, %dma_wait3A_811] : memref<256x128xf32, #tpu.memory_space<vmem>> -> memref<1x64xf32, #tpu.memory_space<vmem>>
      %dma_wait3A_813 = tpu.memref_squeeze %dma_wait3A_812 : memref<1x64xf32, #tpu.memory_space<vmem>> -> memref<64xf32, #tpu.memory_space<vmem>>
      %dma_wait3A_814 = arith.constant 0 : i32
      %dma_wait3A_815 = tpu.memref_slice %arg2[%squeeze3A_383, %squeeze3A_385, %dma_wait3A_814] : memref<125000x8x64xf32, #tpu.memory_space<hbm>> -> memref<1x1x64xf32, #tpu.memory_space<hbm>>
      %dma_wait3A_816 = tpu.memref_squeeze %dma_wait3A_815 : memref<1x1x64xf32, #tpu.memory_space<hbm>> -> memref<64xf32, #tpu.memory_space<hbm>>
      tpu.wait_dma2 semaphore(%arg10 : memref<!tpu.dma_semaphore, #tpu.memory_space<semaphore_mem>>) src(%dma_wait3A_816 : memref<64xf32, #tpu.memory_space<hbm>>) dst(%dma_wait3A_813 : memref<64xf32, #tpu.memory_space<vmem>>)
      %dma_wait3A_817 = arith.constant 0 : i32
      %dma_wait3A_818 = tpu.memref_slice %arg9[%add3A_389, %dma_wait3A_817] : memref<256x128xf32, #tpu.memory_space<vmem>> -> memref<1x64xf32, #tpu.memory_space<vmem>>
      %dma_wait3A_819 = tpu.memref_squeeze %dma_wait3A_818 : memref<1x64xf32, #tpu.memory_space<vmem>> -> memref<64xf32, #tpu.memory_space<vmem>>
      %dma_wait3A_820 = arith.constant 0 : i32
      %dma_wait3A_821 = tpu.memref_slice %arg3[%squeeze3A_383, %squeeze3A_385, %dma_wait3A_820] : memref<125000x8x64xf32, #tpu.memory_space<hbm>> -> memref<1x1x64xf32, #tpu.memory_space<hbm>>
      %dma_wait3A_822 = tpu.memref_squeeze %dma_wait3A_821 : memref<1x1x64xf32, #tpu.memory_space<hbm>> -> memref<64xf32, #tpu.memory_space<hbm>>
      %dma_wait3A_823 = arith.constant 0 : i32
      %dma_wait3A_824 = tpu.memref_slice %arg9[%add3A_389, %dma_wait3A_823] : memref<256x128xf32, #tpu.memory_space<vmem>> -> memref<1x64xf32, #tpu.memory_space<vmem>>
      %dma_wait3A_825 = tpu.memref_squeeze %dma_wait3A_824 : memref<1x64xf32, #tpu.memory_space<vmem>> -> memref<64xf32, #tpu.memory_space<vmem>>
      %dma_wait3A_826 = arith.constant 0 : i32
      %dma_wait3A_827 = tpu.memref_slice %arg3[%squeeze3A_383, %squeeze3A_385, %dma_wait3A_826] : memref<125000x8x64xf32, #tpu.memory_space<hbm>> -> memref<1x1x64xf32, #tpu.memory_space<hbm>>
      %dma_wait3A_828 = tpu.memref_squeeze %dma_wait3A_827 : memref<1x1x64xf32, #tpu.memory_space<hbm>> -> memref<64xf32, #tpu.memory_space<hbm>>
      tpu.wait_dma2 semaphore(%arg11 : memref<!tpu.dma_semaphore, #tpu.memory_space<semaphore_mem>>) src(%dma_wait3A_828 : memref<64xf32, #tpu.memory_space<hbm>>) dst(%dma_wait3A_825 : memref<64xf32, #tpu.memory_space<vmem>>)
      %dma_wait3A_829 = arith.constant 0 : i32
      %dma_wait3A_830 = tpu.memref_slice %arg8[%add3A_421, %dma_wait3A_829] : memref<256x128xf32, #tpu.memory_space<vmem>> -> memref<1x64xf32, #tpu.memory_space<vmem>>
      %dma_wait3A_831 = tpu.memref_squeeze %dma_wait3A_830 : memref<1x64xf32, #tpu.memory_space<vmem>> -> memref<64xf32, #tpu.memory_space<vmem>>
      %dma_wait3A_832 = arith.constant 0 : i32
      %dma_wait3A_833 = tpu.memref_slice %arg2[%squeeze3A_415, %squeeze3A_417, %dma_wait3A_832] : memref<125000x8x64xf32, #tpu.memory_space<hbm>> -> memref<1x1x64xf32, #tpu.memory_space<hbm>>
      %dma_wait3A_834 = tpu.memref_squeeze %dma_wait3A_833 : memref<1x1x64xf32, #tpu.memory_space<hbm>> -> memref<64xf32, #tpu.memory_space<hbm>>
      %dma_wait3A_835 = arith.constant 0 : i32
      %dma_wait3A_836 = tpu.memref_slice %arg8[%add3A_421, %dma_wait3A_835] : memref<256x128xf32, #tpu.memory_space<vmem>> -> memref<1x64xf32, #tpu.memory_space<vmem>>
      %dma_wait3A_837 = tpu.memref_squeeze %dma_wait3A_836 : memref<1x64xf32, #tpu.memory_space<vmem>> -> memref<64xf32, #tpu.memory_space<vmem>>
      %dma_wait3A_838 = arith.constant 0 : i32
      %dma_wait3A_839 = tpu.memref_slice %arg2[%squeeze3A_415, %squeeze3A_417, %dma_wait3A_838] : memref<125000x8x64xf32, #tpu.memory_space<hbm>> -> memref<1x1x64xf32, #tpu.memory_space<hbm>>
      %dma_wait3A_840 = tpu.memref_squeeze %dma_wait3A_839 : memref<1x1x64xf32, #tpu.memory_space<hbm>> -> memref<64xf32, #tpu.memory_space<hbm>>
      tpu.wait_dma2 semaphore(%arg10 : memref<!tpu.dma_semaphore, #tpu.memory_space<semaphore_mem>>) src(%dma_wait3A_840 : memref<64xf32, #tpu.memory_space<hbm>>) dst(%dma_wait3A_837 : memref<64xf32, #tpu.memory_space<vmem>>)
      %dma_wait3A_841 = arith.constant 0 : i32
      %dma_wait3A_842 = tpu.memref_slice %arg9[%add3A_421, %dma_wait3A_841] : memref<256x128xf32, #tpu.memory_space<vmem>> -> memref<1x64xf32, #tpu.memory_space<vmem>>
      %dma_wait3A_843 = tpu.memref_squeeze %dma_wait3A_842 : memref<1x64xf32, #tpu.memory_space<vmem>> -> memref<64xf32, #tpu.memory_space<vmem>>
      %dma_wait3A_844 = arith.constant 0 : i32
      %dma_wait3A_845 = tpu.memref_slice %arg3[%squeeze3A_415, %squeeze3A_417, %dma_wait3A_844] : memref<125000x8x64xf32, #tpu.memory_space<hbm>> -> memref<1x1x64xf32, #tpu.memory_space<hbm>>
      %dma_wait3A_846 = tpu.memref_squeeze %dma_wait3A_845 : memref<1x1x64xf32, #tpu.memory_space<hbm>> -> memref<64xf32, #tpu.memory_space<hbm>>
      %dma_wait3A_847 = arith.constant 0 : i32
      %dma_wait3A_848 = tpu.memref_slice %arg9[%add3A_421, %dma_wait3A_847] : memref<256x128xf32, #tpu.memory_space<vmem>> -> memref<1x64xf32, #tpu.memory_space<vmem>>
      %dma_wait3A_849 = tpu.memref_squeeze %dma_wait3A_848 : memref<1x64xf32, #tpu.memory_space<vmem>> -> memref<64xf32, #tpu.memory_space<vmem>>
      %dma_wait3A_850 = arith.constant 0 : i32
      %dma_wait3A_851 = tpu.memref_slice %arg3[%squeeze3A_415, %squeeze3A_417, %dma_wait3A_850] : memref<125000x8x64xf32, #tpu.memory_space<hbm>> -> memref<1x1x64xf32, #tpu.memory_space<hbm>>
      %dma_wait3A_852 = tpu.memref_squeeze %dma_wait3A_851 : memref<1x1x64xf32, #tpu.memory_space<hbm>> -> memref<64xf32, #tpu.memory_space<hbm>>
      tpu.wait_dma2 semaphore(%arg11 : memref<!tpu.dma_semaphore, #tpu.memory_space<semaphore_mem>>) src(%dma_wait3A_852 : memref<64xf32, #tpu.memory_space<hbm>>) dst(%dma_wait3A_849 : memref<64xf32, #tpu.memory_space<vmem>>)
      %dma_wait3A_853 = arith.constant 0 : i32
      %dma_wait3A_854 = tpu.memref_slice %arg8[%add3A_453, %dma_wait3A_853] : memref<256x128xf32, #tpu.memory_space<vmem>> -> memref<1x64xf32, #tpu.memory_space<vmem>>
      %dma_wait3A_855 = tpu.memref_squeeze %dma_wait3A_854 : memref<1x64xf32, #tpu.memory_space<vmem>> -> memref<64xf32, #tpu.memory_space<vmem>>
      %dma_wait3A_856 = arith.constant 0 : i32
      %dma_wait3A_857 = tpu.memref_slice %arg2[%squeeze3A_447, %squeeze3A_449, %dma_wait3A_856] : memref<125000x8x64xf32, #tpu.memory_space<hbm>> -> memref<1x1x64xf32, #tpu.memory_space<hbm>>
      %dma_wait3A_858 = tpu.memref_squeeze %dma_wait3A_857 : memref<1x1x64xf32, #tpu.memory_space<hbm>> -> memref<64xf32, #tpu.memory_space<hbm>>
      %dma_wait3A_859 = arith.constant 0 : i32
      %dma_wait3A_860 = tpu.memref_slice %arg8[%add3A_453, %dma_wait3A_859] : memref<256x128xf32, #tpu.memory_space<vmem>> -> memref<1x64xf32, #tpu.memory_space<vmem>>
      %dma_wait3A_861 = tpu.memref_squeeze %dma_wait3A_860 : memref<1x64xf32, #tpu.memory_space<vmem>> -> memref<64xf32, #tpu.memory_space<vmem>>
      %dma_wait3A_862 = arith.constant 0 : i32
      %dma_wait3A_863 = tpu.memref_slice %arg2[%squeeze3A_447, %squeeze3A_449, %dma_wait3A_862] : memref<125000x8x64xf32, #tpu.memory_space<hbm>> -> memref<1x1x64xf32, #tpu.memory_space<hbm>>
      %dma_wait3A_864 = tpu.memref_squeeze %dma_wait3A_863 : memref<1x1x64xf32, #tpu.memory_space<hbm>> -> memref<64xf32, #tpu.memory_space<hbm>>
      tpu.wait_dma2 semaphore(%arg10 : memref<!tpu.dma_semaphore, #tpu.memory_space<semaphore_mem>>) src(%dma_wait3A_864 : memref<64xf32, #tpu.memory_space<hbm>>) dst(%dma_wait3A_861 : memref<64xf32, #tpu.memory_space<vmem>>)
      %dma_wait3A_865 = arith.constant 0 : i32
      %dma_wait3A_866 = tpu.memref_slice %arg9[%add3A_453, %dma_wait3A_865] : memref<256x128xf32, #tpu.memory_space<vmem>> -> memref<1x64xf32, #tpu.memory_space<vmem>>
      %dma_wait3A_867 = tpu.memref_squeeze %dma_wait3A_866 : memref<1x64xf32, #tpu.memory_space<vmem>> -> memref<64xf32, #tpu.memory_space<vmem>>
      %dma_wait3A_868 = arith.constant 0 : i32
      %dma_wait3A_869 = tpu.memref_slice %arg3[%squeeze3A_447, %squeeze3A_449, %dma_wait3A_868] : memref<125000x8x64xf32, #tpu.memory_space<hbm>> -> memref<1x1x64xf32, #tpu.memory_space<hbm>>
      %dma_wait3A_870 = tpu.memref_squeeze %dma_wait3A_869 : memref<1x1x64xf32, #tpu.memory_space<hbm>> -> memref<64xf32, #tpu.memory_space<hbm>>
      %dma_wait3A_871 = arith.constant 0 : i32
      %dma_wait3A_872 = tpu.memref_slice %arg9[%add3A_453, %dma_wait3A_871] : memref<256x128xf32, #tpu.memory_space<vmem>> -> memref<1x64xf32, #tpu.memory_space<vmem>>
      %dma_wait3A_873 = tpu.memref_squeeze %dma_wait3A_872 : memref<1x64xf32, #tpu.memory_space<vmem>> -> memref<64xf32, #tpu.memory_space<vmem>>
      %dma_wait3A_874 = arith.constant 0 : i32
      %dma_wait3A_875 = tpu.memref_slice %arg3[%squeeze3A_447, %squeeze3A_449, %dma_wait3A_874] : memref<125000x8x64xf32, #tpu.memory_space<hbm>> -> memref<1x1x64xf32, #tpu.memory_space<hbm>>
      %dma_wait3A_876 = tpu.memref_squeeze %dma_wait3A_875 : memref<1x1x64xf32, #tpu.memory_space<hbm>> -> memref<64xf32, #tpu.memory_space<hbm>>
      tpu.wait_dma2 semaphore(%arg11 : memref<!tpu.dma_semaphore, #tpu.memory_space<semaphore_mem>>) src(%dma_wait3A_876 : memref<64xf32, #tpu.memory_space<hbm>>) dst(%dma_wait3A_873 : memref<64xf32, #tpu.memory_space<vmem>>)
      %dma_wait3A_877 = arith.constant 0 : i32
      %dma_wait3A_878 = tpu.memref_slice %arg8[%add3A_485, %dma_wait3A_877] : memref<256x128xf32, #tpu.memory_space<vmem>> -> memref<1x64xf32, #tpu.memory_space<vmem>>
      %dma_wait3A_879 = tpu.memref_squeeze %dma_wait3A_878 : memref<1x64xf32, #tpu.memory_space<vmem>> -> memref<64xf32, #tpu.memory_space<vmem>>
      %dma_wait3A_880 = arith.constant 0 : i32
      %dma_wait3A_881 = tpu.memref_slice %arg2[%squeeze3A_479, %squeeze3A_481, %dma_wait3A_880] : memref<125000x8x64xf32, #tpu.memory_space<hbm>> -> memref<1x1x64xf32, #tpu.memory_space<hbm>>
      %dma_wait3A_882 = tpu.memref_squeeze %dma_wait3A_881 : memref<1x1x64xf32, #tpu.memory_space<hbm>> -> memref<64xf32, #tpu.memory_space<hbm>>
      %dma_wait3A_883 = arith.constant 0 : i32
      %dma_wait3A_884 = tpu.memref_slice %arg8[%add3A_485, %dma_wait3A_883] : memref<256x128xf32, #tpu.memory_space<vmem>> -> memref<1x64xf32, #tpu.memory_space<vmem>>
      %dma_wait3A_885 = tpu.memref_squeeze %dma_wait3A_884 : memref<1x64xf32, #tpu.memory_space<vmem>> -> memref<64xf32, #tpu.memory_space<vmem>>
      %dma_wait3A_886 = arith.constant 0 : i32
      %dma_wait3A_887 = tpu.memref_slice %arg2[%squeeze3A_479, %squeeze3A_481, %dma_wait3A_886] : memref<125000x8x64xf32, #tpu.memory_space<hbm>> -> memref<1x1x64xf32, #tpu.memory_space<hbm>>
      %dma_wait3A_888 = tpu.memref_squeeze %dma_wait3A_887 : memref<1x1x64xf32, #tpu.memory_space<hbm>> -> memref<64xf32, #tpu.memory_space<hbm>>
      tpu.wait_dma2 semaphore(%arg10 : memref<!tpu.dma_semaphore, #tpu.memory_space<semaphore_mem>>) src(%dma_wait3A_888 : memref<64xf32, #tpu.memory_space<hbm>>) dst(%dma_wait3A_885 : memref<64xf32, #tpu.memory_space<vmem>>)
      %dma_wait3A_889 = arith.constant 0 : i32
      %dma_wait3A_890 = tpu.memref_slice %arg9[%add3A_485, %dma_wait3A_889] : memref<256x128xf32, #tpu.memory_space<vmem>> -> memref<1x64xf32, #tpu.memory_space<vmem>>
      %dma_wait3A_891 = tpu.memref_squeeze %dma_wait3A_890 : memref<1x64xf32, #tpu.memory_space<vmem>> -> memref<64xf32, #tpu.memory_space<vmem>>
      %dma_wait3A_892 = arith.constant 0 : i32
      %dma_wait3A_893 = tpu.memref_slice %arg3[%squeeze3A_479, %squeeze3A_481, %dma_wait3A_892] : memref<125000x8x64xf32, #tpu.memory_space<hbm>> -> memref<1x1x64xf32, #tpu.memory_space<hbm>>
      %dma_wait3A_894 = tpu.memref_squeeze %dma_wait3A_893 : memref<1x1x64xf32, #tpu.memory_space<hbm>> -> memref<64xf32, #tpu.memory_space<hbm>>
      %dma_wait3A_895 = arith.constant 0 : i32
      %dma_wait3A_896 = tpu.memref_slice %arg9[%add3A_485, %dma_wait3A_895] : memref<256x128xf32, #tpu.memory_space<vmem>> -> memref<1x64xf32, #tpu.memory_space<vmem>>
      %dma_wait3A_897 = tpu.memref_squeeze %dma_wait3A_896 : memref<1x64xf32, #tpu.memory_space<vmem>> -> memref<64xf32, #tpu.memory_space<vmem>>
      %dma_wait3A_898 = arith.constant 0 : i32
      %dma_wait3A_899 = tpu.memref_slice %arg3[%squeeze3A_479, %squeeze3A_481, %dma_wait3A_898] : memref<125000x8x64xf32, #tpu.memory_space<hbm>> -> memref<1x1x64xf32, #tpu.memory_space<hbm>>
      %dma_wait3A_900 = tpu.memref_squeeze %dma_wait3A_899 : memref<1x1x64xf32, #tpu.memory_space<hbm>> -> memref<64xf32, #tpu.memory_space<hbm>>
      tpu.wait_dma2 semaphore(%arg11 : memref<!tpu.dma_semaphore, #tpu.memory_space<semaphore_mem>>) src(%dma_wait3A_900 : memref<64xf32, #tpu.memory_space<hbm>>) dst(%dma_wait3A_897 : memref<64xf32, #tpu.memory_space<vmem>>)
      %dma_wait3A_901 = arith.constant 0 : i32
      %dma_wait3A_902 = tpu.memref_slice %arg8[%add3A_517, %dma_wait3A_901] : memref<256x128xf32, #tpu.memory_space<vmem>> -> memref<1x64xf32, #tpu.memory_space<vmem>>
      %dma_wait3A_903 = tpu.memref_squeeze %dma_wait3A_902 : memref<1x64xf32, #tpu.memory_space<vmem>> -> memref<64xf32, #tpu.memory_space<vmem>>
      %dma_wait3A_904 = arith.constant 0 : i32
      %dma_wait3A_905 = tpu.memref_slice %arg2[%squeeze3A_511, %squeeze3A_513, %dma_wait3A_904] : memref<125000x8x64xf32, #tpu.memory_space<hbm>> -> memref<1x1x64xf32, #tpu.memory_space<hbm>>
      %dma_wait3A_906 = tpu.memref_squeeze %dma_wait3A_905 : memref<1x1x64xf32, #tpu.memory_space<hbm>> -> memref<64xf32, #tpu.memory_space<hbm>>
      %dma_wait3A_907 = arith.constant 0 : i32
      %dma_wait3A_908 = tpu.memref_slice %arg8[%add3A_517, %dma_wait3A_907] : memref<256x128xf32, #tpu.memory_space<vmem>> -> memref<1x64xf32, #tpu.memory_space<vmem>>
      %dma_wait3A_909 = tpu.memref_squeeze %dma_wait3A_908 : memref<1x64xf32, #tpu.memory_space<vmem>> -> memref<64xf32, #tpu.memory_space<vmem>>
      %dma_wait3A_910 = arith.constant 0 : i32
      %dma_wait3A_911 = tpu.memref_slice %arg2[%squeeze3A_511, %squeeze3A_513, %dma_wait3A_910] : memref<125000x8x64xf32, #tpu.memory_space<hbm>> -> memref<1x1x64xf32, #tpu.memory_space<hbm>>
      %dma_wait3A_912 = tpu.memref_squeeze %dma_wait3A_911 : memref<1x1x64xf32, #tpu.memory_space<hbm>> -> memref<64xf32, #tpu.memory_space<hbm>>
      tpu.wait_dma2 semaphore(%arg10 : memref<!tpu.dma_semaphore, #tpu.memory_space<semaphore_mem>>) src(%dma_wait3A_912 : memref<64xf32, #tpu.memory_space<hbm>>) dst(%dma_wait3A_909 : memref<64xf32, #tpu.memory_space<vmem>>)
      %dma_wait3A_913 = arith.constant 0 : i32
      %dma_wait3A_914 = tpu.memref_slice %arg9[%add3A_517, %dma_wait3A_913] : memref<256x128xf32, #tpu.memory_space<vmem>> -> memref<1x64xf32, #tpu.memory_space<vmem>>
      %dma_wait3A_915 = tpu.memref_squeeze %dma_wait3A_914 : memref<1x64xf32, #tpu.memory_space<vmem>> -> memref<64xf32, #tpu.memory_space<vmem>>
      %dma_wait3A_916 = arith.constant 0 : i32
      %dma_wait3A_917 = tpu.memref_slice %arg3[%squeeze3A_511, %squeeze3A_513, %dma_wait3A_916] : memref<125000x8x64xf32, #tpu.memory_space<hbm>> -> memref<1x1x64xf32, #tpu.memory_space<hbm>>
      %dma_wait3A_918 = tpu.memref_squeeze %dma_wait3A_917 : memref<1x1x64xf32, #tpu.memory_space<hbm>> -> memref<64xf32, #tpu.memory_space<hbm>>
      %dma_wait3A_919 = arith.constant 0 : i32
      %dma_wait3A_920 = tpu.memref_slice %arg9[%add3A_517, %dma_wait3A_919] : memref<256x128xf32, #tpu.memory_space<vmem>> -> memref<1x64xf32, #tpu.memory_space<vmem>>
      %dma_wait3A_921 = tpu.memref_squeeze %dma_wait3A_920 : memref<1x64xf32, #tpu.memory_space<vmem>> -> memref<64xf32, #tpu.memory_space<vmem>>
      %dma_wait3A_922 = arith.constant 0 : i32
      %dma_wait3A_923 = tpu.memref_slice %arg3[%squeeze3A_511, %squeeze3A_513, %dma_wait3A_922] : memref<125000x8x64xf32, #tpu.memory_space<hbm>> -> memref<1x1x64xf32, #tpu.memory_space<hbm>>
      %dma_wait3A_924 = tpu.memref_squeeze %dma_wait3A_923 : memref<1x1x64xf32, #tpu.memory_space<hbm>> -> memref<64xf32, #tpu.memory_space<hbm>>
      tpu.wait_dma2 semaphore(%arg11 : memref<!tpu.dma_semaphore, #tpu.memory_space<semaphore_mem>>) src(%dma_wait3A_924 : memref<64xf32, #tpu.memory_space<hbm>>) dst(%dma_wait3A_921 : memref<64xf32, #tpu.memory_space<vmem>>)
    }
    %scan3A_7 = arith.constant 16 : i32
    %add3A_8 = arith.constant 0 : i32
    %add3A_9 = arith.addi %mul3A_2, %add3A_8 : i32
    "tpu.region"() ({
      %run_scoped3A = tpu.sem_alloc : memref<!tpu.dma_semaphore, #tpu.memory_space<semaphore_mem>>
      %dma_start3A = arith.constant 0 : i32
      %dma_start3A_22 = tpu.memref_slice %arg5[%add3A_9, %dma_start3A] : memref<16384x128xf32, #tpu.memory_space<hbm>> -> memref<256x128xf32, #tpu.memory_space<hbm>>
      %dma_start3A_23 = arith.constant 0 : i32
      %dma_start3A_24 = tpu.memref_slice %arg5[%add3A_9, %dma_start3A_23] : memref<16384x128xf32, #tpu.memory_space<hbm>> -> memref<256x128xf32, #tpu.memory_space<hbm>>
      tpu.enqueue_dma source(%arg8 : memref<256x128xf32, #tpu.memory_space<vmem>>) target(%dma_start3A_24 : memref<256x128xf32, #tpu.memory_space<hbm>>) target_semaphore(%run_scoped3A : memref<!tpu.dma_semaphore, #tpu.memory_space<semaphore_mem>>)
      %dma_wait3A = arith.constant 0 : i32
      %dma_wait3A_25 = tpu.memref_slice %arg5[%add3A_9, %dma_wait3A] : memref<16384x128xf32, #tpu.memory_space<hbm>> -> memref<256x128xf32, #tpu.memory_space<hbm>>
      %dma_wait3A_26 = arith.constant 0 : i32
      %dma_wait3A_27 = tpu.memref_slice %arg5[%add3A_9, %dma_wait3A_26] : memref<16384x128xf32, #tpu.memory_space<hbm>> -> memref<256x128xf32, #tpu.memory_space<hbm>>
      tpu.wait_dma2 semaphore(%run_scoped3A : memref<!tpu.dma_semaphore, #tpu.memory_space<semaphore_mem>>) src(%arg8 : memref<256x128xf32, #tpu.memory_space<vmem>>) dst(%dma_wait3A_27 : memref<256x128xf32, #tpu.memory_space<hbm>>)
      tpu.yield
    }) : () -> ()
    %add3A_10 = arith.constant 0 : i32
    %add3A_11 = arith.addi %mul3A_2, %add3A_10 : i32
    "tpu.region"() ({
      %run_scoped3A = tpu.sem_alloc : memref<!tpu.dma_semaphore, #tpu.memory_space<semaphore_mem>>
      %dma_start3A = arith.constant 0 : i32
      %dma_start3A_22 = tpu.memref_slice %arg6[%add3A_11, %dma_start3A] : memref<16384x128xf32, #tpu.memory_space<hbm>> -> memref<256x128xf32, #tpu.memory_space<hbm>>
      %dma_start3A_23 = arith.constant 0 : i32
      %dma_start3A_24 = tpu.memref_slice %arg6[%add3A_11, %dma_start3A_23] : memref<16384x128xf32, #tpu.memory_space<hbm>> -> memref<256x128xf32, #tpu.memory_space<hbm>>
      tpu.enqueue_dma source(%arg9 : memref<256x128xf32, #tpu.memory_space<vmem>>) target(%dma_start3A_24 : memref<256x128xf32, #tpu.memory_space<hbm>>) target_semaphore(%run_scoped3A : memref<!tpu.dma_semaphore, #tpu.memory_space<semaphore_mem>>)
      %dma_wait3A = arith.constant 0 : i32
      %dma_wait3A_25 = tpu.memref_slice %arg6[%add3A_11, %dma_wait3A] : memref<16384x128xf32, #tpu.memory_space<hbm>> -> memref<256x128xf32, #tpu.memory_space<hbm>>
      %dma_wait3A_26 = arith.constant 0 : i32
      %dma_wait3A_27 = tpu.memref_slice %arg6[%add3A_11, %dma_wait3A_26] : memref<16384x128xf32, #tpu.memory_space<hbm>> -> memref<256x128xf32, #tpu.memory_space<hbm>>
      tpu.wait_dma2 semaphore(%run_scoped3A : memref<!tpu.dma_semaphore, #tpu.memory_space<semaphore_mem>>) src(%arg9 : memref<256x128xf32, #tpu.memory_space<vmem>>) dst(%dma_wait3A_27 : memref<256x128xf32, #tpu.memory_space<hbm>>)
      tpu.yield
    }) : () -> ()
    %scan3A_12 = arith.constant 0 : i32
    %scan3A_13 = arith.constant 0 : i32
    %scan3A_14 = arith.constant 16 : i32
    %scan3A_15 = arith.addi %scan3A_13, %scan3A_14 : i32
    %scan3A_16 = arith.constant 1 : i32
    scf.for %scan3A_22 = %scan3A_13 to %scan3A_15 step %scan3A_16  : i32 {
      %mul3A_23 = arith.constant 16 : i32
      %mul3A_24 = arith.muli %scan3A_22, %mul3A_23 : i32
      %add3A_25 = arith.constant 256 : i32
      %add3A_26 = arith.addi %add3A_25, %mul3A_24 : i32
      %get3A = arith.index_cast %add3A_26 : i32 to index
      %get3A_27 = tpu.vector_load %arg7[%get3A] {strides = array<i32>} : memref<512xi32, #tpu.memory_space<vmem>>, vector<16xi32>,
      %get3A_28 = vector.shape_cast %get3A_27 : vector<16xi32> to vector<16xi32>
      %shift_right_logical3A = arith.constant 3 : i32
      %shift_right_logical3A_29 = vector.broadcast %shift_right_logical3A : i32 to vector<16xi32>
      %shift_right_logical3A_30 = arith.shrui %get3A_28, %shift_right_logical3A_29 : vector<16xi32>
      %and3A = arith.constant 7 : i32
      %and3A_31 = vector.broadcast %and3A : i32 to vector<16xi32>
      %and3A_32 = arith.andi %get3A_28, %and3A_31 : vector<16xi32>
      %slice3A = vector.extract_strided_slice %shift_right_logical3A_30 {offsets = [0], sizes = [1], strides = [1]} : vector<16xi32> to vector<1xi32>
      %squeeze3A = vector.extract %slice3A[0] : i32 from vector<1xi32>
      %slice3A_33 = vector.extract_strided_slice %and3A_32 {offsets = [0], sizes = [1], strides = [1]} : vector<16xi32> to vector<1xi32>
      %squeeze3A_34 = vector.extract %slice3A_33[0] : i32 from vector<1xi32>
      %mul3A_35 = arith.constant 16 : i32
      %mul3A_36 = arith.muli %scan3A_22, %mul3A_35 : i32
      %add3A_37 = arith.constant 0 : i32
      %add3A_38 = arith.addi %mul3A_36, %add3A_37 : i32
      %dma_start3A = arith.constant 0 : i32
      %dma_start3A_39 = tpu.memref_slice %arg8[%add3A_38, %dma_start3A] : memref<256x128xf32, #tpu.memory_space<vmem>> -> memref<1x64xf32, #tpu.memory_space<vmem>>
      %dma_start3A_40 = tpu.memref_squeeze %dma_start3A_39 : memref<1x64xf32, #tpu.memory_space<vmem>> -> memref<64xf32, #tpu.memory_space<vmem>>
      %dma_start3A_41 = arith.constant 0 : i32
      %dma_start3A_42 = tpu.memref_slice %arg2[%squeeze3A, %squeeze3A_34, %dma_start3A_41] : memref<125000x8x64xf32, #tpu.memory_space<hbm>> -> memref<1x1x64xf32, #tpu.memory_space<hbm>>
      %dma_start3A_43 = tpu.memref_squeeze %dma_start3A_42 : memref<1x1x64xf32, #tpu.memory_space<hbm>> -> memref<64xf32, #tpu.memory_space<hbm>>
      %dma_start3A_44 = arith.constant 0 : i32
      %dma_start3A_45 = tpu.memref_slice %arg8[%add3A_38, %dma_start3A_44] : memref<256x128xf32, #tpu.memory_space<vmem>> -> memref<1x64xf32, #tpu.memory_space<vmem>>
      %dma_start3A_46 = tpu.memref_squeeze %dma_start3A_45 : memref<1x64xf32, #tpu.memory_space<vmem>> -> memref<64xf32, #tpu.memory_space<vmem>>
      %dma_start3A_47 = arith.constant 0 : i32
      %dma_start3A_48 = tpu.memref_slice %arg2[%squeeze3A, %squeeze3A_34, %dma_start3A_47] : memref<125000x8x64xf32, #tpu.memory_space<hbm>> -> memref<1x1x64xf32, #tpu.memory_space<hbm>>
      %dma_start3A_49 = tpu.memref_squeeze %dma_start3A_48 : memref<1x1x64xf32, #tpu.memory_space<hbm>> -> memref<64xf32, #tpu.memory_space<hbm>>
      tpu.enqueue_dma source(%dma_start3A_49 : memref<64xf32, #tpu.memory_space<hbm>>) target(%dma_start3A_46 : memref<64xf32, #tpu.memory_space<vmem>>) target_semaphore(%arg10 : memref<!tpu.dma_semaphore, #tpu.memory_space<semaphore_mem>>)
      %dma_start3A_50 = arith.constant 0 : i32
      %dma_start3A_51 = tpu.memref_slice %arg9[%add3A_38, %dma_start3A_50] : memref<256x128xf32, #tpu.memory_space<vmem>> -> memref<1x64xf32, #tpu.memory_space<vmem>>
      %dma_start3A_52 = tpu.memref_squeeze %dma_start3A_51 : memref<1x64xf32, #tpu.memory_space<vmem>> -> memref<64xf32, #tpu.memory_space<vmem>>
      %dma_start3A_53 = arith.constant 0 : i32
      %dma_start3A_54 = tpu.memref_slice %arg3[%squeeze3A, %squeeze3A_34, %dma_start3A_53] : memref<125000x8x64xf32, #tpu.memory_space<hbm>> -> memref<1x1x64xf32, #tpu.memory_space<hbm>>
      %dma_start3A_55 = tpu.memref_squeeze %dma_start3A_54 : memref<1x1x64xf32, #tpu.memory_space<hbm>> -> memref<64xf32, #tpu.memory_space<hbm>>
      %dma_start3A_56 = arith.constant 0 : i32
      %dma_start3A_57 = tpu.memref_slice %arg9[%add3A_38, %dma_start3A_56] : memref<256x128xf32, #tpu.memory_space<vmem>> -> memref<1x64xf32, #tpu.memory_space<vmem>>
      %dma_start3A_58 = tpu.memref_squeeze %dma_start3A_57 : memref<1x64xf32, #tpu.memory_space<vmem>> -> memref<64xf32, #tpu.memory_space<vmem>>
      %dma_start3A_59 = arith.constant 0 : i32
      %dma_start3A_60 = tpu.memref_slice %arg3[%squeeze3A, %squeeze3A_34, %dma_start3A_59] : memref<125000x8x64xf32, #tpu.memory_space<hbm>> -> memref<1x1x64xf32, #tpu.memory_space<hbm>>
      %dma_start3A_61 = tpu.memref_squeeze %dma_start3A_60 : memref<1x1x64xf32, #tpu.memory_space<hbm>> -> memref<64xf32, #tpu.memory_space<hbm>>
      tpu.enqueue_dma source(%dma_start3A_61 : memref<64xf32, #tpu.memory_space<hbm>>) target(%dma_start3A_58 : memref<64xf32, #tpu.memory_space<vmem>>) target_semaphore(%arg11 : memref<!tpu.dma_semaphore, #tpu.memory_space<semaphore_mem>>)
      %slice3A_62 = vector.extract_strided_slice %shift_right_logical3A_30 {offsets = [1], sizes = [1], strides = [1]} : vector<16xi32> to vector<1xi32>
      %squeeze3A_63 = vector.extract %slice3A_62[0] : i32 from vector<1xi32>
      %slice3A_64 = vector.extract_strided_slice %and3A_32 {offsets = [1], sizes = [1], strides = [1]} : vector<16xi32> to vector<1xi32>
      %squeeze3A_65 = vector.extract %slice3A_64[0] : i32 from vector<1xi32>
      %mul3A_66 = arith.constant 16 : i32
      %mul3A_67 = arith.muli %scan3A_22, %mul3A_66 : i32
      %add3A_68 = arith.constant 1 : i32
      %add3A_69 = arith.addi %mul3A_67, %add3A_68 : i32
      %dma_start3A_70 = arith.constant 0 : i32
      %dma_start3A_71 = tpu.memref_slice %arg8[%add3A_69, %dma_start3A_70] : memref<256x128xf32, #tpu.memory_space<vmem>> -> memref<1x64xf32, #tpu.memory_space<vmem>>
      %dma_start3A_72 = tpu.memref_squeeze %dma_start3A_71 : memref<1x64xf32, #tpu.memory_space<vmem>> -> memref<64xf32, #tpu.memory_space<vmem>>
      %dma_start3A_73 = arith.constant 0 : i32
      %dma_start3A_74 = tpu.memref_slice %arg2[%squeeze3A_63, %squeeze3A_65, %dma_start3A_73] : memref<125000x8x64xf32, #tpu.memory_space<hbm>> -> memref<1x1x64xf32, #tpu.memory_space<hbm>>
      %dma_start3A_75 = tpu.memref_squeeze %dma_start3A_74 : memref<1x1x64xf32, #tpu.memory_space<hbm>> -> memref<64xf32, #tpu.memory_space<hbm>>
      %dma_start3A_76 = arith.constant 0 : i32
      %dma_start3A_77 = tpu.memref_slice %arg8[%add3A_69, %dma_start3A_76] : memref<256x128xf32, #tpu.memory_space<vmem>> -> memref<1x64xf32, #tpu.memory_space<vmem>>
      %dma_start3A_78 = tpu.memref_squeeze %dma_start3A_77 : memref<1x64xf32, #tpu.memory_space<vmem>> -> memref<64xf32, #tpu.memory_space<vmem>>
      %dma_start3A_79 = arith.constant 0 : i32
      %dma_start3A_80 = tpu.memref_slice %arg2[%squeeze3A_63, %squeeze3A_65, %dma_start3A_79] : memref<125000x8x64xf32, #tpu.memory_space<hbm>> -> memref<1x1x64xf32, #tpu.memory_space<hbm>>
      %dma_start3A_81 = tpu.memref_squeeze %dma_start3A_80 : memref<1x1x64xf32, #tpu.memory_space<hbm>> -> memref<64xf32, #tpu.memory_space<hbm>>
      tpu.enqueue_dma source(%dma_start3A_81 : memref<64xf32, #tpu.memory_space<hbm>>) target(%dma_start3A_78 : memref<64xf32, #tpu.memory_space<vmem>>) target_semaphore(%arg10 : memref<!tpu.dma_semaphore, #tpu.memory_space<semaphore_mem>>)
      %dma_start3A_82 = arith.constant 0 : i32
      %dma_start3A_83 = tpu.memref_slice %arg9[%add3A_69, %dma_start3A_82] : memref<256x128xf32, #tpu.memory_space<vmem>> -> memref<1x64xf32, #tpu.memory_space<vmem>>
      %dma_start3A_84 = tpu.memref_squeeze %dma_start3A_83 : memref<1x64xf32, #tpu.memory_space<vmem>> -> memref<64xf32, #tpu.memory_space<vmem>>
      %dma_start3A_85 = arith.constant 0 : i32
      %dma_start3A_86 = tpu.memref_slice %arg3[%squeeze3A_63, %squeeze3A_65, %dma_start3A_85] : memref<125000x8x64xf32, #tpu.memory_space<hbm>> -> memref<1x1x64xf32, #tpu.memory_space<hbm>>
      %dma_start3A_87 = tpu.memref_squeeze %dma_start3A_86 : memref<1x1x64xf32, #tpu.memory_space<hbm>> -> memref<64xf32, #tpu.memory_space<hbm>>
      %dma_start3A_88 = arith.constant 0 : i32
      %dma_start3A_89 = tpu.memref_slice %arg9[%add3A_69, %dma_start3A_88] : memref<256x128xf32, #tpu.memory_space<vmem>> -> memref<1x64xf32, #tpu.memory_space<vmem>>
      %dma_start3A_90 = tpu.memref_squeeze %dma_start3A_89 : memref<1x64xf32, #tpu.memory_space<vmem>> -> memref<64xf32, #tpu.memory_space<vmem>>
      %dma_start3A_91 = arith.constant 0 : i32
      %dma_start3A_92 = tpu.memref_slice %arg3[%squeeze3A_63, %squeeze3A_65, %dma_start3A_91] : memref<125000x8x64xf32, #tpu.memory_space<hbm>> -> memref<1x1x64xf32, #tpu.memory_space<hbm>>
      %dma_start3A_93 = tpu.memref_squeeze %dma_start3A_92 : memref<1x1x64xf32, #tpu.memory_space<hbm>> -> memref<64xf32, #tpu.memory_space<hbm>>
      tpu.enqueue_dma source(%dma_start3A_93 : memref<64xf32, #tpu.memory_space<hbm>>) target(%dma_start3A_90 : memref<64xf32, #tpu.memory_space<vmem>>) target_semaphore(%arg11 : memref<!tpu.dma_semaphore, #tpu.memory_space<semaphore_mem>>)
      %slice3A_94 = vector.extract_strided_slice %shift_right_logical3A_30 {offsets = [2], sizes = [1], strides = [1]} : vector<16xi32> to vector<1xi32>
      %squeeze3A_95 = vector.extract %slice3A_94[0] : i32 from vector<1xi32>
      %slice3A_96 = vector.extract_strided_slice %and3A_32 {offsets = [2], sizes = [1], strides = [1]} : vector<16xi32> to vector<1xi32>
      %squeeze3A_97 = vector.extract %slice3A_96[0] : i32 from vector<1xi32>
      %mul3A_98 = arith.constant 16 : i32
      %mul3A_99 = arith.muli %scan3A_22, %mul3A_98 : i32
      %add3A_100 = arith.constant 2 : i32
      %add3A_101 = arith.addi %mul3A_99, %add3A_100 : i32
      %dma_start3A_102 = arith.constant 0 : i32
      %dma_start3A_103 = tpu.memref_slice %arg8[%add3A_101, %dma_start3A_102] : memref<256x128xf32, #tpu.memory_space<vmem>> -> memref<1x64xf32, #tpu.memory_space<vmem>>
      %dma_start3A_104 = tpu.memref_squeeze %dma_start3A_103 : memref<1x64xf32, #tpu.memory_space<vmem>> -> memref<64xf32, #tpu.memory_space<vmem>>
      %dma_start3A_105 = arith.constant 0 : i32
      %dma_start3A_106 = tpu.memref_slice %arg2[%squeeze3A_95, %squeeze3A_97, %dma_start3A_105] : memref<125000x8x64xf32, #tpu.memory_space<hbm>> -> memref<1x1x64xf32, #tpu.memory_space<hbm>>
      %dma_start3A_107 = tpu.memref_squeeze %dma_start3A_106 : memref<1x1x64xf32, #tpu.memory_space<hbm>> -> memref<64xf32, #tpu.memory_space<hbm>>
      %dma_start3A_108 = arith.constant 0 : i32
      %dma_start3A_109 = tpu.memref_slice %arg8[%add3A_101, %dma_start3A_108] : memref<256x128xf32, #tpu.memory_space<vmem>> -> memref<1x64xf32, #tpu.memory_space<vmem>>
      %dma_start3A_110 = tpu.memref_squeeze %dma_start3A_109 : memref<1x64xf32, #tpu.memory_space<vmem>> -> memref<64xf32, #tpu.memory_space<vmem>>
      %dma_start3A_111 = arith.constant 0 : i32
      %dma_start3A_112 = tpu.memref_slice %arg2[%squeeze3A_95, %squeeze3A_97, %dma_start3A_111] : memref<125000x8x64xf32, #tpu.memory_space<hbm>> -> memref<1x1x64xf32, #tpu.memory_space<hbm>>
      %dma_start3A_113 = tpu.memref_squeeze %dma_start3A_112 : memref<1x1x64xf32, #tpu.memory_space<hbm>> -> memref<64xf32, #tpu.memory_space<hbm>>
      tpu.enqueue_dma source(%dma_start3A_113 : memref<64xf32, #tpu.memory_space<hbm>>) target(%dma_start3A_110 : memref<64xf32, #tpu.memory_space<vmem>>) target_semaphore(%arg10 : memref<!tpu.dma_semaphore, #tpu.memory_space<semaphore_mem>>)
      %dma_start3A_114 = arith.constant 0 : i32
      %dma_start3A_115 = tpu.memref_slice %arg9[%add3A_101, %dma_start3A_114] : memref<256x128xf32, #tpu.memory_space<vmem>> -> memref<1x64xf32, #tpu.memory_space<vmem>>
      %dma_start3A_116 = tpu.memref_squeeze %dma_start3A_115 : memref<1x64xf32, #tpu.memory_space<vmem>> -> memref<64xf32, #tpu.memory_space<vmem>>
      %dma_start3A_117 = arith.constant 0 : i32
      %dma_start3A_118 = tpu.memref_slice %arg3[%squeeze3A_95, %squeeze3A_97, %dma_start3A_117] : memref<125000x8x64xf32, #tpu.memory_space<hbm>> -> memref<1x1x64xf32, #tpu.memory_space<hbm>>
      %dma_start3A_119 = tpu.memref_squeeze %dma_start3A_118 : memref<1x1x64xf32, #tpu.memory_space<hbm>> -> memref<64xf32, #tpu.memory_space<hbm>>
      %dma_start3A_120 = arith.constant 0 : i32
      %dma_start3A_121 = tpu.memref_slice %arg9[%add3A_101, %dma_start3A_120] : memref<256x128xf32, #tpu.memory_space<vmem>> -> memref<1x64xf32, #tpu.memory_space<vmem>>
      %dma_start3A_122 = tpu.memref_squeeze %dma_start3A_121 : memref<1x64xf32, #tpu.memory_space<vmem>> -> memref<64xf32, #tpu.memory_space<vmem>>
      %dma_start3A_123 = arith.constant 0 : i32
      %dma_start3A_124 = tpu.memref_slice %arg3[%squeeze3A_95, %squeeze3A_97, %dma_start3A_123] : memref<125000x8x64xf32, #tpu.memory_space<hbm>> -> memref<1x1x64xf32, #tpu.memory_space<hbm>>
      %dma_start3A_125 = tpu.memref_squeeze %dma_start3A_124 : memref<1x1x64xf32, #tpu.memory_space<hbm>> -> memref<64xf32, #tpu.memory_space<hbm>>
      tpu.enqueue_dma source(%dma_start3A_125 : memref<64xf32, #tpu.memory_space<hbm>>) target(%dma_start3A_122 : memref<64xf32, #tpu.memory_space<vmem>>) target_semaphore(%arg11 : memref<!tpu.dma_semaphore, #tpu.memory_space<semaphore_mem>>)
      %slice3A_126 = vector.extract_strided_slice %shift_right_logical3A_30 {offsets = [3], sizes = [1], strides = [1]} : vector<16xi32> to vector<1xi32>
      %squeeze3A_127 = vector.extract %slice3A_126[0] : i32 from vector<1xi32>
      %slice3A_128 = vector.extract_strided_slice %and3A_32 {offsets = [3], sizes = [1], strides = [1]} : vector<16xi32> to vector<1xi32>
      %squeeze3A_129 = vector.extract %slice3A_128[0] : i32 from vector<1xi32>
      %mul3A_130 = arith.constant 16 : i32
      %mul3A_131 = arith.muli %scan3A_22, %mul3A_130 : i32
      %add3A_132 = arith.constant 3 : i32
      %add3A_133 = arith.addi %mul3A_131, %add3A_132 : i32
      %dma_start3A_134 = arith.constant 0 : i32
      %dma_start3A_135 = tpu.memref_slice %arg8[%add3A_133, %dma_start3A_134] : memref<256x128xf32, #tpu.memory_space<vmem>> -> memref<1x64xf32, #tpu.memory_space<vmem>>
      %dma_start3A_136 = tpu.memref_squeeze %dma_start3A_135 : memref<1x64xf32, #tpu.memory_space<vmem>> -> memref<64xf32, #tpu.memory_space<vmem>>
      %dma_start3A_137 = arith.constant 0 : i32
      %dma_start3A_138 = tpu.memref_slice %arg2[%squeeze3A_127, %squeeze3A_129, %dma_start3A_137] : memref<125000x8x64xf32, #tpu.memory_space<hbm>> -> memref<1x1x64xf32, #tpu.memory_space<hbm>>
      %dma_start3A_139 = tpu.memref_squeeze %dma_start3A_138 : memref<1x1x64xf32, #tpu.memory_space<hbm>> -> memref<64xf32, #tpu.memory_space<hbm>>
      %dma_start3A_140 = arith.constant 0 : i32
      %dma_start3A_141 = tpu.memref_slice %arg8[%add3A_133, %dma_start3A_140] : memref<256x128xf32, #tpu.memory_space<vmem>> -> memref<1x64xf32, #tpu.memory_space<vmem>>
      %dma_start3A_142 = tpu.memref_squeeze %dma_start3A_141 : memref<1x64xf32, #tpu.memory_space<vmem>> -> memref<64xf32, #tpu.memory_space<vmem>>
      %dma_start3A_143 = arith.constant 0 : i32
      %dma_start3A_144 = tpu.memref_slice %arg2[%squeeze3A_127, %squeeze3A_129, %dma_start3A_143] : memref<125000x8x64xf32, #tpu.memory_space<hbm>> -> memref<1x1x64xf32, #tpu.memory_space<hbm>>
      %dma_start3A_145 = tpu.memref_squeeze %dma_start3A_144 : memref<1x1x64xf32, #tpu.memory_space<hbm>> -> memref<64xf32, #tpu.memory_space<hbm>>
      tpu.enqueue_dma source(%dma_start3A_145 : memref<64xf32, #tpu.memory_space<hbm>>) target(%dma_start3A_142 : memref<64xf32, #tpu.memory_space<vmem>>) target_semaphore(%arg10 : memref<!tpu.dma_semaphore, #tpu.memory_space<semaphore_mem>>)
      %dma_start3A_146 = arith.constant 0 : i32
      %dma_start3A_147 = tpu.memref_slice %arg9[%add3A_133, %dma_start3A_146] : memref<256x128xf32, #tpu.memory_space<vmem>> -> memref<1x64xf32, #tpu.memory_space<vmem>>
      %dma_start3A_148 = tpu.memref_squeeze %dma_start3A_147 : memref<1x64xf32, #tpu.memory_space<vmem>> -> memref<64xf32, #tpu.memory_space<vmem>>
      %dma_start3A_149 = arith.constant 0 : i32
      %dma_start3A_150 = tpu.memref_slice %arg3[%squeeze3A_127, %squeeze3A_129, %dma_start3A_149] : memref<125000x8x64xf32, #tpu.memory_space<hbm>> -> memref<1x1x64xf32, #tpu.memory_space<hbm>>
      %dma_start3A_151 = tpu.memref_squeeze %dma_start3A_150 : memref<1x1x64xf32, #tpu.memory_space<hbm>> -> memref<64xf32, #tpu.memory_space<hbm>>
      %dma_start3A_152 = arith.constant 0 : i32
      %dma_start3A_153 = tpu.memref_slice %arg9[%add3A_133, %dma_start3A_152] : memref<256x128xf32, #tpu.memory_space<vmem>> -> memref<1x64xf32, #tpu.memory_space<vmem>>
      %dma_start3A_154 = tpu.memref_squeeze %dma_start3A_153 : memref<1x64xf32, #tpu.memory_space<vmem>> -> memref<64xf32, #tpu.memory_space<vmem>>
      %dma_start3A_155 = arith.constant 0 : i32
      %dma_start3A_156 = tpu.memref_slice %arg3[%squeeze3A_127, %squeeze3A_129, %dma_start3A_155] : memref<125000x8x64xf32, #tpu.memory_space<hbm>> -> memref<1x1x64xf32, #tpu.memory_space<hbm>>
      %dma_start3A_157 = tpu.memref_squeeze %dma_start3A_156 : memref<1x1x64xf32, #tpu.memory_space<hbm>> -> memref<64xf32, #tpu.memory_space<hbm>>
      tpu.enqueue_dma source(%dma_start3A_157 : memref<64xf32, #tpu.memory_space<hbm>>) target(%dma_start3A_154 : memref<64xf32, #tpu.memory_space<vmem>>) target_semaphore(%arg11 : memref<!tpu.dma_semaphore, #tpu.memory_space<semaphore_mem>>)
      %slice3A_158 = vector.extract_strided_slice %shift_right_logical3A_30 {offsets = [4], sizes = [1], strides = [1]} : vector<16xi32> to vector<1xi32>
      %squeeze3A_159 = vector.extract %slice3A_158[0] : i32 from vector<1xi32>
      %slice3A_160 = vector.extract_strided_slice %and3A_32 {offsets = [4], sizes = [1], strides = [1]} : vector<16xi32> to vector<1xi32>
      %squeeze3A_161 = vector.extract %slice3A_160[0] : i32 from vector<1xi32>
      %mul3A_162 = arith.constant 16 : i32
      %mul3A_163 = arith.muli %scan3A_22, %mul3A_162 : i32
      %add3A_164 = arith.constant 4 : i32
      %add3A_165 = arith.addi %mul3A_163, %add3A_164 : i32
      %dma_start3A_166 = arith.constant 0 : i32
      %dma_start3A_167 = tpu.memref_slice %arg8[%add3A_165, %dma_start3A_166] : memref<256x128xf32, #tpu.memory_space<vmem>> -> memref<1x64xf32, #tpu.memory_space<vmem>>
      %dma_start3A_168 = tpu.memref_squeeze %dma_start3A_167 : memref<1x64xf32, #tpu.memory_space<vmem>> -> memref<64xf32, #tpu.memory_space<vmem>>
      %dma_start3A_169 = arith.constant 0 : i32
      %dma_start3A_170 = tpu.memref_slice %arg2[%squeeze3A_159, %squeeze3A_161, %dma_start3A_169] : memref<125000x8x64xf32, #tpu.memory_space<hbm>> -> memref<1x1x64xf32, #tpu.memory_space<hbm>>
      %dma_start3A_171 = tpu.memref_squeeze %dma_start3A_170 : memref<1x1x64xf32, #tpu.memory_space<hbm>> -> memref<64xf32, #tpu.memory_space<hbm>>
      %dma_start3A_172 = arith.constant 0 : i32
      %dma_start3A_173 = tpu.memref_slice %arg8[%add3A_165, %dma_start3A_172] : memref<256x128xf32, #tpu.memory_space<vmem>> -> memref<1x64xf32, #tpu.memory_space<vmem>>
      %dma_start3A_174 = tpu.memref_squeeze %dma_start3A_173 : memref<1x64xf32, #tpu.memory_space<vmem>> -> memref<64xf32, #tpu.memory_space<vmem>>
      %dma_start3A_175 = arith.constant 0 : i32
      %dma_start3A_176 = tpu.memref_slice %arg2[%squeeze3A_159, %squeeze3A_161, %dma_start3A_175] : memref<125000x8x64xf32, #tpu.memory_space<hbm>> -> memref<1x1x64xf32, #tpu.memory_space<hbm>>
      %dma_start3A_177 = tpu.memref_squeeze %dma_start3A_176 : memref<1x1x64xf32, #tpu.memory_space<hbm>> -> memref<64xf32, #tpu.memory_space<hbm>>
      tpu.enqueue_dma source(%dma_start3A_177 : memref<64xf32, #tpu.memory_space<hbm>>) target(%dma_start3A_174 : memref<64xf32, #tpu.memory_space<vmem>>) target_semaphore(%arg10 : memref<!tpu.dma_semaphore, #tpu.memory_space<semaphore_mem>>)
      %dma_start3A_178 = arith.constant 0 : i32
      %dma_start3A_179 = tpu.memref_slice %arg9[%add3A_165, %dma_start3A_178] : memref<256x128xf32, #tpu.memory_space<vmem>> -> memref<1x64xf32, #tpu.memory_space<vmem>>
      %dma_start3A_180 = tpu.memref_squeeze %dma_start3A_179 : memref<1x64xf32, #tpu.memory_space<vmem>> -> memref<64xf32, #tpu.memory_space<vmem>>
      %dma_start3A_181 = arith.constant 0 : i32
      %dma_start3A_182 = tpu.memref_slice %arg3[%squeeze3A_159, %squeeze3A_161, %dma_start3A_181] : memref<125000x8x64xf32, #tpu.memory_space<hbm>> -> memref<1x1x64xf32, #tpu.memory_space<hbm>>
      %dma_start3A_183 = tpu.memref_squeeze %dma_start3A_182 : memref<1x1x64xf32, #tpu.memory_space<hbm>> -> memref<64xf32, #tpu.memory_space<hbm>>
      %dma_start3A_184 = arith.constant 0 : i32
      %dma_start3A_185 = tpu.memref_slice %arg9[%add3A_165, %dma_start3A_184] : memref<256x128xf32, #tpu.memory_space<vmem>> -> memref<1x64xf32, #tpu.memory_space<vmem>>
      %dma_start3A_186 = tpu.memref_squeeze %dma_start3A_185 : memref<1x64xf32, #tpu.memory_space<vmem>> -> memref<64xf32, #tpu.memory_space<vmem>>
      %dma_start3A_187 = arith.constant 0 : i32
      %dma_start3A_188 = tpu.memref_slice %arg3[%squeeze3A_159, %squeeze3A_161, %dma_start3A_187] : memref<125000x8x64xf32, #tpu.memory_space<hbm>> -> memref<1x1x64xf32, #tpu.memory_space<hbm>>
      %dma_start3A_189 = tpu.memref_squeeze %dma_start3A_188 : memref<1x1x64xf32, #tpu.memory_space<hbm>> -> memref<64xf32, #tpu.memory_space<hbm>>
      tpu.enqueue_dma source(%dma_start3A_189 : memref<64xf32, #tpu.memory_space<hbm>>) target(%dma_start3A_186 : memref<64xf32, #tpu.memory_space<vmem>>) target_semaphore(%arg11 : memref<!tpu.dma_semaphore, #tpu.memory_space<semaphore_mem>>)
      %slice3A_190 = vector.extract_strided_slice %shift_right_logical3A_30 {offsets = [5], sizes = [1], strides = [1]} : vector<16xi32> to vector<1xi32>
      %squeeze3A_191 = vector.extract %slice3A_190[0] : i32 from vector<1xi32>
      %slice3A_192 = vector.extract_strided_slice %and3A_32 {offsets = [5], sizes = [1], strides = [1]} : vector<16xi32> to vector<1xi32>
      %squeeze3A_193 = vector.extract %slice3A_192[0] : i32 from vector<1xi32>
      %mul3A_194 = arith.constant 16 : i32
      %mul3A_195 = arith.muli %scan3A_22, %mul3A_194 : i32
      %add3A_196 = arith.constant 5 : i32
      %add3A_197 = arith.addi %mul3A_195, %add3A_196 : i32
      %dma_start3A_198 = arith.constant 0 : i32
      %dma_start3A_199 = tpu.memref_slice %arg8[%add3A_197, %dma_start3A_198] : memref<256x128xf32, #tpu.memory_space<vmem>> -> memref<1x64xf32, #tpu.memory_space<vmem>>
      %dma_start3A_200 = tpu.memref_squeeze %dma_start3A_199 : memref<1x64xf32, #tpu.memory_space<vmem>> -> memref<64xf32, #tpu.memory_space<vmem>>
      %dma_start3A_201 = arith.constant 0 : i32
      %dma_start3A_202 = tpu.memref_slice %arg2[%squeeze3A_191, %squeeze3A_193, %dma_start3A_201] : memref<125000x8x64xf32, #tpu.memory_space<hbm>> -> memref<1x1x64xf32, #tpu.memory_space<hbm>>
      %dma_start3A_203 = tpu.memref_squeeze %dma_start3A_202 : memref<1x1x64xf32, #tpu.memory_space<hbm>> -> memref<64xf32, #tpu.memory_space<hbm>>
      %dma_start3A_204 = arith.constant 0 : i32
      %dma_start3A_205 = tpu.memref_slice %arg8[%add3A_197, %dma_start3A_204] : memref<256x128xf32, #tpu.memory_space<vmem>> -> memref<1x64xf32, #tpu.memory_space<vmem>>
      %dma_start3A_206 = tpu.memref_squeeze %dma_start3A_205 : memref<1x64xf32, #tpu.memory_space<vmem>> -> memref<64xf32, #tpu.memory_space<vmem>>
      %dma_start3A_207 = arith.constant 0 : i32
      %dma_start3A_208 = tpu.memref_slice %arg2[%squeeze3A_191, %squeeze3A_193, %dma_start3A_207] : memref<125000x8x64xf32, #tpu.memory_space<hbm>> -> memref<1x1x64xf32, #tpu.memory_space<hbm>>
      %dma_start3A_209 = tpu.memref_squeeze %dma_start3A_208 : memref<1x1x64xf32, #tpu.memory_space<hbm>> -> memref<64xf32, #tpu.memory_space<hbm>>
      tpu.enqueue_dma source(%dma_start3A_209 : memref<64xf32, #tpu.memory_space<hbm>>) target(%dma_start3A_206 : memref<64xf32, #tpu.memory_space<vmem>>) target_semaphore(%arg10 : memref<!tpu.dma_semaphore, #tpu.memory_space<semaphore_mem>>)
      %dma_start3A_210 = arith.constant 0 : i32
      %dma_start3A_211 = tpu.memref_slice %arg9[%add3A_197, %dma_start3A_210] : memref<256x128xf32, #tpu.memory_space<vmem>> -> memref<1x64xf32, #tpu.memory_space<vmem>>
      %dma_start3A_212 = tpu.memref_squeeze %dma_start3A_211 : memref<1x64xf32, #tpu.memory_space<vmem>> -> memref<64xf32, #tpu.memory_space<vmem>>
      %dma_start3A_213 = arith.constant 0 : i32
      %dma_start3A_214 = tpu.memref_slice %arg3[%squeeze3A_191, %squeeze3A_193, %dma_start3A_213] : memref<125000x8x64xf32, #tpu.memory_space<hbm>> -> memref<1x1x64xf32, #tpu.memory_space<hbm>>
      %dma_start3A_215 = tpu.memref_squeeze %dma_start3A_214 : memref<1x1x64xf32, #tpu.memory_space<hbm>> -> memref<64xf32, #tpu.memory_space<hbm>>
      %dma_start3A_216 = arith.constant 0 : i32
      %dma_start3A_217 = tpu.memref_slice %arg9[%add3A_197, %dma_start3A_216] : memref<256x128xf32, #tpu.memory_space<vmem>> -> memref<1x64xf32, #tpu.memory_space<vmem>>
      %dma_start3A_218 = tpu.memref_squeeze %dma_start3A_217 : memref<1x64xf32, #tpu.memory_space<vmem>> -> memref<64xf32, #tpu.memory_space<vmem>>
      %dma_start3A_219 = arith.constant 0 : i32
      %dma_start3A_220 = tpu.memref_slice %arg3[%squeeze3A_191, %squeeze3A_193, %dma_start3A_219] : memref<125000x8x64xf32, #tpu.memory_space<hbm>> -> memref<1x1x64xf32, #tpu.memory_space<hbm>>
      %dma_start3A_221 = tpu.memref_squeeze %dma_start3A_220 : memref<1x1x64xf32, #tpu.memory_space<hbm>> -> memref<64xf32, #tpu.memory_space<hbm>>
      tpu.enqueue_dma source(%dma_start3A_221 : memref<64xf32, #tpu.memory_space<hbm>>) target(%dma_start3A_218 : memref<64xf32, #tpu.memory_space<vmem>>) target_semaphore(%arg11 : memref<!tpu.dma_semaphore, #tpu.memory_space<semaphore_mem>>)
      %slice3A_222 = vector.extract_strided_slice %shift_right_logical3A_30 {offsets = [6], sizes = [1], strides = [1]} : vector<16xi32> to vector<1xi32>
      %squeeze3A_223 = vector.extract %slice3A_222[0] : i32 from vector<1xi32>
      %slice3A_224 = vector.extract_strided_slice %and3A_32 {offsets = [6], sizes = [1], strides = [1]} : vector<16xi32> to vector<1xi32>
      %squeeze3A_225 = vector.extract %slice3A_224[0] : i32 from vector<1xi32>
      %mul3A_226 = arith.constant 16 : i32
      %mul3A_227 = arith.muli %scan3A_22, %mul3A_226 : i32
      %add3A_228 = arith.constant 6 : i32
      %add3A_229 = arith.addi %mul3A_227, %add3A_228 : i32
      %dma_start3A_230 = arith.constant 0 : i32
      %dma_start3A_231 = tpu.memref_slice %arg8[%add3A_229, %dma_start3A_230] : memref<256x128xf32, #tpu.memory_space<vmem>> -> memref<1x64xf32, #tpu.memory_space<vmem>>
      %dma_start3A_232 = tpu.memref_squeeze %dma_start3A_231 : memref<1x64xf32, #tpu.memory_space<vmem>> -> memref<64xf32, #tpu.memory_space<vmem>>
      %dma_start3A_233 = arith.constant 0 : i32
      %dma_start3A_234 = tpu.memref_slice %arg2[%squeeze3A_223, %squeeze3A_225, %dma_start3A_233] : memref<125000x8x64xf32, #tpu.memory_space<hbm>> -> memref<1x1x64xf32, #tpu.memory_space<hbm>>
      %dma_start3A_235 = tpu.memref_squeeze %dma_start3A_234 : memref<1x1x64xf32, #tpu.memory_space<hbm>> -> memref<64xf32, #tpu.memory_space<hbm>>
      %dma_start3A_236 = arith.constant 0 : i32
      %dma_start3A_237 = tpu.memref_slice %arg8[%add3A_229, %dma_start3A_236] : memref<256x128xf32, #tpu.memory_space<vmem>> -> memref<1x64xf32, #tpu.memory_space<vmem>>
      %dma_start3A_238 = tpu.memref_squeeze %dma_start3A_237 : memref<1x64xf32, #tpu.memory_space<vmem>> -> memref<64xf32, #tpu.memory_space<vmem>>
      %dma_start3A_239 = arith.constant 0 : i32
      %dma_start3A_240 = tpu.memref_slice %arg2[%squeeze3A_223, %squeeze3A_225, %dma_start3A_239] : memref<125000x8x64xf32, #tpu.memory_space<hbm>> -> memref<1x1x64xf32, #tpu.memory_space<hbm>>
      %dma_start3A_241 = tpu.memref_squeeze %dma_start3A_240 : memref<1x1x64xf32, #tpu.memory_space<hbm>> -> memref<64xf32, #tpu.memory_space<hbm>>
      tpu.enqueue_dma source(%dma_start3A_241 : memref<64xf32, #tpu.memory_space<hbm>>) target(%dma_start3A_238 : memref<64xf32, #tpu.memory_space<vmem>>) target_semaphore(%arg10 : memref<!tpu.dma_semaphore, #tpu.memory_space<semaphore_mem>>)
      %dma_start3A_242 = arith.constant 0 : i32
      %dma_start3A_243 = tpu.memref_slice %arg9[%add3A_229, %dma_start3A_242] : memref<256x128xf32, #tpu.memory_space<vmem>> -> memref<1x64xf32, #tpu.memory_space<vmem>>
      %dma_start3A_244 = tpu.memref_squeeze %dma_start3A_243 : memref<1x64xf32, #tpu.memory_space<vmem>> -> memref<64xf32, #tpu.memory_space<vmem>>
      %dma_start3A_245 = arith.constant 0 : i32
      %dma_start3A_246 = tpu.memref_slice %arg3[%squeeze3A_223, %squeeze3A_225, %dma_start3A_245] : memref<125000x8x64xf32, #tpu.memory_space<hbm>> -> memref<1x1x64xf32, #tpu.memory_space<hbm>>
      %dma_start3A_247 = tpu.memref_squeeze %dma_start3A_246 : memref<1x1x64xf32, #tpu.memory_space<hbm>> -> memref<64xf32, #tpu.memory_space<hbm>>
      %dma_start3A_248 = arith.constant 0 : i32
      %dma_start3A_249 = tpu.memref_slice %arg9[%add3A_229, %dma_start3A_248] : memref<256x128xf32, #tpu.memory_space<vmem>> -> memref<1x64xf32, #tpu.memory_space<vmem>>
      %dma_start3A_250 = tpu.memref_squeeze %dma_start3A_249 : memref<1x64xf32, #tpu.memory_space<vmem>> -> memref<64xf32, #tpu.memory_space<vmem>>
      %dma_start3A_251 = arith.constant 0 : i32
      %dma_start3A_252 = tpu.memref_slice %arg3[%squeeze3A_223, %squeeze3A_225, %dma_start3A_251] : memref<125000x8x64xf32, #tpu.memory_space<hbm>> -> memref<1x1x64xf32, #tpu.memory_space<hbm>>
      %dma_start3A_253 = tpu.memref_squeeze %dma_start3A_252 : memref<1x1x64xf32, #tpu.memory_space<hbm>> -> memref<64xf32, #tpu.memory_space<hbm>>
      tpu.enqueue_dma source(%dma_start3A_253 : memref<64xf32, #tpu.memory_space<hbm>>) target(%dma_start3A_250 : memref<64xf32, #tpu.memory_space<vmem>>) target_semaphore(%arg11 : memref<!tpu.dma_semaphore, #tpu.memory_space<semaphore_mem>>)
      %slice3A_254 = vector.extract_strided_slice %shift_right_logical3A_30 {offsets = [7], sizes = [1], strides = [1]} : vector<16xi32> to vector<1xi32>
      %squeeze3A_255 = vector.extract %slice3A_254[0] : i32 from vector<1xi32>
      %slice3A_256 = vector.extract_strided_slice %and3A_32 {offsets = [7], sizes = [1], strides = [1]} : vector<16xi32> to vector<1xi32>
      %squeeze3A_257 = vector.extract %slice3A_256[0] : i32 from vector<1xi32>
      %mul3A_258 = arith.constant 16 : i32
      %mul3A_259 = arith.muli %scan3A_22, %mul3A_258 : i32
      %add3A_260 = arith.constant 7 : i32
      %add3A_261 = arith.addi %mul3A_259, %add3A_260 : i32
      %dma_start3A_262 = arith.constant 0 : i32
      %dma_start3A_263 = tpu.memref_slice %arg8[%add3A_261, %dma_start3A_262] : memref<256x128xf32, #tpu.memory_space<vmem>> -> memref<1x64xf32, #tpu.memory_space<vmem>>
      %dma_start3A_264 = tpu.memref_squeeze %dma_start3A_263 : memref<1x64xf32, #tpu.memory_space<vmem>> -> memref<64xf32, #tpu.memory_space<vmem>>
      %dma_start3A_265 = arith.constant 0 : i32
      %dma_start3A_266 = tpu.memref_slice %arg2[%squeeze3A_255, %squeeze3A_257, %dma_start3A_265] : memref<125000x8x64xf32, #tpu.memory_space<hbm>> -> memref<1x1x64xf32, #tpu.memory_space<hbm>>
      %dma_start3A_267 = tpu.memref_squeeze %dma_start3A_266 : memref<1x1x64xf32, #tpu.memory_space<hbm>> -> memref<64xf32, #tpu.memory_space<hbm>>
      %dma_start3A_268 = arith.constant 0 : i32
      %dma_start3A_269 = tpu.memref_slice %arg8[%add3A_261, %dma_start3A_268] : memref<256x128xf32, #tpu.memory_space<vmem>> -> memref<1x64xf32, #tpu.memory_space<vmem>>
      %dma_start3A_270 = tpu.memref_squeeze %dma_start3A_269 : memref<1x64xf32, #tpu.memory_space<vmem>> -> memref<64xf32, #tpu.memory_space<vmem>>
      %dma_start3A_271 = arith.constant 0 : i32
      %dma_start3A_272 = tpu.memref_slice %arg2[%squeeze3A_255, %squeeze3A_257, %dma_start3A_271] : memref<125000x8x64xf32, #tpu.memory_space<hbm>> -> memref<1x1x64xf32, #tpu.memory_space<hbm>>
      %dma_start3A_273 = tpu.memref_squeeze %dma_start3A_272 : memref<1x1x64xf32, #tpu.memory_space<hbm>> -> memref<64xf32, #tpu.memory_space<hbm>>
      tpu.enqueue_dma source(%dma_start3A_273 : memref<64xf32, #tpu.memory_space<hbm>>) target(%dma_start3A_270 : memref<64xf32, #tpu.memory_space<vmem>>) target_semaphore(%arg10 : memref<!tpu.dma_semaphore, #tpu.memory_space<semaphore_mem>>)
      %dma_start3A_274 = arith.constant 0 : i32
      %dma_start3A_275 = tpu.memref_slice %arg9[%add3A_261, %dma_start3A_274] : memref<256x128xf32, #tpu.memory_space<vmem>> -> memref<1x64xf32, #tpu.memory_space<vmem>>
      %dma_start3A_276 = tpu.memref_squeeze %dma_start3A_275 : memref<1x64xf32, #tpu.memory_space<vmem>> -> memref<64xf32, #tpu.memory_space<vmem>>
      %dma_start3A_277 = arith.constant 0 : i32
      %dma_start3A_278 = tpu.memref_slice %arg3[%squeeze3A_255, %squeeze3A_257, %dma_start3A_277] : memref<125000x8x64xf32, #tpu.memory_space<hbm>> -> memref<1x1x64xf32, #tpu.memory_space<hbm>>
      %dma_start3A_279 = tpu.memref_squeeze %dma_start3A_278 : memref<1x1x64xf32, #tpu.memory_space<hbm>> -> memref<64xf32, #tpu.memory_space<hbm>>
      %dma_start3A_280 = arith.constant 0 : i32
      %dma_start3A_281 = tpu.memref_slice %arg9[%add3A_261, %dma_start3A_280] : memref<256x128xf32, #tpu.memory_space<vmem>> -> memref<1x64xf32, #tpu.memory_space<vmem>>
      %dma_start3A_282 = tpu.memref_squeeze %dma_start3A_281 : memref<1x64xf32, #tpu.memory_space<vmem>> -> memref<64xf32, #tpu.memory_space<vmem>>
      %dma_start3A_283 = arith.constant 0 : i32
      %dma_start3A_284 = tpu.memref_slice %arg3[%squeeze3A_255, %squeeze3A_257, %dma_start3A_283] : memref<125000x8x64xf32, #tpu.memory_space<hbm>> -> memref<1x1x64xf32, #tpu.memory_space<hbm>>
      %dma_start3A_285 = tpu.memref_squeeze %dma_start3A_284 : memref<1x1x64xf32, #tpu.memory_space<hbm>> -> memref<64xf32, #tpu.memory_space<hbm>>
      tpu.enqueue_dma source(%dma_start3A_285 : memref<64xf32, #tpu.memory_space<hbm>>) target(%dma_start3A_282 : memref<64xf32, #tpu.memory_space<vmem>>) target_semaphore(%arg11 : memref<!tpu.dma_semaphore, #tpu.memory_space<semaphore_mem>>)
      %slice3A_286 = vector.extract_strided_slice %shift_right_logical3A_30 {offsets = [8], sizes = [1], strides = [1]} : vector<16xi32> to vector<1xi32>
      %squeeze3A_287 = vector.extract %slice3A_286[0] : i32 from vector<1xi32>
      %slice3A_288 = vector.extract_strided_slice %and3A_32 {offsets = [8], sizes = [1], strides = [1]} : vector<16xi32> to vector<1xi32>
      %squeeze3A_289 = vector.extract %slice3A_288[0] : i32 from vector<1xi32>
      %mul3A_290 = arith.constant 16 : i32
      %mul3A_291 = arith.muli %scan3A_22, %mul3A_290 : i32
      %add3A_292 = arith.constant 8 : i32
      %add3A_293 = arith.addi %mul3A_291, %add3A_292 : i32
      %dma_start3A_294 = arith.constant 0 : i32
      %dma_start3A_295 = tpu.memref_slice %arg8[%add3A_293, %dma_start3A_294] : memref<256x128xf32, #tpu.memory_space<vmem>> -> memref<1x64xf32, #tpu.memory_space<vmem>>
      %dma_start3A_296 = tpu.memref_squeeze %dma_start3A_295 : memref<1x64xf32, #tpu.memory_space<vmem>> -> memref<64xf32, #tpu.memory_space<vmem>>
      %dma_start3A_297 = arith.constant 0 : i32
      %dma_start3A_298 = tpu.memref_slice %arg2[%squeeze3A_287, %squeeze3A_289, %dma_start3A_297] : memref<125000x8x64xf32, #tpu.memory_space<hbm>> -> memref<1x1x64xf32, #tpu.memory_space<hbm>>
      %dma_start3A_299 = tpu.memref_squeeze %dma_start3A_298 : memref<1x1x64xf32, #tpu.memory_space<hbm>> -> memref<64xf32, #tpu.memory_space<hbm>>
      %dma_start3A_300 = arith.constant 0 : i32
      %dma_start3A_301 = tpu.memref_slice %arg8[%add3A_293, %dma_start3A_300] : memref<256x128xf32, #tpu.memory_space<vmem>> -> memref<1x64xf32, #tpu.memory_space<vmem>>
      %dma_start3A_302 = tpu.memref_squeeze %dma_start3A_301 : memref<1x64xf32, #tpu.memory_space<vmem>> -> memref<64xf32, #tpu.memory_space<vmem>>
      %dma_start3A_303 = arith.constant 0 : i32
      %dma_start3A_304 = tpu.memref_slice %arg2[%squeeze3A_287, %squeeze3A_289, %dma_start3A_303] : memref<125000x8x64xf32, #tpu.memory_space<hbm>> -> memref<1x1x64xf32, #tpu.memory_space<hbm>>
      %dma_start3A_305 = tpu.memref_squeeze %dma_start3A_304 : memref<1x1x64xf32, #tpu.memory_space<hbm>> -> memref<64xf32, #tpu.memory_space<hbm>>
      tpu.enqueue_dma source(%dma_start3A_305 : memref<64xf32, #tpu.memory_space<hbm>>) target(%dma_start3A_302 : memref<64xf32, #tpu.memory_space<vmem>>) target_semaphore(%arg10 : memref<!tpu.dma_semaphore, #tpu.memory_space<semaphore_mem>>)
      %dma_start3A_306 = arith.constant 0 : i32
      %dma_start3A_307 = tpu.memref_slice %arg9[%add3A_293, %dma_start3A_306] : memref<256x128xf32, #tpu.memory_space<vmem>> -> memref<1x64xf32, #tpu.memory_space<vmem>>
      %dma_start3A_308 = tpu.memref_squeeze %dma_start3A_307 : memref<1x64xf32, #tpu.memory_space<vmem>> -> memref<64xf32, #tpu.memory_space<vmem>>
      %dma_start3A_309 = arith.constant 0 : i32
      %dma_start3A_310 = tpu.memref_slice %arg3[%squeeze3A_287, %squeeze3A_289, %dma_start3A_309] : memref<125000x8x64xf32, #tpu.memory_space<hbm>> -> memref<1x1x64xf32, #tpu.memory_space<hbm>>
      %dma_start3A_311 = tpu.memref_squeeze %dma_start3A_310 : memref<1x1x64xf32, #tpu.memory_space<hbm>> -> memref<64xf32, #tpu.memory_space<hbm>>
      %dma_start3A_312 = arith.constant 0 : i32
      %dma_start3A_313 = tpu.memref_slice %arg9[%add3A_293, %dma_start3A_312] : memref<256x128xf32, #tpu.memory_space<vmem>> -> memref<1x64xf32, #tpu.memory_space<vmem>>
      %dma_start3A_314 = tpu.memref_squeeze %dma_start3A_313 : memref<1x64xf32, #tpu.memory_space<vmem>> -> memref<64xf32, #tpu.memory_space<vmem>>
      %dma_start3A_315 = arith.constant 0 : i32
      %dma_start3A_316 = tpu.memref_slice %arg3[%squeeze3A_287, %squeeze3A_289, %dma_start3A_315] : memref<125000x8x64xf32, #tpu.memory_space<hbm>> -> memref<1x1x64xf32, #tpu.memory_space<hbm>>
      %dma_start3A_317 = tpu.memref_squeeze %dma_start3A_316 : memref<1x1x64xf32, #tpu.memory_space<hbm>> -> memref<64xf32, #tpu.memory_space<hbm>>
      tpu.enqueue_dma source(%dma_start3A_317 : memref<64xf32, #tpu.memory_space<hbm>>) target(%dma_start3A_314 : memref<64xf32, #tpu.memory_space<vmem>>) target_semaphore(%arg11 : memref<!tpu.dma_semaphore, #tpu.memory_space<semaphore_mem>>)
      %slice3A_318 = vector.extract_strided_slice %shift_right_logical3A_30 {offsets = [9], sizes = [1], strides = [1]} : vector<16xi32> to vector<1xi32>
      %squeeze3A_319 = vector.extract %slice3A_318[0] : i32 from vector<1xi32>
      %slice3A_320 = vector.extract_strided_slice %and3A_32 {offsets = [9], sizes = [1], strides = [1]} : vector<16xi32> to vector<1xi32>
      %squeeze3A_321 = vector.extract %slice3A_320[0] : i32 from vector<1xi32>
      %mul3A_322 = arith.constant 16 : i32
      %mul3A_323 = arith.muli %scan3A_22, %mul3A_322 : i32
      %add3A_324 = arith.constant 9 : i32
      %add3A_325 = arith.addi %mul3A_323, %add3A_324 : i32
      %dma_start3A_326 = arith.constant 0 : i32
      %dma_start3A_327 = tpu.memref_slice %arg8[%add3A_325, %dma_start3A_326] : memref<256x128xf32, #tpu.memory_space<vmem>> -> memref<1x64xf32, #tpu.memory_space<vmem>>
      %dma_start3A_328 = tpu.memref_squeeze %dma_start3A_327 : memref<1x64xf32, #tpu.memory_space<vmem>> -> memref<64xf32, #tpu.memory_space<vmem>>
      %dma_start3A_329 = arith.constant 0 : i32
      %dma_start3A_330 = tpu.memref_slice %arg2[%squeeze3A_319, %squeeze3A_321, %dma_start3A_329] : memref<125000x8x64xf32, #tpu.memory_space<hbm>> -> memref<1x1x64xf32, #tpu.memory_space<hbm>>
      %dma_start3A_331 = tpu.memref_squeeze %dma_start3A_330 : memref<1x1x64xf32, #tpu.memory_space<hbm>> -> memref<64xf32, #tpu.memory_space<hbm>>
      %dma_start3A_332 = arith.constant 0 : i32
      %dma_start3A_333 = tpu.memref_slice %arg8[%add3A_325, %dma_start3A_332] : memref<256x128xf32, #tpu.memory_space<vmem>> -> memref<1x64xf32, #tpu.memory_space<vmem>>
      %dma_start3A_334 = tpu.memref_squeeze %dma_start3A_333 : memref<1x64xf32, #tpu.memory_space<vmem>> -> memref<64xf32, #tpu.memory_space<vmem>>
      %dma_start3A_335 = arith.constant 0 : i32
      %dma_start3A_336 = tpu.memref_slice %arg2[%squeeze3A_319, %squeeze3A_321, %dma_start3A_335] : memref<125000x8x64xf32, #tpu.memory_space<hbm>> -> memref<1x1x64xf32, #tpu.memory_space<hbm>>
      %dma_start3A_337 = tpu.memref_squeeze %dma_start3A_336 : memref<1x1x64xf32, #tpu.memory_space<hbm>> -> memref<64xf32, #tpu.memory_space<hbm>>
      tpu.enqueue_dma source(%dma_start3A_337 : memref<64xf32, #tpu.memory_space<hbm>>) target(%dma_start3A_334 : memref<64xf32, #tpu.memory_space<vmem>>) target_semaphore(%arg10 : memref<!tpu.dma_semaphore, #tpu.memory_space<semaphore_mem>>)
      %dma_start3A_338 = arith.constant 0 : i32
      %dma_start3A_339 = tpu.memref_slice %arg9[%add3A_325, %dma_start3A_338] : memref<256x128xf32, #tpu.memory_space<vmem>> -> memref<1x64xf32, #tpu.memory_space<vmem>>
      %dma_start3A_340 = tpu.memref_squeeze %dma_start3A_339 : memref<1x64xf32, #tpu.memory_space<vmem>> -> memref<64xf32, #tpu.memory_space<vmem>>
      %dma_start3A_341 = arith.constant 0 : i32
      %dma_start3A_342 = tpu.memref_slice %arg3[%squeeze3A_319, %squeeze3A_321, %dma_start3A_341] : memref<125000x8x64xf32, #tpu.memory_space<hbm>> -> memref<1x1x64xf32, #tpu.memory_space<hbm>>
      %dma_start3A_343 = tpu.memref_squeeze %dma_start3A_342 : memref<1x1x64xf32, #tpu.memory_space<hbm>> -> memref<64xf32, #tpu.memory_space<hbm>>
      %dma_start3A_344 = arith.constant 0 : i32
      %dma_start3A_345 = tpu.memref_slice %arg9[%add3A_325, %dma_start3A_344] : memref<256x128xf32, #tpu.memory_space<vmem>> -> memref<1x64xf32, #tpu.memory_space<vmem>>
      %dma_start3A_346 = tpu.memref_squeeze %dma_start3A_345 : memref<1x64xf32, #tpu.memory_space<vmem>> -> memref<64xf32, #tpu.memory_space<vmem>>
      %dma_start3A_347 = arith.constant 0 : i32
      %dma_start3A_348 = tpu.memref_slice %arg3[%squeeze3A_319, %squeeze3A_321, %dma_start3A_347] : memref<125000x8x64xf32, #tpu.memory_space<hbm>> -> memref<1x1x64xf32, #tpu.memory_space<hbm>>
      %dma_start3A_349 = tpu.memref_squeeze %dma_start3A_348 : memref<1x1x64xf32, #tpu.memory_space<hbm>> -> memref<64xf32, #tpu.memory_space<hbm>>
      tpu.enqueue_dma source(%dma_start3A_349 : memref<64xf32, #tpu.memory_space<hbm>>) target(%dma_start3A_346 : memref<64xf32, #tpu.memory_space<vmem>>) target_semaphore(%arg11 : memref<!tpu.dma_semaphore, #tpu.memory_space<semaphore_mem>>)
      %slice3A_350 = vector.extract_strided_slice %shift_right_logical3A_30 {offsets = [10], sizes = [1], strides = [1]} : vector<16xi32> to vector<1xi32>
      %squeeze3A_351 = vector.extract %slice3A_350[0] : i32 from vector<1xi32>
      %slice3A_352 = vector.extract_strided_slice %and3A_32 {offsets = [10], sizes = [1], strides = [1]} : vector<16xi32> to vector<1xi32>
      %squeeze3A_353 = vector.extract %slice3A_352[0] : i32 from vector<1xi32>
      %mul3A_354 = arith.constant 16 : i32
      %mul3A_355 = arith.muli %scan3A_22, %mul3A_354 : i32
      %add3A_356 = arith.constant 10 : i32
      %add3A_357 = arith.addi %mul3A_355, %add3A_356 : i32
      %dma_start3A_358 = arith.constant 0 : i32
      %dma_start3A_359 = tpu.memref_slice %arg8[%add3A_357, %dma_start3A_358] : memref<256x128xf32, #tpu.memory_space<vmem>> -> memref<1x64xf32, #tpu.memory_space<vmem>>
      %dma_start3A_360 = tpu.memref_squeeze %dma_start3A_359 : memref<1x64xf32, #tpu.memory_space<vmem>> -> memref<64xf32, #tpu.memory_space<vmem>>
      %dma_start3A_361 = arith.constant 0 : i32
      %dma_start3A_362 = tpu.memref_slice %arg2[%squeeze3A_351, %squeeze3A_353, %dma_start3A_361] : memref<125000x8x64xf32, #tpu.memory_space<hbm>> -> memref<1x1x64xf32, #tpu.memory_space<hbm>>
      %dma_start3A_363 = tpu.memref_squeeze %dma_start3A_362 : memref<1x1x64xf32, #tpu.memory_space<hbm>> -> memref<64xf32, #tpu.memory_space<hbm>>
      %dma_start3A_364 = arith.constant 0 : i32
      %dma_start3A_365 = tpu.memref_slice %arg8[%add3A_357, %dma_start3A_364] : memref<256x128xf32, #tpu.memory_space<vmem>> -> memref<1x64xf32, #tpu.memory_space<vmem>>
      %dma_start3A_366 = tpu.memref_squeeze %dma_start3A_365 : memref<1x64xf32, #tpu.memory_space<vmem>> -> memref<64xf32, #tpu.memory_space<vmem>>
      %dma_start3A_367 = arith.constant 0 : i32
      %dma_start3A_368 = tpu.memref_slice %arg2[%squeeze3A_351, %squeeze3A_353, %dma_start3A_367] : memref<125000x8x64xf32, #tpu.memory_space<hbm>> -> memref<1x1x64xf32, #tpu.memory_space<hbm>>
      %dma_start3A_369 = tpu.memref_squeeze %dma_start3A_368 : memref<1x1x64xf32, #tpu.memory_space<hbm>> -> memref<64xf32, #tpu.memory_space<hbm>>
      tpu.enqueue_dma source(%dma_start3A_369 : memref<64xf32, #tpu.memory_space<hbm>>) target(%dma_start3A_366 : memref<64xf32, #tpu.memory_space<vmem>>) target_semaphore(%arg10 : memref<!tpu.dma_semaphore, #tpu.memory_space<semaphore_mem>>)
      %dma_start3A_370 = arith.constant 0 : i32
      %dma_start3A_371 = tpu.memref_slice %arg9[%add3A_357, %dma_start3A_370] : memref<256x128xf32, #tpu.memory_space<vmem>> -> memref<1x64xf32, #tpu.memory_space<vmem>>
      %dma_start3A_372 = tpu.memref_squeeze %dma_start3A_371 : memref<1x64xf32, #tpu.memory_space<vmem>> -> memref<64xf32, #tpu.memory_space<vmem>>
      %dma_start3A_373 = arith.constant 0 : i32
      %dma_start3A_374 = tpu.memref_slice %arg3[%squeeze3A_351, %squeeze3A_353, %dma_start3A_373] : memref<125000x8x64xf32, #tpu.memory_space<hbm>> -> memref<1x1x64xf32, #tpu.memory_space<hbm>>
      %dma_start3A_375 = tpu.memref_squeeze %dma_start3A_374 : memref<1x1x64xf32, #tpu.memory_space<hbm>> -> memref<64xf32, #tpu.memory_space<hbm>>
      %dma_start3A_376 = arith.constant 0 : i32
      %dma_start3A_377 = tpu.memref_slice %arg9[%add3A_357, %dma_start3A_376] : memref<256x128xf32, #tpu.memory_space<vmem>> -> memref<1x64xf32, #tpu.memory_space<vmem>>
      %dma_start3A_378 = tpu.memref_squeeze %dma_start3A_377 : memref<1x64xf32, #tpu.memory_space<vmem>> -> memref<64xf32, #tpu.memory_space<vmem>>
      %dma_start3A_379 = arith.constant 0 : i32
      %dma_start3A_380 = tpu.memref_slice %arg3[%squeeze3A_351, %squeeze3A_353, %dma_start3A_379] : memref<125000x8x64xf32, #tpu.memory_space<hbm>> -> memref<1x1x64xf32, #tpu.memory_space<hbm>>
      %dma_start3A_381 = tpu.memref_squeeze %dma_start3A_380 : memref<1x1x64xf32, #tpu.memory_space<hbm>> -> memref<64xf32, #tpu.memory_space<hbm>>
      tpu.enqueue_dma source(%dma_start3A_381 : memref<64xf32, #tpu.memory_space<hbm>>) target(%dma_start3A_378 : memref<64xf32, #tpu.memory_space<vmem>>) target_semaphore(%arg11 : memref<!tpu.dma_semaphore, #tpu.memory_space<semaphore_mem>>)
      %slice3A_382 = vector.extract_strided_slice %shift_right_logical3A_30 {offsets = [11], sizes = [1], strides = [1]} : vector<16xi32> to vector<1xi32>
      %squeeze3A_383 = vector.extract %slice3A_382[0] : i32 from vector<1xi32>
      %slice3A_384 = vector.extract_strided_slice %and3A_32 {offsets = [11], sizes = [1], strides = [1]} : vector<16xi32> to vector<1xi32>
      %squeeze3A_385 = vector.extract %slice3A_384[0] : i32 from vector<1xi32>
      %mul3A_386 = arith.constant 16 : i32
      %mul3A_387 = arith.muli %scan3A_22, %mul3A_386 : i32
      %add3A_388 = arith.constant 11 : i32
      %add3A_389 = arith.addi %mul3A_387, %add3A_388 : i32
      %dma_start3A_390 = arith.constant 0 : i32
      %dma_start3A_391 = tpu.memref_slice %arg8[%add3A_389, %dma_start3A_390] : memref<256x128xf32, #tpu.memory_space<vmem>> -> memref<1x64xf32, #tpu.memory_space<vmem>>
      %dma_start3A_392 = tpu.memref_squeeze %dma_start3A_391 : memref<1x64xf32, #tpu.memory_space<vmem>> -> memref<64xf32, #tpu.memory_space<vmem>>
      %dma_start3A_393 = arith.constant 0 : i32
      %dma_start3A_394 = tpu.memref_slice %arg2[%squeeze3A_383, %squeeze3A_385, %dma_start3A_393] : memref<125000x8x64xf32, #tpu.memory_space<hbm>> -> memref<1x1x64xf32, #tpu.memory_space<hbm>>
      %dma_start3A_395 = tpu.memref_squeeze %dma_start3A_394 : memref<1x1x64xf32, #tpu.memory_space<hbm>> -> memref<64xf32, #tpu.memory_space<hbm>>
      %dma_start3A_396 = arith.constant 0 : i32
      %dma_start3A_397 = tpu.memref_slice %arg8[%add3A_389, %dma_start3A_396] : memref<256x128xf32, #tpu.memory_space<vmem>> -> memref<1x64xf32, #tpu.memory_space<vmem>>
      %dma_start3A_398 = tpu.memref_squeeze %dma_start3A_397 : memref<1x64xf32, #tpu.memory_space<vmem>> -> memref<64xf32, #tpu.memory_space<vmem>>
      %dma_start3A_399 = arith.constant 0 : i32
      %dma_start3A_400 = tpu.memref_slice %arg2[%squeeze3A_383, %squeeze3A_385, %dma_start3A_399] : memref<125000x8x64xf32, #tpu.memory_space<hbm>> -> memref<1x1x64xf32, #tpu.memory_space<hbm>>
      %dma_start3A_401 = tpu.memref_squeeze %dma_start3A_400 : memref<1x1x64xf32, #tpu.memory_space<hbm>> -> memref<64xf32, #tpu.memory_space<hbm>>
      tpu.enqueue_dma source(%dma_start3A_401 : memref<64xf32, #tpu.memory_space<hbm>>) target(%dma_start3A_398 : memref<64xf32, #tpu.memory_space<vmem>>) target_semaphore(%arg10 : memref<!tpu.dma_semaphore, #tpu.memory_space<semaphore_mem>>)
      %dma_start3A_402 = arith.constant 0 : i32
      %dma_start3A_403 = tpu.memref_slice %arg9[%add3A_389, %dma_start3A_402] : memref<256x128xf32, #tpu.memory_space<vmem>> -> memref<1x64xf32, #tpu.memory_space<vmem>>
      %dma_start3A_404 = tpu.memref_squeeze %dma_start3A_403 : memref<1x64xf32, #tpu.memory_space<vmem>> -> memref<64xf32, #tpu.memory_space<vmem>>
      %dma_start3A_405 = arith.constant 0 : i32
      %dma_start3A_406 = tpu.memref_slice %arg3[%squeeze3A_383, %squeeze3A_385, %dma_start3A_405] : memref<125000x8x64xf32, #tpu.memory_space<hbm>> -> memref<1x1x64xf32, #tpu.memory_space<hbm>>
      %dma_start3A_407 = tpu.memref_squeeze %dma_start3A_406 : memref<1x1x64xf32, #tpu.memory_space<hbm>> -> memref<64xf32, #tpu.memory_space<hbm>>
      %dma_start3A_408 = arith.constant 0 : i32
      %dma_start3A_409 = tpu.memref_slice %arg9[%add3A_389, %dma_start3A_408] : memref<256x128xf32, #tpu.memory_space<vmem>> -> memref<1x64xf32, #tpu.memory_space<vmem>>
      %dma_start3A_410 = tpu.memref_squeeze %dma_start3A_409 : memref<1x64xf32, #tpu.memory_space<vmem>> -> memref<64xf32, #tpu.memory_space<vmem>>
      %dma_start3A_411 = arith.constant 0 : i32
      %dma_start3A_412 = tpu.memref_slice %arg3[%squeeze3A_383, %squeeze3A_385, %dma_start3A_411] : memref<125000x8x64xf32, #tpu.memory_space<hbm>> -> memref<1x1x64xf32, #tpu.memory_space<hbm>>
      %dma_start3A_413 = tpu.memref_squeeze %dma_start3A_412 : memref<1x1x64xf32, #tpu.memory_space<hbm>> -> memref<64xf32, #tpu.memory_space<hbm>>
      tpu.enqueue_dma source(%dma_start3A_413 : memref<64xf32, #tpu.memory_space<hbm>>) target(%dma_start3A_410 : memref<64xf32, #tpu.memory_space<vmem>>) target_semaphore(%arg11 : memref<!tpu.dma_semaphore, #tpu.memory_space<semaphore_mem>>)
      %slice3A_414 = vector.extract_strided_slice %shift_right_logical3A_30 {offsets = [12], sizes = [1], strides = [1]} : vector<16xi32> to vector<1xi32>
      %squeeze3A_415 = vector.extract %slice3A_414[0] : i32 from vector<1xi32>
      %slice3A_416 = vector.extract_strided_slice %and3A_32 {offsets = [12], sizes = [1], strides = [1]} : vector<16xi32> to vector<1xi32>
      %squeeze3A_417 = vector.extract %slice3A_416[0] : i32 from vector<1xi32>
      %mul3A_418 = arith.constant 16 : i32
      %mul3A_419 = arith.muli %scan3A_22, %mul3A_418 : i32
      %add3A_420 = arith.constant 12 : i32
      %add3A_421 = arith.addi %mul3A_419, %add3A_420 : i32
      %dma_start3A_422 = arith.constant 0 : i32
      %dma_start3A_423 = tpu.memref_slice %arg8[%add3A_421, %dma_start3A_422] : memref<256x128xf32, #tpu.memory_space<vmem>> -> memref<1x64xf32, #tpu.memory_space<vmem>>
      %dma_start3A_424 = tpu.memref_squeeze %dma_start3A_423 : memref<1x64xf32, #tpu.memory_space<vmem>> -> memref<64xf32, #tpu.memory_space<vmem>>
      %dma_start3A_425 = arith.constant 0 : i32
      %dma_start3A_426 = tpu.memref_slice %arg2[%squeeze3A_415, %squeeze3A_417, %dma_start3A_425] : memref<125000x8x64xf32, #tpu.memory_space<hbm>> -> memref<1x1x64xf32, #tpu.memory_space<hbm>>
      %dma_start3A_427 = tpu.memref_squeeze %dma_start3A_426 : memref<1x1x64xf32, #tpu.memory_space<hbm>> -> memref<64xf32, #tpu.memory_space<hbm>>
      %dma_start3A_428 = arith.constant 0 : i32
      %dma_start3A_429 = tpu.memref_slice %arg8[%add3A_421, %dma_start3A_428] : memref<256x128xf32, #tpu.memory_space<vmem>> -> memref<1x64xf32, #tpu.memory_space<vmem>>
      %dma_start3A_430 = tpu.memref_squeeze %dma_start3A_429 : memref<1x64xf32, #tpu.memory_space<vmem>> -> memref<64xf32, #tpu.memory_space<vmem>>
      %dma_start3A_431 = arith.constant 0 : i32
      %dma_start3A_432 = tpu.memref_slice %arg2[%squeeze3A_415, %squeeze3A_417, %dma_start3A_431] : memref<125000x8x64xf32, #tpu.memory_space<hbm>> -> memref<1x1x64xf32, #tpu.memory_space<hbm>>
      %dma_start3A_433 = tpu.memref_squeeze %dma_start3A_432 : memref<1x1x64xf32, #tpu.memory_space<hbm>> -> memref<64xf32, #tpu.memory_space<hbm>>
      tpu.enqueue_dma source(%dma_start3A_433 : memref<64xf32, #tpu.memory_space<hbm>>) target(%dma_start3A_430 : memref<64xf32, #tpu.memory_space<vmem>>) target_semaphore(%arg10 : memref<!tpu.dma_semaphore, #tpu.memory_space<semaphore_mem>>)
      %dma_start3A_434 = arith.constant 0 : i32
      %dma_start3A_435 = tpu.memref_slice %arg9[%add3A_421, %dma_start3A_434] : memref<256x128xf32, #tpu.memory_space<vmem>> -> memref<1x64xf32, #tpu.memory_space<vmem>>
      %dma_start3A_436 = tpu.memref_squeeze %dma_start3A_435 : memref<1x64xf32, #tpu.memory_space<vmem>> -> memref<64xf32, #tpu.memory_space<vmem>>
      %dma_start3A_437 = arith.constant 0 : i32
      %dma_start3A_438 = tpu.memref_slice %arg3[%squeeze3A_415, %squeeze3A_417, %dma_start3A_437] : memref<125000x8x64xf32, #tpu.memory_space<hbm>> -> memref<1x1x64xf32, #tpu.memory_space<hbm>>
      %dma_start3A_439 = tpu.memref_squeeze %dma_start3A_438 : memref<1x1x64xf32, #tpu.memory_space<hbm>> -> memref<64xf32, #tpu.memory_space<hbm>>
      %dma_start3A_440 = arith.constant 0 : i32
      %dma_start3A_441 = tpu.memref_slice %arg9[%add3A_421, %dma_start3A_440] : memref<256x128xf32, #tpu.memory_space<vmem>> -> memref<1x64xf32, #tpu.memory_space<vmem>>
      %dma_start3A_442 = tpu.memref_squeeze %dma_start3A_441 : memref<1x64xf32, #tpu.memory_space<vmem>> -> memref<64xf32, #tpu.memory_space<vmem>>
      %dma_start3A_443 = arith.constant 0 : i32
      %dma_start3A_444 = tpu.memref_slice %arg3[%squeeze3A_415, %squeeze3A_417, %dma_start3A_443] : memref<125000x8x64xf32, #tpu.memory_space<hbm>> -> memref<1x1x64xf32, #tpu.memory_space<hbm>>
      %dma_start3A_445 = tpu.memref_squeeze %dma_start3A_444 : memref<1x1x64xf32, #tpu.memory_space<hbm>> -> memref<64xf32, #tpu.memory_space<hbm>>
      tpu.enqueue_dma source(%dma_start3A_445 : memref<64xf32, #tpu.memory_space<hbm>>) target(%dma_start3A_442 : memref<64xf32, #tpu.memory_space<vmem>>) target_semaphore(%arg11 : memref<!tpu.dma_semaphore, #tpu.memory_space<semaphore_mem>>)
      %slice3A_446 = vector.extract_strided_slice %shift_right_logical3A_30 {offsets = [13], sizes = [1], strides = [1]} : vector<16xi32> to vector<1xi32>
      %squeeze3A_447 = vector.extract %slice3A_446[0] : i32 from vector<1xi32>
      %slice3A_448 = vector.extract_strided_slice %and3A_32 {offsets = [13], sizes = [1], strides = [1]} : vector<16xi32> to vector<1xi32>
      %squeeze3A_449 = vector.extract %slice3A_448[0] : i32 from vector<1xi32>
      %mul3A_450 = arith.constant 16 : i32
      %mul3A_451 = arith.muli %scan3A_22, %mul3A_450 : i32
      %add3A_452 = arith.constant 13 : i32
      %add3A_453 = arith.addi %mul3A_451, %add3A_452 : i32
      %dma_start3A_454 = arith.constant 0 : i32
      %dma_start3A_455 = tpu.memref_slice %arg8[%add3A_453, %dma_start3A_454] : memref<256x128xf32, #tpu.memory_space<vmem>> -> memref<1x64xf32, #tpu.memory_space<vmem>>
      %dma_start3A_456 = tpu.memref_squeeze %dma_start3A_455 : memref<1x64xf32, #tpu.memory_space<vmem>> -> memref<64xf32, #tpu.memory_space<vmem>>
      %dma_start3A_457 = arith.constant 0 : i32
      %dma_start3A_458 = tpu.memref_slice %arg2[%squeeze3A_447, %squeeze3A_449, %dma_start3A_457] : memref<125000x8x64xf32, #tpu.memory_space<hbm>> -> memref<1x1x64xf32, #tpu.memory_space<hbm>>
      %dma_start3A_459 = tpu.memref_squeeze %dma_start3A_458 : memref<1x1x64xf32, #tpu.memory_space<hbm>> -> memref<64xf32, #tpu.memory_space<hbm>>
      %dma_start3A_460 = arith.constant 0 : i32
      %dma_start3A_461 = tpu.memref_slice %arg8[%add3A_453, %dma_start3A_460] : memref<256x128xf32, #tpu.memory_space<vmem>> -> memref<1x64xf32, #tpu.memory_space<vmem>>
      %dma_start3A_462 = tpu.memref_squeeze %dma_start3A_461 : memref<1x64xf32, #tpu.memory_space<vmem>> -> memref<64xf32, #tpu.memory_space<vmem>>
      %dma_start3A_463 = arith.constant 0 : i32
      %dma_start3A_464 = tpu.memref_slice %arg2[%squeeze3A_447, %squeeze3A_449, %dma_start3A_463] : memref<125000x8x64xf32, #tpu.memory_space<hbm>> -> memref<1x1x64xf32, #tpu.memory_space<hbm>>
      %dma_start3A_465 = tpu.memref_squeeze %dma_start3A_464 : memref<1x1x64xf32, #tpu.memory_space<hbm>> -> memref<64xf32, #tpu.memory_space<hbm>>
      tpu.enqueue_dma source(%dma_start3A_465 : memref<64xf32, #tpu.memory_space<hbm>>) target(%dma_start3A_462 : memref<64xf32, #tpu.memory_space<vmem>>) target_semaphore(%arg10 : memref<!tpu.dma_semaphore, #tpu.memory_space<semaphore_mem>>)
      %dma_start3A_466 = arith.constant 0 : i32
      %dma_start3A_467 = tpu.memref_slice %arg9[%add3A_453, %dma_start3A_466] : memref<256x128xf32, #tpu.memory_space<vmem>> -> memref<1x64xf32, #tpu.memory_space<vmem>>
      %dma_start3A_468 = tpu.memref_squeeze %dma_start3A_467 : memref<1x64xf32, #tpu.memory_space<vmem>> -> memref<64xf32, #tpu.memory_space<vmem>>
      %dma_start3A_469 = arith.constant 0 : i32
      %dma_start3A_470 = tpu.memref_slice %arg3[%squeeze3A_447, %squeeze3A_449, %dma_start3A_469] : memref<125000x8x64xf32, #tpu.memory_space<hbm>> -> memref<1x1x64xf32, #tpu.memory_space<hbm>>
      %dma_start3A_471 = tpu.memref_squeeze %dma_start3A_470 : memref<1x1x64xf32, #tpu.memory_space<hbm>> -> memref<64xf32, #tpu.memory_space<hbm>>
      %dma_start3A_472 = arith.constant 0 : i32
      %dma_start3A_473 = tpu.memref_slice %arg9[%add3A_453, %dma_start3A_472] : memref<256x128xf32, #tpu.memory_space<vmem>> -> memref<1x64xf32, #tpu.memory_space<vmem>>
      %dma_start3A_474 = tpu.memref_squeeze %dma_start3A_473 : memref<1x64xf32, #tpu.memory_space<vmem>> -> memref<64xf32, #tpu.memory_space<vmem>>
      %dma_start3A_475 = arith.constant 0 : i32
      %dma_start3A_476 = tpu.memref_slice %arg3[%squeeze3A_447, %squeeze3A_449, %dma_start3A_475] : memref<125000x8x64xf32, #tpu.memory_space<hbm>> -> memref<1x1x64xf32, #tpu.memory_space<hbm>>
      %dma_start3A_477 = tpu.memref_squeeze %dma_start3A_476 : memref<1x1x64xf32, #tpu.memory_space<hbm>> -> memref<64xf32, #tpu.memory_space<hbm>>
      tpu.enqueue_dma source(%dma_start3A_477 : memref<64xf32, #tpu.memory_space<hbm>>) target(%dma_start3A_474 : memref<64xf32, #tpu.memory_space<vmem>>) target_semaphore(%arg11 : memref<!tpu.dma_semaphore, #tpu.memory_space<semaphore_mem>>)
      %slice3A_478 = vector.extract_strided_slice %shift_right_logical3A_30 {offsets = [14], sizes = [1], strides = [1]} : vector<16xi32> to vector<1xi32>
      %squeeze3A_479 = vector.extract %slice3A_478[0] : i32 from vector<1xi32>
      %slice3A_480 = vector.extract_strided_slice %and3A_32 {offsets = [14], sizes = [1], strides = [1]} : vector<16xi32> to vector<1xi32>
      %squeeze3A_481 = vector.extract %slice3A_480[0] : i32 from vector<1xi32>
      %mul3A_482 = arith.constant 16 : i32
      %mul3A_483 = arith.muli %scan3A_22, %mul3A_482 : i32
      %add3A_484 = arith.constant 14 : i32
      %add3A_485 = arith.addi %mul3A_483, %add3A_484 : i32
      %dma_start3A_486 = arith.constant 0 : i32
      %dma_start3A_487 = tpu.memref_slice %arg8[%add3A_485, %dma_start3A_486] : memref<256x128xf32, #tpu.memory_space<vmem>> -> memref<1x64xf32, #tpu.memory_space<vmem>>
      %dma_start3A_488 = tpu.memref_squeeze %dma_start3A_487 : memref<1x64xf32, #tpu.memory_space<vmem>> -> memref<64xf32, #tpu.memory_space<vmem>>
      %dma_start3A_489 = arith.constant 0 : i32
      %dma_start3A_490 = tpu.memref_slice %arg2[%squeeze3A_479, %squeeze3A_481, %dma_start3A_489] : memref<125000x8x64xf32, #tpu.memory_space<hbm>> -> memref<1x1x64xf32, #tpu.memory_space<hbm>>
      %dma_start3A_491 = tpu.memref_squeeze %dma_start3A_490 : memref<1x1x64xf32, #tpu.memory_space<hbm>> -> memref<64xf32, #tpu.memory_space<hbm>>
      %dma_start3A_492 = arith.constant 0 : i32
      %dma_start3A_493 = tpu.memref_slice %arg8[%add3A_485, %dma_start3A_492] : memref<256x128xf32, #tpu.memory_space<vmem>> -> memref<1x64xf32, #tpu.memory_space<vmem>>
      %dma_start3A_494 = tpu.memref_squeeze %dma_start3A_493 : memref<1x64xf32, #tpu.memory_space<vmem>> -> memref<64xf32, #tpu.memory_space<vmem>>
      %dma_start3A_495 = arith.constant 0 : i32
      %dma_start3A_496 = tpu.memref_slice %arg2[%squeeze3A_479, %squeeze3A_481, %dma_start3A_495] : memref<125000x8x64xf32, #tpu.memory_space<hbm>> -> memref<1x1x64xf32, #tpu.memory_space<hbm>>
      %dma_start3A_497 = tpu.memref_squeeze %dma_start3A_496 : memref<1x1x64xf32, #tpu.memory_space<hbm>> -> memref<64xf32, #tpu.memory_space<hbm>>
      tpu.enqueue_dma source(%dma_start3A_497 : memref<64xf32, #tpu.memory_space<hbm>>) target(%dma_start3A_494 : memref<64xf32, #tpu.memory_space<vmem>>) target_semaphore(%arg10 : memref<!tpu.dma_semaphore, #tpu.memory_space<semaphore_mem>>)
      %dma_start3A_498 = arith.constant 0 : i32
      %dma_start3A_499 = tpu.memref_slice %arg9[%add3A_485, %dma_start3A_498] : memref<256x128xf32, #tpu.memory_space<vmem>> -> memref<1x64xf32, #tpu.memory_space<vmem>>
      %dma_start3A_500 = tpu.memref_squeeze %dma_start3A_499 : memref<1x64xf32, #tpu.memory_space<vmem>> -> memref<64xf32, #tpu.memory_space<vmem>>
      %dma_start3A_501 = arith.constant 0 : i32
      %dma_start3A_502 = tpu.memref_slice %arg3[%squeeze3A_479, %squeeze3A_481, %dma_start3A_501] : memref<125000x8x64xf32, #tpu.memory_space<hbm>> -> memref<1x1x64xf32, #tpu.memory_space<hbm>>
      %dma_start3A_503 = tpu.memref_squeeze %dma_start3A_502 : memref<1x1x64xf32, #tpu.memory_space<hbm>> -> memref<64xf32, #tpu.memory_space<hbm>>
      %dma_start3A_504 = arith.constant 0 : i32
      %dma_start3A_505 = tpu.memref_slice %arg9[%add3A_485, %dma_start3A_504] : memref<256x128xf32, #tpu.memory_space<vmem>> -> memref<1x64xf32, #tpu.memory_space<vmem>>
      %dma_start3A_506 = tpu.memref_squeeze %dma_start3A_505 : memref<1x64xf32, #tpu.memory_space<vmem>> -> memref<64xf32, #tpu.memory_space<vmem>>
      %dma_start3A_507 = arith.constant 0 : i32
      %dma_start3A_508 = tpu.memref_slice %arg3[%squeeze3A_479, %squeeze3A_481, %dma_start3A_507] : memref<125000x8x64xf32, #tpu.memory_space<hbm>> -> memref<1x1x64xf32, #tpu.memory_space<hbm>>
      %dma_start3A_509 = tpu.memref_squeeze %dma_start3A_508 : memref<1x1x64xf32, #tpu.memory_space<hbm>> -> memref<64xf32, #tpu.memory_space<hbm>>
      tpu.enqueue_dma source(%dma_start3A_509 : memref<64xf32, #tpu.memory_space<hbm>>) target(%dma_start3A_506 : memref<64xf32, #tpu.memory_space<vmem>>) target_semaphore(%arg11 : memref<!tpu.dma_semaphore, #tpu.memory_space<semaphore_mem>>)
      %slice3A_510 = vector.extract_strided_slice %shift_right_logical3A_30 {offsets = [15], sizes = [1], strides = [1]} : vector<16xi32> to vector<1xi32>
      %squeeze3A_511 = vector.extract %slice3A_510[0] : i32 from vector<1xi32>
      %slice3A_512 = vector.extract_strided_slice %and3A_32 {offsets = [15], sizes = [1], strides = [1]} : vector<16xi32> to vector<1xi32>
      %squeeze3A_513 = vector.extract %slice3A_512[0] : i32 from vector<1xi32>
      %mul3A_514 = arith.constant 16 : i32
      %mul3A_515 = arith.muli %scan3A_22, %mul3A_514 : i32
      %add3A_516 = arith.constant 15 : i32
      %add3A_517 = arith.addi %mul3A_515, %add3A_516 : i32
      %dma_start3A_518 = arith.constant 0 : i32
      %dma_start3A_519 = tpu.memref_slice %arg8[%add3A_517, %dma_start3A_518] : memref<256x128xf32, #tpu.memory_space<vmem>> -> memref<1x64xf32, #tpu.memory_space<vmem>>
      %dma_start3A_520 = tpu.memref_squeeze %dma_start3A_519 : memref<1x64xf32, #tpu.memory_space<vmem>> -> memref<64xf32, #tpu.memory_space<vmem>>
      %dma_start3A_521 = arith.constant 0 : i32
      %dma_start3A_522 = tpu.memref_slice %arg2[%squeeze3A_511, %squeeze3A_513, %dma_start3A_521] : memref<125000x8x64xf32, #tpu.memory_space<hbm>> -> memref<1x1x64xf32, #tpu.memory_space<hbm>>
      %dma_start3A_523 = tpu.memref_squeeze %dma_start3A_522 : memref<1x1x64xf32, #tpu.memory_space<hbm>> -> memref<64xf32, #tpu.memory_space<hbm>>
      %dma_start3A_524 = arith.constant 0 : i32
      %dma_start3A_525 = tpu.memref_slice %arg8[%add3A_517, %dma_start3A_524] : memref<256x128xf32, #tpu.memory_space<vmem>> -> memref<1x64xf32, #tpu.memory_space<vmem>>
      %dma_start3A_526 = tpu.memref_squeeze %dma_start3A_525 : memref<1x64xf32, #tpu.memory_space<vmem>> -> memref<64xf32, #tpu.memory_space<vmem>>
      %dma_start3A_527 = arith.constant 0 : i32
      %dma_start3A_528 = tpu.memref_slice %arg2[%squeeze3A_511, %squeeze3A_513, %dma_start3A_527] : memref<125000x8x64xf32, #tpu.memory_space<hbm>> -> memref<1x1x64xf32, #tpu.memory_space<hbm>>
      %dma_start3A_529 = tpu.memref_squeeze %dma_start3A_528 : memref<1x1x64xf32, #tpu.memory_space<hbm>> -> memref<64xf32, #tpu.memory_space<hbm>>
      tpu.enqueue_dma source(%dma_start3A_529 : memref<64xf32, #tpu.memory_space<hbm>>) target(%dma_start3A_526 : memref<64xf32, #tpu.memory_space<vmem>>) target_semaphore(%arg10 : memref<!tpu.dma_semaphore, #tpu.memory_space<semaphore_mem>>)
      %dma_start3A_530 = arith.constant 0 : i32
      %dma_start3A_531 = tpu.memref_slice %arg9[%add3A_517, %dma_start3A_530] : memref<256x128xf32, #tpu.memory_space<vmem>> -> memref<1x64xf32, #tpu.memory_space<vmem>>
      %dma_start3A_532 = tpu.memref_squeeze %dma_start3A_531 : memref<1x64xf32, #tpu.memory_space<vmem>> -> memref<64xf32, #tpu.memory_space<vmem>>
      %dma_start3A_533 = arith.constant 0 : i32
      %dma_start3A_534 = tpu.memref_slice %arg3[%squeeze3A_511, %squeeze3A_513, %dma_start3A_533] : memref<125000x8x64xf32, #tpu.memory_space<hbm>> -> memref<1x1x64xf32, #tpu.memory_space<hbm>>
      %dma_start3A_535 = tpu.memref_squeeze %dma_start3A_534 : memref<1x1x64xf32, #tpu.memory_space<hbm>> -> memref<64xf32, #tpu.memory_space<hbm>>
      %dma_start3A_536 = arith.constant 0 : i32
      %dma_start3A_537 = tpu.memref_slice %arg9[%add3A_517, %dma_start3A_536] : memref<256x128xf32, #tpu.memory_space<vmem>> -> memref<1x64xf32, #tpu.memory_space<vmem>>
      %dma_start3A_538 = tpu.memref_squeeze %dma_start3A_537 : memref<1x64xf32, #tpu.memory_space<vmem>> -> memref<64xf32, #tpu.memory_space<vmem>>
      %dma_start3A_539 = arith.constant 0 : i32
      %dma_start3A_540 = tpu.memref_slice %arg3[%squeeze3A_511, %squeeze3A_513, %dma_start3A_539] : memref<125000x8x64xf32, #tpu.memory_space<hbm>> -> memref<1x1x64xf32, #tpu.memory_space<hbm>>
      %dma_start3A_541 = tpu.memref_squeeze %dma_start3A_540 : memref<1x1x64xf32, #tpu.memory_space<hbm>> -> memref<64xf32, #tpu.memory_space<hbm>>
      tpu.enqueue_dma source(%dma_start3A_541 : memref<64xf32, #tpu.memory_space<hbm>>) target(%dma_start3A_538 : memref<64xf32, #tpu.memory_space<vmem>>) target_semaphore(%arg11 : memref<!tpu.dma_semaphore, #tpu.memory_space<semaphore_mem>>)
      %dma_wait3A = arith.constant 0 : i32
      %dma_wait3A_542 = tpu.memref_slice %arg8[%add3A_38, %dma_wait3A] : memref<256x128xf32, #tpu.memory_space<vmem>> -> memref<1x64xf32, #tpu.memory_space<vmem>>
      %dma_wait3A_543 = tpu.memref_squeeze %dma_wait3A_542 : memref<1x64xf32, #tpu.memory_space<vmem>> -> memref<64xf32, #tpu.memory_space<vmem>>
      %dma_wait3A_544 = arith.constant 0 : i32
      %dma_wait3A_545 = tpu.memref_slice %arg2[%squeeze3A, %squeeze3A_34, %dma_wait3A_544] : memref<125000x8x64xf32, #tpu.memory_space<hbm>> -> memref<1x1x64xf32, #tpu.memory_space<hbm>>
      %dma_wait3A_546 = tpu.memref_squeeze %dma_wait3A_545 : memref<1x1x64xf32, #tpu.memory_space<hbm>> -> memref<64xf32, #tpu.memory_space<hbm>>
      %dma_wait3A_547 = arith.constant 0 : i32
      %dma_wait3A_548 = tpu.memref_slice %arg8[%add3A_38, %dma_wait3A_547] : memref<256x128xf32, #tpu.memory_space<vmem>> -> memref<1x64xf32, #tpu.memory_space<vmem>>
      %dma_wait3A_549 = tpu.memref_squeeze %dma_wait3A_548 : memref<1x64xf32, #tpu.memory_space<vmem>> -> memref<64xf32, #tpu.memory_space<vmem>>
      %dma_wait3A_550 = arith.constant 0 : i32
      %dma_wait3A_551 = tpu.memref_slice %arg2[%squeeze3A, %squeeze3A_34, %dma_wait3A_550] : memref<125000x8x64xf32, #tpu.memory_space<hbm>> -> memref<1x1x64xf32, #tpu.memory_space<hbm>>
      %dma_wait3A_552 = tpu.memref_squeeze %dma_wait3A_551 : memref<1x1x64xf32, #tpu.memory_space<hbm>> -> memref<64xf32, #tpu.memory_space<hbm>>
      tpu.wait_dma2 semaphore(%arg10 : memref<!tpu.dma_semaphore, #tpu.memory_space<semaphore_mem>>) src(%dma_wait3A_552 : memref<64xf32, #tpu.memory_space<hbm>>) dst(%dma_wait3A_549 : memref<64xf32, #tpu.memory_space<vmem>>)
      %dma_wait3A_553 = arith.constant 0 : i32
      %dma_wait3A_554 = tpu.memref_slice %arg9[%add3A_38, %dma_wait3A_553] : memref<256x128xf32, #tpu.memory_space<vmem>> -> memref<1x64xf32, #tpu.memory_space<vmem>>
      %dma_wait3A_555 = tpu.memref_squeeze %dma_wait3A_554 : memref<1x64xf32, #tpu.memory_space<vmem>> -> memref<64xf32, #tpu.memory_space<vmem>>
      %dma_wait3A_556 = arith.constant 0 : i32
      %dma_wait3A_557 = tpu.memref_slice %arg3[%squeeze3A, %squeeze3A_34, %dma_wait3A_556] : memref<125000x8x64xf32, #tpu.memory_space<hbm>> -> memref<1x1x64xf32, #tpu.memory_space<hbm>>
      %dma_wait3A_558 = tpu.memref_squeeze %dma_wait3A_557 : memref<1x1x64xf32, #tpu.memory_space<hbm>> -> memref<64xf32, #tpu.memory_space<hbm>>
      %dma_wait3A_559 = arith.constant 0 : i32
      %dma_wait3A_560 = tpu.memref_slice %arg9[%add3A_38, %dma_wait3A_559] : memref<256x128xf32, #tpu.memory_space<vmem>> -> memref<1x64xf32, #tpu.memory_space<vmem>>
      %dma_wait3A_561 = tpu.memref_squeeze %dma_wait3A_560 : memref<1x64xf32, #tpu.memory_space<vmem>> -> memref<64xf32, #tpu.memory_space<vmem>>
      %dma_wait3A_562 = arith.constant 0 : i32
      %dma_wait3A_563 = tpu.memref_slice %arg3[%squeeze3A, %squeeze3A_34, %dma_wait3A_562] : memref<125000x8x64xf32, #tpu.memory_space<hbm>> -> memref<1x1x64xf32, #tpu.memory_space<hbm>>
      %dma_wait3A_564 = tpu.memref_squeeze %dma_wait3A_563 : memref<1x1x64xf32, #tpu.memory_space<hbm>> -> memref<64xf32, #tpu.memory_space<hbm>>
      tpu.wait_dma2 semaphore(%arg11 : memref<!tpu.dma_semaphore, #tpu.memory_space<semaphore_mem>>) src(%dma_wait3A_564 : memref<64xf32, #tpu.memory_space<hbm>>) dst(%dma_wait3A_561 : memref<64xf32, #tpu.memory_space<vmem>>)
      %dma_wait3A_565 = arith.constant 0 : i32
      %dma_wait3A_566 = tpu.memref_slice %arg8[%add3A_69, %dma_wait3A_565] : memref<256x128xf32, #tpu.memory_space<vmem>> -> memref<1x64xf32, #tpu.memory_space<vmem>>
      %dma_wait3A_567 = tpu.memref_squeeze %dma_wait3A_566 : memref<1x64xf32, #tpu.memory_space<vmem>> -> memref<64xf32, #tpu.memory_space<vmem>>
      %dma_wait3A_568 = arith.constant 0 : i32
      %dma_wait3A_569 = tpu.memref_slice %arg2[%squeeze3A_63, %squeeze3A_65, %dma_wait3A_568] : memref<125000x8x64xf32, #tpu.memory_space<hbm>> -> memref<1x1x64xf32, #tpu.memory_space<hbm>>
      %dma_wait3A_570 = tpu.memref_squeeze %dma_wait3A_569 : memref<1x1x64xf32, #tpu.memory_space<hbm>> -> memref<64xf32, #tpu.memory_space<hbm>>
      %dma_wait3A_571 = arith.constant 0 : i32
      %dma_wait3A_572 = tpu.memref_slice %arg8[%add3A_69, %dma_wait3A_571] : memref<256x128xf32, #tpu.memory_space<vmem>> -> memref<1x64xf32, #tpu.memory_space<vmem>>
      %dma_wait3A_573 = tpu.memref_squeeze %dma_wait3A_572 : memref<1x64xf32, #tpu.memory_space<vmem>> -> memref<64xf32, #tpu.memory_space<vmem>>
      %dma_wait3A_574 = arith.constant 0 : i32
      %dma_wait3A_575 = tpu.memref_slice %arg2[%squeeze3A_63, %squeeze3A_65, %dma_wait3A_574] : memref<125000x8x64xf32, #tpu.memory_space<hbm>> -> memref<1x1x64xf32, #tpu.memory_space<hbm>>
      %dma_wait3A_576 = tpu.memref_squeeze %dma_wait3A_575 : memref<1x1x64xf32, #tpu.memory_space<hbm>> -> memref<64xf32, #tpu.memory_space<hbm>>
      tpu.wait_dma2 semaphore(%arg10 : memref<!tpu.dma_semaphore, #tpu.memory_space<semaphore_mem>>) src(%dma_wait3A_576 : memref<64xf32, #tpu.memory_space<hbm>>) dst(%dma_wait3A_573 : memref<64xf32, #tpu.memory_space<vmem>>)
      %dma_wait3A_577 = arith.constant 0 : i32
      %dma_wait3A_578 = tpu.memref_slice %arg9[%add3A_69, %dma_wait3A_577] : memref<256x128xf32, #tpu.memory_space<vmem>> -> memref<1x64xf32, #tpu.memory_space<vmem>>
      %dma_wait3A_579 = tpu.memref_squeeze %dma_wait3A_578 : memref<1x64xf32, #tpu.memory_space<vmem>> -> memref<64xf32, #tpu.memory_space<vmem>>
      %dma_wait3A_580 = arith.constant 0 : i32
      %dma_wait3A_581 = tpu.memref_slice %arg3[%squeeze3A_63, %squeeze3A_65, %dma_wait3A_580] : memref<125000x8x64xf32, #tpu.memory_space<hbm>> -> memref<1x1x64xf32, #tpu.memory_space<hbm>>
      %dma_wait3A_582 = tpu.memref_squeeze %dma_wait3A_581 : memref<1x1x64xf32, #tpu.memory_space<hbm>> -> memref<64xf32, #tpu.memory_space<hbm>>
      %dma_wait3A_583 = arith.constant 0 : i32
      %dma_wait3A_584 = tpu.memref_slice %arg9[%add3A_69, %dma_wait3A_583] : memref<256x128xf32, #tpu.memory_space<vmem>> -> memref<1x64xf32, #tpu.memory_space<vmem>>
      %dma_wait3A_585 = tpu.memref_squeeze %dma_wait3A_584 : memref<1x64xf32, #tpu.memory_space<vmem>> -> memref<64xf32, #tpu.memory_space<vmem>>
      %dma_wait3A_586 = arith.constant 0 : i32
      %dma_wait3A_587 = tpu.memref_slice %arg3[%squeeze3A_63, %squeeze3A_65, %dma_wait3A_586] : memref<125000x8x64xf32, #tpu.memory_space<hbm>> -> memref<1x1x64xf32, #tpu.memory_space<hbm>>
      %dma_wait3A_588 = tpu.memref_squeeze %dma_wait3A_587 : memref<1x1x64xf32, #tpu.memory_space<hbm>> -> memref<64xf32, #tpu.memory_space<hbm>>
      tpu.wait_dma2 semaphore(%arg11 : memref<!tpu.dma_semaphore, #tpu.memory_space<semaphore_mem>>) src(%dma_wait3A_588 : memref<64xf32, #tpu.memory_space<hbm>>) dst(%dma_wait3A_585 : memref<64xf32, #tpu.memory_space<vmem>>)
      %dma_wait3A_589 = arith.constant 0 : i32
      %dma_wait3A_590 = tpu.memref_slice %arg8[%add3A_101, %dma_wait3A_589] : memref<256x128xf32, #tpu.memory_space<vmem>> -> memref<1x64xf32, #tpu.memory_space<vmem>>
      %dma_wait3A_591 = tpu.memref_squeeze %dma_wait3A_590 : memref<1x64xf32, #tpu.memory_space<vmem>> -> memref<64xf32, #tpu.memory_space<vmem>>
      %dma_wait3A_592 = arith.constant 0 : i32
      %dma_wait3A_593 = tpu.memref_slice %arg2[%squeeze3A_95, %squeeze3A_97, %dma_wait3A_592] : memref<125000x8x64xf32, #tpu.memory_space<hbm>> -> memref<1x1x64xf32, #tpu.memory_space<hbm>>
      %dma_wait3A_594 = tpu.memref_squeeze %dma_wait3A_593 : memref<1x1x64xf32, #tpu.memory_space<hbm>> -> memref<64xf32, #tpu.memory_space<hbm>>
      %dma_wait3A_595 = arith.constant 0 : i32
      %dma_wait3A_596 = tpu.memref_slice %arg8[%add3A_101, %dma_wait3A_595] : memref<256x128xf32, #tpu.memory_space<vmem>> -> memref<1x64xf32, #tpu.memory_space<vmem>>
      %dma_wait3A_597 = tpu.memref_squeeze %dma_wait3A_596 : memref<1x64xf32, #tpu.memory_space<vmem>> -> memref<64xf32, #tpu.memory_space<vmem>>
      %dma_wait3A_598 = arith.constant 0 : i32
      %dma_wait3A_599 = tpu.memref_slice %arg2[%squeeze3A_95, %squeeze3A_97, %dma_wait3A_598] : memref<125000x8x64xf32, #tpu.memory_space<hbm>> -> memref<1x1x64xf32, #tpu.memory_space<hbm>>
      %dma_wait3A_600 = tpu.memref_squeeze %dma_wait3A_599 : memref<1x1x64xf32, #tpu.memory_space<hbm>> -> memref<64xf32, #tpu.memory_space<hbm>>
      tpu.wait_dma2 semaphore(%arg10 : memref<!tpu.dma_semaphore, #tpu.memory_space<semaphore_mem>>) src(%dma_wait3A_600 : memref<64xf32, #tpu.memory_space<hbm>>) dst(%dma_wait3A_597 : memref<64xf32, #tpu.memory_space<vmem>>)
      %dma_wait3A_601 = arith.constant 0 : i32
      %dma_wait3A_602 = tpu.memref_slice %arg9[%add3A_101, %dma_wait3A_601] : memref<256x128xf32, #tpu.memory_space<vmem>> -> memref<1x64xf32, #tpu.memory_space<vmem>>
      %dma_wait3A_603 = tpu.memref_squeeze %dma_wait3A_602 : memref<1x64xf32, #tpu.memory_space<vmem>> -> memref<64xf32, #tpu.memory_space<vmem>>
      %dma_wait3A_604 = arith.constant 0 : i32
      %dma_wait3A_605 = tpu.memref_slice %arg3[%squeeze3A_95, %squeeze3A_97, %dma_wait3A_604] : memref<125000x8x64xf32, #tpu.memory_space<hbm>> -> memref<1x1x64xf32, #tpu.memory_space<hbm>>
      %dma_wait3A_606 = tpu.memref_squeeze %dma_wait3A_605 : memref<1x1x64xf32, #tpu.memory_space<hbm>> -> memref<64xf32, #tpu.memory_space<hbm>>
      %dma_wait3A_607 = arith.constant 0 : i32
      %dma_wait3A_608 = tpu.memref_slice %arg9[%add3A_101, %dma_wait3A_607] : memref<256x128xf32, #tpu.memory_space<vmem>> -> memref<1x64xf32, #tpu.memory_space<vmem>>
      %dma_wait3A_609 = tpu.memref_squeeze %dma_wait3A_608 : memref<1x64xf32, #tpu.memory_space<vmem>> -> memref<64xf32, #tpu.memory_space<vmem>>
      %dma_wait3A_610 = arith.constant 0 : i32
      %dma_wait3A_611 = tpu.memref_slice %arg3[%squeeze3A_95, %squeeze3A_97, %dma_wait3A_610] : memref<125000x8x64xf32, #tpu.memory_space<hbm>> -> memref<1x1x64xf32, #tpu.memory_space<hbm>>
      %dma_wait3A_612 = tpu.memref_squeeze %dma_wait3A_611 : memref<1x1x64xf32, #tpu.memory_space<hbm>> -> memref<64xf32, #tpu.memory_space<hbm>>
      tpu.wait_dma2 semaphore(%arg11 : memref<!tpu.dma_semaphore, #tpu.memory_space<semaphore_mem>>) src(%dma_wait3A_612 : memref<64xf32, #tpu.memory_space<hbm>>) dst(%dma_wait3A_609 : memref<64xf32, #tpu.memory_space<vmem>>)
      %dma_wait3A_613 = arith.constant 0 : i32
      %dma_wait3A_614 = tpu.memref_slice %arg8[%add3A_133, %dma_wait3A_613] : memref<256x128xf32, #tpu.memory_space<vmem>> -> memref<1x64xf32, #tpu.memory_space<vmem>>
      %dma_wait3A_615 = tpu.memref_squeeze %dma_wait3A_614 : memref<1x64xf32, #tpu.memory_space<vmem>> -> memref<64xf32, #tpu.memory_space<vmem>>
      %dma_wait3A_616 = arith.constant 0 : i32
      %dma_wait3A_617 = tpu.memref_slice %arg2[%squeeze3A_127, %squeeze3A_129, %dma_wait3A_616] : memref<125000x8x64xf32, #tpu.memory_space<hbm>> -> memref<1x1x64xf32, #tpu.memory_space<hbm>>
      %dma_wait3A_618 = tpu.memref_squeeze %dma_wait3A_617 : memref<1x1x64xf32, #tpu.memory_space<hbm>> -> memref<64xf32, #tpu.memory_space<hbm>>
      %dma_wait3A_619 = arith.constant 0 : i32
      %dma_wait3A_620 = tpu.memref_slice %arg8[%add3A_133, %dma_wait3A_619] : memref<256x128xf32, #tpu.memory_space<vmem>> -> memref<1x64xf32, #tpu.memory_space<vmem>>
      %dma_wait3A_621 = tpu.memref_squeeze %dma_wait3A_620 : memref<1x64xf32, #tpu.memory_space<vmem>> -> memref<64xf32, #tpu.memory_space<vmem>>
      %dma_wait3A_622 = arith.constant 0 : i32
      %dma_wait3A_623 = tpu.memref_slice %arg2[%squeeze3A_127, %squeeze3A_129, %dma_wait3A_622] : memref<125000x8x64xf32, #tpu.memory_space<hbm>> -> memref<1x1x64xf32, #tpu.memory_space<hbm>>
      %dma_wait3A_624 = tpu.memref_squeeze %dma_wait3A_623 : memref<1x1x64xf32, #tpu.memory_space<hbm>> -> memref<64xf32, #tpu.memory_space<hbm>>
      tpu.wait_dma2 semaphore(%arg10 : memref<!tpu.dma_semaphore, #tpu.memory_space<semaphore_mem>>) src(%dma_wait3A_624 : memref<64xf32, #tpu.memory_space<hbm>>) dst(%dma_wait3A_621 : memref<64xf32, #tpu.memory_space<vmem>>)
      %dma_wait3A_625 = arith.constant 0 : i32
      %dma_wait3A_626 = tpu.memref_slice %arg9[%add3A_133, %dma_wait3A_625] : memref<256x128xf32, #tpu.memory_space<vmem>> -> memref<1x64xf32, #tpu.memory_space<vmem>>
      %dma_wait3A_627 = tpu.memref_squeeze %dma_wait3A_626 : memref<1x64xf32, #tpu.memory_space<vmem>> -> memref<64xf32, #tpu.memory_space<vmem>>
      %dma_wait3A_628 = arith.constant 0 : i32
      %dma_wait3A_629 = tpu.memref_slice %arg3[%squeeze3A_127, %squeeze3A_129, %dma_wait3A_628] : memref<125000x8x64xf32, #tpu.memory_space<hbm>> -> memref<1x1x64xf32, #tpu.memory_space<hbm>>
      %dma_wait3A_630 = tpu.memref_squeeze %dma_wait3A_629 : memref<1x1x64xf32, #tpu.memory_space<hbm>> -> memref<64xf32, #tpu.memory_space<hbm>>
      %dma_wait3A_631 = arith.constant 0 : i32
      %dma_wait3A_632 = tpu.memref_slice %arg9[%add3A_133, %dma_wait3A_631] : memref<256x128xf32, #tpu.memory_space<vmem>> -> memref<1x64xf32, #tpu.memory_space<vmem>>
      %dma_wait3A_633 = tpu.memref_squeeze %dma_wait3A_632 : memref<1x64xf32, #tpu.memory_space<vmem>> -> memref<64xf32, #tpu.memory_space<vmem>>
      %dma_wait3A_634 = arith.constant 0 : i32
      %dma_wait3A_635 = tpu.memref_slice %arg3[%squeeze3A_127, %squeeze3A_129, %dma_wait3A_634] : memref<125000x8x64xf32, #tpu.memory_space<hbm>> -> memref<1x1x64xf32, #tpu.memory_space<hbm>>
      %dma_wait3A_636 = tpu.memref_squeeze %dma_wait3A_635 : memref<1x1x64xf32, #tpu.memory_space<hbm>> -> memref<64xf32, #tpu.memory_space<hbm>>
      tpu.wait_dma2 semaphore(%arg11 : memref<!tpu.dma_semaphore, #tpu.memory_space<semaphore_mem>>) src(%dma_wait3A_636 : memref<64xf32, #tpu.memory_space<hbm>>) dst(%dma_wait3A_633 : memref<64xf32, #tpu.memory_space<vmem>>)
      %dma_wait3A_637 = arith.constant 0 : i32
      %dma_wait3A_638 = tpu.memref_slice %arg8[%add3A_165, %dma_wait3A_637] : memref<256x128xf32, #tpu.memory_space<vmem>> -> memref<1x64xf32, #tpu.memory_space<vmem>>
      %dma_wait3A_639 = tpu.memref_squeeze %dma_wait3A_638 : memref<1x64xf32, #tpu.memory_space<vmem>> -> memref<64xf32, #tpu.memory_space<vmem>>
      %dma_wait3A_640 = arith.constant 0 : i32
      %dma_wait3A_641 = tpu.memref_slice %arg2[%squeeze3A_159, %squeeze3A_161, %dma_wait3A_640] : memref<125000x8x64xf32, #tpu.memory_space<hbm>> -> memref<1x1x64xf32, #tpu.memory_space<hbm>>
      %dma_wait3A_642 = tpu.memref_squeeze %dma_wait3A_641 : memref<1x1x64xf32, #tpu.memory_space<hbm>> -> memref<64xf32, #tpu.memory_space<hbm>>
      %dma_wait3A_643 = arith.constant 0 : i32
      %dma_wait3A_644 = tpu.memref_slice %arg8[%add3A_165, %dma_wait3A_643] : memref<256x128xf32, #tpu.memory_space<vmem>> -> memref<1x64xf32, #tpu.memory_space<vmem>>
      %dma_wait3A_645 = tpu.memref_squeeze %dma_wait3A_644 : memref<1x64xf32, #tpu.memory_space<vmem>> -> memref<64xf32, #tpu.memory_space<vmem>>
      %dma_wait3A_646 = arith.constant 0 : i32
      %dma_wait3A_647 = tpu.memref_slice %arg2[%squeeze3A_159, %squeeze3A_161, %dma_wait3A_646] : memref<125000x8x64xf32, #tpu.memory_space<hbm>> -> memref<1x1x64xf32, #tpu.memory_space<hbm>>
      %dma_wait3A_648 = tpu.memref_squeeze %dma_wait3A_647 : memref<1x1x64xf32, #tpu.memory_space<hbm>> -> memref<64xf32, #tpu.memory_space<hbm>>
      tpu.wait_dma2 semaphore(%arg10 : memref<!tpu.dma_semaphore, #tpu.memory_space<semaphore_mem>>) src(%dma_wait3A_648 : memref<64xf32, #tpu.memory_space<hbm>>) dst(%dma_wait3A_645 : memref<64xf32, #tpu.memory_space<vmem>>)
      %dma_wait3A_649 = arith.constant 0 : i32
      %dma_wait3A_650 = tpu.memref_slice %arg9[%add3A_165, %dma_wait3A_649] : memref<256x128xf32, #tpu.memory_space<vmem>> -> memref<1x64xf32, #tpu.memory_space<vmem>>
      %dma_wait3A_651 = tpu.memref_squeeze %dma_wait3A_650 : memref<1x64xf32, #tpu.memory_space<vmem>> -> memref<64xf32, #tpu.memory_space<vmem>>
      %dma_wait3A_652 = arith.constant 0 : i32
      %dma_wait3A_653 = tpu.memref_slice %arg3[%squeeze3A_159, %squeeze3A_161, %dma_wait3A_652] : memref<125000x8x64xf32, #tpu.memory_space<hbm>> -> memref<1x1x64xf32, #tpu.memory_space<hbm>>
      %dma_wait3A_654 = tpu.memref_squeeze %dma_wait3A_653 : memref<1x1x64xf32, #tpu.memory_space<hbm>> -> memref<64xf32, #tpu.memory_space<hbm>>
      %dma_wait3A_655 = arith.constant 0 : i32
      %dma_wait3A_656 = tpu.memref_slice %arg9[%add3A_165, %dma_wait3A_655] : memref<256x128xf32, #tpu.memory_space<vmem>> -> memref<1x64xf32, #tpu.memory_space<vmem>>
      %dma_wait3A_657 = tpu.memref_squeeze %dma_wait3A_656 : memref<1x64xf32, #tpu.memory_space<vmem>> -> memref<64xf32, #tpu.memory_space<vmem>>
      %dma_wait3A_658 = arith.constant 0 : i32
      %dma_wait3A_659 = tpu.memref_slice %arg3[%squeeze3A_159, %squeeze3A_161, %dma_wait3A_658] : memref<125000x8x64xf32, #tpu.memory_space<hbm>> -> memref<1x1x64xf32, #tpu.memory_space<hbm>>
      %dma_wait3A_660 = tpu.memref_squeeze %dma_wait3A_659 : memref<1x1x64xf32, #tpu.memory_space<hbm>> -> memref<64xf32, #tpu.memory_space<hbm>>
      tpu.wait_dma2 semaphore(%arg11 : memref<!tpu.dma_semaphore, #tpu.memory_space<semaphore_mem>>) src(%dma_wait3A_660 : memref<64xf32, #tpu.memory_space<hbm>>) dst(%dma_wait3A_657 : memref<64xf32, #tpu.memory_space<vmem>>)
      %dma_wait3A_661 = arith.constant 0 : i32
      %dma_wait3A_662 = tpu.memref_slice %arg8[%add3A_197, %dma_wait3A_661] : memref<256x128xf32, #tpu.memory_space<vmem>> -> memref<1x64xf32, #tpu.memory_space<vmem>>
      %dma_wait3A_663 = tpu.memref_squeeze %dma_wait3A_662 : memref<1x64xf32, #tpu.memory_space<vmem>> -> memref<64xf32, #tpu.memory_space<vmem>>
      %dma_wait3A_664 = arith.constant 0 : i32
      %dma_wait3A_665 = tpu.memref_slice %arg2[%squeeze3A_191, %squeeze3A_193, %dma_wait3A_664] : memref<125000x8x64xf32, #tpu.memory_space<hbm>> -> memref<1x1x64xf32, #tpu.memory_space<hbm>>
      %dma_wait3A_666 = tpu.memref_squeeze %dma_wait3A_665 : memref<1x1x64xf32, #tpu.memory_space<hbm>> -> memref<64xf32, #tpu.memory_space<hbm>>
      %dma_wait3A_667 = arith.constant 0 : i32
      %dma_wait3A_668 = tpu.memref_slice %arg8[%add3A_197, %dma_wait3A_667] : memref<256x128xf32, #tpu.memory_space<vmem>> -> memref<1x64xf32, #tpu.memory_space<vmem>>
      %dma_wait3A_669 = tpu.memref_squeeze %dma_wait3A_668 : memref<1x64xf32, #tpu.memory_space<vmem>> -> memref<64xf32, #tpu.memory_space<vmem>>
      %dma_wait3A_670 = arith.constant 0 : i32
      %dma_wait3A_671 = tpu.memref_slice %arg2[%squeeze3A_191, %squeeze3A_193, %dma_wait3A_670] : memref<125000x8x64xf32, #tpu.memory_space<hbm>> -> memref<1x1x64xf32, #tpu.memory_space<hbm>>
      %dma_wait3A_672 = tpu.memref_squeeze %dma_wait3A_671 : memref<1x1x64xf32, #tpu.memory_space<hbm>> -> memref<64xf32, #tpu.memory_space<hbm>>
      tpu.wait_dma2 semaphore(%arg10 : memref<!tpu.dma_semaphore, #tpu.memory_space<semaphore_mem>>) src(%dma_wait3A_672 : memref<64xf32, #tpu.memory_space<hbm>>) dst(%dma_wait3A_669 : memref<64xf32, #tpu.memory_space<vmem>>)
      %dma_wait3A_673 = arith.constant 0 : i32
      %dma_wait3A_674 = tpu.memref_slice %arg9[%add3A_197, %dma_wait3A_673] : memref<256x128xf32, #tpu.memory_space<vmem>> -> memref<1x64xf32, #tpu.memory_space<vmem>>
      %dma_wait3A_675 = tpu.memref_squeeze %dma_wait3A_674 : memref<1x64xf32, #tpu.memory_space<vmem>> -> memref<64xf32, #tpu.memory_space<vmem>>
      %dma_wait3A_676 = arith.constant 0 : i32
      %dma_wait3A_677 = tpu.memref_slice %arg3[%squeeze3A_191, %squeeze3A_193, %dma_wait3A_676] : memref<125000x8x64xf32, #tpu.memory_space<hbm>> -> memref<1x1x64xf32, #tpu.memory_space<hbm>>
      %dma_wait3A_678 = tpu.memref_squeeze %dma_wait3A_677 : memref<1x1x64xf32, #tpu.memory_space<hbm>> -> memref<64xf32, #tpu.memory_space<hbm>>
      %dma_wait3A_679 = arith.constant 0 : i32
      %dma_wait3A_680 = tpu.memref_slice %arg9[%add3A_197, %dma_wait3A_679] : memref<256x128xf32, #tpu.memory_space<vmem>> -> memref<1x64xf32, #tpu.memory_space<vmem>>
      %dma_wait3A_681 = tpu.memref_squeeze %dma_wait3A_680 : memref<1x64xf32, #tpu.memory_space<vmem>> -> memref<64xf32, #tpu.memory_space<vmem>>
      %dma_wait3A_682 = arith.constant 0 : i32
      %dma_wait3A_683 = tpu.memref_slice %arg3[%squeeze3A_191, %squeeze3A_193, %dma_wait3A_682] : memref<125000x8x64xf32, #tpu.memory_space<hbm>> -> memref<1x1x64xf32, #tpu.memory_space<hbm>>
      %dma_wait3A_684 = tpu.memref_squeeze %dma_wait3A_683 : memref<1x1x64xf32, #tpu.memory_space<hbm>> -> memref<64xf32, #tpu.memory_space<hbm>>
      tpu.wait_dma2 semaphore(%arg11 : memref<!tpu.dma_semaphore, #tpu.memory_space<semaphore_mem>>) src(%dma_wait3A_684 : memref<64xf32, #tpu.memory_space<hbm>>) dst(%dma_wait3A_681 : memref<64xf32, #tpu.memory_space<vmem>>)
      %dma_wait3A_685 = arith.constant 0 : i32
      %dma_wait3A_686 = tpu.memref_slice %arg8[%add3A_229, %dma_wait3A_685] : memref<256x128xf32, #tpu.memory_space<vmem>> -> memref<1x64xf32, #tpu.memory_space<vmem>>
      %dma_wait3A_687 = tpu.memref_squeeze %dma_wait3A_686 : memref<1x64xf32, #tpu.memory_space<vmem>> -> memref<64xf32, #tpu.memory_space<vmem>>
      %dma_wait3A_688 = arith.constant 0 : i32
      %dma_wait3A_689 = tpu.memref_slice %arg2[%squeeze3A_223, %squeeze3A_225, %dma_wait3A_688] : memref<125000x8x64xf32, #tpu.memory_space<hbm>> -> memref<1x1x64xf32, #tpu.memory_space<hbm>>
      %dma_wait3A_690 = tpu.memref_squeeze %dma_wait3A_689 : memref<1x1x64xf32, #tpu.memory_space<hbm>> -> memref<64xf32, #tpu.memory_space<hbm>>
      %dma_wait3A_691 = arith.constant 0 : i32
      %dma_wait3A_692 = tpu.memref_slice %arg8[%add3A_229, %dma_wait3A_691] : memref<256x128xf32, #tpu.memory_space<vmem>> -> memref<1x64xf32, #tpu.memory_space<vmem>>
      %dma_wait3A_693 = tpu.memref_squeeze %dma_wait3A_692 : memref<1x64xf32, #tpu.memory_space<vmem>> -> memref<64xf32, #tpu.memory_space<vmem>>
      %dma_wait3A_694 = arith.constant 0 : i32
      %dma_wait3A_695 = tpu.memref_slice %arg2[%squeeze3A_223, %squeeze3A_225, %dma_wait3A_694] : memref<125000x8x64xf32, #tpu.memory_space<hbm>> -> memref<1x1x64xf32, #tpu.memory_space<hbm>>
      %dma_wait3A_696 = tpu.memref_squeeze %dma_wait3A_695 : memref<1x1x64xf32, #tpu.memory_space<hbm>> -> memref<64xf32, #tpu.memory_space<hbm>>
      tpu.wait_dma2 semaphore(%arg10 : memref<!tpu.dma_semaphore, #tpu.memory_space<semaphore_mem>>) src(%dma_wait3A_696 : memref<64xf32, #tpu.memory_space<hbm>>) dst(%dma_wait3A_693 : memref<64xf32, #tpu.memory_space<vmem>>)
      %dma_wait3A_697 = arith.constant 0 : i32
      %dma_wait3A_698 = tpu.memref_slice %arg9[%add3A_229, %dma_wait3A_697] : memref<256x128xf32, #tpu.memory_space<vmem>> -> memref<1x64xf32, #tpu.memory_space<vmem>>
      %dma_wait3A_699 = tpu.memref_squeeze %dma_wait3A_698 : memref<1x64xf32, #tpu.memory_space<vmem>> -> memref<64xf32, #tpu.memory_space<vmem>>
      %dma_wait3A_700 = arith.constant 0 : i32
      %dma_wait3A_701 = tpu.memref_slice %arg3[%squeeze3A_223, %squeeze3A_225, %dma_wait3A_700] : memref<125000x8x64xf32, #tpu.memory_space<hbm>> -> memref<1x1x64xf32, #tpu.memory_space<hbm>>
      %dma_wait3A_702 = tpu.memref_squeeze %dma_wait3A_701 : memref<1x1x64xf32, #tpu.memory_space<hbm>> -> memref<64xf32, #tpu.memory_space<hbm>>
      %dma_wait3A_703 = arith.constant 0 : i32
      %dma_wait3A_704 = tpu.memref_slice %arg9[%add3A_229, %dma_wait3A_703] : memref<256x128xf32, #tpu.memory_space<vmem>> -> memref<1x64xf32, #tpu.memory_space<vmem>>
      %dma_wait3A_705 = tpu.memref_squeeze %dma_wait3A_704 : memref<1x64xf32, #tpu.memory_space<vmem>> -> memref<64xf32, #tpu.memory_space<vmem>>
      %dma_wait3A_706 = arith.constant 0 : i32
      %dma_wait3A_707 = tpu.memref_slice %arg3[%squeeze3A_223, %squeeze3A_225, %dma_wait3A_706] : memref<125000x8x64xf32, #tpu.memory_space<hbm>> -> memref<1x1x64xf32, #tpu.memory_space<hbm>>
      %dma_wait3A_708 = tpu.memref_squeeze %dma_wait3A_707 : memref<1x1x64xf32, #tpu.memory_space<hbm>> -> memref<64xf32, #tpu.memory_space<hbm>>
      tpu.wait_dma2 semaphore(%arg11 : memref<!tpu.dma_semaphore, #tpu.memory_space<semaphore_mem>>) src(%dma_wait3A_708 : memref<64xf32, #tpu.memory_space<hbm>>) dst(%dma_wait3A_705 : memref<64xf32, #tpu.memory_space<vmem>>)
      %dma_wait3A_709 = arith.constant 0 : i32
      %dma_wait3A_710 = tpu.memref_slice %arg8[%add3A_261, %dma_wait3A_709] : memref<256x128xf32, #tpu.memory_space<vmem>> -> memref<1x64xf32, #tpu.memory_space<vmem>>
      %dma_wait3A_711 = tpu.memref_squeeze %dma_wait3A_710 : memref<1x64xf32, #tpu.memory_space<vmem>> -> memref<64xf32, #tpu.memory_space<vmem>>
      %dma_wait3A_712 = arith.constant 0 : i32
      %dma_wait3A_713 = tpu.memref_slice %arg2[%squeeze3A_255, %squeeze3A_257, %dma_wait3A_712] : memref<125000x8x64xf32, #tpu.memory_space<hbm>> -> memref<1x1x64xf32, #tpu.memory_space<hbm>>
      %dma_wait3A_714 = tpu.memref_squeeze %dma_wait3A_713 : memref<1x1x64xf32, #tpu.memory_space<hbm>> -> memref<64xf32, #tpu.memory_space<hbm>>
      %dma_wait3A_715 = arith.constant 0 : i32
      %dma_wait3A_716 = tpu.memref_slice %arg8[%add3A_261, %dma_wait3A_715] : memref<256x128xf32, #tpu.memory_space<vmem>> -> memref<1x64xf32, #tpu.memory_space<vmem>>
      %dma_wait3A_717 = tpu.memref_squeeze %dma_wait3A_716 : memref<1x64xf32, #tpu.memory_space<vmem>> -> memref<64xf32, #tpu.memory_space<vmem>>
      %dma_wait3A_718 = arith.constant 0 : i32
      %dma_wait3A_719 = tpu.memref_slice %arg2[%squeeze3A_255, %squeeze3A_257, %dma_wait3A_718] : memref<125000x8x64xf32, #tpu.memory_space<hbm>> -> memref<1x1x64xf32, #tpu.memory_space<hbm>>
      %dma_wait3A_720 = tpu.memref_squeeze %dma_wait3A_719 : memref<1x1x64xf32, #tpu.memory_space<hbm>> -> memref<64xf32, #tpu.memory_space<hbm>>
      tpu.wait_dma2 semaphore(%arg10 : memref<!tpu.dma_semaphore, #tpu.memory_space<semaphore_mem>>) src(%dma_wait3A_720 : memref<64xf32, #tpu.memory_space<hbm>>) dst(%dma_wait3A_717 : memref<64xf32, #tpu.memory_space<vmem>>)
      %dma_wait3A_721 = arith.constant 0 : i32
      %dma_wait3A_722 = tpu.memref_slice %arg9[%add3A_261, %dma_wait3A_721] : memref<256x128xf32, #tpu.memory_space<vmem>> -> memref<1x64xf32, #tpu.memory_space<vmem>>
      %dma_wait3A_723 = tpu.memref_squeeze %dma_wait3A_722 : memref<1x64xf32, #tpu.memory_space<vmem>> -> memref<64xf32, #tpu.memory_space<vmem>>
      %dma_wait3A_724 = arith.constant 0 : i32
      %dma_wait3A_725 = tpu.memref_slice %arg3[%squeeze3A_255, %squeeze3A_257, %dma_wait3A_724] : memref<125000x8x64xf32, #tpu.memory_space<hbm>> -> memref<1x1x64xf32, #tpu.memory_space<hbm>>
      %dma_wait3A_726 = tpu.memref_squeeze %dma_wait3A_725 : memref<1x1x64xf32, #tpu.memory_space<hbm>> -> memref<64xf32, #tpu.memory_space<hbm>>
      %dma_wait3A_727 = arith.constant 0 : i32
      %dma_wait3A_728 = tpu.memref_slice %arg9[%add3A_261, %dma_wait3A_727] : memref<256x128xf32, #tpu.memory_space<vmem>> -> memref<1x64xf32, #tpu.memory_space<vmem>>
      %dma_wait3A_729 = tpu.memref_squeeze %dma_wait3A_728 : memref<1x64xf32, #tpu.memory_space<vmem>> -> memref<64xf32, #tpu.memory_space<vmem>>
      %dma_wait3A_730 = arith.constant 0 : i32
      %dma_wait3A_731 = tpu.memref_slice %arg3[%squeeze3A_255, %squeeze3A_257, %dma_wait3A_730] : memref<125000x8x64xf32, #tpu.memory_space<hbm>> -> memref<1x1x64xf32, #tpu.memory_space<hbm>>
      %dma_wait3A_732 = tpu.memref_squeeze %dma_wait3A_731 : memref<1x1x64xf32, #tpu.memory_space<hbm>> -> memref<64xf32, #tpu.memory_space<hbm>>
      tpu.wait_dma2 semaphore(%arg11 : memref<!tpu.dma_semaphore, #tpu.memory_space<semaphore_mem>>) src(%dma_wait3A_732 : memref<64xf32, #tpu.memory_space<hbm>>) dst(%dma_wait3A_729 : memref<64xf32, #tpu.memory_space<vmem>>)
      %dma_wait3A_733 = arith.constant 0 : i32
      %dma_wait3A_734 = tpu.memref_slice %arg8[%add3A_293, %dma_wait3A_733] : memref<256x128xf32, #tpu.memory_space<vmem>> -> memref<1x64xf32, #tpu.memory_space<vmem>>
      %dma_wait3A_735 = tpu.memref_squeeze %dma_wait3A_734 : memref<1x64xf32, #tpu.memory_space<vmem>> -> memref<64xf32, #tpu.memory_space<vmem>>
      %dma_wait3A_736 = arith.constant 0 : i32
      %dma_wait3A_737 = tpu.memref_slice %arg2[%squeeze3A_287, %squeeze3A_289, %dma_wait3A_736] : memref<125000x8x64xf32, #tpu.memory_space<hbm>> -> memref<1x1x64xf32, #tpu.memory_space<hbm>>
      %dma_wait3A_738 = tpu.memref_squeeze %dma_wait3A_737 : memref<1x1x64xf32, #tpu.memory_space<hbm>> -> memref<64xf32, #tpu.memory_space<hbm>>
      %dma_wait3A_739 = arith.constant 0 : i32
      %dma_wait3A_740 = tpu.memref_slice %arg8[%add3A_293, %dma_wait3A_739] : memref<256x128xf32, #tpu.memory_space<vmem>> -> memref<1x64xf32, #tpu.memory_space<vmem>>
      %dma_wait3A_741 = tpu.memref_squeeze %dma_wait3A_740 : memref<1x64xf32, #tpu.memory_space<vmem>> -> memref<64xf32, #tpu.memory_space<vmem>>
      %dma_wait3A_742 = arith.constant 0 : i32
      %dma_wait3A_743 = tpu.memref_slice %arg2[%squeeze3A_287, %squeeze3A_289, %dma_wait3A_742] : memref<125000x8x64xf32, #tpu.memory_space<hbm>> -> memref<1x1x64xf32, #tpu.memory_space<hbm>>
      %dma_wait3A_744 = tpu.memref_squeeze %dma_wait3A_743 : memref<1x1x64xf32, #tpu.memory_space<hbm>> -> memref<64xf32, #tpu.memory_space<hbm>>
      tpu.wait_dma2 semaphore(%arg10 : memref<!tpu.dma_semaphore, #tpu.memory_space<semaphore_mem>>) src(%dma_wait3A_744 : memref<64xf32, #tpu.memory_space<hbm>>) dst(%dma_wait3A_741 : memref<64xf32, #tpu.memory_space<vmem>>)
      %dma_wait3A_745 = arith.constant 0 : i32
      %dma_wait3A_746 = tpu.memref_slice %arg9[%add3A_293, %dma_wait3A_745] : memref<256x128xf32, #tpu.memory_space<vmem>> -> memref<1x64xf32, #tpu.memory_space<vmem>>
      %dma_wait3A_747 = tpu.memref_squeeze %dma_wait3A_746 : memref<1x64xf32, #tpu.memory_space<vmem>> -> memref<64xf32, #tpu.memory_space<vmem>>
      %dma_wait3A_748 = arith.constant 0 : i32
      %dma_wait3A_749 = tpu.memref_slice %arg3[%squeeze3A_287, %squeeze3A_289, %dma_wait3A_748] : memref<125000x8x64xf32, #tpu.memory_space<hbm>> -> memref<1x1x64xf32, #tpu.memory_space<hbm>>
      %dma_wait3A_750 = tpu.memref_squeeze %dma_wait3A_749 : memref<1x1x64xf32, #tpu.memory_space<hbm>> -> memref<64xf32, #tpu.memory_space<hbm>>
      %dma_wait3A_751 = arith.constant 0 : i32
      %dma_wait3A_752 = tpu.memref_slice %arg9[%add3A_293, %dma_wait3A_751] : memref<256x128xf32, #tpu.memory_space<vmem>> -> memref<1x64xf32, #tpu.memory_space<vmem>>
      %dma_wait3A_753 = tpu.memref_squeeze %dma_wait3A_752 : memref<1x64xf32, #tpu.memory_space<vmem>> -> memref<64xf32, #tpu.memory_space<vmem>>
      %dma_wait3A_754 = arith.constant 0 : i32
      %dma_wait3A_755 = tpu.memref_slice %arg3[%squeeze3A_287, %squeeze3A_289, %dma_wait3A_754] : memref<125000x8x64xf32, #tpu.memory_space<hbm>> -> memref<1x1x64xf32, #tpu.memory_space<hbm>>
      %dma_wait3A_756 = tpu.memref_squeeze %dma_wait3A_755 : memref<1x1x64xf32, #tpu.memory_space<hbm>> -> memref<64xf32, #tpu.memory_space<hbm>>
      tpu.wait_dma2 semaphore(%arg11 : memref<!tpu.dma_semaphore, #tpu.memory_space<semaphore_mem>>) src(%dma_wait3A_756 : memref<64xf32, #tpu.memory_space<hbm>>) dst(%dma_wait3A_753 : memref<64xf32, #tpu.memory_space<vmem>>)
      %dma_wait3A_757 = arith.constant 0 : i32
      %dma_wait3A_758 = tpu.memref_slice %arg8[%add3A_325, %dma_wait3A_757] : memref<256x128xf32, #tpu.memory_space<vmem>> -> memref<1x64xf32, #tpu.memory_space<vmem>>
      %dma_wait3A_759 = tpu.memref_squeeze %dma_wait3A_758 : memref<1x64xf32, #tpu.memory_space<vmem>> -> memref<64xf32, #tpu.memory_space<vmem>>
      %dma_wait3A_760 = arith.constant 0 : i32
      %dma_wait3A_761 = tpu.memref_slice %arg2[%squeeze3A_319, %squeeze3A_321, %dma_wait3A_760] : memref<125000x8x64xf32, #tpu.memory_space<hbm>> -> memref<1x1x64xf32, #tpu.memory_space<hbm>>
      %dma_wait3A_762 = tpu.memref_squeeze %dma_wait3A_761 : memref<1x1x64xf32, #tpu.memory_space<hbm>> -> memref<64xf32, #tpu.memory_space<hbm>>
      %dma_wait3A_763 = arith.constant 0 : i32
      %dma_wait3A_764 = tpu.memref_slice %arg8[%add3A_325, %dma_wait3A_763] : memref<256x128xf32, #tpu.memory_space<vmem>> -> memref<1x64xf32, #tpu.memory_space<vmem>>
      %dma_wait3A_765 = tpu.memref_squeeze %dma_wait3A_764 : memref<1x64xf32, #tpu.memory_space<vmem>> -> memref<64xf32, #tpu.memory_space<vmem>>
      %dma_wait3A_766 = arith.constant 0 : i32
      %dma_wait3A_767 = tpu.memref_slice %arg2[%squeeze3A_319, %squeeze3A_321, %dma_wait3A_766] : memref<125000x8x64xf32, #tpu.memory_space<hbm>> -> memref<1x1x64xf32, #tpu.memory_space<hbm>>
      %dma_wait3A_768 = tpu.memref_squeeze %dma_wait3A_767 : memref<1x1x64xf32, #tpu.memory_space<hbm>> -> memref<64xf32, #tpu.memory_space<hbm>>
      tpu.wait_dma2 semaphore(%arg10 : memref<!tpu.dma_semaphore, #tpu.memory_space<semaphore_mem>>) src(%dma_wait3A_768 : memref<64xf32, #tpu.memory_space<hbm>>) dst(%dma_wait3A_765 : memref<64xf32, #tpu.memory_space<vmem>>)
      %dma_wait3A_769 = arith.constant 0 : i32
      %dma_wait3A_770 = tpu.memref_slice %arg9[%add3A_325, %dma_wait3A_769] : memref<256x128xf32, #tpu.memory_space<vmem>> -> memref<1x64xf32, #tpu.memory_space<vmem>>
      %dma_wait3A_771 = tpu.memref_squeeze %dma_wait3A_770 : memref<1x64xf32, #tpu.memory_space<vmem>> -> memref<64xf32, #tpu.memory_space<vmem>>
      %dma_wait3A_772 = arith.constant 0 : i32
      %dma_wait3A_773 = tpu.memref_slice %arg3[%squeeze3A_319, %squeeze3A_321, %dma_wait3A_772] : memref<125000x8x64xf32, #tpu.memory_space<hbm>> -> memref<1x1x64xf32, #tpu.memory_space<hbm>>
      %dma_wait3A_774 = tpu.memref_squeeze %dma_wait3A_773 : memref<1x1x64xf32, #tpu.memory_space<hbm>> -> memref<64xf32, #tpu.memory_space<hbm>>
      %dma_wait3A_775 = arith.constant 0 : i32
      %dma_wait3A_776 = tpu.memref_slice %arg9[%add3A_325, %dma_wait3A_775] : memref<256x128xf32, #tpu.memory_space<vmem>> -> memref<1x64xf32, #tpu.memory_space<vmem>>
      %dma_wait3A_777 = tpu.memref_squeeze %dma_wait3A_776 : memref<1x64xf32, #tpu.memory_space<vmem>> -> memref<64xf32, #tpu.memory_space<vmem>>
      %dma_wait3A_778 = arith.constant 0 : i32
      %dma_wait3A_779 = tpu.memref_slice %arg3[%squeeze3A_319, %squeeze3A_321, %dma_wait3A_778] : memref<125000x8x64xf32, #tpu.memory_space<hbm>> -> memref<1x1x64xf32, #tpu.memory_space<hbm>>
      %dma_wait3A_780 = tpu.memref_squeeze %dma_wait3A_779 : memref<1x1x64xf32, #tpu.memory_space<hbm>> -> memref<64xf32, #tpu.memory_space<hbm>>
      tpu.wait_dma2 semaphore(%arg11 : memref<!tpu.dma_semaphore, #tpu.memory_space<semaphore_mem>>) src(%dma_wait3A_780 : memref<64xf32, #tpu.memory_space<hbm>>) dst(%dma_wait3A_777 : memref<64xf32, #tpu.memory_space<vmem>>)
      %dma_wait3A_781 = arith.constant 0 : i32
      %dma_wait3A_782 = tpu.memref_slice %arg8[%add3A_357, %dma_wait3A_781] : memref<256x128xf32, #tpu.memory_space<vmem>> -> memref<1x64xf32, #tpu.memory_space<vmem>>
      %dma_wait3A_783 = tpu.memref_squeeze %dma_wait3A_782 : memref<1x64xf32, #tpu.memory_space<vmem>> -> memref<64xf32, #tpu.memory_space<vmem>>
      %dma_wait3A_784 = arith.constant 0 : i32
      %dma_wait3A_785 = tpu.memref_slice %arg2[%squeeze3A_351, %squeeze3A_353, %dma_wait3A_784] : memref<125000x8x64xf32, #tpu.memory_space<hbm>> -> memref<1x1x64xf32, #tpu.memory_space<hbm>>
      %dma_wait3A_786 = tpu.memref_squeeze %dma_wait3A_785 : memref<1x1x64xf32, #tpu.memory_space<hbm>> -> memref<64xf32, #tpu.memory_space<hbm>>
      %dma_wait3A_787 = arith.constant 0 : i32
      %dma_wait3A_788 = tpu.memref_slice %arg8[%add3A_357, %dma_wait3A_787] : memref<256x128xf32, #tpu.memory_space<vmem>> -> memref<1x64xf32, #tpu.memory_space<vmem>>
      %dma_wait3A_789 = tpu.memref_squeeze %dma_wait3A_788 : memref<1x64xf32, #tpu.memory_space<vmem>> -> memref<64xf32, #tpu.memory_space<vmem>>
      %dma_wait3A_790 = arith.constant 0 : i32
      %dma_wait3A_791 = tpu.memref_slice %arg2[%squeeze3A_351, %squeeze3A_353, %dma_wait3A_790] : memref<125000x8x64xf32, #tpu.memory_space<hbm>> -> memref<1x1x64xf32, #tpu.memory_space<hbm>>
      %dma_wait3A_792 = tpu.memref_squeeze %dma_wait3A_791 : memref<1x1x64xf32, #tpu.memory_space<hbm>> -> memref<64xf32, #tpu.memory_space<hbm>>
      tpu.wait_dma2 semaphore(%arg10 : memref<!tpu.dma_semaphore, #tpu.memory_space<semaphore_mem>>) src(%dma_wait3A_792 : memref<64xf32, #tpu.memory_space<hbm>>) dst(%dma_wait3A_789 : memref<64xf32, #tpu.memory_space<vmem>>)
      %dma_wait3A_793 = arith.constant 0 : i32
      %dma_wait3A_794 = tpu.memref_slice %arg9[%add3A_357, %dma_wait3A_793] : memref<256x128xf32, #tpu.memory_space<vmem>> -> memref<1x64xf32, #tpu.memory_space<vmem>>
      %dma_wait3A_795 = tpu.memref_squeeze %dma_wait3A_794 : memref<1x64xf32, #tpu.memory_space<vmem>> -> memref<64xf32, #tpu.memory_space<vmem>>
      %dma_wait3A_796 = arith.constant 0 : i32
      %dma_wait3A_797 = tpu.memref_slice %arg3[%squeeze3A_351, %squeeze3A_353, %dma_wait3A_796] : memref<125000x8x64xf32, #tpu.memory_space<hbm>> -> memref<1x1x64xf32, #tpu.memory_space<hbm>>
      %dma_wait3A_798 = tpu.memref_squeeze %dma_wait3A_797 : memref<1x1x64xf32, #tpu.memory_space<hbm>> -> memref<64xf32, #tpu.memory_space<hbm>>
      %dma_wait3A_799 = arith.constant 0 : i32
      %dma_wait3A_800 = tpu.memref_slice %arg9[%add3A_357, %dma_wait3A_799] : memref<256x128xf32, #tpu.memory_space<vmem>> -> memref<1x64xf32, #tpu.memory_space<vmem>>
      %dma_wait3A_801 = tpu.memref_squeeze %dma_wait3A_800 : memref<1x64xf32, #tpu.memory_space<vmem>> -> memref<64xf32, #tpu.memory_space<vmem>>
      %dma_wait3A_802 = arith.constant 0 : i32
      %dma_wait3A_803 = tpu.memref_slice %arg3[%squeeze3A_351, %squeeze3A_353, %dma_wait3A_802] : memref<125000x8x64xf32, #tpu.memory_space<hbm>> -> memref<1x1x64xf32, #tpu.memory_space<hbm>>
      %dma_wait3A_804 = tpu.memref_squeeze %dma_wait3A_803 : memref<1x1x64xf32, #tpu.memory_space<hbm>> -> memref<64xf32, #tpu.memory_space<hbm>>
      tpu.wait_dma2 semaphore(%arg11 : memref<!tpu.dma_semaphore, #tpu.memory_space<semaphore_mem>>) src(%dma_wait3A_804 : memref<64xf32, #tpu.memory_space<hbm>>) dst(%dma_wait3A_801 : memref<64xf32, #tpu.memory_space<vmem>>)
      %dma_wait3A_805 = arith.constant 0 : i32
      %dma_wait3A_806 = tpu.memref_slice %arg8[%add3A_389, %dma_wait3A_805] : memref<256x128xf32, #tpu.memory_space<vmem>> -> memref<1x64xf32, #tpu.memory_space<vmem>>
      %dma_wait3A_807 = tpu.memref_squeeze %dma_wait3A_806 : memref<1x64xf32, #tpu.memory_space<vmem>> -> memref<64xf32, #tpu.memory_space<vmem>>
      %dma_wait3A_808 = arith.constant 0 : i32
      %dma_wait3A_809 = tpu.memref_slice %arg2[%squeeze3A_383, %squeeze3A_385, %dma_wait3A_808] : memref<125000x8x64xf32, #tpu.memory_space<hbm>> -> memref<1x1x64xf32, #tpu.memory_space<hbm>>
      %dma_wait3A_810 = tpu.memref_squeeze %dma_wait3A_809 : memref<1x1x64xf32, #tpu.memory_space<hbm>> -> memref<64xf32, #tpu.memory_space<hbm>>
      %dma_wait3A_811 = arith.constant 0 : i32
      %dma_wait3A_812 = tpu.memref_slice %arg8[%add3A_389, %dma_wait3A_811] : memref<256x128xf32, #tpu.memory_space<vmem>> -> memref<1x64xf32, #tpu.memory_space<vmem>>
      %dma_wait3A_813 = tpu.memref_squeeze %dma_wait3A_812 : memref<1x64xf32, #tpu.memory_space<vmem>> -> memref<64xf32, #tpu.memory_space<vmem>>
      %dma_wait3A_814 = arith.constant 0 : i32
      %dma_wait3A_815 = tpu.memref_slice %arg2[%squeeze3A_383, %squeeze3A_385, %dma_wait3A_814] : memref<125000x8x64xf32, #tpu.memory_space<hbm>> -> memref<1x1x64xf32, #tpu.memory_space<hbm>>
      %dma_wait3A_816 = tpu.memref_squeeze %dma_wait3A_815 : memref<1x1x64xf32, #tpu.memory_space<hbm>> -> memref<64xf32, #tpu.memory_space<hbm>>
      tpu.wait_dma2 semaphore(%arg10 : memref<!tpu.dma_semaphore, #tpu.memory_space<semaphore_mem>>) src(%dma_wait3A_816 : memref<64xf32, #tpu.memory_space<hbm>>) dst(%dma_wait3A_813 : memref<64xf32, #tpu.memory_space<vmem>>)
      %dma_wait3A_817 = arith.constant 0 : i32
      %dma_wait3A_818 = tpu.memref_slice %arg9[%add3A_389, %dma_wait3A_817] : memref<256x128xf32, #tpu.memory_space<vmem>> -> memref<1x64xf32, #tpu.memory_space<vmem>>
      %dma_wait3A_819 = tpu.memref_squeeze %dma_wait3A_818 : memref<1x64xf32, #tpu.memory_space<vmem>> -> memref<64xf32, #tpu.memory_space<vmem>>
      %dma_wait3A_820 = arith.constant 0 : i32
      %dma_wait3A_821 = tpu.memref_slice %arg3[%squeeze3A_383, %squeeze3A_385, %dma_wait3A_820] : memref<125000x8x64xf32, #tpu.memory_space<hbm>> -> memref<1x1x64xf32, #tpu.memory_space<hbm>>
      %dma_wait3A_822 = tpu.memref_squeeze %dma_wait3A_821 : memref<1x1x64xf32, #tpu.memory_space<hbm>> -> memref<64xf32, #tpu.memory_space<hbm>>
      %dma_wait3A_823 = arith.constant 0 : i32
      %dma_wait3A_824 = tpu.memref_slice %arg9[%add3A_389, %dma_wait3A_823] : memref<256x128xf32, #tpu.memory_space<vmem>> -> memref<1x64xf32, #tpu.memory_space<vmem>>
      %dma_wait3A_825 = tpu.memref_squeeze %dma_wait3A_824 : memref<1x64xf32, #tpu.memory_space<vmem>> -> memref<64xf32, #tpu.memory_space<vmem>>
      %dma_wait3A_826 = arith.constant 0 : i32
      %dma_wait3A_827 = tpu.memref_slice %arg3[%squeeze3A_383, %squeeze3A_385, %dma_wait3A_826] : memref<125000x8x64xf32, #tpu.memory_space<hbm>> -> memref<1x1x64xf32, #tpu.memory_space<hbm>>
      %dma_wait3A_828 = tpu.memref_squeeze %dma_wait3A_827 : memref<1x1x64xf32, #tpu.memory_space<hbm>> -> memref<64xf32, #tpu.memory_space<hbm>>
      tpu.wait_dma2 semaphore(%arg11 : memref<!tpu.dma_semaphore, #tpu.memory_space<semaphore_mem>>) src(%dma_wait3A_828 : memref<64xf32, #tpu.memory_space<hbm>>) dst(%dma_wait3A_825 : memref<64xf32, #tpu.memory_space<vmem>>)
      %dma_wait3A_829 = arith.constant 0 : i32
      %dma_wait3A_830 = tpu.memref_slice %arg8[%add3A_421, %dma_wait3A_829] : memref<256x128xf32, #tpu.memory_space<vmem>> -> memref<1x64xf32, #tpu.memory_space<vmem>>
      %dma_wait3A_831 = tpu.memref_squeeze %dma_wait3A_830 : memref<1x64xf32, #tpu.memory_space<vmem>> -> memref<64xf32, #tpu.memory_space<vmem>>
      %dma_wait3A_832 = arith.constant 0 : i32
      %dma_wait3A_833 = tpu.memref_slice %arg2[%squeeze3A_415, %squeeze3A_417, %dma_wait3A_832] : memref<125000x8x64xf32, #tpu.memory_space<hbm>> -> memref<1x1x64xf32, #tpu.memory_space<hbm>>
      %dma_wait3A_834 = tpu.memref_squeeze %dma_wait3A_833 : memref<1x1x64xf32, #tpu.memory_space<hbm>> -> memref<64xf32, #tpu.memory_space<hbm>>
      %dma_wait3A_835 = arith.constant 0 : i32
      %dma_wait3A_836 = tpu.memref_slice %arg8[%add3A_421, %dma_wait3A_835] : memref<256x128xf32, #tpu.memory_space<vmem>> -> memref<1x64xf32, #tpu.memory_space<vmem>>
      %dma_wait3A_837 = tpu.memref_squeeze %dma_wait3A_836 : memref<1x64xf32, #tpu.memory_space<vmem>> -> memref<64xf32, #tpu.memory_space<vmem>>
      %dma_wait3A_838 = arith.constant 0 : i32
      %dma_wait3A_839 = tpu.memref_slice %arg2[%squeeze3A_415, %squeeze3A_417, %dma_wait3A_838] : memref<125000x8x64xf32, #tpu.memory_space<hbm>> -> memref<1x1x64xf32, #tpu.memory_space<hbm>>
      %dma_wait3A_840 = tpu.memref_squeeze %dma_wait3A_839 : memref<1x1x64xf32, #tpu.memory_space<hbm>> -> memref<64xf32, #tpu.memory_space<hbm>>
      tpu.wait_dma2 semaphore(%arg10 : memref<!tpu.dma_semaphore, #tpu.memory_space<semaphore_mem>>) src(%dma_wait3A_840 : memref<64xf32, #tpu.memory_space<hbm>>) dst(%dma_wait3A_837 : memref<64xf32, #tpu.memory_space<vmem>>)
      %dma_wait3A_841 = arith.constant 0 : i32
      %dma_wait3A_842 = tpu.memref_slice %arg9[%add3A_421, %dma_wait3A_841] : memref<256x128xf32, #tpu.memory_space<vmem>> -> memref<1x64xf32, #tpu.memory_space<vmem>>
      %dma_wait3A_843 = tpu.memref_squeeze %dma_wait3A_842 : memref<1x64xf32, #tpu.memory_space<vmem>> -> memref<64xf32, #tpu.memory_space<vmem>>
      %dma_wait3A_844 = arith.constant 0 : i32
      %dma_wait3A_845 = tpu.memref_slice %arg3[%squeeze3A_415, %squeeze3A_417, %dma_wait3A_844] : memref<125000x8x64xf32, #tpu.memory_space<hbm>> -> memref<1x1x64xf32, #tpu.memory_space<hbm>>
      %dma_wait3A_846 = tpu.memref_squeeze %dma_wait3A_845 : memref<1x1x64xf32, #tpu.memory_space<hbm>> -> memref<64xf32, #tpu.memory_space<hbm>>
      %dma_wait3A_847 = arith.constant 0 : i32
      %dma_wait3A_848 = tpu.memref_slice %arg9[%add3A_421, %dma_wait3A_847] : memref<256x128xf32, #tpu.memory_space<vmem>> -> memref<1x64xf32, #tpu.memory_space<vmem>>
      %dma_wait3A_849 = tpu.memref_squeeze %dma_wait3A_848 : memref<1x64xf32, #tpu.memory_space<vmem>> -> memref<64xf32, #tpu.memory_space<vmem>>
      %dma_wait3A_850 = arith.constant 0 : i32
      %dma_wait3A_851 = tpu.memref_slice %arg3[%squeeze3A_415, %squeeze3A_417, %dma_wait3A_850] : memref<125000x8x64xf32, #tpu.memory_space<hbm>> -> memref<1x1x64xf32, #tpu.memory_space<hbm>>
      %dma_wait3A_852 = tpu.memref_squeeze %dma_wait3A_851 : memref<1x1x64xf32, #tpu.memory_space<hbm>> -> memref<64xf32, #tpu.memory_space<hbm>>
      tpu.wait_dma2 semaphore(%arg11 : memref<!tpu.dma_semaphore, #tpu.memory_space<semaphore_mem>>) src(%dma_wait3A_852 : memref<64xf32, #tpu.memory_space<hbm>>) dst(%dma_wait3A_849 : memref<64xf32, #tpu.memory_space<vmem>>)
      %dma_wait3A_853 = arith.constant 0 : i32
      %dma_wait3A_854 = tpu.memref_slice %arg8[%add3A_453, %dma_wait3A_853] : memref<256x128xf32, #tpu.memory_space<vmem>> -> memref<1x64xf32, #tpu.memory_space<vmem>>
      %dma_wait3A_855 = tpu.memref_squeeze %dma_wait3A_854 : memref<1x64xf32, #tpu.memory_space<vmem>> -> memref<64xf32, #tpu.memory_space<vmem>>
      %dma_wait3A_856 = arith.constant 0 : i32
      %dma_wait3A_857 = tpu.memref_slice %arg2[%squeeze3A_447, %squeeze3A_449, %dma_wait3A_856] : memref<125000x8x64xf32, #tpu.memory_space<hbm>> -> memref<1x1x64xf32, #tpu.memory_space<hbm>>
      %dma_wait3A_858 = tpu.memref_squeeze %dma_wait3A_857 : memref<1x1x64xf32, #tpu.memory_space<hbm>> -> memref<64xf32, #tpu.memory_space<hbm>>
      %dma_wait3A_859 = arith.constant 0 : i32
      %dma_wait3A_860 = tpu.memref_slice %arg8[%add3A_453, %dma_wait3A_859] : memref<256x128xf32, #tpu.memory_space<vmem>> -> memref<1x64xf32, #tpu.memory_space<vmem>>
      %dma_wait3A_861 = tpu.memref_squeeze %dma_wait3A_860 : memref<1x64xf32, #tpu.memory_space<vmem>> -> memref<64xf32, #tpu.memory_space<vmem>>
      %dma_wait3A_862 = arith.constant 0 : i32
      %dma_wait3A_863 = tpu.memref_slice %arg2[%squeeze3A_447, %squeeze3A_449, %dma_wait3A_862] : memref<125000x8x64xf32, #tpu.memory_space<hbm>> -> memref<1x1x64xf32, #tpu.memory_space<hbm>>
      %dma_wait3A_864 = tpu.memref_squeeze %dma_wait3A_863 : memref<1x1x64xf32, #tpu.memory_space<hbm>> -> memref<64xf32, #tpu.memory_space<hbm>>
      tpu.wait_dma2 semaphore(%arg10 : memref<!tpu.dma_semaphore, #tpu.memory_space<semaphore_mem>>) src(%dma_wait3A_864 : memref<64xf32, #tpu.memory_space<hbm>>) dst(%dma_wait3A_861 : memref<64xf32, #tpu.memory_space<vmem>>)
      %dma_wait3A_865 = arith.constant 0 : i32
      %dma_wait3A_866 = tpu.memref_slice %arg9[%add3A_453, %dma_wait3A_865] : memref<256x128xf32, #tpu.memory_space<vmem>> -> memref<1x64xf32, #tpu.memory_space<vmem>>
      %dma_wait3A_867 = tpu.memref_squeeze %dma_wait3A_866 : memref<1x64xf32, #tpu.memory_space<vmem>> -> memref<64xf32, #tpu.memory_space<vmem>>
      %dma_wait3A_868 = arith.constant 0 : i32
      %dma_wait3A_869 = tpu.memref_slice %arg3[%squeeze3A_447, %squeeze3A_449, %dma_wait3A_868] : memref<125000x8x64xf32, #tpu.memory_space<hbm>> -> memref<1x1x64xf32, #tpu.memory_space<hbm>>
      %dma_wait3A_870 = tpu.memref_squeeze %dma_wait3A_869 : memref<1x1x64xf32, #tpu.memory_space<hbm>> -> memref<64xf32, #tpu.memory_space<hbm>>
      %dma_wait3A_871 = arith.constant 0 : i32
      %dma_wait3A_872 = tpu.memref_slice %arg9[%add3A_453, %dma_wait3A_871] : memref<256x128xf32, #tpu.memory_space<vmem>> -> memref<1x64xf32, #tpu.memory_space<vmem>>
      %dma_wait3A_873 = tpu.memref_squeeze %dma_wait3A_872 : memref<1x64xf32, #tpu.memory_space<vmem>> -> memref<64xf32, #tpu.memory_space<vmem>>
      %dma_wait3A_874 = arith.constant 0 : i32
      %dma_wait3A_875 = tpu.memref_slice %arg3[%squeeze3A_447, %squeeze3A_449, %dma_wait3A_874] : memref<125000x8x64xf32, #tpu.memory_space<hbm>> -> memref<1x1x64xf32, #tpu.memory_space<hbm>>
      %dma_wait3A_876 = tpu.memref_squeeze %dma_wait3A_875 : memref<1x1x64xf32, #tpu.memory_space<hbm>> -> memref<64xf32, #tpu.memory_space<hbm>>
      tpu.wait_dma2 semaphore(%arg11 : memref<!tpu.dma_semaphore, #tpu.memory_space<semaphore_mem>>) src(%dma_wait3A_876 : memref<64xf32, #tpu.memory_space<hbm>>) dst(%dma_wait3A_873 : memref<64xf32, #tpu.memory_space<vmem>>)
      %dma_wait3A_877 = arith.constant 0 : i32
      %dma_wait3A_878 = tpu.memref_slice %arg8[%add3A_485, %dma_wait3A_877] : memref<256x128xf32, #tpu.memory_space<vmem>> -> memref<1x64xf32, #tpu.memory_space<vmem>>
      %dma_wait3A_879 = tpu.memref_squeeze %dma_wait3A_878 : memref<1x64xf32, #tpu.memory_space<vmem>> -> memref<64xf32, #tpu.memory_space<vmem>>
      %dma_wait3A_880 = arith.constant 0 : i32
      %dma_wait3A_881 = tpu.memref_slice %arg2[%squeeze3A_479, %squeeze3A_481, %dma_wait3A_880] : memref<125000x8x64xf32, #tpu.memory_space<hbm>> -> memref<1x1x64xf32, #tpu.memory_space<hbm>>
      %dma_wait3A_882 = tpu.memref_squeeze %dma_wait3A_881 : memref<1x1x64xf32, #tpu.memory_space<hbm>> -> memref<64xf32, #tpu.memory_space<hbm>>
      %dma_wait3A_883 = arith.constant 0 : i32
      %dma_wait3A_884 = tpu.memref_slice %arg8[%add3A_485, %dma_wait3A_883] : memref<256x128xf32, #tpu.memory_space<vmem>> -> memref<1x64xf32, #tpu.memory_space<vmem>>
      %dma_wait3A_885 = tpu.memref_squeeze %dma_wait3A_884 : memref<1x64xf32, #tpu.memory_space<vmem>> -> memref<64xf32, #tpu.memory_space<vmem>>
      %dma_wait3A_886 = arith.constant 0 : i32
      %dma_wait3A_887 = tpu.memref_slice %arg2[%squeeze3A_479, %squeeze3A_481, %dma_wait3A_886] : memref<125000x8x64xf32, #tpu.memory_space<hbm>> -> memref<1x1x64xf32, #tpu.memory_space<hbm>>
      %dma_wait3A_888 = tpu.memref_squeeze %dma_wait3A_887 : memref<1x1x64xf32, #tpu.memory_space<hbm>> -> memref<64xf32, #tpu.memory_space<hbm>>
      tpu.wait_dma2 semaphore(%arg10 : memref<!tpu.dma_semaphore, #tpu.memory_space<semaphore_mem>>) src(%dma_wait3A_888 : memref<64xf32, #tpu.memory_space<hbm>>) dst(%dma_wait3A_885 : memref<64xf32, #tpu.memory_space<vmem>>)
      %dma_wait3A_889 = arith.constant 0 : i32
      %dma_wait3A_890 = tpu.memref_slice %arg9[%add3A_485, %dma_wait3A_889] : memref<256x128xf32, #tpu.memory_space<vmem>> -> memref<1x64xf32, #tpu.memory_space<vmem>>
      %dma_wait3A_891 = tpu.memref_squeeze %dma_wait3A_890 : memref<1x64xf32, #tpu.memory_space<vmem>> -> memref<64xf32, #tpu.memory_space<vmem>>
      %dma_wait3A_892 = arith.constant 0 : i32
      %dma_wait3A_893 = tpu.memref_slice %arg3[%squeeze3A_479, %squeeze3A_481, %dma_wait3A_892] : memref<125000x8x64xf32, #tpu.memory_space<hbm>> -> memref<1x1x64xf32, #tpu.memory_space<hbm>>
      %dma_wait3A_894 = tpu.memref_squeeze %dma_wait3A_893 : memref<1x1x64xf32, #tpu.memory_space<hbm>> -> memref<64xf32, #tpu.memory_space<hbm>>
      %dma_wait3A_895 = arith.constant 0 : i32
      %dma_wait3A_896 = tpu.memref_slice %arg9[%add3A_485, %dma_wait3A_895] : memref<256x128xf32, #tpu.memory_space<vmem>> -> memref<1x64xf32, #tpu.memory_space<vmem>>
      %dma_wait3A_897 = tpu.memref_squeeze %dma_wait3A_896 : memref<1x64xf32, #tpu.memory_space<vmem>> -> memref<64xf32, #tpu.memory_space<vmem>>
      %dma_wait3A_898 = arith.constant 0 : i32
      %dma_wait3A_899 = tpu.memref_slice %arg3[%squeeze3A_479, %squeeze3A_481, %dma_wait3A_898] : memref<125000x8x64xf32, #tpu.memory_space<hbm>> -> memref<1x1x64xf32, #tpu.memory_space<hbm>>
      %dma_wait3A_900 = tpu.memref_squeeze %dma_wait3A_899 : memref<1x1x64xf32, #tpu.memory_space<hbm>> -> memref<64xf32, #tpu.memory_space<hbm>>
      tpu.wait_dma2 semaphore(%arg11 : memref<!tpu.dma_semaphore, #tpu.memory_space<semaphore_mem>>) src(%dma_wait3A_900 : memref<64xf32, #tpu.memory_space<hbm>>) dst(%dma_wait3A_897 : memref<64xf32, #tpu.memory_space<vmem>>)
      %dma_wait3A_901 = arith.constant 0 : i32
      %dma_wait3A_902 = tpu.memref_slice %arg8[%add3A_517, %dma_wait3A_901] : memref<256x128xf32, #tpu.memory_space<vmem>> -> memref<1x64xf32, #tpu.memory_space<vmem>>
      %dma_wait3A_903 = tpu.memref_squeeze %dma_wait3A_902 : memref<1x64xf32, #tpu.memory_space<vmem>> -> memref<64xf32, #tpu.memory_space<vmem>>
      %dma_wait3A_904 = arith.constant 0 : i32
      %dma_wait3A_905 = tpu.memref_slice %arg2[%squeeze3A_511, %squeeze3A_513, %dma_wait3A_904] : memref<125000x8x64xf32, #tpu.memory_space<hbm>> -> memref<1x1x64xf32, #tpu.memory_space<hbm>>
      %dma_wait3A_906 = tpu.memref_squeeze %dma_wait3A_905 : memref<1x1x64xf32, #tpu.memory_space<hbm>> -> memref<64xf32, #tpu.memory_space<hbm>>
      %dma_wait3A_907 = arith.constant 0 : i32
      %dma_wait3A_908 = tpu.memref_slice %arg8[%add3A_517, %dma_wait3A_907] : memref<256x128xf32, #tpu.memory_space<vmem>> -> memref<1x64xf32, #tpu.memory_space<vmem>>
      %dma_wait3A_909 = tpu.memref_squeeze %dma_wait3A_908 : memref<1x64xf32, #tpu.memory_space<vmem>> -> memref<64xf32, #tpu.memory_space<vmem>>
      %dma_wait3A_910 = arith.constant 0 : i32
      %dma_wait3A_911 = tpu.memref_slice %arg2[%squeeze3A_511, %squeeze3A_513, %dma_wait3A_910] : memref<125000x8x64xf32, #tpu.memory_space<hbm>> -> memref<1x1x64xf32, #tpu.memory_space<hbm>>
      %dma_wait3A_912 = tpu.memref_squeeze %dma_wait3A_911 : memref<1x1x64xf32, #tpu.memory_space<hbm>> -> memref<64xf32, #tpu.memory_space<hbm>>
      tpu.wait_dma2 semaphore(%arg10 : memref<!tpu.dma_semaphore, #tpu.memory_space<semaphore_mem>>) src(%dma_wait3A_912 : memref<64xf32, #tpu.memory_space<hbm>>) dst(%dma_wait3A_909 : memref<64xf32, #tpu.memory_space<vmem>>)
      %dma_wait3A_913 = arith.constant 0 : i32
      %dma_wait3A_914 = tpu.memref_slice %arg9[%add3A_517, %dma_wait3A_913] : memref<256x128xf32, #tpu.memory_space<vmem>> -> memref<1x64xf32, #tpu.memory_space<vmem>>
      %dma_wait3A_915 = tpu.memref_squeeze %dma_wait3A_914 : memref<1x64xf32, #tpu.memory_space<vmem>> -> memref<64xf32, #tpu.memory_space<vmem>>
      %dma_wait3A_916 = arith.constant 0 : i32
      %dma_wait3A_917 = tpu.memref_slice %arg3[%squeeze3A_511, %squeeze3A_513, %dma_wait3A_916] : memref<125000x8x64xf32, #tpu.memory_space<hbm>> -> memref<1x1x64xf32, #tpu.memory_space<hbm>>
      %dma_wait3A_918 = tpu.memref_squeeze %dma_wait3A_917 : memref<1x1x64xf32, #tpu.memory_space<hbm>> -> memref<64xf32, #tpu.memory_space<hbm>>
      %dma_wait3A_919 = arith.constant 0 : i32
      %dma_wait3A_920 = tpu.memref_slice %arg9[%add3A_517, %dma_wait3A_919] : memref<256x128xf32, #tpu.memory_space<vmem>> -> memref<1x64xf32, #tpu.memory_space<vmem>>
      %dma_wait3A_921 = tpu.memref_squeeze %dma_wait3A_920 : memref<1x64xf32, #tpu.memory_space<vmem>> -> memref<64xf32, #tpu.memory_space<vmem>>
      %dma_wait3A_922 = arith.constant 0 : i32
      %dma_wait3A_923 = tpu.memref_slice %arg3[%squeeze3A_511, %squeeze3A_513, %dma_wait3A_922] : memref<125000x8x64xf32, #tpu.memory_space<hbm>> -> memref<1x1x64xf32, #tpu.memory_space<hbm>>
      %dma_wait3A_924 = tpu.memref_squeeze %dma_wait3A_923 : memref<1x1x64xf32, #tpu.memory_space<hbm>> -> memref<64xf32, #tpu.memory_space<hbm>>
      tpu.wait_dma2 semaphore(%arg11 : memref<!tpu.dma_semaphore, #tpu.memory_space<semaphore_mem>>) src(%dma_wait3A_924 : memref<64xf32, #tpu.memory_space<hbm>>) dst(%dma_wait3A_921 : memref<64xf32, #tpu.memory_space<vmem>>)
    }
    %scan3A_17 = arith.constant 16 : i32
    %add3A_18 = arith.constant 256 : i32
    %add3A_19 = arith.addi %mul3A_2, %add3A_18 : i32
    "tpu.region"() ({
      %run_scoped3A = tpu.sem_alloc : memref<!tpu.dma_semaphore, #tpu.memory_space<semaphore_mem>>
      %dma_start3A = arith.constant 0 : i32
      %dma_start3A_22 = tpu.memref_slice %arg5[%add3A_19, %dma_start3A] : memref<16384x128xf32, #tpu.memory_space<hbm>> -> memref<256x128xf32, #tpu.memory_space<hbm>>
      %dma_start3A_23 = arith.constant 0 : i32
      %dma_start3A_24 = tpu.memref_slice %arg5[%add3A_19, %dma_start3A_23] : memref<16384x128xf32, #tpu.memory_space<hbm>> -> memref<256x128xf32, #tpu.memory_space<hbm>>
      tpu.enqueue_dma source(%arg8 : memref<256x128xf32, #tpu.memory_space<vmem>>) target(%dma_start3A_24 : memref<256x128xf32, #tpu.memory_space<hbm>>) target_semaphore(%run_scoped3A : memref<!tpu.dma_semaphore, #tpu.memory_space<semaphore_mem>>)
      %dma_wait3A = arith.constant 0 : i32
      %dma_wait3A_25 = tpu.memref_slice %arg5[%add3A_19, %dma_wait3A] : memref<16384x128xf32, #tpu.memory_space<hbm>> -> memref<256x128xf32, #tpu.memory_space<hbm>>
      %dma_wait3A_26 = arith.constant 0 : i32
      %dma_wait3A_27 = tpu.memref_slice %arg5[%add3A_19, %dma_wait3A_26] : memref<16384x128xf32, #tpu.memory_space<hbm>> -> memref<256x128xf32, #tpu.memory_space<hbm>>
      tpu.wait_dma2 semaphore(%run_scoped3A : memref<!tpu.dma_semaphore, #tpu.memory_space<semaphore_mem>>) src(%arg8 : memref<256x128xf32, #tpu.memory_space<vmem>>) dst(%dma_wait3A_27 : memref<256x128xf32, #tpu.memory_space<hbm>>)
      tpu.yield
    }) : () -> ()
    %add3A_20 = arith.constant 256 : i32
    %add3A_21 = arith.addi %mul3A_2, %add3A_20 : i32
    "tpu.region"() ({
      %run_scoped3A = tpu.sem_alloc : memref<!tpu.dma_semaphore, #tpu.memory_space<semaphore_mem>>
      %dma_start3A = arith.constant 0 : i32
      %dma_start3A_22 = tpu.memref_slice %arg6[%add3A_21, %dma_start3A] : memref<16384x128xf32, #tpu.memory_space<hbm>> -> memref<256x128xf32, #tpu.memory_space<hbm>>
      %dma_start3A_23 = arith.constant 0 : i32
      %dma_start3A_24 = tpu.memref_slice %arg6[%add3A_21, %dma_start3A_23] : memref<16384x128xf32, #tpu.memory_space<hbm>> -> memref<256x128xf32, #tpu.memory_space<hbm>>
      tpu.enqueue_dma source(%arg9 : memref<256x128xf32, #tpu.memory_space<vmem>>) target(%dma_start3A_24 : memref<256x128xf32, #tpu.memory_space<hbm>>) target_semaphore(%run_scoped3A : memref<!tpu.dma_semaphore, #tpu.memory_space<semaphore_mem>>)
      %dma_wait3A = arith.constant 0 : i32
      %dma_wait3A_25 = tpu.memref_slice %arg6[%add3A_21, %dma_wait3A] : memref<16384x128xf32, #tpu.memory_space<hbm>> -> memref<256x128xf32, #tpu.memory_space<hbm>>
      %dma_wait3A_26 = arith.constant 0 : i32
      %dma_wait3A_27 = tpu.memref_slice %arg6[%add3A_21, %dma_wait3A_26] : memref<16384x128xf32, #tpu.memory_space<hbm>> -> memref<256x128xf32, #tpu.memory_space<hbm>>
      tpu.wait_dma2 semaphore(%run_scoped3A : memref<!tpu.dma_semaphore, #tpu.memory_space<semaphore_mem>>) src(%arg9 : memref<256x128xf32, #tpu.memory_space<vmem>>) dst(%dma_wait3A_27 : memref<256x128xf32, #tpu.memory_space<hbm>>)
      tpu.yield
    }) : () -> ()
    return
  }
}

module attributes {stable_mosaic.version = 14 : i64} {
  func.func @_tc_hash(%arg0: i32, %arg1: memref<2048x128xf32, #tpu.memory_space<vmem>>, %arg2: memref<64x32xf32, #tpu.memory_space<vmem>>, %arg3: memref<1x32xf32, #tpu.memory_space<vmem>>, %arg4: memref<2048x32xf32, #tpu.memory_space<vmem>>) attributes {dimension_semantics = [#tpu.dimension_semantics<arbitrary>], iteration_bounds = array<i64: 8>, scalar_prefetch = 0 : i64, scratch_operands = 0 : i64, tpu.core_type = #tpu.core_type<tc>, window_params = [{transform_indices = @transform_0, window_bounds = array<i64: 2048, 128>}, {pipeline_mode = #tpu.pipeline_mode<synchronous>, transform_indices = @transform_1, window_bounds = array<i64: 64, 32>}, {pipeline_mode = #tpu.pipeline_mode<synchronous>, transform_indices = @transform_2, window_bounds = array<i64: 1, 32>}, {transform_indices = @transform_3, window_bounds = array<i64: 2048, 32>}]} {
    %get3A = arith.constant 0 : index
    %get3A_0 = arith.constant 0 : index
    %get3A_1 = vector.load %arg1[%get3A, %get3A_0] : memref<2048x128xf32, #tpu.memory_space<vmem>>, vector<2048x64xf32>
    %get3A_2 = arith.constant 0 : index
    %get3A_3 = arith.constant 0 : index
    %get3A_4 = vector.load %arg2[%get3A_2, %get3A_3] : memref<64x32xf32, #tpu.memory_space<vmem>>, vector<64x32xf32>
    %dot_general3A = arith.constant dense<0.000000e+00> : vector<2048x32xf32>
    %dot_general3A_5 = tpu.matmul %get3A_1, %get3A_4, %dot_general3A {dimension_numbers = #tpu.dot_dimension_numbers<[1], [0], [0], [1], [0, 0, 1, 1], [], []>, transpose_lhs_hint = false} : vector<2048x64xf32>, vector<64x32xf32>, vector<2048x32xf32> -> vector<2048x32xf32>
    %get3A_6 = arith.constant 0 : index
    %get3A_7 = arith.constant 0 : index
    %get3A_8 = vector.load %arg3[%get3A_6, %get3A_7] : memref<1x32xf32, #tpu.memory_space<vmem>>, vector<1x32xf32>
    %add3A = vector.broadcast %get3A_8 : vector<1x32xf32> to vector<2048x32xf32>
    %add3A_9 = arith.addf %dot_general3A_5, %add3A : vector<2048x32xf32>
    %tanh3A = math.tanh %add3A_9 : vector<2048x32xf32>
    %swap3A = arith.constant 0 : index
    %swap3A_10 = arith.constant 0 : index
    %swap3A_11 = vector.load %arg4[%swap3A, %swap3A_10] : memref<2048x32xf32, #tpu.memory_space<vmem>>, vector<2048x32xf32>
    tpu.vector_store %arg4[%swap3A, %swap3A_10], %tanh3A {strides = array<i32>} : memref<2048x32xf32, #tpu.memory_space<vmem>>, vector<2048x32xf32>,
    return
  }
  func.func @transform_0(%arg0: i32) -> (i32, i32) {
    %c0_i32 = arith.constant 0 : i32
    %c0_i32_0 = arith.constant 0 : i32
    return %arg0, %c0_i32 : i32, i32
  }
  func.func @transform_1(%arg0: i32) -> (i32, i32) {
    %c0_i32 = arith.constant 0 : i32
    %c0_i32_0 = arith.constant 0 : i32
    %c0_i32_1 = arith.constant 0 : i32
    return %c0_i32, %c0_i32_0 : i32, i32
  }
  func.func @transform_2(%arg0: i32) -> (i32, i32) {
    %c0_i32 = arith.constant 0 : i32
    %c0_i32_0 = arith.constant 0 : i32
    %c0_i32_1 = arith.constant 0 : i32
    return %c0_i32, %c0_i32_0 : i32, i32
  }
  func.func @transform_3(%arg0: i32) -> (i32, i32) {
    %c0_i32 = arith.constant 0 : i32
    %c0_i32_0 = arith.constant 0 : i32
    return %arg0, %c0_i32 : i32, i32
  }
}

</mosaic_0001>

<sc_bundles>
// kernel: kernel.4.cloned.1.call-start
scs
__scs_entry_jumppad:
0x0: {  	(pc) =	sbr.rel $0x88, $3  }
0x1: {  	(tag) =	ssettag $0x0;
	lr =	simm.s32 $0x1  }
0x2: {  	[smem:$0x3F9C] =	sst lr;
	_ =	strace $0xD0000000  }
0x3: {  	_ = 	snop  }
0x4: {  	_ = 	snop  }
0x5: {  	_ = 	snop  }
0x6: {  	_ = 	snop  }
0x7: {  	_ = 	snop  }
__scs_overlays_trampoline_lowered:
0x8: {  	[smem:$0x3FAB] =	sst s0  }
0x9: {  	[smem:$0x3FAC] =	sst s1  }
0xa: {  	[smem:$0x3FAD] =	sst s2  }
0xb: {  	[smem:$0x3FAE] =	sst s3  }
0xc: {  	[smem:$0x3FAF] =	sst s4  }
0xd: {  	[smem:$0x3FB0] =	sst s5  }
0xe: {  	[smem:$0x3FB1] =	sst s6  }
0xf: {  	[smem:$0x3FB2] =	sst s7  }
0x10: {  	[smem:$0x3FB3] =	sst s8  }
0x11: {  	[smem:$0x3FB4] =	sst s9;
	s0 =	simm.s32 @!p0 $0x0  }
0x12: {  	s1 =	sld [smem:$0x3F9A];
	s0 =	simm.s32 @p0 $0x1  }
0x13: {  	[smem:$0x3FB5] =	sst s0;
	s0 =	simm.s32 @!p1 $0x0  }
0x14: {  	s2 =	sld [smem:$0x3F99];
	s0 =	simm.s32 @p1 $0x1  }
0x15: {  	[smem:$0x3FB6] =	sst s0;
	s0 =	simm.s32 @!p2 $0x0  }
0x16: {  	s3 =	sld [smem:$0x3FDB];
	s0 =	simm.s32 @p2 $0x1  }
0x17: {  	s4 =	simm.s32 $0x1BF5;
	[smem:$0x3FB8] =	sst s0  }
0x18: {  	s0 =	sld [smem:$0x3F9B];
	_ =	swait.ge [sflag:s4], $0x0  }
0x19: {  	s7 =	sld [smem:$0x3F9C]  }
0x1a: {  	s8 =	sadd.s32 $0xFFFFE003, lr  }
0x1b: {  	s9 =	sadd.s32 $0xFFFFFEF7, lr;
	s5 =	simm.s32 $0xFFFFFFFF;
	p2 =	slt.u32 s8, $0xFFFFF086  }
0x1c: {  	p1 =	slt.u32 s9, $0xF7A;
	s5 =	simm.s32 @!p2 $0x0  }
0x1d: {  	s5 =	simm.s32 @p1 $0x1;
	p0 =	seq.s32 s7, s2  }
0x1e: {  	s7 =	smul.u32 @!p0 $0xF7A, s2;
	p2 =	seq.s32 @!p0 s5, $0x0  }
0x1f: {  	s9 =	smul.u32 $0xF7A, s1;
	s8 =	simm.s32 @!p0 $0x1BF5;
	p2 =	por !p2, p0  }
0x20: {  	[sflag:s8] =	ssyncset.s32 @!p0 $0xFFFFF086;
	s6 =	sadd.s32 @!p0 s3, s7;
	s7 =	simm.s32 @!p0 $0x108  }
0x21: {  	s3 =	sadd.s32 s3, s9;
	s6 =	sadd.s32 @!p0 $0x88, s6;
	s7 =	simm.s32 @p2 $0x1082  }
0x22: {  	[simem:s7], [sflag:s8] =	dma.local @!p0 [hbm:s6], $0xF7A  }
0x23: {  	s9 =	sor.u32 $0xD0000000, s2;
	s6 =	simm.s32 $0x108;
	_ =	swait.ge @!p0 [sflag:s8], $0x0  }
0x24: {  	s3 =	sadd.s32 $0x88, s3;
	s6 =	simm.s32 @!p1 $0x1082;
	[sflag:s4] =	ssyncset.s32 $0xFFFFF086  }
0x25: {  	[simem:s6], [sflag:s4] =	dma.local [hbm:s3], $0xF7A  }
0x26: {  	[smem:$0x3F9C] =	sst s1;
	(tag) =	ssettag s2;
	_ =	strace s9  }
0x27: {  	s1 =	sld [smem:$0x3FAC]  }
0x28: {  	s2 =	sld [smem:$0x3FAD]  }
0x29: {  	s4 =	sld [smem:$0x3FAF]  }
0x2a: {  	p0 =	seq.s32 s5, $0x0;
	s5 =	sld [smem:$0x3FB0]  }
0x2b: {  	s6 =	sld [smem:$0x3FB1]  }
0x2c: {  	s7 =	sld [smem:$0x3FB2]  }
0x2d: {  	s3 =	simm.s32 $0x108;
	s8 =	sld [smem:$0x3FB3]  }
0x2e: {  	s3 =	simm.s32 @!p0 $0x1082;
	s9 =	sld [smem:$0x3FB4]  }
0x2f: {  	lr =	sadd.s32 s0, s3;
	s0 =	sld [smem:$0x3FAB]  }
0x30: {  	s3 =	sld [smem:$0x3FAE]  }
0x31: {  	[smem:$0x3FB7] =	sst s10  }
0x32: {  	s10 =	sld [smem:$0x3FB5];
	_ =	sdelay $0x3  }
0x33: {  	p0 =	seq.s32 s10, $0x1;
	s10 =	sld [smem:$0x3FB7];
	_ =	sdelay $0x3  }
0x34: {  	[smem:$0x3FB7] =	sst s10  }
0x35: {  	s10 =	sld [smem:$0x3FB6];
	_ =	sdelay $0x3  }
0x36: {  	p1 =	seq.s32 s10, $0x1;
	s10 =	sld [smem:$0x3FB7];
	_ =	sdelay $0x3  }
0x37: {  	[smem:$0x3FB7] =	sst s10  }
0x38: {  	s10 =	sld [smem:$0x3FB8]  }
0x39: {  	_ = 	snop;
	(pc) =	sbr.ind lr, $3  }
0x3a: {  	_ = 	snop  }
0x3b: {  	_ = 	snop  }
0x3c: {  	p2 =	seq.s32 s10, $0x1;
	s10 =	sld [smem:$0x3FB7]  }
0x3d: {  	_ =	shalt  }
0x3e: {  	_ =	shalt  }
0x3f: {  	_ =	shalt  }
0x40: {  	_ =	shalt  }
0x41: {  	_ =	shalt  }
0x42: {  	_ =	shalt  }
0x43: {  	_ =	shalt  }
0x44: {  	_ =	shalt  }
0x45: {  	_ =	shalt  }
0x46: {  	_ =	shalt  }
0x47: {  	_ =	shalt  }
0x48: {  	_ =	shalt  }
0x49: {  	_ =	shalt  }
0x4a: {  	_ =	shalt  }
0x4b: {  	_ =	shalt  }
0x4c: {  	_ =	shalt  }
0x4d: {  	_ =	shalt  }
0x4e: {  	_ =	shalt  }
0x4f: {  	_ =	shalt  }
0x50: {  	_ =	shalt  }
0x51: {  	_ =	shalt  }
0x52: {  	_ =	shalt  }
0x53: {  	_ =	shalt  }
0x54: {  	_ =	shalt  }
0x55: {  	_ =	shalt  }
0x56: {  	_ =	shalt  }
0x57: {  	_ =	shalt  }
0x58: {  	_ =	shalt  }
0x59: {  	_ =	shalt  }
0x5a: {  	_ =	shalt  }
0x5b: {  	_ =	shalt  }
0x5c: {  	_ =	shalt  }
0x5d: {  	_ =	shalt  }
0x5e: {  	_ =	shalt  }
0x5f: {  	_ =	shalt  }
0x60: {  	_ =	shalt  }
0x61: {  	_ =	shalt  }
0x62: {  	_ =	shalt  }
0x63: {  	_ =	shalt  }
0x64: {  	_ =	shalt  }
0x65: {  	_ =	shalt  }
0x66: {  	_ =	shalt  }
0x67: {  	_ =	shalt  }
0x68: {  	_ =	shalt  }
0x69: {  	_ =	shalt  }
0x6a: {  	_ =	shalt  }
0x6b: {  	_ =	shalt  }
0x6c: {  	_ =	shalt  }
0x6d: {  	_ =	shalt  }
0x6e: {  	_ =	shalt  }
0x6f: {  	_ =	shalt  }
0x70: {  	_ =	shalt  }
0x71: {  	_ =	shalt  }
0x72: {  	_ =	shalt  }
0x73: {  	_ =	shalt  }
0x74: {  	_ =	shalt  }
0x75: {  	_ =	shalt  }
0x76: {  	_ =	shalt  }
0x77: {  	_ =	shalt  }
0x78: {  	_ =	shalt  }
0x79: {  	_ =	shalt  }
0x7a: {  	_ =	shalt  }
0x7b: {  	_ =	shalt  }
0x7c: {  	_ =	shalt  }
0x7d: {  	_ =	shalt  }
0x7e: {  	_ =	shalt  }
0x7f: {  	_ =	shalt  }
0x80: {  	_ =	shalt  }
0x81: {  	_ =	shalt  }
0x82: {  	_ =	shalt  }
0x83: {  	_ =	shalt  }
0x84: {  	_ =	shalt  }
0x85: {  	_ =	shalt  }
0x86: {  	_ =	shalt  }
0x87: {  	_ =	shalt  }
.Lfunc_end0:
.L_simem_size_0:
called_computation_lowered:
.L_overlay_start_0:
0x88: {  	s2 =	sld [smem:$0x3FD9]  }
0x89: {  	s3 =	sld [smem:$0x3FFE];
	_ =	sdelay $0x1  }
0x8a: {  	s1 =	srdreg.scid  }
0x8b: {  	s0 =	sand.u32 $0x1, s1  }
0x8c: {  	s17 =	sshll.u32 s0, $0xA;
	s2 =	sadd.s32 s3, s2  }
0x8d: {  	s2 =	sadd.s32 s2, s17  }
0x8e: {  	[smem:$0x3FC3] =	sst s2  }
0x8f: {  	_ = 	snop  }
0x90: {  	s2 =	sld [smem:$0x3FC5];
	(tm) =	ssettm $0x1  }
0x91: {  	s18 =	sld [smem:$0x3FFB];
	_ =	sdelay $0x3  }
0x92: {  	_ =	strace s18  }
0x93: {  	s3 =	sld [smem:$0x3FFC];
	_ =	sdelay $0x3  }
0x94: {  	_ =	strace s3  }
0x95: {  	s3 =	sld [smem:$0x3FFD];
	_ =	sdelay $0x3  }
0x96: {  	_ =	strace s3  }
0x97: {  	_ =	strace $0x8FFFFFFF  }
0x98: {  	s19 =	sld [smem:$0x3FDB];
	_ =	sdelay $0x1  }
0x99: {  	s4 =	simm.s32 $_scs_section_size  }
0x9a: {  	s5 =	simm.s32 $_size__tile_overlayer_lowered;
	s6 =	simm.s32 $_tile_overlayer_lowered  }
0x9b: {  	s22 =	simm.s32 $0x1BFF;
	s21 =	sshll.u32 s6, $0x1;
	s3 =	sadd.s32 s4, s19  }
0x9c: {  	s7 =	simm.s32 $0x0;
	s20 =	sshll.u32 s5, $0x1;
	s5 =	sadd.s32 s21, s3  }
0x9d: {  	[timem:s7], [sflag:s22] =	dma.local [hbm:s5], s20  }
0x9e: {  	_ =	swait.ge [sflag:s22], s20  }
0x9f: {  	s4 =	ssub.s32 $0x0, s20;
	[sflag:s22] =	ssyncset.done $0x0  }
0xa0: {  	[sflag:s22] =	ssyncadd.s32 s4;
	_ =	sdelay $0x1  }
0xa1: {  	s23 =	simm.s32 $0x1B8B  }
0xa2: {  	_ =	swait.ge [sflag:s23], $0x1  }
0xa3: {  	[sflag:s23] =	ssyncset.done $0x0  }
0xa4: {  	s25 =	simm.s32 $0x1B8E;
	s24 =	sld [smem:$0x3FFE];
	[sflag:s23] =	ssyncadd.s32 $0xFFFFFFFF  }
0xa5: {  	s26 =	simm.s32 $execute0_lowered;
	[smem:$0x3FD2] =	sst s25  }
0xa6: {  	s5 =	sshll.u32 s26, $0x1;
	_ =	strace $0x80000046;
	[dreg:$0x1] =	wrdreg $0xFFFFFFFF  }
0xa7: {  	s28 =	simm.s32 $_size_execute0_lowered;
	s3 =	sadd.s32 s3, s5;
	[dreg:$0x0] =	wrdreg $0x0  }
0xa8: {  	s5 =	sshll.u32 s28, $0x1;
	[dreg:$0x2] =	wrdreg s3  }
0xa9: {  	[dreg:$0x3] =	wrdreg s5  }
0xaa: {  	[dreg:$0x4] =	wrdreg $0xC0  }
0xab: {  	_ =	task [dreg:s7], $0x5FFFF  }
0xac: {  	[dreg:$0x1] =	wrdreg $0xFFFFFFFF  }
0xad: {  	[dreg:$0x0] =	wrdreg $0x60  }
0xae: {  	[dreg:$0x2] =	wrdreg s24  }
0xaf: {  	[dreg:$0x3] =	wrdreg s2  }
0xb0: {  	[dreg:$0x4] =	wrdreg $0x9  }
0xb1: {  	_ =	task.clear_ibuf [dreg:s7], $0x5FFFF;
	_ =	strace $0x90000046  }
0xb2: {  	s29 =	simm.s32 $0x9;
	_ =	strace $0x80000048  }
0xb3: {  	_ =	swait.ge [sflag:s29], $0x1  }
0xb4: {  	[sflag:s29] =	ssyncadd.s32 $0xFFFFFFFF  }
0xb5: {  	_ =	strace $0x90000048  }
0xb6: {  	_ =	sfence  }
0xb7: {  	s30 =	sld [smem:$0x0];
	_ =	sdelay $0x2  }
0xb8: {  	s31 =	sshll.u32 s1, $0xD;
	s1 =	sshrl.u32 s1, $0x2  }
0xb9: {  	s3 =	sand.u32 $0x4000, s31;
	s1 =	sadd.s32 s1, s30  }
0xba: {  	s0 =	sor.u32 s3, s0;
	s1 =	sshll.u32 s1, $0x11  }
0xbb: {  	s0 =	sor.u32 s1, s0  }
0xbc: {  	s0 =	sadd.s32 $0x8F2B, s0  }
0xbd: {  	[sflag:s0] =	ssyncadd.remote.s32 $0x1  }
0xbe: {  	_ =	sfence.sel $0xFFFF  }
0xbf: {  	[dreg:$0x0] =	wrdreg $0xFFFFFFFF;
	(pc) =	sbr.abs _section_cstart, $3  }
0xc0: {  	[dreg:$0x1] =	wrdreg $0xFFFFFFFF  }
0xc1: {  	_ =	task.clear_ibuf [dreg:s7], $0x2FFFF;
	_ =	strace $0x9FFFFFFF  }
0xc2: {  	(tm) =	ssettm $0x7FFFFFFF  }
0xc3: {  	_ =	shalt  }
tec
execute0_lowered:
.L_overlay_start_1:
0x0: {  	(tag) =	ssettag $0x1  }
0x1: {  	s5 =	rddreg [dreg:$0x0]  }
0x2: {  	s6 =	rddreg [dreg:$0x1]  }
0x3: {  	s0 =	rddreg [dreg:$0x2]  }
0x4: {  	s1 =	simm.s32 $0x0;
	s7 =	srdreg.scid;
	s2 =	stileid.u32  }
0x5: {  	s12 =	simm.s32 $0x80;
	s13 =	simm.s32 $0x400;
	s14 =	simm.s32 $0x1  }
0x6: {  	s15 =	simm.s32 $0x2;
	s16 =	simm.s32 $0x200;
	s17 =	simm.s32 $0x8200  }
0x7: {  	s18 =	simm.s32 $0x0;
	[smem:$0x7FF] =	sst s1;
	s3 =	sadd.s32 $0x1000, s5  }
0x8: {  	s4 =	sadd.s32 $0xF43400, s5;
	s8 =	sadd.s32 $0x1E85800, s5;
	s7 =	sand.u32 $0x1, s7  }
0x9: {  	s10 =	sshll.u32 s2, $0xA;
	s9 =	ssub.s32 $0x2, s7;
	s7 =	sshll.u32 s7, $0x9  }
0xa: {  	s11 =	sadd.s32 $0x1EC5800, s5;
	_ =	strace $0x80000047;
	s7 =	sor.u32 s7, s10  }
0xb: {  	s28 =	sshrl.u32 s9, $0x1;
	s30 =	sshrl.u32 s7, $0x3;
	s7 =	sshll.u32 s7, $0x4  }
0xc: {  	s29 =	ssub.s32 s9, s28;
	s5 =	sadd.s32 s6, s30;
	s6 =	sadd.s32 s8, s7  }
0xd: {  	s31 =	sor.u32 $0x1000, s7;
	s7 =	sadd.s32 s11, s7;
	s10 =	smax.u32 s29, $0x1  }
0xe: {  	s8 =	sadd.s32 s8, s31;
	s9 =	sadd.s32 s11, s31;
	s11 =	simm.s32 $0x3  }
.LBB2_1:
0xf: {  	[tilespmem:s1], [sflag:$0x3] =	stream.linear.gather [hbm4b:s5+s1], $0x200, $0x38;
	[tilespmem:$0x10200] =	vst v63  }
0x10: {  	_ =	swait.ge [sflag:s11], $0x200  }
0x11: {  	[sflag:s11] =	ssyncset.done $0x0  }
0x12: {  	s19 =	simm.s32 $0x0;
	s20 =	simm.s32 $0x0;
	[sflag:s11] =	ssyncadd.s32 $0xFFFFFE00  }
.LBB2_2:
0x13: {  	v0 =	vld [tilespmem:s19+$0x0];
	_ =	sdelay $0x4  }
0x14: {  	v1 =	vshrl.u32 v0, $0x3  }
0x15: {  	v0 =	vand.u32 $0x7, v0;
	v1 =	vshll.u32 v1, $0xA  }
0x16: {  	v0 =	vshll.u32 v0, $0x7;
	(v2sf) =	vpush v1, $0x0  }
0x17: {  	(v2sf) =	vpush v0, $0x0;
	_ =	sdelay $0x6  }
0x18: {  	(v2sf) =	vpush v1, $0x1;
	_ =	sdelay $0x1  }
0x19: {  	(v2sf) =	vpush v0, $0x1;
	_ =	sdelay $0x4  }
0x1a: {  	s21 =	spop (v2sf)  }
0x1b: {  	s22 =	spop (v2sf)  }
0x1c: {  	s22 =	sor.u32 s22, s21  }
0x1d: {  	(v2sf) =	vpush v1, $0x2;
	s21 =	sshra.s32 s20, $0x2;
	s22 =	sshrl.u32 s22, $0x3  }
0x1e: {  	s23 =	sadd.s32 $0x200, s21;
	s24 =	sadd.s32 s3, s22  }
0x1f: {  	(v2sf) =	vpush v0, $0x2;
	[tilespmem:s23], [sflag:$0x1] =	stream.strided.gather [hbm4b:s24+s12], $0x0, s13, s12, $0x38;
	[tilespmem:$0x10200] =	vst v63  }
0x20: {  	_ = 	snop  }
0x21: {  	[tilespmem:s23], [sflag:$0x1] =	stream.linear.gather [hbm4b:s24+s1], $0x40, $0x38;
	[tilespmem:$0x10200] =	vst v63  }
0x22: {  	s26 =	spop (v2sf);
	s25 =	sadd.s32 $0x8200, s21;
	s22 =	sadd.s32 s4, s22  }
0x23: {  	[tilespmem:s25], [sflag:$0x2] =	stream.strided.gather [hbm4b:s22+s12], $0x0, s13, s12, $0x38;
	[tilespmem:$0x10200] =	vst v63  }
0x24: {  	s28 =	spop (v2sf)  }
0x25: {  	[tilespmem:s25], [sflag:$0x2] =	stream.linear.gather [hbm4b:s22+s1], $0x40, $0x38;
	[tilespmem:$0x10200] =	vst v63  }
0x26: {  	s22 =	sor.u32 s28, s26  }
0x27: {  	(v2sf) =	vpush v1, $0x3;
	s22 =	sshrl.u32 s22, $0x3  }
0x28: {  	s29 =	sadd.s32 $0x280, s21;
	s30 =	sadd.s32 s3, s22  }
0x29: {  	(v2sf) =	vpush v0, $0x3;
	[tilespmem:s29], [sflag:$0x1] =	stream.strided.gather [hbm4b:s30+s12], $0x0, s13, s12, $0x38;
	[tilespmem:$0x10200] =	vst v63  }
0x2a: {  	_ = 	snop  }
0x2b: {  	[tilespmem:s29], [sflag:$0x1] =	stream.linear.gather [hbm4b:s30+s1], $0x40, $0x38;
	[tilespmem:$0x10200] =	vst v63  }
0x2c: {  	s31 =	sadd.s32 $0x8280, s21;
	s22 =	sadd.s32 s4, s22;
	s24 =	spop (v2sf)  }
0x2d: {  	[tilespmem:s31], [sflag:$0x2] =	stream.strided.gather [hbm4b:s22+s12], $0x0, s13, s12, $0x38;
	[tilespmem:$0x10200] =	vst v63  }
0x2e: {  	s25 =	spop (v2sf)  }
0x2f: {  	[tilespmem:s31], [sflag:$0x2] =	stream.linear.gather [hbm4b:s22+s1], $0x40, $0x38;
	[tilespmem:$0x10200] =	vst v63  }
0x30: {  	s22 =	sor.u32 s25, s24  }
0x31: {  	(v2sf) =	vpush v1, $0x4;
	s22 =	sshrl.u32 s22, $0x3  }
0x32: {  	s26 =	sadd.s32 $0x300, s21;
	s28 =	sadd.s32 s3, s22  }
0x33: {  	(v2sf) =	vpush v0, $0x4;
	[tilespmem:s26], [sflag:$0x1] =	stream.strided.gather [hbm4b:s28+s12], $0x0, s13, s12, $0x38;
	[tilespmem:$0x10200] =	vst v63  }
0x34: {  	_ = 	snop  }
0x35: {  	[tilespmem:s26], [sflag:$0x1] =	stream.linear.gather [hbm4b:s28+s1], $0x40, $0x38;
	[tilespmem:$0x10200] =	vst v63  }
0x36: {  	s29 =	sadd.s32 $0x8300, s21;
	s30 =	spop (v2sf);
	s22 =	sadd.s32 s4, s22  }
0x37: {  	[tilespmem:s29], [sflag:$0x2] =	stream.strided.gather [hbm4b:s22+s12], $0x0, s13, s12, $0x38;
	[tilespmem:$0x10200] =	vst v63  }
0x38: {  	s31 =	spop (v2sf)  }
0x39: {  	[tilespmem:s29], [sflag:$0x2] =	stream.linear.gather [hbm4b:s22+s1], $0x40, $0x38;
	[tilespmem:$0x10200] =	vst v63  }
0x3a: {  	s22 =	sor.u32 s31, s30  }
0x3b: {  	(v2sf) =	vpush v1, $0x5;
	s22 =	sshrl.u32 s22, $0x3  }
0x3c: {  	s24 =	sadd.s32 $0x380, s21;
	s25 =	sadd.s32 s3, s22  }
0x3d: {  	(v2sf) =	vpush v0, $0x5;
	[tilespmem:s24], [sflag:$0x1] =	stream.strided.gather [hbm4b:s25+s12], $0x0, s13, s12, $0x38;
	[tilespmem:$0x10200] =	vst v63  }
0x3e: {  	_ = 	snop  }
0x3f: {  	[tilespmem:s24], [sflag:$0x1] =	stream.linear.gather [hbm4b:s25+s1], $0x40, $0x38;
	[tilespmem:$0x10200] =	vst v63  }
0x40: {  	s26 =	sadd.s32 $0x8380, s21;
	s28 =	spop (v2sf);
	s22 =	sadd.s32 s4, s22  }
0x41: {  	[tilespmem:s26], [sflag:$0x2] =	stream.strided.gather [hbm4b:s22+s12], $0x0, s13, s12, $0x38;
	[tilespmem:$0x10200] =	vst v63  }
0x42: {  	s29 =	spop (v2sf)  }
0x43: {  	[tilespmem:s26], [sflag:$0x2] =	stream.linear.gather [hbm4b:s22+s1], $0x40, $0x38;
	[tilespmem:$0x10200] =	vst v63  }
0x44: {  	s22 =	sor.u32 s29, s28  }
0x45: {  	(v2sf) =	vpush v1, $0x6;
	s22 =	sshrl.u32 s22, $0x3  }
0x46: {  	s30 =	sadd.s32 $0x400, s21;
	s31 =	sadd.s32 s3, s22  }
0x47: {  	(v2sf) =	vpush v0, $0x6;
	[tilespmem:s30], [sflag:$0x1] =	stream.strided.gather [hbm4b:s31+s12], $0x0, s13, s12, $0x38;
	[tilespmem:$0x10200] =	vst v63  }
0x48: {  	_ = 	snop  }
0x49: {  	[tilespmem:s30], [sflag:$0x1] =	stream.linear.gather [hbm4b:s31+s1], $0x40, $0x38;
	[tilespmem:$0x10200] =	vst v63  }
0x4a: {  	s25 =	sadd.s32 $0x8400, s21;
	s26 =	spop (v2sf);
	s22 =	sadd.s32 s4, s22  }
0x4b: {  	[tilespmem:s25], [sflag:$0x2] =	stream.strided.gather [hbm4b:s22+s12], $0x0, s13, s12, $0x38;
	[tilespmem:$0x10200] =	vst v63  }
0x4c: {  	s28 =	spop (v2sf)  }
0x4d: {  	[tilespmem:s25], [sflag:$0x2] =	stream.linear.gather [hbm4b:s22+s1], $0x40, $0x38;
	[tilespmem:$0x10200] =	vst v63  }
0x4e: {  	s22 =	sor.u32 s28, s26  }
0x4f: {  	(v2sf) =	vpush v1, $0x7;
	s22 =	sshrl.u32 s22, $0x3  }
0x50: {  	s29 =	sadd.s32 $0x480, s21;
	s30 =	sadd.s32 s3, s22  }
0x51: {  	(v2sf) =	vpush v0, $0x7;
	[tilespmem:s29], [sflag:$0x1] =	stream.strided.gather [hbm4b:s30+s12], $0x0, s13, s12, $0x38;
	[tilespmem:$0x10200] =	vst v63  }
0x52: {  	_ = 	snop  }
0x53: {  	[tilespmem:s29], [sflag:$0x1] =	stream.linear.gather [hbm4b:s30+s1], $0x40, $0x38;
	[tilespmem:$0x10200] =	vst v63  }
0x54: {  	s31 =	sadd.s32 $0x8480, s21;
	s24 =	spop (v2sf);
	s22 =	sadd.s32 s4, s22  }
0x55: {  	[tilespmem:s31], [sflag:$0x2] =	stream.strided.gather [hbm4b:s22+s12], $0x0, s13, s12, $0x38;
	[tilespmem:$0x10200] =	vst v63  }
0x56: {  	s25 =	spop (v2sf)  }
0x57: {  	[tilespmem:s31], [sflag:$0x2] =	stream.linear.gather [hbm4b:s22+s1], $0x40, $0x38;
	[tilespmem:$0x10200] =	vst v63  }
0x58: {  	s22 =	sor.u32 s25, s24  }
0x59: {  	(v2sf) =	vpush v1, $0x8;
	s22 =	sshrl.u32 s22, $0x3  }
0x5a: {  	s26 =	sadd.s32 $0x500, s21;
	s28 =	sadd.s32 s3, s22  }
0x5b: {  	(v2sf) =	vpush v0, $0x8;
	[tilespmem:s26], [sflag:$0x1] =	stream.strided.gather [hbm4b:s28+s12], $0x0, s13, s12, $0x38;
	[tilespmem:$0x10200] =	vst v63  }
0x5c: {  	_ = 	snop  }
0x5d: {  	[tilespmem:s26], [sflag:$0x1] =	stream.linear.gather [hbm4b:s28+s1], $0x40, $0x38;
	[tilespmem:$0x10200] =	vst v63  }
0x5e: {  	s29 =	sadd.s32 $0x8500, s21;
	s30 =	spop (v2sf);
	s22 =	sadd.s32 s4, s22  }
0x5f: {  	[tilespmem:s29], [sflag:$0x2] =	stream.strided.gather [hbm4b:s22+s12], $0x0, s13, s12, $0x38;
	[tilespmem:$0x10200] =	vst v63  }
0x60: {  	s31 =	spop (v2sf)  }
0x61: {  	[tilespmem:s29], [sflag:$0x2] =	stream.linear.gather [hbm4b:s22+s1], $0x40, $0x38;
	[tilespmem:$0x10200] =	vst v63  }
0x62: {  	s22 =	sor.u32 s31, s30  }
0x63: {  	(v2sf) =	vpush v1, $0x9;
	s22 =	sshrl.u32 s22, $0x3  }
0x64: {  	s24 =	sadd.s32 $0x580, s21;
	s25 =	sadd.s32 s3, s22  }
0x65: {  	(v2sf) =	vpush v0, $0x9;
	[tilespmem:s24], [sflag:$0x1] =	stream.strided.gather [hbm4b:s25+s12], $0x0, s13, s12, $0x38;
	[tilespmem:$0x10200] =	vst v63  }
0x66: {  	_ = 	snop  }
0x67: {  	[tilespmem:s24], [sflag:$0x1] =	stream.linear.gather [hbm4b:s25+s1], $0x40, $0x38;
	[tilespmem:$0x10200] =	vst v63  }
0x68: {  	s26 =	sadd.s32 $0x8580, s21;
	s28 =	spop (v2sf);
	s22 =	sadd.s32 s4, s22  }
0x69: {  	[tilespmem:s26], [sflag:$0x2] =	stream.strided.gather [hbm4b:s22+s12], $0x0, s13, s12, $0x38;
	[tilespmem:$0x10200] =	vst v63  }
0x6a: {  	s29 =	spop (v2sf)  }
0x6b: {  	[tilespmem:s26], [sflag:$0x2] =	stream.linear.gather [hbm4b:s22+s1], $0x40, $0x38;
	[tilespmem:$0x10200] =	vst v63  }
0x6c: {  	s22 =	sor.u32 s29, s28  }
0x6d: {  	(v2sf) =	vpush v1, $0xA;
	s22 =	sshrl.u32 s22, $0x3  }
0x6e: {  	s30 =	sadd.s32 $0x600, s21;
	s31 =	sadd.s32 s3, s22  }
0x6f: {  	(v2sf) =	vpush v0, $0xA;
	[tilespmem:s30], [sflag:$0x1] =	stream.strided.gather [hbm4b:s31+s12], $0x0, s13, s12, $0x38;
	[tilespmem:$0x10200] =	vst v63  }
0x70: {  	_ = 	snop  }
0x71: {  	[tilespmem:s30], [sflag:$0x1] =	stream.linear.gather [hbm4b:s31+s1], $0x40, $0x38;
	[tilespmem:$0x10200] =	vst v63  }
0x72: {  	s25 =	sadd.s32 $0x8600, s21;
	s26 =	spop (v2sf);
	s22 =	sadd.s32 s4, s22  }
0x73: {  	[tilespmem:s25], [sflag:$0x2] =	stream.strided.gather [hbm4b:s22+s12], $0x0, s13, s12, $0x38;
	[tilespmem:$0x10200] =	vst v63  }
0x74: {  	s28 =	spop (v2sf)  }
0x75: {  	[tilespmem:s25], [sflag:$0x2] =	stream.linear.gather [hbm4b:s22+s1], $0x40, $0x38;
	[tilespmem:$0x10200] =	vst v63  }
0x76: {  	s22 =	sor.u32 s28, s26  }
0x77: {  	(v2sf) =	vpush v1, $0xB;
	s22 =	sshrl.u32 s22, $0x3  }
0x78: {  	s29 =	sadd.s32 $0x680, s21;
	s30 =	sadd.s32 s3, s22  }
0x79: {  	(v2sf) =	vpush v0, $0xB;
	[tilespmem:s29], [sflag:$0x1] =	stream.strided.gather [hbm4b:s30+s12], $0x0, s13, s12, $0x38;
	[tilespmem:$0x10200] =	vst v63  }
0x7a: {  	_ = 	snop  }
0x7b: {  	[tilespmem:s29], [sflag:$0x1] =	stream.linear.gather [hbm4b:s30+s1], $0x40, $0x38;
	[tilespmem:$0x10200] =	vst v63  }
0x7c: {  	s24 =	spop (v2sf);
	s31 =	sadd.s32 $0x8680, s21;
	s22 =	sadd.s32 s4, s22  }
0x7d: {  	[tilespmem:s31], [sflag:$0x2] =	stream.strided.gather [hbm4b:s22+s12], $0x0, s13, s12, $0x38;
	[tilespmem:$0x10200] =	vst v63  }
0x7e: {  	s25 =	spop (v2sf)  }
0x7f: {  	[tilespmem:s31], [sflag:$0x2] =	stream.linear.gather [hbm4b:s22+s1], $0x40, $0x38;
	[tilespmem:$0x10200] =	vst v63  }
0x80: {  	s22 =	sor.u32 s25, s24  }
0x81: {  	(v2sf) =	vpush v1, $0xC;
	s22 =	sshrl.u32 s22, $0x3  }
0x82: {  	s26 =	sadd.s32 $0x700, s21;
	s28 =	sadd.s32 s3, s22  }
0x83: {  	(v2sf) =	vpush v0, $0xC;
	[tilespmem:s26], [sflag:$0x1] =	stream.strided.gather [hbm4b:s28+s12], $0x0, s13, s12, $0x38;
	[tilespmem:$0x10200] =	vst v63  }
0x84: {  	_ = 	snop  }
0x85: {  	[tilespmem:s26], [sflag:$0x1] =	stream.linear.gather [hbm4b:s28+s1], $0x40, $0x38;
	[tilespmem:$0x10200] =	vst v63  }
0x86: {  	s29 =	sadd.s32 $0x8700, s21;
	s30 =	spop (v2sf);
	s22 =	sadd.s32 s4, s22  }
0x87: {  	[tilespmem:s29], [sflag:$0x2] =	stream.strided.gather [hbm4b:s22+s12], $0x0, s13, s12, $0x38;
	[tilespmem:$0x10200] =	vst v63  }
0x88: {  	s31 =	spop (v2sf)  }
0x89: {  	[tilespmem:s29], [sflag:$0x2] =	stream.linear.gather [hbm4b:s22+s1], $0x40, $0x38;
	[tilespmem:$0x10200] =	vst v63  }
0x8a: {  	s22 =	sor.u32 s31, s30  }
0x8b: {  	(v2sf) =	vpush v1, $0xD;
	s22 =	sshrl.u32 s22, $0x3  }
0x8c: {  	s24 =	sadd.s32 $0x780, s21;
	s25 =	sadd.s32 s3, s22  }
0x8d: {  	(v2sf) =	vpush v0, $0xD;
	[tilespmem:s24], [sflag:$0x1] =	stream.strided.gather [hbm4b:s25+s12], $0x0, s13, s12, $0x38;
	[tilespmem:$0x10200] =	vst v63  }
0x8e: {  	_ = 	snop  }
0x8f: {  	[tilespmem:s24], [sflag:$0x1] =	stream.linear.gather [hbm4b:s25+s1], $0x40, $0x38;
	[tilespmem:$0x10200] =	vst v63  }
0x90: {  	s26 =	sadd.s32 $0x8780, s21;
	s28 =	spop (v2sf);
	s22 =	sadd.s32 s4, s22  }
0x91: {  	[tilespmem:s26], [sflag:$0x2] =	stream.strided.gather [hbm4b:s22+s12], $0x0, s13, s12, $0x38;
	[tilespmem:$0x10200] =	vst v63  }
0x92: {  	s29 =	spop (v2sf)  }
0x93: {  	[tilespmem:s26], [sflag:$0x2] =	stream.linear.gather [hbm4b:s22+s1], $0x40, $0x38;
	[tilespmem:$0x10200] =	vst v63  }
0x94: {  	s22 =	sor.u32 s29, s28  }
0x95: {  	(v2sf) =	vpush v1, $0xE;
	s22 =	sshrl.u32 s22, $0x3  }
0x96: {  	s30 =	sadd.s32 $0x800, s21;
	s31 =	sadd.s32 s3, s22  }
0x97: {  	(v2sf) =	vpush v0, $0xE;
	[tilespmem:s30], [sflag:$0x1] =	stream.strided.gather [hbm4b:s31+s12], $0x0, s13, s12, $0x38;
	[tilespmem:$0x10200] =	vst v63  }
0x98: {  	_ = 	snop  }
0x99: {  	[tilespmem:s30], [sflag:$0x1] =	stream.linear.gather [hbm4b:s31+s1], $0x40, $0x38;
	[tilespmem:$0x10200] =	vst v63  }
0x9a: {  	s24 =	sadd.s32 $0x8800, s21;
	s25 =	spop (v2sf);
	s22 =	sadd.s32 s4, s22  }
0x9b: {  	[tilespmem:s24], [sflag:$0x2] =	stream.strided.gather [hbm4b:s22+s12], $0x0, s13, s12, $0x38;
	[tilespmem:$0x10200] =	vst v63  }
0x9c: {  	s26 =	spop (v2sf)  }
0x9d: {  	[tilespmem:s24], [sflag:$0x2] =	stream.linear.gather [hbm4b:s22+s1], $0x40, $0x38;
	[tilespmem:$0x10200] =	vst v63  }
0x9e: {  	s22 =	sor.u32 s26, s25  }
0x9f: {  	(v2sf) =	vpush v1, $0xF;
	s22 =	sshrl.u32 s22, $0x3  }
0xa0: {  	s28 =	sadd.s32 $0x880, s21;
	s29 =	sadd.s32 s3, s22  }
0xa1: {  	(v2sf) =	vpush v0, $0xF;
	[tilespmem:s28], [sflag:$0x1] =	stream.strided.gather [hbm4b:s29+s12], $0x0, s13, s12, $0x38;
	[tilespmem:$0x10200] =	vst v63  }
0xa2: {  	_ = 	snop  }
0xa3: {  	[tilespmem:s28], [sflag:$0x1] =	stream.linear.gather [hbm4b:s29+s1], $0x40, $0x38;
	[tilespmem:$0x10200] =	vst v63  }
0xa4: {  	s30 =	sadd.s32 $0x8880, s21;
	s31 =	spop (v2sf);
	s22 =	sadd.s32 s4, s22  }
0xa5: {  	[tilespmem:s30], [sflag:$0x2] =	stream.strided.gather [hbm4b:s22+s12], $0x0, s13, s12, $0x38;
	[tilespmem:$0x10200] =	vst v63  }
0xa6: {  	s23 =	spop (v2sf)  }
0xa7: {  	[tilespmem:s30], [sflag:$0x2] =	stream.linear.gather [hbm4b:s22+s1], $0x40, $0x38;
	[tilespmem:$0x10200] =	vst v63  }
0xa8: {  	s22 =	sor.u32 s23, s31  }
0xa9: {  	s22 =	sshrl.u32 s22, $0x3  }
0xaa: {  	s24 =	sadd.s32 $0x900, s21;
	s25 =	sadd.s32 s3, s22  }
0xab: {  	[tilespmem:s24], [sflag:$0x1] =	stream.strided.gather [hbm4b:s25+s12], $0x0, s13, s12, $0x38;
	[tilespmem:$0x10200] =	vst v63  }
0xac: {  	_ = 	snop  }
0xad: {  	[tilespmem:s24], [sflag:$0x1] =	stream.linear.gather [hbm4b:s25+s1], $0x40, $0x38;
	[tilespmem:$0x10200] =	vst v63  }
0xae: {  	s26 =	sadd.s32 $0x8900, s21;
	s28 =	spop (v2sf);
	s22 =	sadd.s32 s4, s22  }
0xaf: {  	[tilespmem:s26], [sflag:$0x2] =	stream.strided.gather [hbm4b:s22+s12], $0x0, s13, s12, $0x38;
	[tilespmem:$0x10200] =	vst v63  }
0xb0: {  	s29 =	spop (v2sf)  }
0xb1: {  	[tilespmem:s26], [sflag:$0x2] =	stream.linear.gather [hbm4b:s22+s1], $0x40, $0x38;
	[tilespmem:$0x10200] =	vst v63  }
0xb2: {  	s22 =	sor.u32 s29, s28  }
0xb3: {  	s22 =	sshrl.u32 s22, $0x3  }
0xb4: {  	s30 =	sadd.s32 $0x980, s21;
	s31 =	sadd.s32 s3, s22  }
0xb5: {  	[tilespmem:s30], [sflag:$0x1] =	stream.strided.gather [hbm4b:s31+s12], $0x0, s13, s12, $0x38;
	[tilespmem:$0x10200] =	vst v63  }
0xb6: {  	_ = 	snop  }
0xb7: {  	[tilespmem:s30], [sflag:$0x1] =	stream.linear.gather [hbm4b:s31+s1], $0x40, $0x38;
	[tilespmem:$0x10200] =	vst v63  }
0xb8: {  	s21 =	sadd.s32 $0x8980, s21;
	s22 =	sadd.s32 s4, s22  }
0xb9: {  	[tilespmem:s21], [sflag:$0x2] =	stream.strided.gather [hbm4b:s22+s12], $0x0, s13, s12, $0x38;
	[tilespmem:$0x10200] =	vst v63  }
0xba: {  	_ = 	snop  }
0xbb: {  	[tilespmem:s21], [sflag:$0x2] =	stream.linear.gather [hbm4b:s22+s1], $0x40, $0x38;
	[tilespmem:$0x10200] =	vst v63  }
0xbc: {  	_ =	swait.ge [sflag:s14], $0x40  }
0xbd: {  	[sflag:s14] =	ssyncset.done $0x0  }
0xbe: {  	[sflag:s14] =	ssyncadd.s32 $0xFFFFFFC0  }
0xbf: {  	_ =	swait.ge [sflag:s15], $0x40  }
0xc0: {  	[sflag:s15] =	ssyncset.done $0x0  }
0xc1: {  	[sflag:s15] =	ssyncadd.s32 $0xFFFFFFC0  }
0xc2: {  	_ =	swait.ge [sflag:s14], $0x40  }
0xc3: {  	[sflag:s14] =	ssyncset.done $0x0  }
0xc4: {  	[sflag:s14] =	ssyncadd.s32 $0xFFFFFFC0  }
0xc5: {  	_ =	swait.ge [sflag:s15], $0x40  }
0xc6: {  	[sflag:s15] =	ssyncset.done $0x0  }
0xc7: {  	[sflag:s15] =	ssyncadd.s32 $0xFFFFFFC0  }
0xc8: {  	_ =	swait.ge [sflag:s14], $0x40  }
0xc9: {  	[sflag:s14] =	ssyncset.done $0x0  }
0xca: {  	[sflag:s14] =	ssyncadd.s32 $0xFFFFFFC0  }
0xcb: {  	_ =	swait.ge [sflag:s15], $0x40  }
0xcc: {  	[sflag:s15] =	ssyncset.done $0x0  }
0xcd: {  	[sflag:s15] =	ssyncadd.s32 $0xFFFFFFC0  }
0xce: {  	_ =	swait.ge [sflag:s14], $0x40  }
0xcf: {  	[sflag:s14] =	ssyncset.done $0x0  }
0xd0: {  	[sflag:s14] =	ssyncadd.s32 $0xFFFFFFC0  }
0xd1: {  	_ =	swait.ge [sflag:s15], $0x40  }
0xd2: {  	[sflag:s15] =	ssyncset.done $0x0  }
0xd3: {  	[sflag:s15] =	ssyncadd.s32 $0xFFFFFFC0  }
0xd4: {  	_ =	swait.ge [sflag:s14], $0x40  }
0xd5: {  	[sflag:s14] =	ssyncset.done $0x0  }
0xd6: {  	[sflag:s14] =	ssyncadd.s32 $0xFFFFFFC0  }
0xd7: {  	_ =	swait.ge [sflag:s15], $0x40  }
0xd8: {  	[sflag:s15] =	ssyncset.done $0x0  }
0xd9: {  	[sflag:s15] =	ssyncadd.s32 $0xFFFFFFC0  }
0xda: {  	_ =	swait.ge [sflag:s14], $0x40  }
0xdb: {  	[sflag:s14] =	ssyncset.done $0x0  }
0xdc: {  	[sflag:s14] =	ssyncadd.s32 $0xFFFFFFC0  }
0xdd: {  	_ =	swait.ge [sflag:s15], $0x40  }
0xde: {  	[sflag:s15] =	ssyncset.done $0x0  }
0xdf: {  	[sflag:s15] =	ssyncadd.s32 $0xFFFFFFC0  }
0xe0: {  	_ =	swait.ge [sflag:s14], $0x40  }
0xe1: {  	[sflag:s14] =	ssyncset.done $0x0  }
0xe2: {  	[sflag:s14] =	ssyncadd.s32 $0xFFFFFFC0  }
0xe3: {  	_ =	swait.ge [sflag:s15], $0x40  }
0xe4: {  	[sflag:s15] =	ssyncset.done $0x0  }
0xe5: {  	[sflag:s15] =	ssyncadd.s32 $0xFFFFFFC0  }
0xe6: {  	_ =	swait.ge [sflag:s14], $0x40  }
0xe7: {  	[sflag:s14] =	ssyncset.done $0x0  }
0xe8: {  	[sflag:s14] =	ssyncadd.s32 $0xFFFFFFC0  }
0xe9: {  	_ =	swait.ge [sflag:s15], $0x40  }
0xea: {  	[sflag:s15] =	ssyncset.done $0x0  }
0xeb: {  	[sflag:s15] =	ssyncadd.s32 $0xFFFFFFC0  }
0xec: {  	_ =	swait.ge [sflag:s14], $0x40  }
0xed: {  	[sflag:s14] =	ssyncset.done $0x0  }
0xee: {  	[sflag:s14] =	ssyncadd.s32 $0xFFFFFFC0  }
0xef: {  	_ =	swait.ge [sflag:s15], $0x40  }
0xf0: {  	[sflag:s15] =	ssyncset.done $0x0  }
0xf1: {  	[sflag:s15] =	ssyncadd.s32 $0xFFFFFFC0  }
0xf2: {  	_ =	swait.ge [sflag:s14], $0x40  }
0xf3: {  	[sflag:s14] =	ssyncset.done $0x0  }
0xf4: {  	[sflag:s14] =	ssyncadd.s32 $0xFFFFFFC0  }
0xf5: {  	_ =	swait.ge [sflag:s15], $0x40  }
0xf6: {  	[sflag:s15] =	ssyncset.done $0x0  }
0xf7: {  	[sflag:s15] =	ssyncadd.s32 $0xFFFFFFC0  }
0xf8: {  	_ =	swait.ge [sflag:s14], $0x40  }
0xf9: {  	[sflag:s14] =	ssyncset.done $0x0  }
0xfa: {  	[sflag:s14] =	ssyncadd.s32 $0xFFFFFFC0  }
0xfb: {  	_ =	swait.ge [sflag:s15], $0x40  }
0xfc: {  	[sflag:s15] =	ssyncset.done $0x0  }
0xfd: {  	[sflag:s15] =	ssyncadd.s32 $0xFFFFFFC0  }
0xfe: {  	_ =	swait.ge [sflag:s14], $0x40  }
0xff: {  	[sflag:s14] =	ssyncset.done $0x0  }
0x100: {  	[sflag:s14] =	ssyncadd.s32 $0xFFFFFFC0  }
0x101: {  	_ =	swait.ge [sflag:s15], $0x40  }
0x102: {  	[sflag:s15] =	ssyncset.done $0x0  }
0x103: {  	[sflag:s15] =	ssyncadd.s32 $0xFFFFFFC0  }
0x104: {  	_ =	swait.ge [sflag:s14], $0x40  }
0x105: {  	[sflag:s14] =	ssyncset.done $0x0  }
0x106: {  	[sflag:s14] =	ssyncadd.s32 $0xFFFFFFC0  }
0x107: {  	_ =	swait.ge [sflag:s15], $0x40  }
0x108: {  	[sflag:s15] =	ssyncset.done $0x0  }
0x109: {  	[sflag:s15] =	ssyncadd.s32 $0xFFFFFFC0  }
0x10a: {  	_ =	swait.ge [sflag:s14], $0x40  }
0x10b: {  	[sflag:s14] =	ssyncset.done $0x0  }
0x10c: {  	[sflag:s14] =	ssyncadd.s32 $0xFFFFFFC0  }
0x10d: {  	_ =	swait.ge [sflag:s15], $0x40  }
0x10e: {  	[sflag:s15] =	ssyncset.done $0x0  }
0x10f: {  	[sflag:s15] =	ssyncadd.s32 $0xFFFFFFC0  }
0x110: {  	_ =	swait.ge [sflag:s14], $0x40  }
0x111: {  	[sflag:s14] =	ssyncset.done $0x0  }
0x112: {  	[sflag:s14] =	ssyncadd.s32 $0xFFFFFFC0  }
0x113: {  	_ =	swait.ge [sflag:s15], $0x40  }
0x114: {  	[sflag:s15] =	ssyncset.done $0x0  }
0x115: {  	[sflag:s15] =	ssyncadd.s32 $0xFFFFFFC0  }
0x116: {  	p0 =	sne.s32 s20, $0x1E000;
	_ =	swait.ge [sflag:s14], $0x40  }
.Ltmp0:
0x117: {  	[sflag:s14] =	ssyncset.done $0x0;
	(pc) =	sbr.rel @p0 .LBB2_2-.Ltmp0, $4  }
0x118: {  	[sflag:s14] =	ssyncadd.s32 $0xFFFFFFC0  }
0x119: {  	_ =	swait.ge [sflag:s15], $0x40  }
0x11a: {  	[sflag:s15] =	ssyncset.done $0x0  }
0x11b: {  	s19 =	sadd.s32 $0x10, s19;
	s20 =	sadd.s32 $0x2000, s20;
	[sflag:s15] =	ssyncadd.s32 $0xFFFFFFC0  }
0x11c: {  	s19 =	simm.s32 $0x0  }
0x11d: {  	[hbm4b:s6+s19] =	stream.linear.scatter [tilespmem:s16], [sflag:$0x3], $0x8000, $0x38;
	[tilespmem:$0x10200] =	vst v63  }
0x11e: {  	_ =	swait.ge [sflag:s11], $0x8000  }
0x11f: {  	[sflag:s11] =	ssyncset.done $0x0  }
0x120: {  	[sflag:s11] =	ssyncadd.s32 $0xFFFF8000  }
0x121: {  	[hbm4b:s7+s19] =	stream.linear.scatter [tilespmem:s17], [sflag:$0x3], $0x8000, $0x38;
	[tilespmem:$0x10200] =	vst v63  }
0x122: {  	_ =	swait.ge [sflag:s11], $0x8000  }
0x123: {  	[sflag:s11] =	ssyncset.done $0x0  }
0x124: {  	s20 =	simm.s32 $0x0;
	[sflag:s11] =	ssyncadd.s32 $0xFFFF8000  }
.LBB2_4:
0x125: {  	s21 =	sand.u32 $0xF0, s19  }
0x126: {  	v0 =	vld [tilespmem:s21+$0x100];
	_ =	sdelay $0x4  }
0x127: {  	v1 =	vshrl.u32 v0, $0x3  }
0x128: {  	v0 =	vand.u32 $0x7, v0;
	v1 =	vshll.u32 v1, $0xA  }
0x129: {  	v0 =	vshll.u32 v0, $0x7;
	(v2sf) =	vpush v1, $0x0  }
0x12a: {  	(v2sf) =	vpush v0, $0x0;
	_ =	sdelay $0x6  }
0x12b: {  	(v2sf) =	vpush v1, $0x1;
	_ =	sdelay $0x1  }
0x12c: {  	(v2sf) =	vpush v0, $0x1;
	_ =	sdelay $0x4  }
0x12d: {  	s24 =	spop (v2sf)  }
0x12e: {  	s22 =	spop (v2sf)  }
0x12f: {  	s22 =	sor.u32 s22, s24  }
0x130: {  	s21 =	sshra.s32 s20, $0x2;
	(v2sf) =	vpush v1, $0x2;
	s22 =	sshrl.u32 s22, $0x3  }
0x131: {  	s23 =	sadd.s32 $0x200, s21;
	s24 =	sadd.s32 s3, s22  }
0x132: {  	(v2sf) =	vpush v0, $0x2;
	[tilespmem:s23], [sflag:$0x1] =	stream.strided.gather [hbm4b:s24+s12], $0x0, s13, s12, $0x38;
	[tilespmem:$0x10200] =	vst v63  }
0x133: {  	_ = 	snop  }
0x134: {  	[tilespmem:s23], [sflag:$0x1] =	stream.linear.gather [hbm4b:s24+s1], $0x40, $0x38;
	[tilespmem:$0x10200] =	vst v63  }
0x135: {  	s25 =	sadd.s32 $0x8200, s21;
	s26 =	spop (v2sf);
	s22 =	sadd.s32 s4, s22  }
0x136: {  	[tilespmem:s25], [sflag:$0x2] =	stream.strided.gather [hbm4b:s22+s12], $0x0, s13, s12, $0x38;
	[tilespmem:$0x10200] =	vst v63  }
0x137: {  	s28 =	spop (v2sf)  }
0x138: {  	[tilespmem:s25], [sflag:$0x2] =	stream.linear.gather [hbm4b:s22+s1], $0x40, $0x38;
	[tilespmem:$0x10200] =	vst v63  }
0x139: {  	s22 =	sor.u32 s28, s26  }
0x13a: {  	(v2sf) =	vpush v1, $0x3;
	s22 =	sshrl.u32 s22, $0x3  }
0x13b: {  	s29 =	sadd.s32 $0x280, s21;
	s30 =	sadd.s32 s3, s22  }
0x13c: {  	(v2sf) =	vpush v0, $0x3;
	[tilespmem:s29], [sflag:$0x1] =	stream.strided.gather [hbm4b:s30+s12], $0x0, s13, s12, $0x38;
	[tilespmem:$0x10200] =	vst v63  }
0x13d: {  	_ = 	snop  }
0x13e: {  	[tilespmem:s29], [sflag:$0x1] =	stream.linear.gather [hbm4b:s30+s1], $0x40, $0x38;
	[tilespmem:$0x10200] =	vst v63  }
0x13f: {  	s31 =	sadd.s32 $0x8280, s21;
	s22 =	sadd.s32 s4, s22;
	s24 =	spop (v2sf)  }
0x140: {  	[tilespmem:s31], [sflag:$0x2] =	stream.strided.gather [hbm4b:s22+s12], $0x0, s13, s12, $0x38;
	[tilespmem:$0x10200] =	vst v63  }
0x141: {  	s25 =	spop (v2sf)  }
0x142: {  	[tilespmem:s31], [sflag:$0x2] =	stream.linear.gather [hbm4b:s22+s1], $0x40, $0x38;
	[tilespmem:$0x10200] =	vst v63  }
0x143: {  	s22 =	sor.u32 s25, s24  }
0x144: {  	(v2sf) =	vpush v1, $0x4;
	s22 =	sshrl.u32 s22, $0x3  }
0x145: {  	s26 =	sadd.s32 $0x300, s21;
	s28 =	sadd.s32 s3, s22  }
0x146: {  	(v2sf) =	vpush v0, $0x4;
	[tilespmem:s26], [sflag:$0x1] =	stream.strided.gather [hbm4b:s28+s12], $0x0, s13, s12, $0x38;
	[tilespmem:$0x10200] =	vst v63  }
0x147: {  	_ = 	snop  }
0x148: {  	[tilespmem:s26], [sflag:$0x1] =	stream.linear.gather [hbm4b:s28+s1], $0x40, $0x38;
	[tilespmem:$0x10200] =	vst v63  }
0x149: {  	s29 =	sadd.s32 $0x8300, s21;
	s30 =	spop (v2sf);
	s22 =	sadd.s32 s4, s22  }
0x14a: {  	[tilespmem:s29], [sflag:$0x2] =	stream.strided.gather [hbm4b:s22+s12], $0x0, s13, s12, $0x38;
	[tilespmem:$0x10200] =	vst v63  }
0x14b: {  	s31 =	spop (v2sf)  }
0x14c: {  	[tilespmem:s29], [sflag:$0x2] =	stream.linear.gather [hbm4b:s22+s1], $0x40, $0x38;
	[tilespmem:$0x10200] =	vst v63  }
0x14d: {  	s22 =	sor.u32 s31, s30  }
0x14e: {  	(v2sf) =	vpush v1, $0x5;
	s22 =	sshrl.u32 s22, $0x3  }
0x14f: {  	s24 =	sadd.s32 $0x380, s21;
	s25 =	sadd.s32 s3, s22  }
0x150: {  	(v2sf) =	vpush v0, $0x5;
	[tilespmem:s24], [sflag:$0x1] =	stream.strided.gather [hbm4b:s25+s12], $0x0, s13, s12, $0x38;
	[tilespmem:$0x10200] =	vst v63  }
0x151: {  	_ = 	snop  }
0x152: {  	[tilespmem:s24], [sflag:$0x1] =	stream.linear.gather [hbm4b:s25+s1], $0x40, $0x38;
	[tilespmem:$0x10200] =	vst v63  }
0x153: {  	s26 =	sadd.s32 $0x8380, s21;
	s28 =	spop (v2sf);
	s22 =	sadd.s32 s4, s22  }
0x154: {  	[tilespmem:s26], [sflag:$0x2] =	stream.strided.gather [hbm4b:s22+s12], $0x0, s13, s12, $0x38;
	[tilespmem:$0x10200] =	vst v63  }
0x155: {  	s29 =	spop (v2sf)  }
0x156: {  	[tilespmem:s26], [sflag:$0x2] =	stream.linear.gather [hbm4b:s22+s1], $0x40, $0x38;
	[tilespmem:$0x10200] =	vst v63  }
0x157: {  	s22 =	sor.u32 s29, s28  }
0x158: {  	(v2sf) =	vpush v1, $0x6;
	s22 =	sshrl.u32 s22, $0x3  }
0x159: {  	s30 =	sadd.s32 $0x400, s21;
	s31 =	sadd.s32 s3, s22  }
0x15a: {  	(v2sf) =	vpush v0, $0x6;
	[tilespmem:s30], [sflag:$0x1] =	stream.strided.gather [hbm4b:s31+s12], $0x0, s13, s12, $0x38;
	[tilespmem:$0x10200] =	vst v63  }
0x15b: {  	_ = 	snop  }
0x15c: {  	[tilespmem:s30], [sflag:$0x1] =	stream.linear.gather [hbm4b:s31+s1], $0x40, $0x38;
	[tilespmem:$0x10200] =	vst v63  }
0x15d: {  	s25 =	sadd.s32 $0x8400, s21;
	s26 =	spop (v2sf);
	s22 =	sadd.s32 s4, s22  }
0x15e: {  	[tilespmem:s25], [sflag:$0x2] =	stream.strided.gather [hbm4b:s22+s12], $0x0, s13, s12, $0x38;
	[tilespmem:$0x10200] =	vst v63  }
0x15f: {  	s28 =	spop (v2sf)  }
0x160: {  	[tilespmem:s25], [sflag:$0x2] =	stream.linear.gather [hbm4b:s22+s1], $0x40, $0x38;
	[tilespmem:$0x10200] =	vst v63  }
0x161: {  	s22 =	sor.u32 s28, s26  }
0x162: {  	(v2sf) =	vpush v1, $0x7;
	s22 =	sshrl.u32 s22, $0x3  }
0x163: {  	s29 =	sadd.s32 $0x480, s21;
	s30 =	sadd.s32 s3, s22  }
0x164: {  	(v2sf) =	vpush v0, $0x7;
	[tilespmem:s29], [sflag:$0x1] =	stream.strided.gather [hbm4b:s30+s12], $0x0, s13, s12, $0x38;
	[tilespmem:$0x10200] =	vst v63  }
0x165: {  	_ = 	snop  }
0x166: {  	[tilespmem:s29], [sflag:$0x1] =	stream.linear.gather [hbm4b:s30+s1], $0x40, $0x38;
	[tilespmem:$0x10200] =	vst v63  }
0x167: {  	s31 =	sadd.s32 $0x8480, s21;
	s24 =	spop (v2sf);
	s22 =	sadd.s32 s4, s22  }
0x168: {  	[tilespmem:s31], [sflag:$0x2] =	stream.strided.gather [hbm4b:s22+s12], $0x0, s13, s12, $0x38;
	[tilespmem:$0x10200] =	vst v63  }
0x169: {  	s25 =	spop (v2sf)  }
0x16a: {  	[tilespmem:s31], [sflag:$0x2] =	stream.linear.gather [hbm4b:s22+s1], $0x40, $0x38;
	[tilespmem:$0x10200] =	vst v63  }
0x16b: {  	s22 =	sor.u32 s25, s24  }
0x16c: {  	(v2sf) =	vpush v1, $0x8;
	s22 =	sshrl.u32 s22, $0x3  }
0x16d: {  	s26 =	sadd.s32 $0x500, s21;
	s28 =	sadd.s32 s3, s22  }
0x16e: {  	(v2sf) =	vpush v0, $0x8;
	[tilespmem:s26], [sflag:$0x1] =	stream.strided.gather [hbm4b:s28+s12], $0x0, s13, s12, $0x38;
	[tilespmem:$0x10200] =	vst v63  }
0x16f: {  	_ = 	snop  }
0x170: {  	[tilespmem:s26], [sflag:$0x1] =	stream.linear.gather [hbm4b:s28+s1], $0x40, $0x38;
	[tilespmem:$0x10200] =	vst v63  }
0x171: {  	s29 =	sadd.s32 $0x8500, s21;
	s30 =	spop (v2sf);
	s22 =	sadd.s32 s4, s22  }
0x172: {  	[tilespmem:s29], [sflag:$0x2] =	stream.strided.gather [hbm4b:s22+s12], $0x0, s13, s12, $0x38;
	[tilespmem:$0x10200] =	vst v63  }
0x173: {  	s31 =	spop (v2sf)  }
0x174: {  	[tilespmem:s29], [sflag:$0x2] =	stream.linear.gather [hbm4b:s22+s1], $0x40, $0x38;
	[tilespmem:$0x10200] =	vst v63  }
0x175: {  	s22 =	sor.u32 s31, s30  }
0x176: {  	(v2sf) =	vpush v1, $0x9;
	s22 =	sshrl.u32 s22, $0x3  }
0x177: {  	s24 =	sadd.s32 $0x580, s21;
	s25 =	sadd.s32 s3, s22  }
0x178: {  	(v2sf) =	vpush v0, $0x9;
	[tilespmem:s24], [sflag:$0x1] =	stream.strided.gather [hbm4b:s25+s12], $0x0, s13, s12, $0x38;
	[tilespmem:$0x10200] =	vst v63  }
0x179: {  	_ = 	snop  }
0x17a: {  	[tilespmem:s24], [sflag:$0x1] =	stream.linear.gather [hbm4b:s25+s1], $0x40, $0x38;
	[tilespmem:$0x10200] =	vst v63  }
0x17b: {  	s26 =	sadd.s32 $0x8580, s21;
	s28 =	spop (v2sf);
	s22 =	sadd.s32 s4, s22  }
0x17c: {  	[tilespmem:s26], [sflag:$0x2] =	stream.strided.gather [hbm4b:s22+s12], $0x0, s13, s12, $0x38;
	[tilespmem:$0x10200] =	vst v63  }
0x17d: {  	s29 =	spop (v2sf)  }
0x17e: {  	[tilespmem:s26], [sflag:$0x2] =	stream.linear.gather [hbm4b:s22+s1], $0x40, $0x38;
	[tilespmem:$0x10200] =	vst v63  }
0x17f: {  	s22 =	sor.u32 s29, s28  }
0x180: {  	(v2sf) =	vpush v1, $0xA;
	s22 =	sshrl.u32 s22, $0x3  }
0x181: {  	s30 =	sadd.s32 $0x600, s21;
	s31 =	sadd.s32 s3, s22  }
0x182: {  	(v2sf) =	vpush v0, $0xA;
	[tilespmem:s30], [sflag:$0x1] =	stream.strided.gather [hbm4b:s31+s12], $0x0, s13, s12, $0x38;
	[tilespmem:$0x10200] =	vst v63  }
0x183: {  	_ = 	snop  }
0x184: {  	[tilespmem:s30], [sflag:$0x1] =	stream.linear.gather [hbm4b:s31+s1], $0x40, $0x38;
	[tilespmem:$0x10200] =	vst v63  }
0x185: {  	s25 =	sadd.s32 $0x8600, s21;
	s26 =	spop (v2sf);
	s22 =	sadd.s32 s4, s22  }
0x186: {  	[tilespmem:s25], [sflag:$0x2] =	stream.strided.gather [hbm4b:s22+s12], $0x0, s13, s12, $0x38;
	[tilespmem:$0x10200] =	vst v63  }
0x187: {  	s28 =	spop (v2sf)  }
0x188: {  	[tilespmem:s25], [sflag:$0x2] =	stream.linear.gather [hbm4b:s22+s1], $0x40, $0x38;
	[tilespmem:$0x10200] =	vst v63  }
0x189: {  	s22 =	sor.u32 s28, s26  }
0x18a: {  	(v2sf) =	vpush v1, $0xB;
	s22 =	sshrl.u32 s22, $0x3  }
0x18b: {  	s29 =	sadd.s32 $0x680, s21;
	s30 =	sadd.s32 s3, s22  }
0x18c: {  	(v2sf) =	vpush v0, $0xB;
	[tilespmem:s29], [sflag:$0x1] =	stream.strided.gather [hbm4b:s30+s12], $0x0, s13, s12, $0x38;
	[tilespmem:$0x10200] =	vst v63  }
0x18d: {  	_ = 	snop  }
0x18e: {  	[tilespmem:s29], [sflag:$0x1] =	stream.linear.gather [hbm4b:s30+s1], $0x40, $0x38;
	[tilespmem:$0x10200] =	vst v63  }
0x18f: {  	s24 =	spop (v2sf);
	s31 =	sadd.s32 $0x8680, s21;
	s22 =	sadd.s32 s4, s22  }
0x190: {  	[tilespmem:s31], [sflag:$0x2] =	stream.strided.gather [hbm4b:s22+s12], $0x0, s13, s12, $0x38;
	[tilespmem:$0x10200] =	vst v63  }
0x191: {  	s25 =	spop (v2sf)  }
0x192: {  	[tilespmem:s31], [sflag:$0x2] =	stream.linear.gather [hbm4b:s22+s1], $0x40, $0x38;
	[tilespmem:$0x10200] =	vst v63  }
0x193: {  	s22 =	sor.u32 s25, s24  }
0x194: {  	(v2sf) =	vpush v1, $0xC;
	s22 =	sshrl.u32 s22, $0x3  }
0x195: {  	s26 =	sadd.s32 $0x700, s21;
	s28 =	sadd.s32 s3, s22  }
0x196: {  	(v2sf) =	vpush v0, $0xC;
	[tilespmem:s26], [sflag:$0x1] =	stream.strided.gather [hbm4b:s28+s12], $0x0, s13, s12, $0x38;
	[tilespmem:$0x10200] =	vst v63  }
0x197: {  	_ = 	snop  }
0x198: {  	[tilespmem:s26], [sflag:$0x1] =	stream.linear.gather [hbm4b:s28+s1], $0x40, $0x38;
	[tilespmem:$0x10200] =	vst v63  }
0x199: {  	s29 =	sadd.s32 $0x8700, s21;
	s30 =	spop (v2sf);
	s22 =	sadd.s32 s4, s22  }
0x19a: {  	[tilespmem:s29], [sflag:$0x2] =	stream.strided.gather [hbm4b:s22+s12], $0x0, s13, s12, $0x38;
	[tilespmem:$0x10200] =	vst v63  }
0x19b: {  	s31 =	spop (v2sf)  }
0x19c: {  	[tilespmem:s29], [sflag:$0x2] =	stream.linear.gather [hbm4b:s22+s1], $0x40, $0x38;
	[tilespmem:$0x10200] =	vst v63  }
0x19d: {  	s22 =	sor.u32 s31, s30  }
0x19e: {  	(v2sf) =	vpush v1, $0xD;
	s22 =	sshrl.u32 s22, $0x3  }
0x19f: {  	s24 =	sadd.s32 $0x780, s21;
	s25 =	sadd.s32 s3, s22  }
0x1a0: {  	(v2sf) =	vpush v0, $0xD;
	[tilespmem:s24], [sflag:$0x1] =	stream.strided.gather [hbm4b:s25+s12], $0x0, s13, s12, $0x38;
	[tilespmem:$0x10200] =	vst v63  }
0x1a1: {  	_ = 	snop  }
0x1a2: {  	[tilespmem:s24], [sflag:$0x1] =	stream.linear.gather [hbm4b:s25+s1], $0x40, $0x38;
	[tilespmem:$0x10200] =	vst v63  }
0x1a3: {  	s26 =	sadd.s32 $0x8780, s21;
	s28 =	spop (v2sf);
	s22 =	sadd.s32 s4, s22  }
0x1a4: {  	[tilespmem:s26], [sflag:$0x2] =	stream.strided.gather [hbm4b:s22+s12], $0x0, s13, s12, $0x38;
	[tilespmem:$0x10200] =	vst v63  }
0x1a5: {  	s29 =	spop (v2sf)  }
0x1a6: {  	[tilespmem:s26], [sflag:$0x2] =	stream.linear.gather [hbm4b:s22+s1], $0x40, $0x38;
	[tilespmem:$0x10200] =	vst v63  }
0x1a7: {  	s22 =	sor.u32 s29, s28  }
0x1a8: {  	(v2sf) =	vpush v1, $0xE;
	s22 =	sshrl.u32 s22, $0x3  }
0x1a9: {  	s30 =	sadd.s32 $0x800, s21;
	s31 =	sadd.s32 s3, s22  }
0x1aa: {  	(v2sf) =	vpush v0, $0xE;
	[tilespmem:s30], [sflag:$0x1] =	stream.strided.gather [hbm4b:s31+s12], $0x0, s13, s12, $0x38;
	[tilespmem:$0x10200] =	vst v63  }
0x1ab: {  	_ = 	snop  }
0x1ac: {  	[tilespmem:s30], [sflag:$0x1] =	stream.linear.gather [hbm4b:s31+s1], $0x40, $0x38;
	[tilespmem:$0x10200] =	vst v63  }
0x1ad: {  	s24 =	sadd.s32 $0x8800, s21;
	s25 =	spop (v2sf);
	s22 =	sadd.s32 s4, s22  }
0x1ae: {  	[tilespmem:s24], [sflag:$0x2] =	stream.strided.gather [hbm4b:s22+s12], $0x0, s13, s12, $0x38;
	[tilespmem:$0x10200] =	vst v63  }
0x1af: {  	s26 =	spop (v2sf)  }
0x1b0: {  	[tilespmem:s24], [sflag:$0x2] =	stream.linear.gather [hbm4b:s22+s1], $0x40, $0x38;
	[tilespmem:$0x10200] =	vst v63  }
0x1b1: {  	s22 =	sor.u32 s26, s25  }
0x1b2: {  	(v2sf) =	vpush v1, $0xF;
	s22 =	sshrl.u32 s22, $0x3  }
0x1b3: {  	s28 =	sadd.s32 $0x880, s21;
	s29 =	sadd.s32 s3, s22  }
0x1b4: {  	(v2sf) =	vpush v0, $0xF;
	[tilespmem:s28], [sflag:$0x1] =	stream.strided.gather [hbm4b:s29+s12], $0x0, s13, s12, $0x38;
	[tilespmem:$0x10200] =	vst v63  }
0x1b5: {  	_ = 	snop  }
0x1b6: {  	[tilespmem:s28], [sflag:$0x1] =	stream.linear.gather [hbm4b:s29+s1], $0x40, $0x38;
	[tilespmem:$0x10200] =	vst v63  }
0x1b7: {  	s30 =	sadd.s32 $0x8880, s21;
	s31 =	spop (v2sf);
	s22 =	sadd.s32 s4, s22  }
0x1b8: {  	[tilespmem:s30], [sflag:$0x2] =	stream.strided.gather [hbm4b:s22+s12], $0x0, s13, s12, $0x38;
	[tilespmem:$0x10200] =	vst v63  }
0x1b9: {  	s23 =	spop (v2sf)  }
0x1ba: {  	[tilespmem:s30], [sflag:$0x2] =	stream.linear.gather [hbm4b:s22+s1], $0x40, $0x38;
	[tilespmem:$0x10200] =	vst v63  }
0x1bb: {  	s22 =	sor.u32 s23, s31  }
0x1bc: {  	s22 =	sshrl.u32 s22, $0x3  }
0x1bd: {  	s24 =	sadd.s32 $0x900, s21;
	s25 =	sadd.s32 s3, s22  }
0x1be: {  	[tilespmem:s24], [sflag:$0x1] =	stream.strided.gather [hbm4b:s25+s12], $0x0, s13, s12, $0x38;
	[tilespmem:$0x10200] =	vst v63  }
0x1bf: {  	_ = 	snop  }
0x1c0: {  	[tilespmem:s24], [sflag:$0x1] =	stream.linear.gather [hbm4b:s25+s1], $0x40, $0x38;
	[tilespmem:$0x10200] =	vst v63  }
0x1c1: {  	s26 =	sadd.s32 $0x8900, s21;
	s28 =	spop (v2sf);
	s22 =	sadd.s32 s4, s22  }
0x1c2: {  	[tilespmem:s26], [sflag:$0x2] =	stream.strided.gather [hbm4b:s22+s12], $0x0, s13, s12, $0x38;
	[tilespmem:$0x10200] =	vst v63  }
0x1c3: {  	s29 =	spop (v2sf)  }
0x1c4: {  	[tilespmem:s26], [sflag:$0x2] =	stream.linear.gather [hbm4b:s22+s1], $0x40, $0x38;
	[tilespmem:$0x10200] =	vst v63  }
0x1c5: {  	s22 =	sor.u32 s29, s28  }
0x1c6: {  	s22 =	sshrl.u32 s22, $0x3  }
0x1c7: {  	s30 =	sadd.s32 $0x980, s21;
	s31 =	sadd.s32 s3, s22  }
0x1c8: {  	[tilespmem:s30], [sflag:$0x1] =	stream.strided.gather [hbm4b:s31+s12], $0x0, s13, s12, $0x38;
	[tilespmem:$0x10200] =	vst v63  }
0x1c9: {  	_ = 	snop  }
0x1ca: {  	[tilespmem:s30], [sflag:$0x1] =	stream.linear.gather [hbm4b:s31+s1], $0x40, $0x38;
	[tilespmem:$0x10200] =	vst v63  }
0x1cb: {  	s21 =	sadd.s32 $0x8980, s21;
	s22 =	sadd.s32 s4, s22  }
0x1cc: {  	[tilespmem:s21], [sflag:$0x2] =	stream.strided.gather [hbm4b:s22+s12], $0x0, s13, s12, $0x38;
	[tilespmem:$0x10200] =	vst v63  }
0x1cd: {  	_ = 	snop  }
0x1ce: {  	[tilespmem:s21], [sflag:$0x2] =	stream.linear.gather [hbm4b:s22+s1], $0x40, $0x38;
	[tilespmem:$0x10200] =	vst v63  }
0x1cf: {  	_ =	swait.ge [sflag:s14], $0x40  }
0x1d0: {  	[sflag:s14] =	ssyncset.done $0x0  }
0x1d1: {  	[sflag:s14] =	ssyncadd.s32 $0xFFFFFFC0  }
0x1d2: {  	_ =	swait.ge [sflag:s15], $0x40  }
0x1d3: {  	[sflag:s15] =	ssyncset.done $0x0  }
0x1d4: {  	[sflag:s15] =	ssyncadd.s32 $0xFFFFFFC0  }
0x1d5: {  	_ =	swait.ge [sflag:s14], $0x40  }
0x1d6: {  	[sflag:s14] =	ssyncset.done $0x0  }
0x1d7: {  	[sflag:s14] =	ssyncadd.s32 $0xFFFFFFC0  }
0x1d8: {  	_ =	swait.ge [sflag:s15], $0x40  }
0x1d9: {  	[sflag:s15] =	ssyncset.done $0x0  }
0x1da: {  	[sflag:s15] =	ssyncadd.s32 $0xFFFFFFC0  }
0x1db: {  	_ =	swait.ge [sflag:s14], $0x40  }
0x1dc: {  	[sflag:s14] =	ssyncset.done $0x0  }
0x1dd: {  	[sflag:s14] =	ssyncadd.s32 $0xFFFFFFC0  }
0x1de: {  	_ =	swait.ge [sflag:s15], $0x40  }
0x1df: {  	[sflag:s15] =	ssyncset.done $0x0  }
0x1e0: {  	[sflag:s15] =	ssyncadd.s32 $0xFFFFFFC0  }
0x1e1: {  	_ =	swait.ge [sflag:s14], $0x40  }
0x1e2: {  	[sflag:s14] =	ssyncset.done $0x0  }
0x1e3: {  	[sflag:s14] =	ssyncadd.s32 $0xFFFFFFC0  }
0x1e4: {  	_ =	swait.ge [sflag:s15], $0x40  }
0x1e5: {  	[sflag:s15] =	ssyncset.done $0x0  }
0x1e6: {  	[sflag:s15] =	ssyncadd.s32 $0xFFFFFFC0  }
0x1e7: {  	_ =	swait.ge [sflag:s14], $0x40  }
0x1e8: {  	[sflag:s14] =	ssyncset.done $0x0  }
0x1e9: {  	[sflag:s14] =	ssyncadd.s32 $0xFFFFFFC0  }
0x1ea: {  	_ =	swait.ge [sflag:s15], $0x40  }
0x1eb: {  	[sflag:s15] =	ssyncset.done $0x0  }
0x1ec: {  	[sflag:s15] =	ssyncadd.s32 $0xFFFFFFC0  }
0x1ed: {  	_ =	swait.ge [sflag:s14], $0x40  }
0x1ee: {  	[sflag:s14] =	ssyncset.done $0x0  }
0x1ef: {  	[sflag:s14] =	ssyncadd.s32 $0xFFFFFFC0  }
0x1f0: {  	_ =	swait.ge [sflag:s15], $0x40  }
0x1f1: {  	[sflag:s15] =	ssyncset.done $0x0  }
0x1f2: {  	[sflag:s15] =	ssyncadd.s32 $0xFFFFFFC0  }
0x1f3: {  	_ =	swait.ge [sflag:s14], $0x40  }
0x1f4: {  	[sflag:s14] =	ssyncset.done $0x0  }
0x1f5: {  	[sflag:s14] =	ssyncadd.s32 $0xFFFFFFC0  }
0x1f6: {  	_ =	swait.ge [sflag:s15], $0x40  }
0x1f7: {  	[sflag:s15] =	ssyncset.done $0x0  }
0x1f8: {  	[sflag:s15] =	ssyncadd.s32 $0xFFFFFFC0  }
0x1f9: {  	_ =	swait.ge [sflag:s14], $0x40  }
0x1fa: {  	[sflag:s14] =	ssyncset.done $0x0  }
0x1fb: {  	[sflag:s14] =	ssyncadd.s32 $0xFFFFFFC0  }
0x1fc: {  	_ =	swait.ge [sflag:s15], $0x40  }
0x1fd: {  	[sflag:s15] =	ssyncset.done $0x0  }
0x1fe: {  	[sflag:s15] =	ssyncadd.s32 $0xFFFFFFC0  }
0x1ff: {  	_ =	swait.ge [sflag:s14], $0x40  }
0x200: {  	[sflag:s14] =	ssyncset.done $0x0  }
0x201: {  	[sflag:s14] =	ssyncadd.s32 $0xFFFFFFC0  }
0x202: {  	_ =	swait.ge [sflag:s15], $0x40  }
0x203: {  	[sflag:s15] =	ssyncset.done $0x0  }
0x204: {  	[sflag:s15] =	ssyncadd.s32 $0xFFFFFFC0  }
0x205: {  	_ =	swait.ge [sflag:s14], $0x40  }
0x206: {  	[sflag:s14] =	ssyncset.done $0x0  }
0x207: {  	[sflag:s14] =	ssyncadd.s32 $0xFFFFFFC0  }
0x208: {  	_ =	swait.ge [sflag:s15], $0x40  }
0x209: {  	[sflag:s15] =	ssyncset.done $0x0  }
0x20a: {  	[sflag:s15] =	ssyncadd.s32 $0xFFFFFFC0  }
0x20b: {  	_ =	swait.ge [sflag:s14], $0x40  }
0x20c: {  	[sflag:s14] =	ssyncset.done $0x0  }
0x20d: {  	[sflag:s14] =	ssyncadd.s32 $0xFFFFFFC0  }
0x20e: {  	_ =	swait.ge [sflag:s15], $0x40  }
0x20f: {  	[sflag:s15] =	ssyncset.done $0x0  }
0x210: {  	[sflag:s15] =	ssyncadd.s32 $0xFFFFFFC0  }
0x211: {  	_ =	swait.ge [sflag:s14], $0x40  }
0x212: {  	[sflag:s14] =	ssyncset.done $0x0  }
0x213: {  	[sflag:s14] =	ssyncadd.s32 $0xFFFFFFC0  }
0x214: {  	_ =	swait.ge [sflag:s15], $0x40  }
0x215: {  	[sflag:s15] =	ssyncset.done $0x0  }
0x216: {  	[sflag:s15] =	ssyncadd.s32 $0xFFFFFFC0  }
0x217: {  	_ =	swait.ge [sflag:s14], $0x40  }
0x218: {  	[sflag:s14] =	ssyncset.done $0x0  }
0x219: {  	[sflag:s14] =	ssyncadd.s32 $0xFFFFFFC0  }
0x21a: {  	_ =	swait.ge [sflag:s15], $0x40  }
0x21b: {  	[sflag:s15] =	ssyncset.done $0x0  }
0x21c: {  	[sflag:s15] =	ssyncadd.s32 $0xFFFFFFC0  }
0x21d: {  	_ =	swait.ge [sflag:s14], $0x40  }
0x21e: {  	[sflag:s14] =	ssyncset.done $0x0  }
0x21f: {  	[sflag:s14] =	ssyncadd.s32 $0xFFFFFFC0  }
0x220: {  	_ =	swait.ge [sflag:s15], $0x40  }
0x221: {  	[sflag:s15] =	ssyncset.done $0x0  }
0x222: {  	[sflag:s15] =	ssyncadd.s32 $0xFFFFFFC0  }
0x223: {  	_ =	swait.ge [sflag:s14], $0x40  }
0x224: {  	[sflag:s14] =	ssyncset.done $0x0  }
0x225: {  	[sflag:s14] =	ssyncadd.s32 $0xFFFFFFC0  }
0x226: {  	_ =	swait.ge [sflag:s15], $0x40  }
0x227: {  	[sflag:s15] =	ssyncset.done $0x0  }
0x228: {  	[sflag:s15] =	ssyncadd.s32 $0xFFFFFFC0  }
0x229: {  	p0 =	sne.s32 s20, $0x1E000;
	_ =	swait.ge [sflag:s14], $0x40  }
.Ltmp1:
0x22a: {  	[sflag:s14] =	ssyncset.done $0x0;
	(pc) =	sbr.rel @p0 .LBB2_4-.Ltmp1, $4  }
0x22b: {  	[sflag:s14] =	ssyncadd.s32 $0xFFFFFFC0  }
0x22c: {  	_ =	swait.ge [sflag:s15], $0x40  }
0x22d: {  	[sflag:s15] =	ssyncset.done $0x0  }
0x22e: {  	s19 =	sadd.s32 $0x10, s19;
	s20 =	sadd.s32 $0x2000, s20;
	[sflag:s15] =	ssyncadd.s32 $0xFFFFFFC0  }
0x22f: {  	[hbm4b:s8+s1] =	stream.linear.scatter [tilespmem:s16], [sflag:$0x3], $0x8000, $0x38;
	[tilespmem:$0x10200] =	vst v63  }
0x230: {  	s18 =	sadd.s32 $0x1, s18;
	_ =	swait.ge [sflag:s11], $0x8000  }
0x231: {  	p0 =	sne.s32 s18, s10;
	[sflag:s11] =	ssyncset.done $0x0  }
.Ltmp2:
0x232: {  	[sflag:s11] =	ssyncadd.s32 $0xFFFF8000;
	(pc) =	sbr.rel @p0 .LBB2_1-.Ltmp2, $4  }
0x233: {  	[hbm4b:s9+s1] =	stream.linear.scatter [tilespmem:s17], [sflag:$0x3], $0x8000, $0x38;
	[tilespmem:$0x10200] =	vst v63  }
0x234: {  	_ =	swait.ge [sflag:s11], $0x8000  }
0x235: {  	[sflag:s11] =	ssyncset.done $0x0  }
0x236: {  	[sflag:s11] =	ssyncadd.s32 $0xFFFF8000  }
0x237: {  	_ =	sfence.sel $0x180000  }
0x238: {  	[bflag:$0x0] =	sbarrier.arrive $0xFFFF  }
0x239: {  	p0 =	sne.s32 s2, $0x0;
	_ =	strace $0x90000047  }
0x23a: {  	s0 =	sadd.s32 @!p0 $0x100000, s0;
	[bflag:$0x2] =	sbarrier.arrive $0xFFFF  }
0x23b: {  	[sflag:s0] =	ssyncadd.tile.s32 @!p0 $0x1;
	_ =	shalt  }
.Lfunc_end2:
_tile_overlayer_lowered:
.L_overlay_start_2:
0x23c: {  	(tag) =	ssettag $0x2  }
0x23d: {  	s0 =	rddreg [dreg:$0x0];
	s2 =	stileid.u32  }
0x23e: {  	s1 =	rddreg [dreg:$0x1];
	p0 =	sne.s32 s2, $0x0  }
0x23f: {  	s3 =	rddreg [dreg:$0x2];
	[bflag:$0x3] =	sbarrier.arrive $0xFFFF;
	s2 =	simm.s32 @!p0 $0x1C03  }
0x240: {  	[timem:s3], [sflag:s2] =	dma.local @!p0 [hbm:s0], s1  }
0x241: {  	s0 =	simm.s32 @!p0 $0x3  }
0x242: {  	_ =	swait.ge @!p0 [sflag:s0], s1  }
0x243: {  	s1 =	ssub.s32 @!p0 $0x0, s1;
	[sflag:s0] =	ssyncset.done @!p0 $0x0  }
0x244: {  	[sflag:s0] =	ssyncadd.s32 @!p0 s1  }
0x245: {  	[bflag:$0x3] =	sbarrier.arrive $0xFFFF  }
0x246: {  	_ =	shalt  }

</sc_bundles>
